<compile_context>
chip_gen: v7x
topology: tpu7x:2x2x1
jax: 0.10.2.dev20260603
libtpu: 0.0.44.dev20260713+nightly
codegen_flags: <defaults>
</compile_context>

<pallas_src>
import functools

import jax
import jax.numpy as jnp
import numpy as np
from jax import lax
from jax.experimental import pallas as pl
from jax.experimental.pallas import tpu as pltpu
from jax.experimental.pallas import tpu_sc as plsc

SEQ = 200
DIM = 64
NUM_WORKERS = 32
CHUNK = 128
PITCH = 129
NBUF = 5
PREFETCH = 2
PER_W = SEQ * 8 // NUM_WORKERS
N_TILES = SEQ * 8 // 8


def _pos_encoding(length, dim):
    pos = np.arange(length)[:, np.newaxis]
    i = np.arange(dim)[np.newaxis, :]
    angle_rates = 1.0 / np.power(10000, 2 * (i // 2) / np.float32(dim))
    angle_rads = pos * angle_rates
    angle_rads[:, 0::2] = np.sin(angle_rads[:, 0::2])
    angle_rads[:, 1::2] = np.cos(angle_rads[:, 1::2])
    return jnp.asarray(angle_rads, dtype=jnp.float32)


def _reblock_body(tok_hbm, idx_hbm):
    wid = lax.axis_index("s") * 2 + lax.axis_index("c")
    for i in range((N_TILES + NUM_WORKERS - 1) // NUM_WORKERS):
        t = wid + NUM_WORKERS * i

        @pl.when(t < N_TILES)
        def _():
            tl, k = t // 8, t % 8
            pltpu.sync_copy(
                tok_hbm.at[pl.ds(8 * tl, 8), pl.ds(CHUNK * k, CHUNK)],
                idx_hbm.at[pl.ds(8 * t, 8), :])


def _sc_body(idx_hbm, pos_hbm, table_hbm, out_hbm, idx_v, pos_v, rows_v, t_v,
             *sems):
    gsems, wsems = sems[:NBUF], sems[NBUF:]
    wid = lax.axis_index("s") * 2 + lax.axis_index("c")
    base = wid * PER_W

    pltpu.sync_copy(idx_hbm.at[pl.ds(base, PER_W)], idx_v)
    pltpu.sync_copy(pos_hbm, pos_v)

    lane = lax.iota(jnp.int32, 16)
    row_igs = [lane + 16 * ig for ig in range(CHUNK // 16)]

    a_qs = [(lane + 16 * q) // 8 for q in range(DIM // 16)]
    b_qs = [(lane + 16 * q) % 8 for q in range(DIM // 16)]

    def start_gather(j, b):
        pltpu.async_copy(table_hbm.at[idx_v.at[j]], rows_v.at[b], gsems[b])

    for j in range(PREFETCH):
        start_gather(j, j)

    def body(g, carry):
        for b in range(NBUF):
            j = g * NBUF + b
            bn = (b + PREFETCH) % NBUF

            @pl.when(j + PREFETCH < PER_W)
            def _():
                @pl.when(j + PREFETCH >= NBUF)
                def _():
                    pltpu.make_async_copy(
                        table_hbm.at[pl.ds(0, CHUNK)], rows_v.at[bn],
                        wsems[bn]).wait()
                start_gather(j + PREFETCH, bn)

            pltpu.make_async_copy(
                table_hbm.at[pl.ds(0, CHUNK)], rows_v.at[b], gsems[b]).wait()

            c = base + j
            l = 8 * (c // 64) + c % 8
            k = (c // 8) % 8
            p0 = pos_v[l, pl.ds(0, 16)]
            p1 = pos_v[l, pl.ds(16, 16)]
            p2 = pos_v[l, pl.ds(32, 16)]
            p3 = pos_v[l, pl.ds(48, 16)]

            t_b = t_v.at[b]

            def row_body(i, c2, _b=b, _t=t_b, _p=(p0, p1, p2, p3)):
                col_i = jnp.broadcast_to(i, (16,))
                for q in range(DIM // 16):
                    v = rows_v[_b, i, pl.ds(16 * q, 16)]
                    plsc.store_scatter(_t, [a_qs[q], b_qs[q], col_i],
                                       v * 8.0 + _p[q])
                return c2

            lax.fori_loop(0, CHUNK, row_body, 0, unroll=4)

            pltpu.async_copy(t_b.at[:, :, pl.ds(0, CHUNK)],
                             out_hbm.at[l, :, k], wsems[b])
        return carry

    lax.fori_loop(0, PER_W // NBUF, body, 0)

    for b in range(NBUF):
        pltpu.make_async_copy(
            table_hbm.at[pl.ds(0, CHUNK)], rows_v.at[b], wsems[b]).wait()


def kernel(inputs, table):
    batch, seq = inputs.shape
    vocab, dim = table.shape
    pos = _pos_encoding(SEQ, dim)

    mesh = plsc.VectorSubcoreMesh(core_axis_name="c", subcore_axis_name="s")

    reblock = functools.partial(
        pl.kernel,
        mesh=mesh,
        out_type=jax.ShapeDtypeStruct((batch * seq // CHUNK, CHUNK),
                                      jnp.int32),
        compiler_params=pltpu.CompilerParams(
            use_tc_tiling_on_sc=True, needs_layout_passes=False),
    )(_reblock_body)
    idx = reblock(inputs.T)

    f = functools.partial(
        pl.kernel,
        mesh=mesh,
        out_type=jax.ShapeDtypeStruct(
            (seq, dim // 8, batch // CHUNK, 8, CHUNK), jnp.float32),
        compiler_params=pltpu.CompilerParams(
            use_tc_tiling_on_sc=False, needs_layout_passes=False),
        scratch_types=[
            pltpu.VMEM((PER_W, CHUNK), jnp.int32),
            pltpu.VMEM((SEQ, dim), jnp.float32),
            pltpu.VMEM((NBUF, CHUNK, dim), jnp.float32),
            pltpu.VMEM((NBUF, dim // 8, 8, PITCH), jnp.float32),
        ] + [pltpu.SemaphoreType.DMA] * (2 * NBUF),
    )(_sc_body)
    out = f(idx, pos, table)
    return out.transpose(2, 4, 0, 1, 3).reshape(batch, seq, dim)

# --- scband reference (transcript-rebuilt; emitter-appended) ---
"""Pipeline reference for scband-positional-embedding-16535624090498 (READ-ONLY COPY).

The authoritative reference and input builder live on the scoring server;
editing this copy changes nothing except your own understanding.
"""

import jax, jax.numpy as jnp
import numpy as np

SEQ_LEN = 200
VOCAB = 1000000
EMBED = 64
BATCH = 1024


def positional_encoding(position, embed_dim):
    pos = np.arange(position)[:, np.newaxis]
    i = np.arange(embed_dim)[np.newaxis, :]
    angle_rates = 1.0 / np.power(10000, 2 * (i // 2) / np.float32(embed_dim))
    angle_rads = pos * angle_rates
    angle_rads[:, 0::2] = np.sin(angle_rads[:, 0::2])
    angle_rads[:, 1::2] = np.cos(angle_rads[:, 1::2])
    return jnp.asarray(angle_rads[np.newaxis, ...], dtype=jnp.float32)


def setup_inputs(seed: int = 0) -> dict:
    key = jax.random.key(seed)
    k1, k2 = jax.random.split(key)
    inputs = jax.random.randint(k1, (BATCH, SEQ_LEN), 0, VOCAB, dtype=jnp.int32)
    # learned embedding table (keras Embedding default uniform init approximated)
    table = jax.random.uniform(k2, (VOCAB, EMBED), dtype=jnp.float32, minval=-0.05, maxval=0.05)
    return {"inputs": inputs, "table": table}


def reference(inputs, table):
    length = inputs.shape[-1]
    pos_enc = positional_encoding(SEQ_LEN, EMBED)  # [1, SEQ_LEN, EMBED]
    embed_scale = jnp.sqrt(jnp.asarray(EMBED, dtype=jnp.float32))
    embedded_tokens = jnp.take(table, inputs, axis=0)  # gather -> [B, L, D]
    embedded_tokens = embedded_tokens * embed_scale
    return embedded_tokens + pos_enc[:, :length, :]

if __name__ == "__main__":
    import jax
    _d = setup_inputs()
    print(jax.jit(kernel)(*tuple(_d.values())))

</pallas_src>

<mosaic_0001>
#map = affine_map<(d0, d1) -> (0, 0)>
module attributes {stable_mosaic.version = 14 : i64} {
  func.func @_reblock_body(%arg0: i32, %arg1: i32, %arg2: memref<200x1024xi32, #tpu.memory_space<hbm>>, %arg3: memref<1600x128xi32, #tpu.memory_space<hbm>>) attributes {dimension_semantics = [#tpu.dimension_semantics<core_parallel>, #tpu.dimension_semantics<subcore_parallel>], iteration_bounds = array<i64: 2, 16>, scalar_prefetch = 0 : i64, scratch_operands = 0 : i64, tpu.core_type = #tpu.core_type<sc_vector_subcore>, window_params = [{transform_indices = #map}, {transform_indices = #map}]} {
    %mul3A = arith.constant 2 : i32
    %mul3A_0 = arith.muli %arg1, %mul3A : i32
    %add3A = arith.addi %mul3A_0, %arg0 : i32
    %add3A_1 = arith.constant 0 : i32
    %add3A_2 = arith.addi %add3A, %add3A_1 : i32
    %lt3A = arith.constant 200 : i32
    %lt3A_3 = arith.cmpi slt, %add3A_2, %lt3A : i32
    %convert_element_type3A = arith.extui %lt3A_3 : i1 to i32
    %cond3A = arith.constant 0 : i32
    %cond3A_4 = arith.cmpi ne, %convert_element_type3A, %cond3A : i32
    scf.if %cond3A_4 {
      %jit3A = arith.constant 8 : i32
      %div3A = arith.divsi %add3A_2, %jit3A : i32
      %sign3A = arith.constant 0 : i32
      %sign3A_47 = arith.cmpi sgt, %add3A_2, %sign3A : i32
      %sign3A_48 = arith.extui %sign3A_47 : i1 to i32
      %sign3A_49 = arith.constant 0 : i32
      %sign3A_50 = arith.cmpi slt, %add3A_2, %sign3A_49 : i32
      %sign3A_51 = arith.extui %sign3A_50 : i1 to i32
      %sign3A_52 = arith.subi %sign3A_48, %sign3A_51 : i32
      %sign3A_53 = arith.constant 0 : i32
      %sign3A_54 = arith.cmpi sgt, %jit3A, %sign3A_53 : i32
      %sign3A_55 = arith.extui %sign3A_54 : i1 to i32
      %sign3A_56 = arith.constant 0 : i32
      %sign3A_57 = arith.cmpi slt, %jit3A, %sign3A_56 : i32
      %sign3A_58 = arith.extui %sign3A_57 : i1 to i32
      %sign3A_59 = arith.subi %sign3A_55, %sign3A_58 : i32
      %ne3A = arith.cmpi ne, %sign3A_52, %sign3A_59 : i32
      %rem3A = arith.remsi %add3A_2, %jit3A : i32
      %ne3A_60 = arith.constant 0 : i32
      %ne3A_61 = arith.cmpi ne, %rem3A, %ne3A_60 : i32
      %and3A = arith.andi %ne3A, %ne3A_61 : i1
      %sub3A = arith.constant 1 : i32
      %sub3A_62 = arith.subi %div3A, %sub3A : i32
      %select_n3A = arith.select %and3A, %sub3A_62, %div3A : i32
      %jit3A_63 = arith.constant 8 : i32
      %eq3A = arith.constant 0 : i32
      %eq3A_64 = arith.cmpi eq, %jit3A_63, %eq3A : i32
      %jit3A_65 = arith.constant 1 : i32
      %select_n3A_66 = arith.select %eq3A_64, %jit3A_65, %jit3A_63 : i32
      %rem3A_67 = arith.remsi %add3A_2, %select_n3A_66 : i32
      %ne3A_68 = arith.constant 0 : i32
      %ne3A_69 = arith.cmpi ne, %rem3A_67, %ne3A_68 : i32
      %lt3A_70 = arith.constant 0 : i32
      %lt3A_71 = arith.cmpi slt, %rem3A_67, %lt3A_70 : i32
      %lt3A_72 = arith.constant 0 : i32
      %lt3A_73 = arith.cmpi slt, %select_n3A_66, %lt3A_72 : i32
      %ne3A_74 = arith.xori %lt3A_71, %lt3A_73 : i1
      %and3A_75 = arith.andi %ne3A_74, %ne3A_69 : i1
      %add3A_76 = arith.addi %rem3A_67, %select_n3A_66 : i32
      %select_n3A_77 = arith.select %and3A_75, %add3A_76, %rem3A_67 : i32
      %mul3A_78 = arith.constant 8 : i32
      %mul3A_79 = arith.muli %mul3A_78, %select_n3A : i32
      %mul3A_80 = arith.constant 128 : i32
      %mul3A_81 = arith.muli %mul3A_80, %select_n3A_77 : i32
      %mul3A_82 = arith.constant 8 : i32
      %mul3A_83 = arith.muli %mul3A_82, %add3A_2 : i32
      "tpu.region"() ({
        %run_scoped3A = tpu.sem_alloc : memref<!tpu.dma_semaphore, #tpu.memory_space<semaphore_mem>>
        %dma_start3A = arith.constant 0 : i32
        %dma_start3A_84 = tpu.memref_slice %arg3[%mul3A_83, %dma_start3A] : memref<1600x128xi32, #tpu.memory_space<hbm>> -> memref<8x128xi32, #tpu.memory_space<hbm>>
        %dma_start3A_85 = tpu.memref_slice %arg2[%mul3A_79, %mul3A_81] : memref<200x1024xi32, #tpu.memory_space<hbm>> -> memref<8x128xi32, #tpu.memory_space<hbm>>
        tpu.enqueue_dma source(%dma_start3A_85 : memref<8x128xi32, #tpu.memory_space<hbm>>) target(%dma_start3A_84 : memref<8x128xi32, #tpu.memory_space<hbm>>) target_semaphore(%run_scoped3A : memref<!tpu.dma_semaphore, #tpu.memory_space<semaphore_mem>>)
        %dma_wait3A = arith.constant 0 : i32
        %dma_wait3A_86 = tpu.memref_slice %arg3[%mul3A_83, %dma_wait3A] : memref<1600x128xi32, #tpu.memory_space<hbm>> -> memref<8x128xi32, #tpu.memory_space<hbm>>
        %dma_wait3A_87 = tpu.memref_slice %arg2[%mul3A_79, %mul3A_81] : memref<200x1024xi32, #tpu.memory_space<hbm>> -> memref<8x128xi32, #tpu.memory_space<hbm>>
        tpu.wait_dma2 semaphore(%run_scoped3A : memref<!tpu.dma_semaphore, #tpu.memory_space<semaphore_mem>>) src(%dma_wait3A_87 : memref<8x128xi32, #tpu.memory_space<hbm>>) dst(%dma_wait3A_86 : memref<8x128xi32, #tpu.memory_space<hbm>>)
        tpu.yield
      }) : () -> ()
    } else {
    }
    %add3A_5 = arith.constant 32 : i32
    %add3A_6 = arith.addi %add3A, %add3A_5 : i32
    %lt3A_7 = arith.constant 200 : i32
    %lt3A_8 = arith.cmpi slt, %add3A_6, %lt3A_7 : i32
    %convert_element_type3A_9 = arith.extui %lt3A_8 : i1 to i32
    %cond3A_10 = arith.constant 0 : i32
    %cond3A_11 = arith.cmpi ne, %convert_element_type3A_9, %cond3A_10 : i32
    scf.if %cond3A_11 {
      %jit3A = arith.constant 8 : i32
      %div3A = arith.divsi %add3A_6, %jit3A : i32
      %sign3A = arith.constant 0 : i32
      %sign3A_47 = arith.cmpi sgt, %add3A_6, %sign3A : i32
      %sign3A_48 = arith.extui %sign3A_47 : i1 to i32
      %sign3A_49 = arith.constant 0 : i32
      %sign3A_50 = arith.cmpi slt, %add3A_6, %sign3A_49 : i32
      %sign3A_51 = arith.extui %sign3A_50 : i1 to i32
      %sign3A_52 = arith.subi %sign3A_48, %sign3A_51 : i32
      %sign3A_53 = arith.constant 0 : i32
      %sign3A_54 = arith.cmpi sgt, %jit3A, %sign3A_53 : i32
      %sign3A_55 = arith.extui %sign3A_54 : i1 to i32
      %sign3A_56 = arith.constant 0 : i32
      %sign3A_57 = arith.cmpi slt, %jit3A, %sign3A_56 : i32
      %sign3A_58 = arith.extui %sign3A_57 : i1 to i32
      %sign3A_59 = arith.subi %sign3A_55, %sign3A_58 : i32
      %ne3A = arith.cmpi ne, %sign3A_52, %sign3A_59 : i32
      %rem3A = arith.remsi %add3A_6, %jit3A : i32
      %ne3A_60 = arith.constant 0 : i32
      %ne3A_61 = arith.cmpi ne, %rem3A, %ne3A_60 : i32
      %and3A = arith.andi %ne3A, %ne3A_61 : i1
      %sub3A = arith.constant 1 : i32
      %sub3A_62 = arith.subi %div3A, %sub3A : i32
      %select_n3A = arith.select %and3A, %sub3A_62, %div3A : i32
      %jit3A_63 = arith.constant 8 : i32
      %eq3A = arith.constant 0 : i32
      %eq3A_64 = arith.cmpi eq, %jit3A_63, %eq3A : i32
      %jit3A_65 = arith.constant 1 : i32
      %select_n3A_66 = arith.select %eq3A_64, %jit3A_65, %jit3A_63 : i32
      %rem3A_67 = arith.remsi %add3A_6, %select_n3A_66 : i32
      %ne3A_68 = arith.constant 0 : i32
      %ne3A_69 = arith.cmpi ne, %rem3A_67, %ne3A_68 : i32
      %lt3A_70 = arith.constant 0 : i32
      %lt3A_71 = arith.cmpi slt, %rem3A_67, %lt3A_70 : i32
      %lt3A_72 = arith.constant 0 : i32
      %lt3A_73 = arith.cmpi slt, %select_n3A_66, %lt3A_72 : i32
      %ne3A_74 = arith.xori %lt3A_71, %lt3A_73 : i1
      %and3A_75 = arith.andi %ne3A_74, %ne3A_69 : i1
      %add3A_76 = arith.addi %rem3A_67, %select_n3A_66 : i32
      %select_n3A_77 = arith.select %and3A_75, %add3A_76, %rem3A_67 : i32
      %mul3A_78 = arith.constant 8 : i32
      %mul3A_79 = arith.muli %mul3A_78, %select_n3A : i32
      %mul3A_80 = arith.constant 128 : i32
      %mul3A_81 = arith.muli %mul3A_80, %select_n3A_77 : i32
      %mul3A_82 = arith.constant 8 : i32
      %mul3A_83 = arith.muli %mul3A_82, %add3A_6 : i32
      "tpu.region"() ({
        %run_scoped3A = tpu.sem_alloc : memref<!tpu.dma_semaphore, #tpu.memory_space<semaphore_mem>>
        %dma_start3A = arith.constant 0 : i32
        %dma_start3A_84 = tpu.memref_slice %arg3[%mul3A_83, %dma_start3A] : memref<1600x128xi32, #tpu.memory_space<hbm>> -> memref<8x128xi32, #tpu.memory_space<hbm>>
        %dma_start3A_85 = tpu.memref_slice %arg2[%mul3A_79, %mul3A_81] : memref<200x1024xi32, #tpu.memory_space<hbm>> -> memref<8x128xi32, #tpu.memory_space<hbm>>
        tpu.enqueue_dma source(%dma_start3A_85 : memref<8x128xi32, #tpu.memory_space<hbm>>) target(%dma_start3A_84 : memref<8x128xi32, #tpu.memory_space<hbm>>) target_semaphore(%run_scoped3A : memref<!tpu.dma_semaphore, #tpu.memory_space<semaphore_mem>>)
        %dma_wait3A = arith.constant 0 : i32
        %dma_wait3A_86 = tpu.memref_slice %arg3[%mul3A_83, %dma_wait3A] : memref<1600x128xi32, #tpu.memory_space<hbm>> -> memref<8x128xi32, #tpu.memory_space<hbm>>
        %dma_wait3A_87 = tpu.memref_slice %arg2[%mul3A_79, %mul3A_81] : memref<200x1024xi32, #tpu.memory_space<hbm>> -> memref<8x128xi32, #tpu.memory_space<hbm>>
        tpu.wait_dma2 semaphore(%run_scoped3A : memref<!tpu.dma_semaphore, #tpu.memory_space<semaphore_mem>>) src(%dma_wait3A_87 : memref<8x128xi32, #tpu.memory_space<hbm>>) dst(%dma_wait3A_86 : memref<8x128xi32, #tpu.memory_space<hbm>>)
        tpu.yield
      }) : () -> ()
    } else {
    }
    %add3A_12 = arith.constant 64 : i32
    %add3A_13 = arith.addi %add3A, %add3A_12 : i32
    %lt3A_14 = arith.constant 200 : i32
    %lt3A_15 = arith.cmpi slt, %add3A_13, %lt3A_14 : i32
    %convert_element_type3A_16 = arith.extui %lt3A_15 : i1 to i32
    %cond3A_17 = arith.constant 0 : i32
    %cond3A_18 = arith.cmpi ne, %convert_element_type3A_16, %cond3A_17 : i32
    scf.if %cond3A_18 {
      %jit3A = arith.constant 8 : i32
      %div3A = arith.divsi %add3A_13, %jit3A : i32
      %sign3A = arith.constant 0 : i32
      %sign3A_47 = arith.cmpi sgt, %add3A_13, %sign3A : i32
      %sign3A_48 = arith.extui %sign3A_47 : i1 to i32
      %sign3A_49 = arith.constant 0 : i32
      %sign3A_50 = arith.cmpi slt, %add3A_13, %sign3A_49 : i32
      %sign3A_51 = arith.extui %sign3A_50 : i1 to i32
      %sign3A_52 = arith.subi %sign3A_48, %sign3A_51 : i32
      %sign3A_53 = arith.constant 0 : i32
      %sign3A_54 = arith.cmpi sgt, %jit3A, %sign3A_53 : i32
      %sign3A_55 = arith.extui %sign3A_54 : i1 to i32
      %sign3A_56 = arith.constant 0 : i32
      %sign3A_57 = arith.cmpi slt, %jit3A, %sign3A_56 : i32
      %sign3A_58 = arith.extui %sign3A_57 : i1 to i32
      %sign3A_59 = arith.subi %sign3A_55, %sign3A_58 : i32
      %ne3A = arith.cmpi ne, %sign3A_52, %sign3A_59 : i32
      %rem3A = arith.remsi %add3A_13, %jit3A : i32
      %ne3A_60 = arith.constant 0 : i32
      %ne3A_61 = arith.cmpi ne, %rem3A, %ne3A_60 : i32
      %and3A = arith.andi %ne3A, %ne3A_61 : i1
      %sub3A = arith.constant 1 : i32
      %sub3A_62 = arith.subi %div3A, %sub3A : i32
      %select_n3A = arith.select %and3A, %sub3A_62, %div3A : i32
      %jit3A_63 = arith.constant 8 : i32
      %eq3A = arith.constant 0 : i32
      %eq3A_64 = arith.cmpi eq, %jit3A_63, %eq3A : i32
      %jit3A_65 = arith.constant 1 : i32
      %select_n3A_66 = arith.select %eq3A_64, %jit3A_65, %jit3A_63 : i32
      %rem3A_67 = arith.remsi %add3A_13, %select_n3A_66 : i32
      %ne3A_68 = arith.constant 0 : i32
      %ne3A_69 = arith.cmpi ne, %rem3A_67, %ne3A_68 : i32
      %lt3A_70 = arith.constant 0 : i32
      %lt3A_71 = arith.cmpi slt, %rem3A_67, %lt3A_70 : i32
      %lt3A_72 = arith.constant 0 : i32
      %lt3A_73 = arith.cmpi slt, %select_n3A_66, %lt3A_72 : i32
      %ne3A_74 = arith.xori %lt3A_71, %lt3A_73 : i1
      %and3A_75 = arith.andi %ne3A_74, %ne3A_69 : i1
      %add3A_76 = arith.addi %rem3A_67, %select_n3A_66 : i32
      %select_n3A_77 = arith.select %and3A_75, %add3A_76, %rem3A_67 : i32
      %mul3A_78 = arith.constant 8 : i32
      %mul3A_79 = arith.muli %mul3A_78, %select_n3A : i32
      %mul3A_80 = arith.constant 128 : i32
      %mul3A_81 = arith.muli %mul3A_80, %select_n3A_77 : i32
      %mul3A_82 = arith.constant 8 : i32
      %mul3A_83 = arith.muli %mul3A_82, %add3A_13 : i32
      "tpu.region"() ({
        %run_scoped3A = tpu.sem_alloc : memref<!tpu.dma_semaphore, #tpu.memory_space<semaphore_mem>>
        %dma_start3A = arith.constant 0 : i32
        %dma_start3A_84 = tpu.memref_slice %arg3[%mul3A_83, %dma_start3A] : memref<1600x128xi32, #tpu.memory_space<hbm>> -> memref<8x128xi32, #tpu.memory_space<hbm>>
        %dma_start3A_85 = tpu.memref_slice %arg2[%mul3A_79, %mul3A_81] : memref<200x1024xi32, #tpu.memory_space<hbm>> -> memref<8x128xi32, #tpu.memory_space<hbm>>
        tpu.enqueue_dma source(%dma_start3A_85 : memref<8x128xi32, #tpu.memory_space<hbm>>) target(%dma_start3A_84 : memref<8x128xi32, #tpu.memory_space<hbm>>) target_semaphore(%run_scoped3A : memref<!tpu.dma_semaphore, #tpu.memory_space<semaphore_mem>>)
        %dma_wait3A = arith.constant 0 : i32
        %dma_wait3A_86 = tpu.memref_slice %arg3[%mul3A_83, %dma_wait3A] : memref<1600x128xi32, #tpu.memory_space<hbm>> -> memref<8x128xi32, #tpu.memory_space<hbm>>
        %dma_wait3A_87 = tpu.memref_slice %arg2[%mul3A_79, %mul3A_81] : memref<200x1024xi32, #tpu.memory_space<hbm>> -> memref<8x128xi32, #tpu.memory_space<hbm>>
        tpu.wait_dma2 semaphore(%run_scoped3A : memref<!tpu.dma_semaphore, #tpu.memory_space<semaphore_mem>>) src(%dma_wait3A_87 : memref<8x128xi32, #tpu.memory_space<hbm>>) dst(%dma_wait3A_86 : memref<8x128xi32, #tpu.memory_space<hbm>>)
        tpu.yield
      }) : () -> ()
    } else {
    }
    %add3A_19 = arith.constant 96 : i32
    %add3A_20 = arith.addi %add3A, %add3A_19 : i32
    %lt3A_21 = arith.constant 200 : i32
    %lt3A_22 = arith.cmpi slt, %add3A_20, %lt3A_21 : i32
    %convert_element_type3A_23 = arith.extui %lt3A_22 : i1 to i32
    %cond3A_24 = arith.constant 0 : i32
    %cond3A_25 = arith.cmpi ne, %convert_element_type3A_23, %cond3A_24 : i32
    scf.if %cond3A_25 {
      %jit3A = arith.constant 8 : i32
      %div3A = arith.divsi %add3A_20, %jit3A : i32
      %sign3A = arith.constant 0 : i32
      %sign3A_47 = arith.cmpi sgt, %add3A_20, %sign3A : i32
      %sign3A_48 = arith.extui %sign3A_47 : i1 to i32
      %sign3A_49 = arith.constant 0 : i32
      %sign3A_50 = arith.cmpi slt, %add3A_20, %sign3A_49 : i32
      %sign3A_51 = arith.extui %sign3A_50 : i1 to i32
      %sign3A_52 = arith.subi %sign3A_48, %sign3A_51 : i32
      %sign3A_53 = arith.constant 0 : i32
      %sign3A_54 = arith.cmpi sgt, %jit3A, %sign3A_53 : i32
      %sign3A_55 = arith.extui %sign3A_54 : i1 to i32
      %sign3A_56 = arith.constant 0 : i32
      %sign3A_57 = arith.cmpi slt, %jit3A, %sign3A_56 : i32
      %sign3A_58 = arith.extui %sign3A_57 : i1 to i32
      %sign3A_59 = arith.subi %sign3A_55, %sign3A_58 : i32
      %ne3A = arith.cmpi ne, %sign3A_52, %sign3A_59 : i32
      %rem3A = arith.remsi %add3A_20, %jit3A : i32
      %ne3A_60 = arith.constant 0 : i32
      %ne3A_61 = arith.cmpi ne, %rem3A, %ne3A_60 : i32
      %and3A = arith.andi %ne3A, %ne3A_61 : i1
      %sub3A = arith.constant 1 : i32
      %sub3A_62 = arith.subi %div3A, %sub3A : i32
      %select_n3A = arith.select %and3A, %sub3A_62, %div3A : i32
      %jit3A_63 = arith.constant 8 : i32
      %eq3A = arith.constant 0 : i32
      %eq3A_64 = arith.cmpi eq, %jit3A_63, %eq3A : i32
      %jit3A_65 = arith.constant 1 : i32
      %select_n3A_66 = arith.select %eq3A_64, %jit3A_65, %jit3A_63 : i32
      %rem3A_67 = arith.remsi %add3A_20, %select_n3A_66 : i32
      %ne3A_68 = arith.constant 0 : i32
      %ne3A_69 = arith.cmpi ne, %rem3A_67, %ne3A_68 : i32
      %lt3A_70 = arith.constant 0 : i32
      %lt3A_71 = arith.cmpi slt, %rem3A_67, %lt3A_70 : i32
      %lt3A_72 = arith.constant 0 : i32
      %lt3A_73 = arith.cmpi slt, %select_n3A_66, %lt3A_72 : i32
      %ne3A_74 = arith.xori %lt3A_71, %lt3A_73 : i1
      %and3A_75 = arith.andi %ne3A_74, %ne3A_69 : i1
      %add3A_76 = arith.addi %rem3A_67, %select_n3A_66 : i32
      %select_n3A_77 = arith.select %and3A_75, %add3A_76, %rem3A_67 : i32
      %mul3A_78 = arith.constant 8 : i32
      %mul3A_79 = arith.muli %mul3A_78, %select_n3A : i32
      %mul3A_80 = arith.constant 128 : i32
      %mul3A_81 = arith.muli %mul3A_80, %select_n3A_77 : i32
      %mul3A_82 = arith.constant 8 : i32
      %mul3A_83 = arith.muli %mul3A_82, %add3A_20 : i32
      "tpu.region"() ({
        %run_scoped3A = tpu.sem_alloc : memref<!tpu.dma_semaphore, #tpu.memory_space<semaphore_mem>>
        %dma_start3A = arith.constant 0 : i32
        %dma_start3A_84 = tpu.memref_slice %arg3[%mul3A_83, %dma_start3A] : memref<1600x128xi32, #tpu.memory_space<hbm>> -> memref<8x128xi32, #tpu.memory_space<hbm>>
        %dma_start3A_85 = tpu.memref_slice %arg2[%mul3A_79, %mul3A_81] : memref<200x1024xi32, #tpu.memory_space<hbm>> -> memref<8x128xi32, #tpu.memory_space<hbm>>
        tpu.enqueue_dma source(%dma_start3A_85 : memref<8x128xi32, #tpu.memory_space<hbm>>) target(%dma_start3A_84 : memref<8x128xi32, #tpu.memory_space<hbm>>) target_semaphore(%run_scoped3A : memref<!tpu.dma_semaphore, #tpu.memory_space<semaphore_mem>>)
        %dma_wait3A = arith.constant 0 : i32
        %dma_wait3A_86 = tpu.memref_slice %arg3[%mul3A_83, %dma_wait3A] : memref<1600x128xi32, #tpu.memory_space<hbm>> -> memref<8x128xi32, #tpu.memory_space<hbm>>
        %dma_wait3A_87 = tpu.memref_slice %arg2[%mul3A_79, %mul3A_81] : memref<200x1024xi32, #tpu.memory_space<hbm>> -> memref<8x128xi32, #tpu.memory_space<hbm>>
        tpu.wait_dma2 semaphore(%run_scoped3A : memref<!tpu.dma_semaphore, #tpu.memory_space<semaphore_mem>>) src(%dma_wait3A_87 : memref<8x128xi32, #tpu.memory_space<hbm>>) dst(%dma_wait3A_86 : memref<8x128xi32, #tpu.memory_space<hbm>>)
        tpu.yield
      }) : () -> ()
    } else {
    }
    %add3A_26 = arith.constant 128 : i32
    %add3A_27 = arith.addi %add3A, %add3A_26 : i32
    %lt3A_28 = arith.constant 200 : i32
    %lt3A_29 = arith.cmpi slt, %add3A_27, %lt3A_28 : i32
    %convert_element_type3A_30 = arith.extui %lt3A_29 : i1 to i32
    %cond3A_31 = arith.constant 0 : i32
    %cond3A_32 = arith.cmpi ne, %convert_element_type3A_30, %cond3A_31 : i32
    scf.if %cond3A_32 {
      %jit3A = arith.constant 8 : i32
      %div3A = arith.divsi %add3A_27, %jit3A : i32
      %sign3A = arith.constant 0 : i32
      %sign3A_47 = arith.cmpi sgt, %add3A_27, %sign3A : i32
      %sign3A_48 = arith.extui %sign3A_47 : i1 to i32
      %sign3A_49 = arith.constant 0 : i32
      %sign3A_50 = arith.cmpi slt, %add3A_27, %sign3A_49 : i32
      %sign3A_51 = arith.extui %sign3A_50 : i1 to i32
      %sign3A_52 = arith.subi %sign3A_48, %sign3A_51 : i32
      %sign3A_53 = arith.constant 0 : i32
      %sign3A_54 = arith.cmpi sgt, %jit3A, %sign3A_53 : i32
      %sign3A_55 = arith.extui %sign3A_54 : i1 to i32
      %sign3A_56 = arith.constant 0 : i32
      %sign3A_57 = arith.cmpi slt, %jit3A, %sign3A_56 : i32
      %sign3A_58 = arith.extui %sign3A_57 : i1 to i32
      %sign3A_59 = arith.subi %sign3A_55, %sign3A_58 : i32
      %ne3A = arith.cmpi ne, %sign3A_52, %sign3A_59 : i32
      %rem3A = arith.remsi %add3A_27, %jit3A : i32
      %ne3A_60 = arith.constant 0 : i32
      %ne3A_61 = arith.cmpi ne, %rem3A, %ne3A_60 : i32
      %and3A = arith.andi %ne3A, %ne3A_61 : i1
      %sub3A = arith.constant 1 : i32
      %sub3A_62 = arith.subi %div3A, %sub3A : i32
      %select_n3A = arith.select %and3A, %sub3A_62, %div3A : i32
      %jit3A_63 = arith.constant 8 : i32
      %eq3A = arith.constant 0 : i32
      %eq3A_64 = arith.cmpi eq, %jit3A_63, %eq3A : i32
      %jit3A_65 = arith.constant 1 : i32
      %select_n3A_66 = arith.select %eq3A_64, %jit3A_65, %jit3A_63 : i32
      %rem3A_67 = arith.remsi %add3A_27, %select_n3A_66 : i32
      %ne3A_68 = arith.constant 0 : i32
      %ne3A_69 = arith.cmpi ne, %rem3A_67, %ne3A_68 : i32
      %lt3A_70 = arith.constant 0 : i32
      %lt3A_71 = arith.cmpi slt, %rem3A_67, %lt3A_70 : i32
      %lt3A_72 = arith.constant 0 : i32
      %lt3A_73 = arith.cmpi slt, %select_n3A_66, %lt3A_72 : i32
      %ne3A_74 = arith.xori %lt3A_71, %lt3A_73 : i1
      %and3A_75 = arith.andi %ne3A_74, %ne3A_69 : i1
      %add3A_76 = arith.addi %rem3A_67, %select_n3A_66 : i32
      %select_n3A_77 = arith.select %and3A_75, %add3A_76, %rem3A_67 : i32
      %mul3A_78 = arith.constant 8 : i32
      %mul3A_79 = arith.muli %mul3A_78, %select_n3A : i32
      %mul3A_80 = arith.constant 128 : i32
      %mul3A_81 = arith.muli %mul3A_80, %select_n3A_77 : i32
      %mul3A_82 = arith.constant 8 : i32
      %mul3A_83 = arith.muli %mul3A_82, %add3A_27 : i32
      "tpu.region"() ({
        %run_scoped3A = tpu.sem_alloc : memref<!tpu.dma_semaphore, #tpu.memory_space<semaphore_mem>>
        %dma_start3A = arith.constant 0 : i32
        %dma_start3A_84 = tpu.memref_slice %arg3[%mul3A_83, %dma_start3A] : memref<1600x128xi32, #tpu.memory_space<hbm>> -> memref<8x128xi32, #tpu.memory_space<hbm>>
        %dma_start3A_85 = tpu.memref_slice %arg2[%mul3A_79, %mul3A_81] : memref<200x1024xi32, #tpu.memory_space<hbm>> -> memref<8x128xi32, #tpu.memory_space<hbm>>
        tpu.enqueue_dma source(%dma_start3A_85 : memref<8x128xi32, #tpu.memory_space<hbm>>) target(%dma_start3A_84 : memref<8x128xi32, #tpu.memory_space<hbm>>) target_semaphore(%run_scoped3A : memref<!tpu.dma_semaphore, #tpu.memory_space<semaphore_mem>>)
        %dma_wait3A = arith.constant 0 : i32
        %dma_wait3A_86 = tpu.memref_slice %arg3[%mul3A_83, %dma_wait3A] : memref<1600x128xi32, #tpu.memory_space<hbm>> -> memref<8x128xi32, #tpu.memory_space<hbm>>
        %dma_wait3A_87 = tpu.memref_slice %arg2[%mul3A_79, %mul3A_81] : memref<200x1024xi32, #tpu.memory_space<hbm>> -> memref<8x128xi32, #tpu.memory_space<hbm>>
        tpu.wait_dma2 semaphore(%run_scoped3A : memref<!tpu.dma_semaphore, #tpu.memory_space<semaphore_mem>>) src(%dma_wait3A_87 : memref<8x128xi32, #tpu.memory_space<hbm>>) dst(%dma_wait3A_86 : memref<8x128xi32, #tpu.memory_space<hbm>>)
        tpu.yield
      }) : () -> ()
    } else {
    }
    %add3A_33 = arith.constant 160 : i32
    %add3A_34 = arith.addi %add3A, %add3A_33 : i32
    %lt3A_35 = arith.constant 200 : i32
    %lt3A_36 = arith.cmpi slt, %add3A_34, %lt3A_35 : i32
    %convert_element_type3A_37 = arith.extui %lt3A_36 : i1 to i32
    %cond3A_38 = arith.constant 0 : i32
    %cond3A_39 = arith.cmpi ne, %convert_element_type3A_37, %cond3A_38 : i32
    scf.if %cond3A_39 {
      %jit3A = arith.constant 8 : i32
      %div3A = arith.divsi %add3A_34, %jit3A : i32
      %sign3A = arith.constant 0 : i32
      %sign3A_47 = arith.cmpi sgt, %add3A_34, %sign3A : i32
      %sign3A_48 = arith.extui %sign3A_47 : i1 to i32
      %sign3A_49 = arith.constant 0 : i32
      %sign3A_50 = arith.cmpi slt, %add3A_34, %sign3A_49 : i32
      %sign3A_51 = arith.extui %sign3A_50 : i1 to i32
      %sign3A_52 = arith.subi %sign3A_48, %sign3A_51 : i32
      %sign3A_53 = arith.constant 0 : i32
      %sign3A_54 = arith.cmpi sgt, %jit3A, %sign3A_53 : i32
      %sign3A_55 = arith.extui %sign3A_54 : i1 to i32
      %sign3A_56 = arith.constant 0 : i32
      %sign3A_57 = arith.cmpi slt, %jit3A, %sign3A_56 : i32
      %sign3A_58 = arith.extui %sign3A_57 : i1 to i32
      %sign3A_59 = arith.subi %sign3A_55, %sign3A_58 : i32
      %ne3A = arith.cmpi ne, %sign3A_52, %sign3A_59 : i32
      %rem3A = arith.remsi %add3A_34, %jit3A : i32
      %ne3A_60 = arith.constant 0 : i32
      %ne3A_61 = arith.cmpi ne, %rem3A, %ne3A_60 : i32
      %and3A = arith.andi %ne3A, %ne3A_61 : i1
      %sub3A = arith.constant 1 : i32
      %sub3A_62 = arith.subi %div3A, %sub3A : i32
      %select_n3A = arith.select %and3A, %sub3A_62, %div3A : i32
      %jit3A_63 = arith.constant 8 : i32
      %eq3A = arith.constant 0 : i32
      %eq3A_64 = arith.cmpi eq, %jit3A_63, %eq3A : i32
      %jit3A_65 = arith.constant 1 : i32
      %select_n3A_66 = arith.select %eq3A_64, %jit3A_65, %jit3A_63 : i32
      %rem3A_67 = arith.remsi %add3A_34, %select_n3A_66 : i32
      %ne3A_68 = arith.constant 0 : i32
      %ne3A_69 = arith.cmpi ne, %rem3A_67, %ne3A_68 : i32
      %lt3A_70 = arith.constant 0 : i32
      %lt3A_71 = arith.cmpi slt, %rem3A_67, %lt3A_70 : i32
      %lt3A_72 = arith.constant 0 : i32
      %lt3A_73 = arith.cmpi slt, %select_n3A_66, %lt3A_72 : i32
      %ne3A_74 = arith.xori %lt3A_71, %lt3A_73 : i1
      %and3A_75 = arith.andi %ne3A_74, %ne3A_69 : i1
      %add3A_76 = arith.addi %rem3A_67, %select_n3A_66 : i32
      %select_n3A_77 = arith.select %and3A_75, %add3A_76, %rem3A_67 : i32
      %mul3A_78 = arith.constant 8 : i32
      %mul3A_79 = arith.muli %mul3A_78, %select_n3A : i32
      %mul3A_80 = arith.constant 128 : i32
      %mul3A_81 = arith.muli %mul3A_80, %select_n3A_77 : i32
      %mul3A_82 = arith.constant 8 : i32
      %mul3A_83 = arith.muli %mul3A_82, %add3A_34 : i32
      "tpu.region"() ({
        %run_scoped3A = tpu.sem_alloc : memref<!tpu.dma_semaphore, #tpu.memory_space<semaphore_mem>>
        %dma_start3A = arith.constant 0 : i32
        %dma_start3A_84 = tpu.memref_slice %arg3[%mul3A_83, %dma_start3A] : memref<1600x128xi32, #tpu.memory_space<hbm>> -> memref<8x128xi32, #tpu.memory_space<hbm>>
        %dma_start3A_85 = tpu.memref_slice %arg2[%mul3A_79, %mul3A_81] : memref<200x1024xi32, #tpu.memory_space<hbm>> -> memref<8x128xi32, #tpu.memory_space<hbm>>
        tpu.enqueue_dma source(%dma_start3A_85 : memref<8x128xi32, #tpu.memory_space<hbm>>) target(%dma_start3A_84 : memref<8x128xi32, #tpu.memory_space<hbm>>) target_semaphore(%run_scoped3A : memref<!tpu.dma_semaphore, #tpu.memory_space<semaphore_mem>>)
        %dma_wait3A = arith.constant 0 : i32
        %dma_wait3A_86 = tpu.memref_slice %arg3[%mul3A_83, %dma_wait3A] : memref<1600x128xi32, #tpu.memory_space<hbm>> -> memref<8x128xi32, #tpu.memory_space<hbm>>
        %dma_wait3A_87 = tpu.memref_slice %arg2[%mul3A_79, %mul3A_81] : memref<200x1024xi32, #tpu.memory_space<hbm>> -> memref<8x128xi32, #tpu.memory_space<hbm>>
        tpu.wait_dma2 semaphore(%run_scoped3A : memref<!tpu.dma_semaphore, #tpu.memory_space<semaphore_mem>>) src(%dma_wait3A_87 : memref<8x128xi32, #tpu.memory_space<hbm>>) dst(%dma_wait3A_86 : memref<8x128xi32, #tpu.memory_space<hbm>>)
        tpu.yield
      }) : () -> ()
    } else {
    }
    %add3A_40 = arith.constant 192 : i32
    %add3A_41 = arith.addi %add3A, %add3A_40 : i32
    %lt3A_42 = arith.constant 200 : i32
    %lt3A_43 = arith.cmpi slt, %add3A_41, %lt3A_42 : i32
    %convert_element_type3A_44 = arith.extui %lt3A_43 : i1 to i32
    %cond3A_45 = arith.constant 0 : i32
    %cond3A_46 = arith.cmpi ne, %convert_element_type3A_44, %cond3A_45 : i32
    scf.if %cond3A_46 {
      %jit3A = arith.constant 8 : i32
      %div3A = arith.divsi %add3A_41, %jit3A : i32
      %sign3A = arith.constant 0 : i32
      %sign3A_47 = arith.cmpi sgt, %add3A_41, %sign3A : i32
      %sign3A_48 = arith.extui %sign3A_47 : i1 to i32
      %sign3A_49 = arith.constant 0 : i32
      %sign3A_50 = arith.cmpi slt, %add3A_41, %sign3A_49 : i32
      %sign3A_51 = arith.extui %sign3A_50 : i1 to i32
      %sign3A_52 = arith.subi %sign3A_48, %sign3A_51 : i32
      %sign3A_53 = arith.constant 0 : i32
      %sign3A_54 = arith.cmpi sgt, %jit3A, %sign3A_53 : i32
      %sign3A_55 = arith.extui %sign3A_54 : i1 to i32
      %sign3A_56 = arith.constant 0 : i32
      %sign3A_57 = arith.cmpi slt, %jit3A, %sign3A_56 : i32
      %sign3A_58 = arith.extui %sign3A_57 : i1 to i32
      %sign3A_59 = arith.subi %sign3A_55, %sign3A_58 : i32
      %ne3A = arith.cmpi ne, %sign3A_52, %sign3A_59 : i32
      %rem3A = arith.remsi %add3A_41, %jit3A : i32
      %ne3A_60 = arith.constant 0 : i32
      %ne3A_61 = arith.cmpi ne, %rem3A, %ne3A_60 : i32
      %and3A = arith.andi %ne3A, %ne3A_61 : i1
      %sub3A = arith.constant 1 : i32
      %sub3A_62 = arith.subi %div3A, %sub3A : i32
      %select_n3A = arith.select %and3A, %sub3A_62, %div3A : i32
      %jit3A_63 = arith.constant 8 : i32
      %eq3A = arith.constant 0 : i32
      %eq3A_64 = arith.cmpi eq, %jit3A_63, %eq3A : i32
      %jit3A_65 = arith.constant 1 : i32
      %select_n3A_66 = arith.select %eq3A_64, %jit3A_65, %jit3A_63 : i32
      %rem3A_67 = arith.remsi %add3A_41, %select_n3A_66 : i32
      %ne3A_68 = arith.constant 0 : i32
      %ne3A_69 = arith.cmpi ne, %rem3A_67, %ne3A_68 : i32
      %lt3A_70 = arith.constant 0 : i32
      %lt3A_71 = arith.cmpi slt, %rem3A_67, %lt3A_70 : i32
      %lt3A_72 = arith.constant 0 : i32
      %lt3A_73 = arith.cmpi slt, %select_n3A_66, %lt3A_72 : i32
      %ne3A_74 = arith.xori %lt3A_71, %lt3A_73 : i1
      %and3A_75 = arith.andi %ne3A_74, %ne3A_69 : i1
      %add3A_76 = arith.addi %rem3A_67, %select_n3A_66 : i32
      %select_n3A_77 = arith.select %and3A_75, %add3A_76, %rem3A_67 : i32
      %mul3A_78 = arith.constant 8 : i32
      %mul3A_79 = arith.muli %mul3A_78, %select_n3A : i32
      %mul3A_80 = arith.constant 128 : i32
      %mul3A_81 = arith.muli %mul3A_80, %select_n3A_77 : i32
      %mul3A_82 = arith.constant 8 : i32
      %mul3A_83 = arith.muli %mul3A_82, %add3A_41 : i32
      "tpu.region"() ({
        %run_scoped3A = tpu.sem_alloc : memref<!tpu.dma_semaphore, #tpu.memory_space<semaphore_mem>>
        %dma_start3A = arith.constant 0 : i32
        %dma_start3A_84 = tpu.memref_slice %arg3[%mul3A_83, %dma_start3A] : memref<1600x128xi32, #tpu.memory_space<hbm>> -> memref<8x128xi32, #tpu.memory_space<hbm>>
        %dma_start3A_85 = tpu.memref_slice %arg2[%mul3A_79, %mul3A_81] : memref<200x1024xi32, #tpu.memory_space<hbm>> -> memref<8x128xi32, #tpu.memory_space<hbm>>
        tpu.enqueue_dma source(%dma_start3A_85 : memref<8x128xi32, #tpu.memory_space<hbm>>) target(%dma_start3A_84 : memref<8x128xi32, #tpu.memory_space<hbm>>) target_semaphore(%run_scoped3A : memref<!tpu.dma_semaphore, #tpu.memory_space<semaphore_mem>>)
        %dma_wait3A = arith.constant 0 : i32
        %dma_wait3A_86 = tpu.memref_slice %arg3[%mul3A_83, %dma_wait3A] : memref<1600x128xi32, #tpu.memory_space<hbm>> -> memref<8x128xi32, #tpu.memory_space<hbm>>
        %dma_wait3A_87 = tpu.memref_slice %arg2[%mul3A_79, %mul3A_81] : memref<200x1024xi32, #tpu.memory_space<hbm>> -> memref<8x128xi32, #tpu.memory_space<hbm>>
        tpu.wait_dma2 semaphore(%run_scoped3A : memref<!tpu.dma_semaphore, #tpu.memory_space<semaphore_mem>>) src(%dma_wait3A_87 : memref<8x128xi32, #tpu.memory_space<hbm>>) dst(%dma_wait3A_86 : memref<8x128xi32, #tpu.memory_space<hbm>>)
        tpu.yield
      }) : () -> ()
    } else {
    }
    return
  }
}

#map = affine_map<(d0, d1) -> (0, 0)>
#map1 = affine_map<(d0, d1) -> (0, 0, 0, 0, 0)>
module attributes {stable_mosaic.version = 14 : i64} {
  func.func @_sc_body(%arg0: i32, %arg1: i32, %arg2: memref<1600x128xi32, #tpu.memory_space<hbm>>, %arg3: memref<200x64xf32, #tpu.memory_space<hbm>>, %arg4: memref<1000000x64xf32, #tpu.memory_space<hbm>>, %arg5: memref<200x8x8x8x128xf32, #tpu.memory_space<hbm>>, %arg6: memref<50x128xi32, #tpu.memory_space<vmem>>, %arg7: memref<200x64xf32, #tpu.memory_space<vmem>>, %arg8: memref<5x128x64xf32, #tpu.memory_space<vmem>>, %arg9: memref<5x8x8x129xf32, #tpu.memory_space<vmem>>, %arg10: memref<!tpu.dma_semaphore, #tpu.memory_space<semaphore_mem>>, %arg11: memref<!tpu.dma_semaphore, #tpu.memory_space<semaphore_mem>>, %arg12: memref<!tpu.dma_semaphore, #tpu.memory_space<semaphore_mem>>, %arg13: memref<!tpu.dma_semaphore, #tpu.memory_space<semaphore_mem>>, %arg14: memref<!tpu.dma_semaphore, #tpu.memory_space<semaphore_mem>>, %arg15: memref<!tpu.dma_semaphore, #tpu.memory_space<semaphore_mem>>, %arg16: memref<!tpu.dma_semaphore, #tpu.memory_space<semaphore_mem>>, %arg17: memref<!tpu.dma_semaphore, #tpu.memory_space<semaphore_mem>>, %arg18: memref<!tpu.dma_semaphore, #tpu.memory_space<semaphore_mem>>, %arg19: memref<!tpu.dma_semaphore, #tpu.memory_space<semaphore_mem>>) attributes {dimension_semantics = [#tpu.dimension_semantics<core_parallel>, #tpu.dimension_semantics<subcore_parallel>], iteration_bounds = array<i64: 2, 16>, scalar_prefetch = 0 : i64, scratch_operands = 14 : i64, tpu.core_type = #tpu.core_type<sc_vector_subcore>, window_params = [{transform_indices = #map}, {transform_indices = #map}, {transform_indices = #map}, {transform_indices = #map1}]} {
    %mul3A = arith.constant 2 : i32
    %mul3A_0 = arith.muli %arg1, %mul3A : i32
    %add3A = arith.addi %mul3A_0, %arg0 : i32
    %mul3A_1 = arith.constant 50 : i32
    %mul3A_2 = arith.muli %add3A, %mul3A_1 : i32
    "tpu.region"() ({
      %run_scoped3A = tpu.sem_alloc : memref<!tpu.dma_semaphore, #tpu.memory_space<semaphore_mem>>
      %dma_start3A_355 = arith.constant 0 : i32
      %dma_start3A_356 = tpu.memref_slice %arg2[%mul3A_2, %dma_start3A_355] : memref<1600x128xi32, #tpu.memory_space<hbm>> -> memref<50x128xi32, #tpu.memory_space<hbm>>
      %dma_start3A_357 = arith.constant 0 : i32
      %dma_start3A_358 = tpu.memref_slice %arg2[%mul3A_2, %dma_start3A_357] : memref<1600x128xi32, #tpu.memory_space<hbm>> -> memref<50x128xi32, #tpu.memory_space<hbm>>
      tpu.enqueue_dma source(%dma_start3A_358 : memref<50x128xi32, #tpu.memory_space<hbm>>) target(%arg6 : memref<50x128xi32, #tpu.memory_space<vmem>>) target_semaphore(%run_scoped3A : memref<!tpu.dma_semaphore, #tpu.memory_space<semaphore_mem>>)
      %dma_wait3A_359 = arith.constant 0 : i32
      %dma_wait3A_360 = tpu.memref_slice %arg2[%mul3A_2, %dma_wait3A_359] : memref<1600x128xi32, #tpu.memory_space<hbm>> -> memref<50x128xi32, #tpu.memory_space<hbm>>
      %dma_wait3A_361 = arith.constant 0 : i32
      %dma_wait3A_362 = tpu.memref_slice %arg2[%mul3A_2, %dma_wait3A_361] : memref<1600x128xi32, #tpu.memory_space<hbm>> -> memref<50x128xi32, #tpu.memory_space<hbm>>
      tpu.wait_dma2 semaphore(%run_scoped3A : memref<!tpu.dma_semaphore, #tpu.memory_space<semaphore_mem>>) src(%dma_wait3A_362 : memref<50x128xi32, #tpu.memory_space<hbm>>) dst(%arg6 : memref<50x128xi32, #tpu.memory_space<vmem>>)
      tpu.yield
    }) : () -> ()
    "tpu.region"() ({
      %run_scoped3A = tpu.sem_alloc : memref<!tpu.dma_semaphore, #tpu.memory_space<semaphore_mem>>
      tpu.enqueue_dma source(%arg3 : memref<200x64xf32, #tpu.memory_space<hbm>>) target(%arg7 : memref<200x64xf32, #tpu.memory_space<vmem>>) target_semaphore(%run_scoped3A : memref<!tpu.dma_semaphore, #tpu.memory_space<semaphore_mem>>)
      tpu.wait_dma2 semaphore(%run_scoped3A : memref<!tpu.dma_semaphore, #tpu.memory_space<semaphore_mem>>) src(%arg3 : memref<200x64xf32, #tpu.memory_space<hbm>>) dst(%arg7 : memref<200x64xf32, #tpu.memory_space<vmem>>)
      tpu.yield
    }) : () -> ()
    %iota3A = tpu.iota {dimensions = array<i32: 0>} : vector<16xi32>
    %add3A_3 = arith.constant 0 : i32
    %add3A_4 = vector.broadcast %add3A_3 : i32 to vector<16xi32>
    %add3A_5 = arith.addi %iota3A, %add3A_4 : vector<16xi32>
    %add3A_6 = arith.constant 16 : i32
    %add3A_7 = vector.broadcast %add3A_6 : i32 to vector<16xi32>
    %add3A_8 = arith.addi %iota3A, %add3A_7 : vector<16xi32>
    %add3A_9 = arith.constant 32 : i32
    %add3A_10 = vector.broadcast %add3A_9 : i32 to vector<16xi32>
    %add3A_11 = arith.addi %iota3A, %add3A_10 : vector<16xi32>
    %add3A_12 = arith.constant 48 : i32
    %add3A_13 = vector.broadcast %add3A_12 : i32 to vector<16xi32>
    %add3A_14 = arith.addi %iota3A, %add3A_13 : vector<16xi32>
    %add3A_15 = arith.constant 64 : i32
    %add3A_16 = vector.broadcast %add3A_15 : i32 to vector<16xi32>
    %add3A_17 = arith.addi %iota3A, %add3A_16 : vector<16xi32>
    %add3A_18 = arith.constant 80 : i32
    %add3A_19 = vector.broadcast %add3A_18 : i32 to vector<16xi32>
    %add3A_20 = arith.addi %iota3A, %add3A_19 : vector<16xi32>
    %add3A_21 = arith.constant 96 : i32
    %add3A_22 = vector.broadcast %add3A_21 : i32 to vector<16xi32>
    %add3A_23 = arith.addi %iota3A, %add3A_22 : vector<16xi32>
    %add3A_24 = arith.constant 112 : i32
    %add3A_25 = vector.broadcast %add3A_24 : i32 to vector<16xi32>
    %add3A_26 = arith.addi %iota3A, %add3A_25 : vector<16xi32>
    %add3A_27 = arith.constant 0 : i32
    %add3A_28 = vector.broadcast %add3A_27 : i32 to vector<16xi32>
    %add3A_29 = arith.addi %iota3A, %add3A_28 : vector<16xi32>
    %jit3A = arith.constant 8 : i32
    %div3A = vector.broadcast %jit3A : i32 to vector<16xi32>
    %div3A_30 = arith.divsi %add3A_29, %div3A : vector<16xi32>
    %sign3A = arith.constant 0 : i32
    %sign3A_31 = vector.broadcast %sign3A : i32 to vector<16xi32>
    %sign3A_32 = arith.cmpi sgt, %add3A_29, %sign3A_31 : vector<16xi32>
    %sign3A_33 = arith.extui %sign3A_32 : vector<16xi1> to vector<16xi32>
    %sign3A_34 = arith.constant 0 : i32
    %sign3A_35 = vector.broadcast %sign3A_34 : i32 to vector<16xi32>
    %sign3A_36 = arith.cmpi slt, %add3A_29, %sign3A_35 : vector<16xi32>
    %sign3A_37 = arith.extui %sign3A_36 : vector<16xi1> to vector<16xi32>
    %sign3A_38 = arith.subi %sign3A_33, %sign3A_37 : vector<16xi32>
    %sign3A_39 = arith.constant 0 : i32
    %sign3A_40 = arith.cmpi sgt, %jit3A, %sign3A_39 : i32
    %sign3A_41 = arith.extui %sign3A_40 : i1 to i32
    %sign3A_42 = arith.constant 0 : i32
    %sign3A_43 = arith.cmpi slt, %jit3A, %sign3A_42 : i32
    %sign3A_44 = arith.extui %sign3A_43 : i1 to i32
    %sign3A_45 = arith.subi %sign3A_41, %sign3A_44 : i32
    %ne3A = vector.broadcast %sign3A_45 : i32 to vector<16xi32>
    %ne3A_46 = arith.cmpi ne, %sign3A_38, %ne3A : vector<16xi32>
    %rem3A = vector.broadcast %jit3A : i32 to vector<16xi32>
    %rem3A_47 = arith.remsi %add3A_29, %rem3A : vector<16xi32>
    %ne3A_48 = arith.constant 0 : i32
    %ne3A_49 = vector.broadcast %ne3A_48 : i32 to vector<16xi32>
    %ne3A_50 = arith.cmpi ne, %rem3A_47, %ne3A_49 : vector<16xi32>
    %and3A = arith.andi %ne3A_46, %ne3A_50 : vector<16xi1>
    %sub3A = arith.constant 1 : i32
    %sub3A_51 = vector.broadcast %sub3A : i32 to vector<16xi32>
    %sub3A_52 = arith.subi %div3A_30, %sub3A_51 : vector<16xi32>
    %select_n3A = arith.select %and3A, %sub3A_52, %div3A_30 : vector<16xi1>, vector<16xi32>
    %add3A_53 = arith.constant 16 : i32
    %add3A_54 = vector.broadcast %add3A_53 : i32 to vector<16xi32>
    %add3A_55 = arith.addi %iota3A, %add3A_54 : vector<16xi32>
    %jit3A_56 = arith.constant 8 : i32
    %div3A_57 = vector.broadcast %jit3A_56 : i32 to vector<16xi32>
    %div3A_58 = arith.divsi %add3A_55, %div3A_57 : vector<16xi32>
    %sign3A_59 = arith.constant 0 : i32
    %sign3A_60 = vector.broadcast %sign3A_59 : i32 to vector<16xi32>
    %sign3A_61 = arith.cmpi sgt, %add3A_55, %sign3A_60 : vector<16xi32>
    %sign3A_62 = arith.extui %sign3A_61 : vector<16xi1> to vector<16xi32>
    %sign3A_63 = arith.constant 0 : i32
    %sign3A_64 = vector.broadcast %sign3A_63 : i32 to vector<16xi32>
    %sign3A_65 = arith.cmpi slt, %add3A_55, %sign3A_64 : vector<16xi32>
    %sign3A_66 = arith.extui %sign3A_65 : vector<16xi1> to vector<16xi32>
    %sign3A_67 = arith.subi %sign3A_62, %sign3A_66 : vector<16xi32>
    %sign3A_68 = arith.constant 0 : i32
    %sign3A_69 = arith.cmpi sgt, %jit3A_56, %sign3A_68 : i32
    %sign3A_70 = arith.extui %sign3A_69 : i1 to i32
    %sign3A_71 = arith.constant 0 : i32
    %sign3A_72 = arith.cmpi slt, %jit3A_56, %sign3A_71 : i32
    %sign3A_73 = arith.extui %sign3A_72 : i1 to i32
    %sign3A_74 = arith.subi %sign3A_70, %sign3A_73 : i32
    %ne3A_75 = vector.broadcast %sign3A_74 : i32 to vector<16xi32>
    %ne3A_76 = arith.cmpi ne, %sign3A_67, %ne3A_75 : vector<16xi32>
    %rem3A_77 = vector.broadcast %jit3A_56 : i32 to vector<16xi32>
    %rem3A_78 = arith.remsi %add3A_55, %rem3A_77 : vector<16xi32>
    %ne3A_79 = arith.constant 0 : i32
    %ne3A_80 = vector.broadcast %ne3A_79 : i32 to vector<16xi32>
    %ne3A_81 = arith.cmpi ne, %rem3A_78, %ne3A_80 : vector<16xi32>
    %and3A_82 = arith.andi %ne3A_76, %ne3A_81 : vector<16xi1>
    %sub3A_83 = arith.constant 1 : i32
    %sub3A_84 = vector.broadcast %sub3A_83 : i32 to vector<16xi32>
    %sub3A_85 = arith.subi %div3A_58, %sub3A_84 : vector<16xi32>
    %select_n3A_86 = arith.select %and3A_82, %sub3A_85, %div3A_58 : vector<16xi1>, vector<16xi32>
    %add3A_87 = arith.constant 32 : i32
    %add3A_88 = vector.broadcast %add3A_87 : i32 to vector<16xi32>
    %add3A_89 = arith.addi %iota3A, %add3A_88 : vector<16xi32>
    %jit3A_90 = arith.constant 8 : i32
    %div3A_91 = vector.broadcast %jit3A_90 : i32 to vector<16xi32>
    %div3A_92 = arith.divsi %add3A_89, %div3A_91 : vector<16xi32>
    %sign3A_93 = arith.constant 0 : i32
    %sign3A_94 = vector.broadcast %sign3A_93 : i32 to vector<16xi32>
    %sign3A_95 = arith.cmpi sgt, %add3A_89, %sign3A_94 : vector<16xi32>
    %sign3A_96 = arith.extui %sign3A_95 : vector<16xi1> to vector<16xi32>
    %sign3A_97 = arith.constant 0 : i32
    %sign3A_98 = vector.broadcast %sign3A_97 : i32 to vector<16xi32>
    %sign3A_99 = arith.cmpi slt, %add3A_89, %sign3A_98 : vector<16xi32>
    %sign3A_100 = arith.extui %sign3A_99 : vector<16xi1> to vector<16xi32>
    %sign3A_101 = arith.subi %sign3A_96, %sign3A_100 : vector<16xi32>
    %sign3A_102 = arith.constant 0 : i32
    %sign3A_103 = arith.cmpi sgt, %jit3A_90, %sign3A_102 : i32
    %sign3A_104 = arith.extui %sign3A_103 : i1 to i32
    %sign3A_105 = arith.constant 0 : i32
    %sign3A_106 = arith.cmpi slt, %jit3A_90, %sign3A_105 : i32
    %sign3A_107 = arith.extui %sign3A_106 : i1 to i32
    %sign3A_108 = arith.subi %sign3A_104, %sign3A_107 : i32
    %ne3A_109 = vector.broadcast %sign3A_108 : i32 to vector<16xi32>
    %ne3A_110 = arith.cmpi ne, %sign3A_101, %ne3A_109 : vector<16xi32>
    %rem3A_111 = vector.broadcast %jit3A_90 : i32 to vector<16xi32>
    %rem3A_112 = arith.remsi %add3A_89, %rem3A_111 : vector<16xi32>
    %ne3A_113 = arith.constant 0 : i32
    %ne3A_114 = vector.broadcast %ne3A_113 : i32 to vector<16xi32>
    %ne3A_115 = arith.cmpi ne, %rem3A_112, %ne3A_114 : vector<16xi32>
    %and3A_116 = arith.andi %ne3A_110, %ne3A_115 : vector<16xi1>
    %sub3A_117 = arith.constant 1 : i32
    %sub3A_118 = vector.broadcast %sub3A_117 : i32 to vector<16xi32>
    %sub3A_119 = arith.subi %div3A_92, %sub3A_118 : vector<16xi32>
    %select_n3A_120 = arith.select %and3A_116, %sub3A_119, %div3A_92 : vector<16xi1>, vector<16xi32>
    %add3A_121 = arith.constant 48 : i32
    %add3A_122 = vector.broadcast %add3A_121 : i32 to vector<16xi32>
    %add3A_123 = arith.addi %iota3A, %add3A_122 : vector<16xi32>
    %jit3A_124 = arith.constant 8 : i32
    %div3A_125 = vector.broadcast %jit3A_124 : i32 to vector<16xi32>
    %div3A_126 = arith.divsi %add3A_123, %div3A_125 : vector<16xi32>
    %sign3A_127 = arith.constant 0 : i32
    %sign3A_128 = vector.broadcast %sign3A_127 : i32 to vector<16xi32>
    %sign3A_129 = arith.cmpi sgt, %add3A_123, %sign3A_128 : vector<16xi32>
    %sign3A_130 = arith.extui %sign3A_129 : vector<16xi1> to vector<16xi32>
    %sign3A_131 = arith.constant 0 : i32
    %sign3A_132 = vector.broadcast %sign3A_131 : i32 to vector<16xi32>
    %sign3A_133 = arith.cmpi slt, %add3A_123, %sign3A_132 : vector<16xi32>
    %sign3A_134 = arith.extui %sign3A_133 : vector<16xi1> to vector<16xi32>
    %sign3A_135 = arith.subi %sign3A_130, %sign3A_134 : vector<16xi32>
    %sign3A_136 = arith.constant 0 : i32
    %sign3A_137 = arith.cmpi sgt, %jit3A_124, %sign3A_136 : i32
    %sign3A_138 = arith.extui %sign3A_137 : i1 to i32
    %sign3A_139 = arith.constant 0 : i32
    %sign3A_140 = arith.cmpi slt, %jit3A_124, %sign3A_139 : i32
    %sign3A_141 = arith.extui %sign3A_140 : i1 to i32
    %sign3A_142 = arith.subi %sign3A_138, %sign3A_141 : i32
    %ne3A_143 = vector.broadcast %sign3A_142 : i32 to vector<16xi32>
    %ne3A_144 = arith.cmpi ne, %sign3A_135, %ne3A_143 : vector<16xi32>
    %rem3A_145 = vector.broadcast %jit3A_124 : i32 to vector<16xi32>
    %rem3A_146 = arith.remsi %add3A_123, %rem3A_145 : vector<16xi32>
    %ne3A_147 = arith.constant 0 : i32
    %ne3A_148 = vector.broadcast %ne3A_147 : i32 to vector<16xi32>
    %ne3A_149 = arith.cmpi ne, %rem3A_146, %ne3A_148 : vector<16xi32>
    %and3A_150 = arith.andi %ne3A_144, %ne3A_149 : vector<16xi1>
    %sub3A_151 = arith.constant 1 : i32
    %sub3A_152 = vector.broadcast %sub3A_151 : i32 to vector<16xi32>
    %sub3A_153 = arith.subi %div3A_126, %sub3A_152 : vector<16xi32>
    %select_n3A_154 = arith.select %and3A_150, %sub3A_153, %div3A_126 : vector<16xi1>, vector<16xi32>
    %add3A_155 = arith.constant 0 : i32
    %add3A_156 = vector.broadcast %add3A_155 : i32 to vector<16xi32>
    %add3A_157 = arith.addi %iota3A, %add3A_156 : vector<16xi32>
    %jit3A_158 = arith.constant 8 : i32
    %eq3A = arith.constant 0 : i32
    %eq3A_159 = arith.cmpi eq, %jit3A_158, %eq3A : i32
    %jit3A_160 = arith.constant 1 : i32
    %select_n3A_161 = arith.select %eq3A_159, %jit3A_160, %jit3A_158 : i32
    %rem3A_162 = vector.broadcast %select_n3A_161 : i32 to vector<16xi32>
    %rem3A_163 = arith.remsi %add3A_157, %rem3A_162 : vector<16xi32>
    %ne3A_164 = arith.constant 0 : i32
    %ne3A_165 = vector.broadcast %ne3A_164 : i32 to vector<16xi32>
    %ne3A_166 = arith.cmpi ne, %rem3A_163, %ne3A_165 : vector<16xi32>
    %lt3A = arith.constant 0 : i32
    %lt3A_167 = vector.broadcast %lt3A : i32 to vector<16xi32>
    %lt3A_168 = arith.cmpi slt, %rem3A_163, %lt3A_167 : vector<16xi32>
    %lt3A_169 = arith.constant 0 : i32
    %lt3A_170 = arith.cmpi slt, %select_n3A_161, %lt3A_169 : i32
    %ne3A_171 = vector.broadcast %lt3A_170 : i1 to vector<16xi1>
    %ne3A_172 = vector.broadcast %ne3A_171 : vector<16xi1> to vector<16xi1>
    %ne3A_173 = arith.xori %lt3A_168, %ne3A_172 : vector<16xi1>
    %and3A_174 = arith.andi %ne3A_173, %ne3A_166 : vector<16xi1>
    %add3A_175 = vector.broadcast %select_n3A_161 : i32 to vector<16xi32>
    %add3A_176 = arith.addi %rem3A_163, %add3A_175 : vector<16xi32>
    %select_n3A_177 = arith.select %and3A_174, %add3A_176, %rem3A_163 : vector<16xi1>, vector<16xi32>
    %add3A_178 = arith.constant 16 : i32
    %add3A_179 = vector.broadcast %add3A_178 : i32 to vector<16xi32>
    %add3A_180 = arith.addi %iota3A, %add3A_179 : vector<16xi32>
    %jit3A_181 = arith.constant 8 : i32
    %eq3A_182 = arith.constant 0 : i32
    %eq3A_183 = arith.cmpi eq, %jit3A_181, %eq3A_182 : i32
    %jit3A_184 = arith.constant 1 : i32
    %select_n3A_185 = arith.select %eq3A_183, %jit3A_184, %jit3A_181 : i32
    %rem3A_186 = vector.broadcast %select_n3A_185 : i32 to vector<16xi32>
    %rem3A_187 = arith.remsi %add3A_180, %rem3A_186 : vector<16xi32>
    %ne3A_188 = arith.constant 0 : i32
    %ne3A_189 = vector.broadcast %ne3A_188 : i32 to vector<16xi32>
    %ne3A_190 = arith.cmpi ne, %rem3A_187, %ne3A_189 : vector<16xi32>
    %lt3A_191 = arith.constant 0 : i32
    %lt3A_192 = vector.broadcast %lt3A_191 : i32 to vector<16xi32>
    %lt3A_193 = arith.cmpi slt, %rem3A_187, %lt3A_192 : vector<16xi32>
    %lt3A_194 = arith.constant 0 : i32
    %lt3A_195 = arith.cmpi slt, %select_n3A_185, %lt3A_194 : i32
    %ne3A_196 = vector.broadcast %lt3A_195 : i1 to vector<16xi1>
    %ne3A_197 = vector.broadcast %ne3A_196 : vector<16xi1> to vector<16xi1>
    %ne3A_198 = arith.xori %lt3A_193, %ne3A_197 : vector<16xi1>
    %and3A_199 = arith.andi %ne3A_198, %ne3A_190 : vector<16xi1>
    %add3A_200 = vector.broadcast %select_n3A_185 : i32 to vector<16xi32>
    %add3A_201 = arith.addi %rem3A_187, %add3A_200 : vector<16xi32>
    %select_n3A_202 = arith.select %and3A_199, %add3A_201, %rem3A_187 : vector<16xi1>, vector<16xi32>
    %add3A_203 = arith.constant 32 : i32
    %add3A_204 = vector.broadcast %add3A_203 : i32 to vector<16xi32>
    %add3A_205 = arith.addi %iota3A, %add3A_204 : vector<16xi32>
    %jit3A_206 = arith.constant 8 : i32
    %eq3A_207 = arith.constant 0 : i32
    %eq3A_208 = arith.cmpi eq, %jit3A_206, %eq3A_207 : i32
    %jit3A_209 = arith.constant 1 : i32
    %select_n3A_210 = arith.select %eq3A_208, %jit3A_209, %jit3A_206 : i32
    %rem3A_211 = vector.broadcast %select_n3A_210 : i32 to vector<16xi32>
    %rem3A_212 = arith.remsi %add3A_205, %rem3A_211 : vector<16xi32>
    %ne3A_213 = arith.constant 0 : i32
    %ne3A_214 = vector.broadcast %ne3A_213 : i32 to vector<16xi32>
    %ne3A_215 = arith.cmpi ne, %rem3A_212, %ne3A_214 : vector<16xi32>
    %lt3A_216 = arith.constant 0 : i32
    %lt3A_217 = vector.broadcast %lt3A_216 : i32 to vector<16xi32>
    %lt3A_218 = arith.cmpi slt, %rem3A_212, %lt3A_217 : vector<16xi32>
    %lt3A_219 = arith.constant 0 : i32
    %lt3A_220 = arith.cmpi slt, %select_n3A_210, %lt3A_219 : i32
    %ne3A_221 = vector.broadcast %lt3A_220 : i1 to vector<16xi1>
    %ne3A_222 = vector.broadcast %ne3A_221 : vector<16xi1> to vector<16xi1>
    %ne3A_223 = arith.xori %lt3A_218, %ne3A_222 : vector<16xi1>
    %and3A_224 = arith.andi %ne3A_223, %ne3A_215 : vector<16xi1>
    %add3A_225 = vector.broadcast %select_n3A_210 : i32 to vector<16xi32>
    %add3A_226 = arith.addi %rem3A_212, %add3A_225 : vector<16xi32>
    %select_n3A_227 = arith.select %and3A_224, %add3A_226, %rem3A_212 : vector<16xi1>, vector<16xi32>
    %add3A_228 = arith.constant 48 : i32
    %add3A_229 = vector.broadcast %add3A_228 : i32 to vector<16xi32>
    %add3A_230 = arith.addi %iota3A, %add3A_229 : vector<16xi32>
    %jit3A_231 = arith.constant 8 : i32
    %eq3A_232 = arith.constant 0 : i32
    %eq3A_233 = arith.cmpi eq, %jit3A_231, %eq3A_232 : i32
    %jit3A_234 = arith.constant 1 : i32
    %select_n3A_235 = arith.select %eq3A_233, %jit3A_234, %jit3A_231 : i32
    %rem3A_236 = vector.broadcast %select_n3A_235 : i32 to vector<16xi32>
    %rem3A_237 = arith.remsi %add3A_230, %rem3A_236 : vector<16xi32>
    %ne3A_238 = arith.constant 0 : i32
    %ne3A_239 = vector.broadcast %ne3A_238 : i32 to vector<16xi32>
    %ne3A_240 = arith.cmpi ne, %rem3A_237, %ne3A_239 : vector<16xi32>
    %lt3A_241 = arith.constant 0 : i32
    %lt3A_242 = vector.broadcast %lt3A_241 : i32 to vector<16xi32>
    %lt3A_243 = arith.cmpi slt, %rem3A_237, %lt3A_242 : vector<16xi32>
    %lt3A_244 = arith.constant 0 : i32
    %lt3A_245 = arith.cmpi slt, %select_n3A_235, %lt3A_244 : i32
    %ne3A_246 = vector.broadcast %lt3A_245 : i1 to vector<16xi1>
    %ne3A_247 = vector.broadcast %ne3A_246 : vector<16xi1> to vector<16xi1>
    %ne3A_248 = arith.xori %lt3A_243, %ne3A_247 : vector<16xi1>
    %and3A_249 = arith.andi %ne3A_248, %ne3A_240 : vector<16xi1>
    %add3A_250 = vector.broadcast %select_n3A_235 : i32 to vector<16xi32>
    %add3A_251 = arith.addi %rem3A_237, %add3A_250 : vector<16xi32>
    %select_n3A_252 = arith.select %and3A_249, %add3A_251, %rem3A_237 : vector<16xi1>, vector<16xi32>
    %dma_start3A = arith.constant 0 : i32
    %dma_start3A_253 = arith.constant 0 : i32
    %dma_start3A_254 = arith.constant 0 : i32
    %dma_start3A_255 = arith.constant 0 : i32
    %dma_start3A_256 = tpu.memref_slice %arg8[%dma_start3A_253, %dma_start3A_254, %dma_start3A_255] : memref<5x128x64xf32, #tpu.memory_space<vmem>> -> memref<1x128x64xf32, #tpu.memory_space<vmem>>
    %dma_start3A_257 = tpu.memref_squeeze %dma_start3A_256 : memref<1x128x64xf32, #tpu.memory_space<vmem>> -> memref<128x64xf32, #tpu.memory_space<vmem>>
    %dma_start3A_258 = arith.constant 0 : i32
    %dma_start3A_259 = tpu.memref_slice %arg6[%dma_start3A, %dma_start3A_258] : memref<50x128xi32, #tpu.memory_space<vmem>> -> memref<1x128xi32, #tpu.memory_space<vmem>>
    %dma_start3A_260 = tpu.memref_squeeze %dma_start3A_259 : memref<1x128xi32, #tpu.memory_space<vmem>> -> memref<128xi32, #tpu.memory_space<vmem>>
    %dma_start3A_261 = arith.constant 0 : i32
    %dma_start3A_262 = arith.constant 0 : i32
    %dma_start3A_263 = tpu.memref_slice %arg4[%dma_start3A_261, %dma_start3A_262] : memref<1000000x64xf32, #tpu.memory_space<hbm>> -> memref<1000000x64xf32, #tpu.memory_space<hbm>>
    tpu.enqueue_indirect_dma source(%dma_start3A_263 : memref<1000000x64xf32, #tpu.memory_space<hbm>>) target(%dma_start3A_257 : memref<128x64xf32, #tpu.memory_space<vmem>>) offsets(%dma_start3A_260 : memref<128xi32, #tpu.memory_space<vmem>>) semaphore(%arg10 : memref<!tpu.dma_semaphore, #tpu.memory_space<semaphore_mem>>)
    %dma_start3A_264 = arith.constant 1 : i32
    %dma_start3A_265 = arith.constant 1 : i32
    %dma_start3A_266 = arith.constant 0 : i32
    %dma_start3A_267 = arith.constant 0 : i32
    %dma_start3A_268 = tpu.memref_slice %arg8[%dma_start3A_265, %dma_start3A_266, %dma_start3A_267] : memref<5x128x64xf32, #tpu.memory_space<vmem>> -> memref<1x128x64xf32, #tpu.memory_space<vmem>>
    %dma_start3A_269 = tpu.memref_squeeze %dma_start3A_268 : memref<1x128x64xf32, #tpu.memory_space<vmem>> -> memref<128x64xf32, #tpu.memory_space<vmem>>
    %dma_start3A_270 = arith.constant 0 : i32
    %dma_start3A_271 = tpu.memref_slice %arg6[%dma_start3A_264, %dma_start3A_270] : memref<50x128xi32, #tpu.memory_space<vmem>> -> memref<1x128xi32, #tpu.memory_space<vmem>>
    %dma_start3A_272 = tpu.memref_squeeze %dma_start3A_271 : memref<1x128xi32, #tpu.memory_space<vmem>> -> memref<128xi32, #tpu.memory_space<vmem>>
    %dma_start3A_273 = arith.constant 0 : i32
    %dma_start3A_274 = arith.constant 0 : i32
    %dma_start3A_275 = tpu.memref_slice %arg4[%dma_start3A_273, %dma_start3A_274] : memref<1000000x64xf32, #tpu.memory_space<hbm>> -> memref<1000000x64xf32, #tpu.memory_space<hbm>>
    tpu.enqueue_indirect_dma source(%dma_start3A_275 : memref<1000000x64xf32, #tpu.memory_space<hbm>>) target(%dma_start3A_269 : memref<128x64xf32, #tpu.memory_space<vmem>>) offsets(%dma_start3A_272 : memref<128xi32, #tpu.memory_space<vmem>>) semaphore(%arg11 : memref<!tpu.dma_semaphore, #tpu.memory_space<semaphore_mem>>)
    %scan3A = arith.constant 0 : i32
    %scan3A_276 = arith.constant 0 : i32
    %scan3A_277 = arith.constant 10 : i32
    %scan3A_278 = arith.addi %scan3A_276, %scan3A_277 : i32
    %scan3A_279 = arith.constant 1 : i32
    scf.for %scan3A_355 = %scan3A_276 to %scan3A_278 step %scan3A_279  : i32 {
      %mul3A_356 = arith.constant 5 : i32
      %mul3A_357 = arith.muli %scan3A_355, %mul3A_356 : i32
      %add3A_358 = arith.constant 0 : i32
      %add3A_359 = arith.addi %mul3A_357, %add3A_358 : i32
      %add3A_360 = arith.constant 2 : i32
      %add3A_361 = arith.addi %add3A_359, %add3A_360 : i32
      %lt3A_362 = arith.constant 50 : i32
      %lt3A_363 = arith.cmpi slt, %add3A_361, %lt3A_362 : i32
      %convert_element_type3A = arith.extui %lt3A_363 : i1 to i32
      %cond3A = arith.constant 0 : i32
      %cond3A_364 = arith.cmpi ne, %convert_element_type3A, %cond3A : i32
      scf.if %cond3A_364 {
        %add3A_1143 = arith.constant 2 : i32
        %add3A_1144 = arith.addi %add3A_359, %add3A_1143 : i32
        %ge3A = arith.constant 5 : i32
        %ge3A_1145 = arith.cmpi sge, %add3A_1144, %ge3A : i32
        %convert_element_type3A_1146 = arith.extui %ge3A_1145 : i1 to i32
        %cond3A_1147 = arith.constant 0 : i32
        %cond3A_1148 = arith.cmpi ne, %convert_element_type3A_1146, %cond3A_1147 : i32
        scf.if %cond3A_1148 {
          %dma_wait3A_1162 = arith.constant 2 : i32
          %dma_wait3A_1163 = arith.constant 0 : i32
          %dma_wait3A_1164 = arith.constant 0 : i32
          %dma_wait3A_1165 = tpu.memref_slice %arg8[%dma_wait3A_1162, %dma_wait3A_1163, %dma_wait3A_1164] : memref<5x128x64xf32, #tpu.memory_space<vmem>> -> memref<1x128x64xf32, #tpu.memory_space<vmem>>
          %dma_wait3A_1166 = tpu.memref_squeeze %dma_wait3A_1165 : memref<1x128x64xf32, #tpu.memory_space<vmem>> -> memref<128x64xf32, #tpu.memory_space<vmem>>
          %dma_wait3A_1167 = arith.constant 0 : i32
          %dma_wait3A_1168 = arith.constant 0 : i32
          %dma_wait3A_1169 = tpu.memref_slice %arg4[%dma_wait3A_1167, %dma_wait3A_1168] : memref<1000000x64xf32, #tpu.memory_space<hbm>> -> memref<128x64xf32, #tpu.memory_space<hbm>>
          %dma_wait3A_1170 = arith.constant 0 : i32
          %dma_wait3A_1171 = arith.constant 0 : i32
          %dma_wait3A_1172 = tpu.memref_slice %arg8[%dma_wait3A_1162, %dma_wait3A_1170, %dma_wait3A_1171] : memref<5x128x64xf32, #tpu.memory_space<vmem>> -> memref<1x128x64xf32, #tpu.memory_space<vmem>>
          %dma_wait3A_1173 = tpu.memref_squeeze %dma_wait3A_1172 : memref<1x128x64xf32, #tpu.memory_space<vmem>> -> memref<128x64xf32, #tpu.memory_space<vmem>>
          %dma_wait3A_1174 = arith.constant 0 : i32
          %dma_wait3A_1175 = arith.constant 0 : i32
          %dma_wait3A_1176 = tpu.memref_slice %arg4[%dma_wait3A_1174, %dma_wait3A_1175] : memref<1000000x64xf32, #tpu.memory_space<hbm>> -> memref<128x64xf32, #tpu.memory_space<hbm>>
          tpu.wait_dma2 semaphore(%arg17 : memref<!tpu.dma_semaphore, #tpu.memory_space<semaphore_mem>>) src(%dma_wait3A_1176 : memref<128x64xf32, #tpu.memory_space<hbm>>) dst(%dma_wait3A_1173 : memref<128x64xf32, #tpu.memory_space<vmem>>)
        } else {
        }
        %add3A_1149 = arith.constant 2 : i32
        %add3A_1150 = arith.addi %add3A_359, %add3A_1149 : i32
        %dma_start3A_1151 = arith.constant 2 : i32
        %dma_start3A_1152 = arith.constant 0 : i32
        %dma_start3A_1153 = arith.constant 0 : i32
        %dma_start3A_1154 = tpu.memref_slice %arg8[%dma_start3A_1151, %dma_start3A_1152, %dma_start3A_1153] : memref<5x128x64xf32, #tpu.memory_space<vmem>> -> memref<1x128x64xf32, #tpu.memory_space<vmem>>
        %dma_start3A_1155 = tpu.memref_squeeze %dma_start3A_1154 : memref<1x128x64xf32, #tpu.memory_space<vmem>> -> memref<128x64xf32, #tpu.memory_space<vmem>>
        %dma_start3A_1156 = arith.constant 0 : i32
        %dma_start3A_1157 = tpu.memref_slice %arg6[%add3A_1150, %dma_start3A_1156] : memref<50x128xi32, #tpu.memory_space<vmem>> -> memref<1x128xi32, #tpu.memory_space<vmem>>
        %dma_start3A_1158 = tpu.memref_squeeze %dma_start3A_1157 : memref<1x128xi32, #tpu.memory_space<vmem>> -> memref<128xi32, #tpu.memory_space<vmem>>
        %dma_start3A_1159 = arith.constant 0 : i32
        %dma_start3A_1160 = arith.constant 0 : i32
        %dma_start3A_1161 = tpu.memref_slice %arg4[%dma_start3A_1159, %dma_start3A_1160] : memref<1000000x64xf32, #tpu.memory_space<hbm>> -> memref<1000000x64xf32, #tpu.memory_space<hbm>>
        tpu.enqueue_indirect_dma source(%dma_start3A_1161 : memref<1000000x64xf32, #tpu.memory_space<hbm>>) target(%dma_start3A_1155 : memref<128x64xf32, #tpu.memory_space<vmem>>) offsets(%dma_start3A_1158 : memref<128xi32, #tpu.memory_space<vmem>>) semaphore(%arg12 : memref<!tpu.dma_semaphore, #tpu.memory_space<semaphore_mem>>)
      } else {
      }
      %dma_wait3A_365 = arith.constant 0 : i32
      %dma_wait3A_366 = arith.constant 0 : i32
      %dma_wait3A_367 = arith.constant 0 : i32
      %dma_wait3A_368 = tpu.memref_slice %arg8[%dma_wait3A_365, %dma_wait3A_366, %dma_wait3A_367] : memref<5x128x64xf32, #tpu.memory_space<vmem>> -> memref<1x128x64xf32, #tpu.memory_space<vmem>>
      %dma_wait3A_369 = tpu.memref_squeeze %dma_wait3A_368 : memref<1x128x64xf32, #tpu.memory_space<vmem>> -> memref<128x64xf32, #tpu.memory_space<vmem>>
      %dma_wait3A_370 = arith.constant 0 : i32
      %dma_wait3A_371 = arith.constant 0 : i32
      %dma_wait3A_372 = tpu.memref_slice %arg4[%dma_wait3A_370, %dma_wait3A_371] : memref<1000000x64xf32, #tpu.memory_space<hbm>> -> memref<128x64xf32, #tpu.memory_space<hbm>>
      %dma_wait3A_373 = arith.constant 0 : i32
      %dma_wait3A_374 = arith.constant 0 : i32
      %dma_wait3A_375 = tpu.memref_slice %arg8[%dma_wait3A_365, %dma_wait3A_373, %dma_wait3A_374] : memref<5x128x64xf32, #tpu.memory_space<vmem>> -> memref<1x128x64xf32, #tpu.memory_space<vmem>>
      %dma_wait3A_376 = tpu.memref_squeeze %dma_wait3A_375 : memref<1x128x64xf32, #tpu.memory_space<vmem>> -> memref<128x64xf32, #tpu.memory_space<vmem>>
      %dma_wait3A_377 = arith.constant 0 : i32
      %dma_wait3A_378 = arith.constant 0 : i32
      %dma_wait3A_379 = tpu.memref_slice %arg4[%dma_wait3A_377, %dma_wait3A_378] : memref<1000000x64xf32, #tpu.memory_space<hbm>> -> memref<128x64xf32, #tpu.memory_space<hbm>>
      tpu.wait_dma2 semaphore(%arg10 : memref<!tpu.dma_semaphore, #tpu.memory_space<semaphore_mem>>) src(%dma_wait3A_379 : memref<128x64xf32, #tpu.memory_space<hbm>>) dst(%dma_wait3A_376 : memref<128x64xf32, #tpu.memory_space<vmem>>)
      %add3A_380 = arith.addi %mul3A_2, %add3A_359 : i32
      %jit3A_381 = arith.constant 64 : i32
      %div3A_382 = arith.divsi %add3A_380, %jit3A_381 : i32
      %sign3A_383 = arith.constant 0 : i32
      %sign3A_384 = arith.cmpi sgt, %add3A_380, %sign3A_383 : i32
      %sign3A_385 = arith.extui %sign3A_384 : i1 to i32
      %sign3A_386 = arith.constant 0 : i32
      %sign3A_387 = arith.cmpi slt, %add3A_380, %sign3A_386 : i32
      %sign3A_388 = arith.extui %sign3A_387 : i1 to i32
      %sign3A_389 = arith.subi %sign3A_385, %sign3A_388 : i32
      %sign3A_390 = arith.constant 0 : i32
      %sign3A_391 = arith.cmpi sgt, %jit3A_381, %sign3A_390 : i32
      %sign3A_392 = arith.extui %sign3A_391 : i1 to i32
      %sign3A_393 = arith.constant 0 : i32
      %sign3A_394 = arith.cmpi slt, %jit3A_381, %sign3A_393 : i32
      %sign3A_395 = arith.extui %sign3A_394 : i1 to i32
      %sign3A_396 = arith.subi %sign3A_392, %sign3A_395 : i32
      %ne3A_397 = arith.cmpi ne, %sign3A_389, %sign3A_396 : i32
      %rem3A_398 = arith.remsi %add3A_380, %jit3A_381 : i32
      %ne3A_399 = arith.constant 0 : i32
      %ne3A_400 = arith.cmpi ne, %rem3A_398, %ne3A_399 : i32
      %and3A_401 = arith.andi %ne3A_397, %ne3A_400 : i1
      %sub3A_402 = arith.constant 1 : i32
      %sub3A_403 = arith.subi %div3A_382, %sub3A_402 : i32
      %select_n3A_404 = arith.select %and3A_401, %sub3A_403, %div3A_382 : i32
      %mul3A_405 = arith.constant 8 : i32
      %mul3A_406 = arith.muli %mul3A_405, %select_n3A_404 : i32
      %jit3A_407 = arith.constant 8 : i32
      %eq3A_408 = arith.constant 0 : i32
      %eq3A_409 = arith.cmpi eq, %jit3A_407, %eq3A_408 : i32
      %jit3A_410 = arith.constant 1 : i32
      %select_n3A_411 = arith.select %eq3A_409, %jit3A_410, %jit3A_407 : i32
      %rem3A_412 = arith.remsi %add3A_380, %select_n3A_411 : i32
      %ne3A_413 = arith.constant 0 : i32
      %ne3A_414 = arith.cmpi ne, %rem3A_412, %ne3A_413 : i32
      %lt3A_415 = arith.constant 0 : i32
      %lt3A_416 = arith.cmpi slt, %rem3A_412, %lt3A_415 : i32
      %lt3A_417 = arith.constant 0 : i32
      %lt3A_418 = arith.cmpi slt, %select_n3A_411, %lt3A_417 : i32
      %ne3A_419 = arith.xori %lt3A_416, %lt3A_418 : i1
      %and3A_420 = arith.andi %ne3A_419, %ne3A_414 : i1
      %add3A_421 = arith.addi %rem3A_412, %select_n3A_411 : i32
      %select_n3A_422 = arith.select %and3A_420, %add3A_421, %rem3A_412 : i32
      %add3A_423 = arith.addi %mul3A_406, %select_n3A_422 : i32
      %jit3A_424 = arith.constant 8 : i32
      %div3A_425 = arith.divsi %add3A_380, %jit3A_424 : i32
      %sign3A_426 = arith.constant 0 : i32
      %sign3A_427 = arith.cmpi sgt, %add3A_380, %sign3A_426 : i32
      %sign3A_428 = arith.extui %sign3A_427 : i1 to i32
      %sign3A_429 = arith.constant 0 : i32
      %sign3A_430 = arith.cmpi slt, %add3A_380, %sign3A_429 : i32
      %sign3A_431 = arith.extui %sign3A_430 : i1 to i32
      %sign3A_432 = arith.subi %sign3A_428, %sign3A_431 : i32
      %sign3A_433 = arith.constant 0 : i32
      %sign3A_434 = arith.cmpi sgt, %jit3A_424, %sign3A_433 : i32
      %sign3A_435 = arith.extui %sign3A_434 : i1 to i32
      %sign3A_436 = arith.constant 0 : i32
      %sign3A_437 = arith.cmpi slt, %jit3A_424, %sign3A_436 : i32
      %sign3A_438 = arith.extui %sign3A_437 : i1 to i32
      %sign3A_439 = arith.subi %sign3A_435, %sign3A_438 : i32
      %ne3A_440 = arith.cmpi ne, %sign3A_432, %sign3A_439 : i32
      %rem3A_441 = arith.remsi %add3A_380, %jit3A_424 : i32
      %ne3A_442 = arith.constant 0 : i32
      %ne3A_443 = arith.cmpi ne, %rem3A_441, %ne3A_442 : i32
      %and3A_444 = arith.andi %ne3A_440, %ne3A_443 : i1
      %sub3A_445 = arith.constant 1 : i32
      %sub3A_446 = arith.subi %div3A_425, %sub3A_445 : i32
      %select_n3A_447 = arith.select %and3A_444, %sub3A_446, %div3A_425 : i32
      %jit3A_448 = arith.constant 8 : i32
      %eq3A_449 = arith.constant 0 : i32
      %eq3A_450 = arith.cmpi eq, %jit3A_448, %eq3A_449 : i32
      %jit3A_451 = arith.constant 1 : i32
      %select_n3A_452 = arith.select %eq3A_450, %jit3A_451, %jit3A_448 : i32
      %rem3A_453 = arith.remsi %select_n3A_447, %select_n3A_452 : i32
      %ne3A_454 = arith.constant 0 : i32
      %ne3A_455 = arith.cmpi ne, %rem3A_453, %ne3A_454 : i32
      %lt3A_456 = arith.constant 0 : i32
      %lt3A_457 = arith.cmpi slt, %rem3A_453, %lt3A_456 : i32
      %lt3A_458 = arith.constant 0 : i32
      %lt3A_459 = arith.cmpi slt, %select_n3A_452, %lt3A_458 : i32
      %ne3A_460 = arith.xori %lt3A_457, %lt3A_459 : i1
      %and3A_461 = arith.andi %ne3A_460, %ne3A_455 : i1
      %add3A_462 = arith.addi %rem3A_453, %select_n3A_452 : i32
      %select_n3A_463 = arith.select %and3A_461, %add3A_462, %rem3A_453 : i32
      %get3A = arith.index_cast %add3A_423 : i32 to index
      %get3A_464 = arith.constant 0 : index
      %get3A_465 = tpu.vector_load %arg7[%get3A, %get3A_464] {strides = array<i32>} : memref<200x64xf32, #tpu.memory_space<vmem>>, vector<16xf32>,
      %get3A_466 = arith.index_cast %add3A_423 : i32 to index
      %get3A_467 = arith.constant 16 : index
      %get3A_468 = tpu.vector_load %arg7[%get3A_466, %get3A_467] {strides = array<i32>} : memref<200x64xf32, #tpu.memory_space<vmem>>, vector<16xf32>,
      %get3A_469 = arith.index_cast %add3A_423 : i32 to index
      %get3A_470 = arith.constant 32 : index
      %get3A_471 = tpu.vector_load %arg7[%get3A_469, %get3A_470] {strides = array<i32>} : memref<200x64xf32, #tpu.memory_space<vmem>>, vector<16xf32>,
      %get3A_472 = arith.index_cast %add3A_423 : i32 to index
      %get3A_473 = arith.constant 48 : index
      %get3A_474 = tpu.vector_load %arg7[%get3A_472, %get3A_473] {strides = array<i32>} : memref<200x64xf32, #tpu.memory_space<vmem>>, vector<16xf32>,
      %scan3A_475 = arith.constant 0 : i32
      %scan3A_476 = arith.constant 0 : i32
      %scan3A_477 = arith.constant 0 : i32
      %scan3A_478 = arith.constant 128 : i32
      %scan3A_479 = arith.addi %scan3A_477, %scan3A_478 : i32
      %scan3A_480 = arith.constant 4 : i32
      scf.for %scan3A_1143 = %scan3A_477 to %scan3A_479 step %scan3A_480  : i32 {
        %broadcast_in_dim3A = vector.broadcast %scan3A_1143 : i32 to vector<16xi32>
        %get3A_1144 = arith.constant 0 : i32
        %get3A_1145 = arith.index_cast %get3A_1144 : i32 to index
        %get3A_1146 = arith.index_cast %scan3A_1143 : i32 to index
        %get3A_1147 = arith.constant 0 : index
        %get3A_1148 = tpu.vector_load %arg8[%get3A_1145, %get3A_1146, %get3A_1147] {strides = array<i32>} : memref<5x128x64xf32, #tpu.memory_space<vmem>>, vector<16xf32>,
        %mul3A_1149 = arith.constant 8.000000e+00 : f32
        %mul3A_1150 = vector.broadcast %mul3A_1149 : f32 to vector<16xf32>
        %mul3A_1151 = arith.mulf %get3A_1148, %mul3A_1150 : vector<16xf32>
        %add3A_1152 = arith.addf %mul3A_1151, %get3A_465 : vector<16xf32>
        %scatter3A = arith.constant 0 : i32
        %scatter3A_1153 = arith.constant 0 : i32
        %scatter3A_1154 = arith.constant 0 : i32
        %scatter3A_1155 = tpu.memref_slice %arg9[%scan3A_476, %scatter3A, %scatter3A_1153, %scatter3A_1154] : memref<5x8x8x129xf32, #tpu.memory_space<vmem>> -> memref<1x8x8x129xf32, #tpu.memory_space<vmem>>
        %scatter3A_1156 = tpu.memref_squeeze %scatter3A_1155 : memref<1x8x8x129xf32, #tpu.memory_space<vmem>> -> memref<8x8x129xf32, #tpu.memory_space<vmem>>
        tpu.vector_store_idx %scatter3A_1156[%select_n3A, %select_n3A_177, %broadcast_in_dim3A], %add3A_1152 : memref<8x8x129xf32, #tpu.memory_space<vmem>>[vector<16xi32>, vector<16xi32>, vector<16xi32>], vector<16xf32>,
        %get3A_1157 = arith.constant 0 : i32
        %get3A_1158 = arith.index_cast %get3A_1157 : i32 to index
        %get3A_1159 = arith.index_cast %scan3A_1143 : i32 to index
        %get3A_1160 = arith.constant 16 : index
        %get3A_1161 = tpu.vector_load %arg8[%get3A_1158, %get3A_1159, %get3A_1160] {strides = array<i32>} : memref<5x128x64xf32, #tpu.memory_space<vmem>>, vector<16xf32>,
        %mul3A_1162 = arith.constant 8.000000e+00 : f32
        %mul3A_1163 = vector.broadcast %mul3A_1162 : f32 to vector<16xf32>
        %mul3A_1164 = arith.mulf %get3A_1161, %mul3A_1163 : vector<16xf32>
        %add3A_1165 = arith.addf %mul3A_1164, %get3A_468 : vector<16xf32>
        %scatter3A_1166 = arith.constant 0 : i32
        %scatter3A_1167 = arith.constant 0 : i32
        %scatter3A_1168 = arith.constant 0 : i32
        %scatter3A_1169 = tpu.memref_slice %arg9[%scan3A_476, %scatter3A_1166, %scatter3A_1167, %scatter3A_1168] : memref<5x8x8x129xf32, #tpu.memory_space<vmem>> -> memref<1x8x8x129xf32, #tpu.memory_space<vmem>>
        %scatter3A_1170 = tpu.memref_squeeze %scatter3A_1169 : memref<1x8x8x129xf32, #tpu.memory_space<vmem>> -> memref<8x8x129xf32, #tpu.memory_space<vmem>>
        tpu.vector_store_idx %scatter3A_1170[%select_n3A_86, %select_n3A_202, %broadcast_in_dim3A], %add3A_1165 : memref<8x8x129xf32, #tpu.memory_space<vmem>>[vector<16xi32>, vector<16xi32>, vector<16xi32>], vector<16xf32>,
        %get3A_1171 = arith.constant 0 : i32
        %get3A_1172 = arith.index_cast %get3A_1171 : i32 to index
        %get3A_1173 = arith.index_cast %scan3A_1143 : i32 to index
        %get3A_1174 = arith.constant 32 : index
        %get3A_1175 = tpu.vector_load %arg8[%get3A_1172, %get3A_1173, %get3A_1174] {strides = array<i32>} : memref<5x128x64xf32, #tpu.memory_space<vmem>>, vector<16xf32>,
        %mul3A_1176 = arith.constant 8.000000e+00 : f32
        %mul3A_1177 = vector.broadcast %mul3A_1176 : f32 to vector<16xf32>
        %mul3A_1178 = arith.mulf %get3A_1175, %mul3A_1177 : vector<16xf32>
        %add3A_1179 = arith.addf %mul3A_1178, %get3A_471 : vector<16xf32>
        %scatter3A_1180 = arith.constant 0 : i32
        %scatter3A_1181 = arith.constant 0 : i32
        %scatter3A_1182 = arith.constant 0 : i32
        %scatter3A_1183 = tpu.memref_slice %arg9[%scan3A_476, %scatter3A_1180, %scatter3A_1181, %scatter3A_1182] : memref<5x8x8x129xf32, #tpu.memory_space<vmem>> -> memref<1x8x8x129xf32, #tpu.memory_space<vmem>>
        %scatter3A_1184 = tpu.memref_squeeze %scatter3A_1183 : memref<1x8x8x129xf32, #tpu.memory_space<vmem>> -> memref<8x8x129xf32, #tpu.memory_space<vmem>>
        tpu.vector_store_idx %scatter3A_1184[%select_n3A_120, %select_n3A_227, %broadcast_in_dim3A], %add3A_1179 : memref<8x8x129xf32, #tpu.memory_space<vmem>>[vector<16xi32>, vector<16xi32>, vector<16xi32>], vector<16xf32>,
        %get3A_1185 = arith.constant 0 : i32
        %get3A_1186 = arith.index_cast %get3A_1185 : i32 to index
        %get3A_1187 = arith.index_cast %scan3A_1143 : i32 to index
        %get3A_1188 = arith.constant 48 : index
        %get3A_1189 = tpu.vector_load %arg8[%get3A_1186, %get3A_1187, %get3A_1188] {strides = array<i32>} : memref<5x128x64xf32, #tpu.memory_space<vmem>>, vector<16xf32>,
        %mul3A_1190 = arith.constant 8.000000e+00 : f32
        %mul3A_1191 = vector.broadcast %mul3A_1190 : f32 to vector<16xf32>
        %mul3A_1192 = arith.mulf %get3A_1189, %mul3A_1191 : vector<16xf32>
        %add3A_1193 = arith.addf %mul3A_1192, %get3A_474 : vector<16xf32>
        %scatter3A_1194 = arith.constant 0 : i32
        %scatter3A_1195 = arith.constant 0 : i32
        %scatter3A_1196 = arith.constant 0 : i32
        %scatter3A_1197 = tpu.memref_slice %arg9[%scan3A_476, %scatter3A_1194, %scatter3A_1195, %scatter3A_1196] : memref<5x8x8x129xf32, #tpu.memory_space<vmem>> -> memref<1x8x8x129xf32, #tpu.memory_space<vmem>>
        %scatter3A_1198 = tpu.memref_squeeze %scatter3A_1197 : memref<1x8x8x129xf32, #tpu.memory_space<vmem>> -> memref<8x8x129xf32, #tpu.memory_space<vmem>>
        tpu.vector_store_idx %scatter3A_1198[%select_n3A_154, %select_n3A_252, %broadcast_in_dim3A], %add3A_1193 : memref<8x8x129xf32, #tpu.memory_space<vmem>>[vector<16xi32>, vector<16xi32>, vector<16xi32>], vector<16xf32>,
        %scan3A_1199 = arith.constant 1 : i32
        %scan3A_1200 = arith.addi %scan3A_1143, %scan3A_1199 : i32
        %broadcast_in_dim3A_1201 = vector.broadcast %scan3A_1200 : i32 to vector<16xi32>
        %get3A_1202 = arith.constant 0 : i32
        %get3A_1203 = arith.index_cast %get3A_1202 : i32 to index
        %get3A_1204 = arith.index_cast %scan3A_1200 : i32 to index
        %get3A_1205 = arith.constant 0 : index
        %get3A_1206 = tpu.vector_load %arg8[%get3A_1203, %get3A_1204, %get3A_1205] {strides = array<i32>} : memref<5x128x64xf32, #tpu.memory_space<vmem>>, vector<16xf32>,
        %mul3A_1207 = arith.constant 8.000000e+00 : f32
        %mul3A_1208 = vector.broadcast %mul3A_1207 : f32 to vector<16xf32>
        %mul3A_1209 = arith.mulf %get3A_1206, %mul3A_1208 : vector<16xf32>
        %add3A_1210 = arith.addf %mul3A_1209, %get3A_465 : vector<16xf32>
        %scatter3A_1211 = arith.constant 0 : i32
        %scatter3A_1212 = arith.constant 0 : i32
        %scatter3A_1213 = arith.constant 0 : i32
        %scatter3A_1214 = tpu.memref_slice %arg9[%scan3A_476, %scatter3A_1211, %scatter3A_1212, %scatter3A_1213] : memref<5x8x8x129xf32, #tpu.memory_space<vmem>> -> memref<1x8x8x129xf32, #tpu.memory_space<vmem>>
        %scatter3A_1215 = tpu.memref_squeeze %scatter3A_1214 : memref<1x8x8x129xf32, #tpu.memory_space<vmem>> -> memref<8x8x129xf32, #tpu.memory_space<vmem>>
        tpu.vector_store_idx %scatter3A_1215[%select_n3A, %select_n3A_177, %broadcast_in_dim3A_1201], %add3A_1210 : memref<8x8x129xf32, #tpu.memory_space<vmem>>[vector<16xi32>, vector<16xi32>, vector<16xi32>], vector<16xf32>,
        %get3A_1216 = arith.constant 0 : i32
        %get3A_1217 = arith.index_cast %get3A_1216 : i32 to index
        %get3A_1218 = arith.index_cast %scan3A_1200 : i32 to index
        %get3A_1219 = arith.constant 16 : index
        %get3A_1220 = tpu.vector_load %arg8[%get3A_1217, %get3A_1218, %get3A_1219] {strides = array<i32>} : memref<5x128x64xf32, #tpu.memory_space<vmem>>, vector<16xf32>,
        %mul3A_1221 = arith.constant 8.000000e+00 : f32
        %mul3A_1222 = vector.broadcast %mul3A_1221 : f32 to vector<16xf32>
        %mul3A_1223 = arith.mulf %get3A_1220, %mul3A_1222 : vector<16xf32>
        %add3A_1224 = arith.addf %mul3A_1223, %get3A_468 : vector<16xf32>
        %scatter3A_1225 = arith.constant 0 : i32
        %scatter3A_1226 = arith.constant 0 : i32
        %scatter3A_1227 = arith.constant 0 : i32
        %scatter3A_1228 = tpu.memref_slice %arg9[%scan3A_476, %scatter3A_1225, %scatter3A_1226, %scatter3A_1227] : memref<5x8x8x129xf32, #tpu.memory_space<vmem>> -> memref<1x8x8x129xf32, #tpu.memory_space<vmem>>
        %scatter3A_1229 = tpu.memref_squeeze %scatter3A_1228 : memref<1x8x8x129xf32, #tpu.memory_space<vmem>> -> memref<8x8x129xf32, #tpu.memory_space<vmem>>
        tpu.vector_store_idx %scatter3A_1229[%select_n3A_86, %select_n3A_202, %broadcast_in_dim3A_1201], %add3A_1224 : memref<8x8x129xf32, #tpu.memory_space<vmem>>[vector<16xi32>, vector<16xi32>, vector<16xi32>], vector<16xf32>,
        %get3A_1230 = arith.constant 0 : i32
        %get3A_1231 = arith.index_cast %get3A_1230 : i32 to index
        %get3A_1232 = arith.index_cast %scan3A_1200 : i32 to index
        %get3A_1233 = arith.constant 32 : index
        %get3A_1234 = tpu.vector_load %arg8[%get3A_1231, %get3A_1232, %get3A_1233] {strides = array<i32>} : memref<5x128x64xf32, #tpu.memory_space<vmem>>, vector<16xf32>,
        %mul3A_1235 = arith.constant 8.000000e+00 : f32
        %mul3A_1236 = vector.broadcast %mul3A_1235 : f32 to vector<16xf32>
        %mul3A_1237 = arith.mulf %get3A_1234, %mul3A_1236 : vector<16xf32>
        %add3A_1238 = arith.addf %mul3A_1237, %get3A_471 : vector<16xf32>
        %scatter3A_1239 = arith.constant 0 : i32
        %scatter3A_1240 = arith.constant 0 : i32
        %scatter3A_1241 = arith.constant 0 : i32
        %scatter3A_1242 = tpu.memref_slice %arg9[%scan3A_476, %scatter3A_1239, %scatter3A_1240, %scatter3A_1241] : memref<5x8x8x129xf32, #tpu.memory_space<vmem>> -> memref<1x8x8x129xf32, #tpu.memory_space<vmem>>
        %scatter3A_1243 = tpu.memref_squeeze %scatter3A_1242 : memref<1x8x8x129xf32, #tpu.memory_space<vmem>> -> memref<8x8x129xf32, #tpu.memory_space<vmem>>
        tpu.vector_store_idx %scatter3A_1243[%select_n3A_120, %select_n3A_227, %broadcast_in_dim3A_1201], %add3A_1238 : memref<8x8x129xf32, #tpu.memory_space<vmem>>[vector<16xi32>, vector<16xi32>, vector<16xi32>], vector<16xf32>,
        %get3A_1244 = arith.constant 0 : i32
        %get3A_1245 = arith.index_cast %get3A_1244 : i32 to index
        %get3A_1246 = arith.index_cast %scan3A_1200 : i32 to index
        %get3A_1247 = arith.constant 48 : index
        %get3A_1248 = tpu.vector_load %arg8[%get3A_1245, %get3A_1246, %get3A_1247] {strides = array<i32>} : memref<5x128x64xf32, #tpu.memory_space<vmem>>, vector<16xf32>,
        %mul3A_1249 = arith.constant 8.000000e+00 : f32
        %mul3A_1250 = vector.broadcast %mul3A_1249 : f32 to vector<16xf32>
        %mul3A_1251 = arith.mulf %get3A_1248, %mul3A_1250 : vector<16xf32>
        %add3A_1252 = arith.addf %mul3A_1251, %get3A_474 : vector<16xf32>
        %scatter3A_1253 = arith.constant 0 : i32
        %scatter3A_1254 = arith.constant 0 : i32
        %scatter3A_1255 = arith.constant 0 : i32
        %scatter3A_1256 = tpu.memref_slice %arg9[%scan3A_476, %scatter3A_1253, %scatter3A_1254, %scatter3A_1255] : memref<5x8x8x129xf32, #tpu.memory_space<vmem>> -> memref<1x8x8x129xf32, #tpu.memory_space<vmem>>
        %scatter3A_1257 = tpu.memref_squeeze %scatter3A_1256 : memref<1x8x8x129xf32, #tpu.memory_space<vmem>> -> memref<8x8x129xf32, #tpu.memory_space<vmem>>
        tpu.vector_store_idx %scatter3A_1257[%select_n3A_154, %select_n3A_252, %broadcast_in_dim3A_1201], %add3A_1252 : memref<8x8x129xf32, #tpu.memory_space<vmem>>[vector<16xi32>, vector<16xi32>, vector<16xi32>], vector<16xf32>,
        %scan3A_1258 = arith.constant 2 : i32
        %scan3A_1259 = arith.addi %scan3A_1143, %scan3A_1258 : i32
        %broadcast_in_dim3A_1260 = vector.broadcast %scan3A_1259 : i32 to vector<16xi32>
        %get3A_1261 = arith.constant 0 : i32
        %get3A_1262 = arith.index_cast %get3A_1261 : i32 to index
        %get3A_1263 = arith.index_cast %scan3A_1259 : i32 to index
        %get3A_1264 = arith.constant 0 : index
        %get3A_1265 = tpu.vector_load %arg8[%get3A_1262, %get3A_1263, %get3A_1264] {strides = array<i32>} : memref<5x128x64xf32, #tpu.memory_space<vmem>>, vector<16xf32>,
        %mul3A_1266 = arith.constant 8.000000e+00 : f32
        %mul3A_1267 = vector.broadcast %mul3A_1266 : f32 to vector<16xf32>
        %mul3A_1268 = arith.mulf %get3A_1265, %mul3A_1267 : vector<16xf32>
        %add3A_1269 = arith.addf %mul3A_1268, %get3A_465 : vector<16xf32>
        %scatter3A_1270 = arith.constant 0 : i32
        %scatter3A_1271 = arith.constant 0 : i32
        %scatter3A_1272 = arith.constant 0 : i32
        %scatter3A_1273 = tpu.memref_slice %arg9[%scan3A_476, %scatter3A_1270, %scatter3A_1271, %scatter3A_1272] : memref<5x8x8x129xf32, #tpu.memory_space<vmem>> -> memref<1x8x8x129xf32, #tpu.memory_space<vmem>>
        %scatter3A_1274 = tpu.memref_squeeze %scatter3A_1273 : memref<1x8x8x129xf32, #tpu.memory_space<vmem>> -> memref<8x8x129xf32, #tpu.memory_space<vmem>>
        tpu.vector_store_idx %scatter3A_1274[%select_n3A, %select_n3A_177, %broadcast_in_dim3A_1260], %add3A_1269 : memref<8x8x129xf32, #tpu.memory_space<vmem>>[vector<16xi32>, vector<16xi32>, vector<16xi32>], vector<16xf32>,
        %get3A_1275 = arith.constant 0 : i32
        %get3A_1276 = arith.index_cast %get3A_1275 : i32 to index
        %get3A_1277 = arith.index_cast %scan3A_1259 : i32 to index
        %get3A_1278 = arith.constant 16 : index
        %get3A_1279 = tpu.vector_load %arg8[%get3A_1276, %get3A_1277, %get3A_1278] {strides = array<i32>} : memref<5x128x64xf32, #tpu.memory_space<vmem>>, vector<16xf32>,
        %mul3A_1280 = arith.constant 8.000000e+00 : f32
        %mul3A_1281 = vector.broadcast %mul3A_1280 : f32 to vector<16xf32>
        %mul3A_1282 = arith.mulf %get3A_1279, %mul3A_1281 : vector<16xf32>
        %add3A_1283 = arith.addf %mul3A_1282, %get3A_468 : vector<16xf32>
        %scatter3A_1284 = arith.constant 0 : i32
        %scatter3A_1285 = arith.constant 0 : i32
        %scatter3A_1286 = arith.constant 0 : i32
        %scatter3A_1287 = tpu.memref_slice %arg9[%scan3A_476, %scatter3A_1284, %scatter3A_1285, %scatter3A_1286] : memref<5x8x8x129xf32, #tpu.memory_space<vmem>> -> memref<1x8x8x129xf32, #tpu.memory_space<vmem>>
        %scatter3A_1288 = tpu.memref_squeeze %scatter3A_1287 : memref<1x8x8x129xf32, #tpu.memory_space<vmem>> -> memref<8x8x129xf32, #tpu.memory_space<vmem>>
        tpu.vector_store_idx %scatter3A_1288[%select_n3A_86, %select_n3A_202, %broadcast_in_dim3A_1260], %add3A_1283 : memref<8x8x129xf32, #tpu.memory_space<vmem>>[vector<16xi32>, vector<16xi32>, vector<16xi32>], vector<16xf32>,
        %get3A_1289 = arith.constant 0 : i32
        %get3A_1290 = arith.index_cast %get3A_1289 : i32 to index
        %get3A_1291 = arith.index_cast %scan3A_1259 : i32 to index
        %get3A_1292 = arith.constant 32 : index
        %get3A_1293 = tpu.vector_load %arg8[%get3A_1290, %get3A_1291, %get3A_1292] {strides = array<i32>} : memref<5x128x64xf32, #tpu.memory_space<vmem>>, vector<16xf32>,
        %mul3A_1294 = arith.constant 8.000000e+00 : f32
        %mul3A_1295 = vector.broadcast %mul3A_1294 : f32 to vector<16xf32>
        %mul3A_1296 = arith.mulf %get3A_1293, %mul3A_1295 : vector<16xf32>
        %add3A_1297 = arith.addf %mul3A_1296, %get3A_471 : vector<16xf32>
        %scatter3A_1298 = arith.constant 0 : i32
        %scatter3A_1299 = arith.constant 0 : i32
        %scatter3A_1300 = arith.constant 0 : i32
        %scatter3A_1301 = tpu.memref_slice %arg9[%scan3A_476, %scatter3A_1298, %scatter3A_1299, %scatter3A_1300] : memref<5x8x8x129xf32, #tpu.memory_space<vmem>> -> memref<1x8x8x129xf32, #tpu.memory_space<vmem>>
        %scatter3A_1302 = tpu.memref_squeeze %scatter3A_1301 : memref<1x8x8x129xf32, #tpu.memory_space<vmem>> -> memref<8x8x129xf32, #tpu.memory_space<vmem>>
        tpu.vector_store_idx %scatter3A_1302[%select_n3A_120, %select_n3A_227, %broadcast_in_dim3A_1260], %add3A_1297 : memref<8x8x129xf32, #tpu.memory_space<vmem>>[vector<16xi32>, vector<16xi32>, vector<16xi32>], vector<16xf32>,
        %get3A_1303 = arith.constant 0 : i32
        %get3A_1304 = arith.index_cast %get3A_1303 : i32 to index
        %get3A_1305 = arith.index_cast %scan3A_1259 : i32 to index
        %get3A_1306 = arith.constant 48 : index
        %get3A_1307 = tpu.vector_load %arg8[%get3A_1304, %get3A_1305, %get3A_1306] {strides = array<i32>} : memref<5x128x64xf32, #tpu.memory_space<vmem>>, vector<16xf32>,
        %mul3A_1308 = arith.constant 8.000000e+00 : f32
        %mul3A_1309 = vector.broadcast %mul3A_1308 : f32 to vector<16xf32>
        %mul3A_1310 = arith.mulf %get3A_1307, %mul3A_1309 : vector<16xf32>
        %add3A_1311 = arith.addf %mul3A_1310, %get3A_474 : vector<16xf32>
        %scatter3A_1312 = arith.constant 0 : i32
        %scatter3A_1313 = arith.constant 0 : i32
        %scatter3A_1314 = arith.constant 0 : i32
        %scatter3A_1315 = tpu.memref_slice %arg9[%scan3A_476, %scatter3A_1312, %scatter3A_1313, %scatter3A_1314] : memref<5x8x8x129xf32, #tpu.memory_space<vmem>> -> memref<1x8x8x129xf32, #tpu.memory_space<vmem>>
        %scatter3A_1316 = tpu.memref_squeeze %scatter3A_1315 : memref<1x8x8x129xf32, #tpu.memory_space<vmem>> -> memref<8x8x129xf32, #tpu.memory_space<vmem>>
        tpu.vector_store_idx %scatter3A_1316[%select_n3A_154, %select_n3A_252, %broadcast_in_dim3A_1260], %add3A_1311 : memref<8x8x129xf32, #tpu.memory_space<vmem>>[vector<16xi32>, vector<16xi32>, vector<16xi32>], vector<16xf32>,
        %scan3A_1317 = arith.constant 3 : i32
        %scan3A_1318 = arith.addi %scan3A_1143, %scan3A_1317 : i32
        %broadcast_in_dim3A_1319 = vector.broadcast %scan3A_1318 : i32 to vector<16xi32>
        %get3A_1320 = arith.constant 0 : i32
        %get3A_1321 = arith.index_cast %get3A_1320 : i32 to index
        %get3A_1322 = arith.index_cast %scan3A_1318 : i32 to index
        %get3A_1323 = arith.constant 0 : index
        %get3A_1324 = tpu.vector_load %arg8[%get3A_1321, %get3A_1322, %get3A_1323] {strides = array<i32>} : memref<5x128x64xf32, #tpu.memory_space<vmem>>, vector<16xf32>,
        %mul3A_1325 = arith.constant 8.000000e+00 : f32
        %mul3A_1326 = vector.broadcast %mul3A_1325 : f32 to vector<16xf32>
        %mul3A_1327 = arith.mulf %get3A_1324, %mul3A_1326 : vector<16xf32>
        %add3A_1328 = arith.addf %mul3A_1327, %get3A_465 : vector<16xf32>
        %scatter3A_1329 = arith.constant 0 : i32
        %scatter3A_1330 = arith.constant 0 : i32
        %scatter3A_1331 = arith.constant 0 : i32
        %scatter3A_1332 = tpu.memref_slice %arg9[%scan3A_476, %scatter3A_1329, %scatter3A_1330, %scatter3A_1331] : memref<5x8x8x129xf32, #tpu.memory_space<vmem>> -> memref<1x8x8x129xf32, #tpu.memory_space<vmem>>
        %scatter3A_1333 = tpu.memref_squeeze %scatter3A_1332 : memref<1x8x8x129xf32, #tpu.memory_space<vmem>> -> memref<8x8x129xf32, #tpu.memory_space<vmem>>
        tpu.vector_store_idx %scatter3A_1333[%select_n3A, %select_n3A_177, %broadcast_in_dim3A_1319], %add3A_1328 : memref<8x8x129xf32, #tpu.memory_space<vmem>>[vector<16xi32>, vector<16xi32>, vector<16xi32>], vector<16xf32>,
        %get3A_1334 = arith.constant 0 : i32
        %get3A_1335 = arith.index_cast %get3A_1334 : i32 to index
        %get3A_1336 = arith.index_cast %scan3A_1318 : i32 to index
        %get3A_1337 = arith.constant 16 : index
        %get3A_1338 = tpu.vector_load %arg8[%get3A_1335, %get3A_1336, %get3A_1337] {strides = array<i32>} : memref<5x128x64xf32, #tpu.memory_space<vmem>>, vector<16xf32>,
        %mul3A_1339 = arith.constant 8.000000e+00 : f32
        %mul3A_1340 = vector.broadcast %mul3A_1339 : f32 to vector<16xf32>
        %mul3A_1341 = arith.mulf %get3A_1338, %mul3A_1340 : vector<16xf32>
        %add3A_1342 = arith.addf %mul3A_1341, %get3A_468 : vector<16xf32>
        %scatter3A_1343 = arith.constant 0 : i32
        %scatter3A_1344 = arith.constant 0 : i32
        %scatter3A_1345 = arith.constant 0 : i32
        %scatter3A_1346 = tpu.memref_slice %arg9[%scan3A_476, %scatter3A_1343, %scatter3A_1344, %scatter3A_1345] : memref<5x8x8x129xf32, #tpu.memory_space<vmem>> -> memref<1x8x8x129xf32, #tpu.memory_space<vmem>>
        %scatter3A_1347 = tpu.memref_squeeze %scatter3A_1346 : memref<1x8x8x129xf32, #tpu.memory_space<vmem>> -> memref<8x8x129xf32, #tpu.memory_space<vmem>>
        tpu.vector_store_idx %scatter3A_1347[%select_n3A_86, %select_n3A_202, %broadcast_in_dim3A_1319], %add3A_1342 : memref<8x8x129xf32, #tpu.memory_space<vmem>>[vector<16xi32>, vector<16xi32>, vector<16xi32>], vector<16xf32>,
        %get3A_1348 = arith.constant 0 : i32
        %get3A_1349 = arith.index_cast %get3A_1348 : i32 to index
        %get3A_1350 = arith.index_cast %scan3A_1318 : i32 to index
        %get3A_1351 = arith.constant 32 : index
        %get3A_1352 = tpu.vector_load %arg8[%get3A_1349, %get3A_1350, %get3A_1351] {strides = array<i32>} : memref<5x128x64xf32, #tpu.memory_space<vmem>>, vector<16xf32>,
        %mul3A_1353 = arith.constant 8.000000e+00 : f32
        %mul3A_1354 = vector.broadcast %mul3A_1353 : f32 to vector<16xf32>
        %mul3A_1355 = arith.mulf %get3A_1352, %mul3A_1354 : vector<16xf32>
        %add3A_1356 = arith.addf %mul3A_1355, %get3A_471 : vector<16xf32>
        %scatter3A_1357 = arith.constant 0 : i32
        %scatter3A_1358 = arith.constant 0 : i32
        %scatter3A_1359 = arith.constant 0 : i32
        %scatter3A_1360 = tpu.memref_slice %arg9[%scan3A_476, %scatter3A_1357, %scatter3A_1358, %scatter3A_1359] : memref<5x8x8x129xf32, #tpu.memory_space<vmem>> -> memref<1x8x8x129xf32, #tpu.memory_space<vmem>>
        %scatter3A_1361 = tpu.memref_squeeze %scatter3A_1360 : memref<1x8x8x129xf32, #tpu.memory_space<vmem>> -> memref<8x8x129xf32, #tpu.memory_space<vmem>>
        tpu.vector_store_idx %scatter3A_1361[%select_n3A_120, %select_n3A_227, %broadcast_in_dim3A_1319], %add3A_1356 : memref<8x8x129xf32, #tpu.memory_space<vmem>>[vector<16xi32>, vector<16xi32>, vector<16xi32>], vector<16xf32>,
        %get3A_1362 = arith.constant 0 : i32
        %get3A_1363 = arith.index_cast %get3A_1362 : i32 to index
        %get3A_1364 = arith.index_cast %scan3A_1318 : i32 to index
        %get3A_1365 = arith.constant 48 : index
        %get3A_1366 = tpu.vector_load %arg8[%get3A_1363, %get3A_1364, %get3A_1365] {strides = array<i32>} : memref<5x128x64xf32, #tpu.memory_space<vmem>>, vector<16xf32>,
        %mul3A_1367 = arith.constant 8.000000e+00 : f32
        %mul3A_1368 = vector.broadcast %mul3A_1367 : f32 to vector<16xf32>
        %mul3A_1369 = arith.mulf %get3A_1366, %mul3A_1368 : vector<16xf32>
        %add3A_1370 = arith.addf %mul3A_1369, %get3A_474 : vector<16xf32>
        %scatter3A_1371 = arith.constant 0 : i32
        %scatter3A_1372 = arith.constant 0 : i32
        %scatter3A_1373 = arith.constant 0 : i32
        %scatter3A_1374 = tpu.memref_slice %arg9[%scan3A_476, %scatter3A_1371, %scatter3A_1372, %scatter3A_1373] : memref<5x8x8x129xf32, #tpu.memory_space<vmem>> -> memref<1x8x8x129xf32, #tpu.memory_space<vmem>>
        %scatter3A_1375 = tpu.memref_squeeze %scatter3A_1374 : memref<1x8x8x129xf32, #tpu.memory_space<vmem>> -> memref<8x8x129xf32, #tpu.memory_space<vmem>>
        tpu.vector_store_idx %scatter3A_1375[%select_n3A_154, %select_n3A_252, %broadcast_in_dim3A_1319], %add3A_1370 : memref<8x8x129xf32, #tpu.memory_space<vmem>>[vector<16xi32>, vector<16xi32>, vector<16xi32>], vector<16xf32>,
      }
      %scan3A_481 = arith.constant 128 : i32
      %dma_start3A_482 = arith.constant 0 : i32
      %dma_start3A_483 = arith.constant 0 : i32
      %dma_start3A_484 = arith.constant 0 : i32
      %dma_start3A_485 = arith.constant 0 : i32
      %dma_start3A_486 = tpu.memref_slice %arg9[%dma_start3A_482, %dma_start3A_483, %dma_start3A_484, %dma_start3A_485] : memref<5x8x8x129xf32, #tpu.memory_space<vmem>> -> memref<1x8x8x129xf32, #tpu.memory_space<vmem>>
      %dma_start3A_487 = tpu.memref_squeeze %dma_start3A_486 : memref<1x8x8x129xf32, #tpu.memory_space<vmem>> -> memref<8x8x129xf32, #tpu.memory_space<vmem>>
      %dma_start3A_488 = arith.constant 0 : i32
      %dma_start3A_489 = arith.constant 0 : i32
      %dma_start3A_490 = arith.constant 0 : i32
      %dma_start3A_491 = tpu.memref_slice %dma_start3A_487[%dma_start3A_488, %dma_start3A_489, %dma_start3A_490] : memref<8x8x129xf32, #tpu.memory_space<vmem>> -> memref<8x8x128xf32, #tpu.memory_space<vmem>>
      %dma_start3A_492 = arith.constant 0 : i32
      %dma_start3A_493 = arith.constant 0 : i32
      %dma_start3A_494 = arith.constant 0 : i32
      %dma_start3A_495 = tpu.memref_slice %arg5[%add3A_423, %dma_start3A_492, %select_n3A_463, %dma_start3A_493, %dma_start3A_494] : memref<200x8x8x8x128xf32, #tpu.memory_space<hbm>> -> memref<1x8x1x8x128xf32, #tpu.memory_space<hbm>>
      %dma_start3A_496 = tpu.memref_squeeze %dma_start3A_495 : memref<1x8x1x8x128xf32, #tpu.memory_space<hbm>> -> memref<8x8x128xf32, #tpu.memory_space<hbm>>
      %dma_start3A_497 = arith.constant 0 : i32
      %dma_start3A_498 = arith.constant 0 : i32
      %dma_start3A_499 = arith.constant 0 : i32
      %dma_start3A_500 = tpu.memref_slice %arg5[%add3A_423, %dma_start3A_497, %select_n3A_463, %dma_start3A_498, %dma_start3A_499] : memref<200x8x8x8x128xf32, #tpu.memory_space<hbm>> -> memref<1x8x1x8x128xf32, #tpu.memory_space<hbm>>
      %dma_start3A_501 = tpu.memref_squeeze %dma_start3A_500 : memref<1x8x1x8x128xf32, #tpu.memory_space<hbm>> -> memref<8x8x128xf32, #tpu.memory_space<hbm>>
      %dma_start3A_502 = arith.constant 0 : i32
      %dma_start3A_503 = arith.constant 0 : i32
      %dma_start3A_504 = arith.constant 0 : i32
      %dma_start3A_505 = tpu.memref_slice %arg9[%dma_start3A_482, %dma_start3A_502, %dma_start3A_503, %dma_start3A_504] : memref<5x8x8x129xf32, #tpu.memory_space<vmem>> -> memref<1x8x8x129xf32, #tpu.memory_space<vmem>>
      %dma_start3A_506 = tpu.memref_squeeze %dma_start3A_505 : memref<1x8x8x129xf32, #tpu.memory_space<vmem>> -> memref<8x8x129xf32, #tpu.memory_space<vmem>>
      %dma_start3A_507 = arith.constant 0 : i32
      %dma_start3A_508 = arith.constant 0 : i32
      %dma_start3A_509 = arith.constant 0 : i32
      %dma_start3A_510 = tpu.memref_slice %dma_start3A_506[%dma_start3A_507, %dma_start3A_508, %dma_start3A_509] : memref<8x8x129xf32, #tpu.memory_space<vmem>> -> memref<8x8x128xf32, #tpu.memory_space<vmem>>
      tpu.enqueue_dma source(%dma_start3A_510 : memref<8x8x128xf32, #tpu.memory_space<vmem>>) target(%dma_start3A_501 : memref<8x8x128xf32, #tpu.memory_space<hbm>>) target_semaphore(%arg15 : memref<!tpu.dma_semaphore, #tpu.memory_space<semaphore_mem>>)
      %mul3A_511 = arith.constant 5 : i32
      %mul3A_512 = arith.muli %scan3A_355, %mul3A_511 : i32
      %add3A_513 = arith.constant 1 : i32
      %add3A_514 = arith.addi %mul3A_512, %add3A_513 : i32
      %add3A_515 = arith.constant 2 : i32
      %add3A_516 = arith.addi %add3A_514, %add3A_515 : i32
      %lt3A_517 = arith.constant 50 : i32
      %lt3A_518 = arith.cmpi slt, %add3A_516, %lt3A_517 : i32
      %convert_element_type3A_519 = arith.extui %lt3A_518 : i1 to i32
      %cond3A_520 = arith.constant 0 : i32
      %cond3A_521 = arith.cmpi ne, %convert_element_type3A_519, %cond3A_520 : i32
      scf.if %cond3A_521 {
        %add3A_1143 = arith.constant 2 : i32
        %add3A_1144 = arith.addi %add3A_514, %add3A_1143 : i32
        %ge3A = arith.constant 5 : i32
        %ge3A_1145 = arith.cmpi sge, %add3A_1144, %ge3A : i32
        %convert_element_type3A_1146 = arith.extui %ge3A_1145 : i1 to i32
        %cond3A_1147 = arith.constant 0 : i32
        %cond3A_1148 = arith.cmpi ne, %convert_element_type3A_1146, %cond3A_1147 : i32
        scf.if %cond3A_1148 {
          %dma_wait3A_1162 = arith.constant 3 : i32
          %dma_wait3A_1163 = arith.constant 0 : i32
          %dma_wait3A_1164 = arith.constant 0 : i32
          %dma_wait3A_1165 = tpu.memref_slice %arg8[%dma_wait3A_1162, %dma_wait3A_1163, %dma_wait3A_1164] : memref<5x128x64xf32, #tpu.memory_space<vmem>> -> memref<1x128x64xf32, #tpu.memory_space<vmem>>
          %dma_wait3A_1166 = tpu.memref_squeeze %dma_wait3A_1165 : memref<1x128x64xf32, #tpu.memory_space<vmem>> -> memref<128x64xf32, #tpu.memory_space<vmem>>
          %dma_wait3A_1167 = arith.constant 0 : i32
          %dma_wait3A_1168 = arith.constant 0 : i32
          %dma_wait3A_1169 = tpu.memref_slice %arg4[%dma_wait3A_1167, %dma_wait3A_1168] : memref<1000000x64xf32, #tpu.memory_space<hbm>> -> memref<128x64xf32, #tpu.memory_space<hbm>>
          %dma_wait3A_1170 = arith.constant 0 : i32
          %dma_wait3A_1171 = arith.constant 0 : i32
          %dma_wait3A_1172 = tpu.memref_slice %arg8[%dma_wait3A_1162, %dma_wait3A_1170, %dma_wait3A_1171] : memref<5x128x64xf32, #tpu.memory_space<vmem>> -> memref<1x128x64xf32, #tpu.memory_space<vmem>>
          %dma_wait3A_1173 = tpu.memref_squeeze %dma_wait3A_1172 : memref<1x128x64xf32, #tpu.memory_space<vmem>> -> memref<128x64xf32, #tpu.memory_space<vmem>>
          %dma_wait3A_1174 = arith.constant 0 : i32
          %dma_wait3A_1175 = arith.constant 0 : i32
          %dma_wait3A_1176 = tpu.memref_slice %arg4[%dma_wait3A_1174, %dma_wait3A_1175] : memref<1000000x64xf32, #tpu.memory_space<hbm>> -> memref<128x64xf32, #tpu.memory_space<hbm>>
          tpu.wait_dma2 semaphore(%arg18 : memref<!tpu.dma_semaphore, #tpu.memory_space<semaphore_mem>>) src(%dma_wait3A_1176 : memref<128x64xf32, #tpu.memory_space<hbm>>) dst(%dma_wait3A_1173 : memref<128x64xf32, #tpu.memory_space<vmem>>)
        } else {
        }
        %add3A_1149 = arith.constant 2 : i32
        %add3A_1150 = arith.addi %add3A_514, %add3A_1149 : i32
        %dma_start3A_1151 = arith.constant 3 : i32
        %dma_start3A_1152 = arith.constant 0 : i32
        %dma_start3A_1153 = arith.constant 0 : i32
        %dma_start3A_1154 = tpu.memref_slice %arg8[%dma_start3A_1151, %dma_start3A_1152, %dma_start3A_1153] : memref<5x128x64xf32, #tpu.memory_space<vmem>> -> memref<1x128x64xf32, #tpu.memory_space<vmem>>
        %dma_start3A_1155 = tpu.memref_squeeze %dma_start3A_1154 : memref<1x128x64xf32, #tpu.memory_space<vmem>> -> memref<128x64xf32, #tpu.memory_space<vmem>>
        %dma_start3A_1156 = arith.constant 0 : i32
        %dma_start3A_1157 = tpu.memref_slice %arg6[%add3A_1150, %dma_start3A_1156] : memref<50x128xi32, #tpu.memory_space<vmem>> -> memref<1x128xi32, #tpu.memory_space<vmem>>
        %dma_start3A_1158 = tpu.memref_squeeze %dma_start3A_1157 : memref<1x128xi32, #tpu.memory_space<vmem>> -> memref<128xi32, #tpu.memory_space<vmem>>
        %dma_start3A_1159 = arith.constant 0 : i32
        %dma_start3A_1160 = arith.constant 0 : i32
        %dma_start3A_1161 = tpu.memref_slice %arg4[%dma_start3A_1159, %dma_start3A_1160] : memref<1000000x64xf32, #tpu.memory_space<hbm>> -> memref<1000000x64xf32, #tpu.memory_space<hbm>>
        tpu.enqueue_indirect_dma source(%dma_start3A_1161 : memref<1000000x64xf32, #tpu.memory_space<hbm>>) target(%dma_start3A_1155 : memref<128x64xf32, #tpu.memory_space<vmem>>) offsets(%dma_start3A_1158 : memref<128xi32, #tpu.memory_space<vmem>>) semaphore(%arg13 : memref<!tpu.dma_semaphore, #tpu.memory_space<semaphore_mem>>)
      } else {
      }
      %dma_wait3A_522 = arith.constant 1 : i32
      %dma_wait3A_523 = arith.constant 0 : i32
      %dma_wait3A_524 = arith.constant 0 : i32
      %dma_wait3A_525 = tpu.memref_slice %arg8[%dma_wait3A_522, %dma_wait3A_523, %dma_wait3A_524] : memref<5x128x64xf32, #tpu.memory_space<vmem>> -> memref<1x128x64xf32, #tpu.memory_space<vmem>>
      %dma_wait3A_526 = tpu.memref_squeeze %dma_wait3A_525 : memref<1x128x64xf32, #tpu.memory_space<vmem>> -> memref<128x64xf32, #tpu.memory_space<vmem>>
      %dma_wait3A_527 = arith.constant 0 : i32
      %dma_wait3A_528 = arith.constant 0 : i32
      %dma_wait3A_529 = tpu.memref_slice %arg4[%dma_wait3A_527, %dma_wait3A_528] : memref<1000000x64xf32, #tpu.memory_space<hbm>> -> memref<128x64xf32, #tpu.memory_space<hbm>>
      %dma_wait3A_530 = arith.constant 0 : i32
      %dma_wait3A_531 = arith.constant 0 : i32
      %dma_wait3A_532 = tpu.memref_slice %arg8[%dma_wait3A_522, %dma_wait3A_530, %dma_wait3A_531] : memref<5x128x64xf32, #tpu.memory_space<vmem>> -> memref<1x128x64xf32, #tpu.memory_space<vmem>>
      %dma_wait3A_533 = tpu.memref_squeeze %dma_wait3A_532 : memref<1x128x64xf32, #tpu.memory_space<vmem>> -> memref<128x64xf32, #tpu.memory_space<vmem>>
      %dma_wait3A_534 = arith.constant 0 : i32
      %dma_wait3A_535 = arith.constant 0 : i32
      %dma_wait3A_536 = tpu.memref_slice %arg4[%dma_wait3A_534, %dma_wait3A_535] : memref<1000000x64xf32, #tpu.memory_space<hbm>> -> memref<128x64xf32, #tpu.memory_space<hbm>>
      tpu.wait_dma2 semaphore(%arg11 : memref<!tpu.dma_semaphore, #tpu.memory_space<semaphore_mem>>) src(%dma_wait3A_536 : memref<128x64xf32, #tpu.memory_space<hbm>>) dst(%dma_wait3A_533 : memref<128x64xf32, #tpu.memory_space<vmem>>)
      %add3A_537 = arith.addi %mul3A_2, %add3A_514 : i32
      %jit3A_538 = arith.constant 64 : i32
      %div3A_539 = arith.divsi %add3A_537, %jit3A_538 : i32
      %sign3A_540 = arith.constant 0 : i32
      %sign3A_541 = arith.cmpi sgt, %add3A_537, %sign3A_540 : i32
      %sign3A_542 = arith.extui %sign3A_541 : i1 to i32
      %sign3A_543 = arith.constant 0 : i32
      %sign3A_544 = arith.cmpi slt, %add3A_537, %sign3A_543 : i32
      %sign3A_545 = arith.extui %sign3A_544 : i1 to i32
      %sign3A_546 = arith.subi %sign3A_542, %sign3A_545 : i32
      %sign3A_547 = arith.constant 0 : i32
      %sign3A_548 = arith.cmpi sgt, %jit3A_538, %sign3A_547 : i32
      %sign3A_549 = arith.extui %sign3A_548 : i1 to i32
      %sign3A_550 = arith.constant 0 : i32
      %sign3A_551 = arith.cmpi slt, %jit3A_538, %sign3A_550 : i32
      %sign3A_552 = arith.extui %sign3A_551 : i1 to i32
      %sign3A_553 = arith.subi %sign3A_549, %sign3A_552 : i32
      %ne3A_554 = arith.cmpi ne, %sign3A_546, %sign3A_553 : i32
      %rem3A_555 = arith.remsi %add3A_537, %jit3A_538 : i32
      %ne3A_556 = arith.constant 0 : i32
      %ne3A_557 = arith.cmpi ne, %rem3A_555, %ne3A_556 : i32
      %and3A_558 = arith.andi %ne3A_554, %ne3A_557 : i1
      %sub3A_559 = arith.constant 1 : i32
      %sub3A_560 = arith.subi %div3A_539, %sub3A_559 : i32
      %select_n3A_561 = arith.select %and3A_558, %sub3A_560, %div3A_539 : i32
      %mul3A_562 = arith.constant 8 : i32
      %mul3A_563 = arith.muli %mul3A_562, %select_n3A_561 : i32
      %jit3A_564 = arith.constant 8 : i32
      %eq3A_565 = arith.constant 0 : i32
      %eq3A_566 = arith.cmpi eq, %jit3A_564, %eq3A_565 : i32
      %jit3A_567 = arith.constant 1 : i32
      %select_n3A_568 = arith.select %eq3A_566, %jit3A_567, %jit3A_564 : i32
      %rem3A_569 = arith.remsi %add3A_537, %select_n3A_568 : i32
      %ne3A_570 = arith.constant 0 : i32
      %ne3A_571 = arith.cmpi ne, %rem3A_569, %ne3A_570 : i32
      %lt3A_572 = arith.constant 0 : i32
      %lt3A_573 = arith.cmpi slt, %rem3A_569, %lt3A_572 : i32
      %lt3A_574 = arith.constant 0 : i32
      %lt3A_575 = arith.cmpi slt, %select_n3A_568, %lt3A_574 : i32
      %ne3A_576 = arith.xori %lt3A_573, %lt3A_575 : i1
      %and3A_577 = arith.andi %ne3A_576, %ne3A_571 : i1
      %add3A_578 = arith.addi %rem3A_569, %select_n3A_568 : i32
      %select_n3A_579 = arith.select %and3A_577, %add3A_578, %rem3A_569 : i32
      %add3A_580 = arith.addi %mul3A_563, %select_n3A_579 : i32
      %jit3A_581 = arith.constant 8 : i32
      %div3A_582 = arith.divsi %add3A_537, %jit3A_581 : i32
      %sign3A_583 = arith.constant 0 : i32
      %sign3A_584 = arith.cmpi sgt, %add3A_537, %sign3A_583 : i32
      %sign3A_585 = arith.extui %sign3A_584 : i1 to i32
      %sign3A_586 = arith.constant 0 : i32
      %sign3A_587 = arith.cmpi slt, %add3A_537, %sign3A_586 : i32
      %sign3A_588 = arith.extui %sign3A_587 : i1 to i32
      %sign3A_589 = arith.subi %sign3A_585, %sign3A_588 : i32
      %sign3A_590 = arith.constant 0 : i32
      %sign3A_591 = arith.cmpi sgt, %jit3A_581, %sign3A_590 : i32
      %sign3A_592 = arith.extui %sign3A_591 : i1 to i32
      %sign3A_593 = arith.constant 0 : i32
      %sign3A_594 = arith.cmpi slt, %jit3A_581, %sign3A_593 : i32
      %sign3A_595 = arith.extui %sign3A_594 : i1 to i32
      %sign3A_596 = arith.subi %sign3A_592, %sign3A_595 : i32
      %ne3A_597 = arith.cmpi ne, %sign3A_589, %sign3A_596 : i32
      %rem3A_598 = arith.remsi %add3A_537, %jit3A_581 : i32
      %ne3A_599 = arith.constant 0 : i32
      %ne3A_600 = arith.cmpi ne, %rem3A_598, %ne3A_599 : i32
      %and3A_601 = arith.andi %ne3A_597, %ne3A_600 : i1
      %sub3A_602 = arith.constant 1 : i32
      %sub3A_603 = arith.subi %div3A_582, %sub3A_602 : i32
      %select_n3A_604 = arith.select %and3A_601, %sub3A_603, %div3A_582 : i32
      %jit3A_605 = arith.constant 8 : i32
      %eq3A_606 = arith.constant 0 : i32
      %eq3A_607 = arith.cmpi eq, %jit3A_605, %eq3A_606 : i32
      %jit3A_608 = arith.constant 1 : i32
      %select_n3A_609 = arith.select %eq3A_607, %jit3A_608, %jit3A_605 : i32
      %rem3A_610 = arith.remsi %select_n3A_604, %select_n3A_609 : i32
      %ne3A_611 = arith.constant 0 : i32
      %ne3A_612 = arith.cmpi ne, %rem3A_610, %ne3A_611 : i32
      %lt3A_613 = arith.constant 0 : i32
      %lt3A_614 = arith.cmpi slt, %rem3A_610, %lt3A_613 : i32
      %lt3A_615 = arith.constant 0 : i32
      %lt3A_616 = arith.cmpi slt, %select_n3A_609, %lt3A_615 : i32
      %ne3A_617 = arith.xori %lt3A_614, %lt3A_616 : i1
      %and3A_618 = arith.andi %ne3A_617, %ne3A_612 : i1
      %add3A_619 = arith.addi %rem3A_610, %select_n3A_609 : i32
      %select_n3A_620 = arith.select %and3A_618, %add3A_619, %rem3A_610 : i32
      %get3A_621 = arith.index_cast %add3A_580 : i32 to index
      %get3A_622 = arith.constant 0 : index
      %get3A_623 = tpu.vector_load %arg7[%get3A_621, %get3A_622] {strides = array<i32>} : memref<200x64xf32, #tpu.memory_space<vmem>>, vector<16xf32>,
      %get3A_624 = arith.index_cast %add3A_580 : i32 to index
      %get3A_625 = arith.constant 16 : index
      %get3A_626 = tpu.vector_load %arg7[%get3A_624, %get3A_625] {strides = array<i32>} : memref<200x64xf32, #tpu.memory_space<vmem>>, vector<16xf32>,
      %get3A_627 = arith.index_cast %add3A_580 : i32 to index
      %get3A_628 = arith.constant 32 : index
      %get3A_629 = tpu.vector_load %arg7[%get3A_627, %get3A_628] {strides = array<i32>} : memref<200x64xf32, #tpu.memory_space<vmem>>, vector<16xf32>,
      %get3A_630 = arith.index_cast %add3A_580 : i32 to index
      %get3A_631 = arith.constant 48 : index
      %get3A_632 = tpu.vector_load %arg7[%get3A_630, %get3A_631] {strides = array<i32>} : memref<200x64xf32, #tpu.memory_space<vmem>>, vector<16xf32>,
      %scan3A_633 = arith.constant 0 : i32
      %scan3A_634 = arith.constant 1 : i32
      %scan3A_635 = arith.constant 0 : i32
      %scan3A_636 = arith.constant 128 : i32
      %scan3A_637 = arith.addi %scan3A_635, %scan3A_636 : i32
      %scan3A_638 = arith.constant 4 : i32
      scf.for %scan3A_1143 = %scan3A_635 to %scan3A_637 step %scan3A_638  : i32 {
        %broadcast_in_dim3A = vector.broadcast %scan3A_1143 : i32 to vector<16xi32>
        %get3A_1144 = arith.constant 1 : i32
        %get3A_1145 = arith.index_cast %get3A_1144 : i32 to index
        %get3A_1146 = arith.index_cast %scan3A_1143 : i32 to index
        %get3A_1147 = arith.constant 0 : index
        %get3A_1148 = tpu.vector_load %arg8[%get3A_1145, %get3A_1146, %get3A_1147] {strides = array<i32>} : memref<5x128x64xf32, #tpu.memory_space<vmem>>, vector<16xf32>,
        %mul3A_1149 = arith.constant 8.000000e+00 : f32
        %mul3A_1150 = vector.broadcast %mul3A_1149 : f32 to vector<16xf32>
        %mul3A_1151 = arith.mulf %get3A_1148, %mul3A_1150 : vector<16xf32>
        %add3A_1152 = arith.addf %mul3A_1151, %get3A_623 : vector<16xf32>
        %scatter3A = arith.constant 0 : i32
        %scatter3A_1153 = arith.constant 0 : i32
        %scatter3A_1154 = arith.constant 0 : i32
        %scatter3A_1155 = tpu.memref_slice %arg9[%scan3A_634, %scatter3A, %scatter3A_1153, %scatter3A_1154] : memref<5x8x8x129xf32, #tpu.memory_space<vmem>> -> memref<1x8x8x129xf32, #tpu.memory_space<vmem>>
        %scatter3A_1156 = tpu.memref_squeeze %scatter3A_1155 : memref<1x8x8x129xf32, #tpu.memory_space<vmem>> -> memref<8x8x129xf32, #tpu.memory_space<vmem>>
        tpu.vector_store_idx %scatter3A_1156[%select_n3A, %select_n3A_177, %broadcast_in_dim3A], %add3A_1152 : memref<8x8x129xf32, #tpu.memory_space<vmem>>[vector<16xi32>, vector<16xi32>, vector<16xi32>], vector<16xf32>,
        %get3A_1157 = arith.constant 1 : i32
        %get3A_1158 = arith.index_cast %get3A_1157 : i32 to index
        %get3A_1159 = arith.index_cast %scan3A_1143 : i32 to index
        %get3A_1160 = arith.constant 16 : index
        %get3A_1161 = tpu.vector_load %arg8[%get3A_1158, %get3A_1159, %get3A_1160] {strides = array<i32>} : memref<5x128x64xf32, #tpu.memory_space<vmem>>, vector<16xf32>,
        %mul3A_1162 = arith.constant 8.000000e+00 : f32
        %mul3A_1163 = vector.broadcast %mul3A_1162 : f32 to vector<16xf32>
        %mul3A_1164 = arith.mulf %get3A_1161, %mul3A_1163 : vector<16xf32>
        %add3A_1165 = arith.addf %mul3A_1164, %get3A_626 : vector<16xf32>
        %scatter3A_1166 = arith.constant 0 : i32
        %scatter3A_1167 = arith.constant 0 : i32
        %scatter3A_1168 = arith.constant 0 : i32
        %scatter3A_1169 = tpu.memref_slice %arg9[%scan3A_634, %scatter3A_1166, %scatter3A_1167, %scatter3A_1168] : memref<5x8x8x129xf32, #tpu.memory_space<vmem>> -> memref<1x8x8x129xf32, #tpu.memory_space<vmem>>
        %scatter3A_1170 = tpu.memref_squeeze %scatter3A_1169 : memref<1x8x8x129xf32, #tpu.memory_space<vmem>> -> memref<8x8x129xf32, #tpu.memory_space<vmem>>
        tpu.vector_store_idx %scatter3A_1170[%select_n3A_86, %select_n3A_202, %broadcast_in_dim3A], %add3A_1165 : memref<8x8x129xf32, #tpu.memory_space<vmem>>[vector<16xi32>, vector<16xi32>, vector<16xi32>], vector<16xf32>,
        %get3A_1171 = arith.constant 1 : i32
        %get3A_1172 = arith.index_cast %get3A_1171 : i32 to index
        %get3A_1173 = arith.index_cast %scan3A_1143 : i32 to index
        %get3A_1174 = arith.constant 32 : index
        %get3A_1175 = tpu.vector_load %arg8[%get3A_1172, %get3A_1173, %get3A_1174] {strides = array<i32>} : memref<5x128x64xf32, #tpu.memory_space<vmem>>, vector<16xf32>,
        %mul3A_1176 = arith.constant 8.000000e+00 : f32
        %mul3A_1177 = vector.broadcast %mul3A_1176 : f32 to vector<16xf32>
        %mul3A_1178 = arith.mulf %get3A_1175, %mul3A_1177 : vector<16xf32>
        %add3A_1179 = arith.addf %mul3A_1178, %get3A_629 : vector<16xf32>
        %scatter3A_1180 = arith.constant 0 : i32
        %scatter3A_1181 = arith.constant 0 : i32
        %scatter3A_1182 = arith.constant 0 : i32
        %scatter3A_1183 = tpu.memref_slice %arg9[%scan3A_634, %scatter3A_1180, %scatter3A_1181, %scatter3A_1182] : memref<5x8x8x129xf32, #tpu.memory_space<vmem>> -> memref<1x8x8x129xf32, #tpu.memory_space<vmem>>
        %scatter3A_1184 = tpu.memref_squeeze %scatter3A_1183 : memref<1x8x8x129xf32, #tpu.memory_space<vmem>> -> memref<8x8x129xf32, #tpu.memory_space<vmem>>
        tpu.vector_store_idx %scatter3A_1184[%select_n3A_120, %select_n3A_227, %broadcast_in_dim3A], %add3A_1179 : memref<8x8x129xf32, #tpu.memory_space<vmem>>[vector<16xi32>, vector<16xi32>, vector<16xi32>], vector<16xf32>,
        %get3A_1185 = arith.constant 1 : i32
        %get3A_1186 = arith.index_cast %get3A_1185 : i32 to index
        %get3A_1187 = arith.index_cast %scan3A_1143 : i32 to index
        %get3A_1188 = arith.constant 48 : index
        %get3A_1189 = tpu.vector_load %arg8[%get3A_1186, %get3A_1187, %get3A_1188] {strides = array<i32>} : memref<5x128x64xf32, #tpu.memory_space<vmem>>, vector<16xf32>,
        %mul3A_1190 = arith.constant 8.000000e+00 : f32
        %mul3A_1191 = vector.broadcast %mul3A_1190 : f32 to vector<16xf32>
        %mul3A_1192 = arith.mulf %get3A_1189, %mul3A_1191 : vector<16xf32>
        %add3A_1193 = arith.addf %mul3A_1192, %get3A_632 : vector<16xf32>
        %scatter3A_1194 = arith.constant 0 : i32
        %scatter3A_1195 = arith.constant 0 : i32
        %scatter3A_1196 = arith.constant 0 : i32
        %scatter3A_1197 = tpu.memref_slice %arg9[%scan3A_634, %scatter3A_1194, %scatter3A_1195, %scatter3A_1196] : memref<5x8x8x129xf32, #tpu.memory_space<vmem>> -> memref<1x8x8x129xf32, #tpu.memory_space<vmem>>
        %scatter3A_1198 = tpu.memref_squeeze %scatter3A_1197 : memref<1x8x8x129xf32, #tpu.memory_space<vmem>> -> memref<8x8x129xf32, #tpu.memory_space<vmem>>
        tpu.vector_store_idx %scatter3A_1198[%select_n3A_154, %select_n3A_252, %broadcast_in_dim3A], %add3A_1193 : memref<8x8x129xf32, #tpu.memory_space<vmem>>[vector<16xi32>, vector<16xi32>, vector<16xi32>], vector<16xf32>,
        %scan3A_1199 = arith.constant 1 : i32
        %scan3A_1200 = arith.addi %scan3A_1143, %scan3A_1199 : i32
        %broadcast_in_dim3A_1201 = vector.broadcast %scan3A_1200 : i32 to vector<16xi32>
        %get3A_1202 = arith.constant 1 : i32
        %get3A_1203 = arith.index_cast %get3A_1202 : i32 to index
        %get3A_1204 = arith.index_cast %scan3A_1200 : i32 to index
        %get3A_1205 = arith.constant 0 : index
        %get3A_1206 = tpu.vector_load %arg8[%get3A_1203, %get3A_1204, %get3A_1205] {strides = array<i32>} : memref<5x128x64xf32, #tpu.memory_space<vmem>>, vector<16xf32>,
        %mul3A_1207 = arith.constant 8.000000e+00 : f32
        %mul3A_1208 = vector.broadcast %mul3A_1207 : f32 to vector<16xf32>
        %mul3A_1209 = arith.mulf %get3A_1206, %mul3A_1208 : vector<16xf32>
        %add3A_1210 = arith.addf %mul3A_1209, %get3A_623 : vector<16xf32>
        %scatter3A_1211 = arith.constant 0 : i32
        %scatter3A_1212 = arith.constant 0 : i32
        %scatter3A_1213 = arith.constant 0 : i32
        %scatter3A_1214 = tpu.memref_slice %arg9[%scan3A_634, %scatter3A_1211, %scatter3A_1212, %scatter3A_1213] : memref<5x8x8x129xf32, #tpu.memory_space<vmem>> -> memref<1x8x8x129xf32, #tpu.memory_space<vmem>>
        %scatter3A_1215 = tpu.memref_squeeze %scatter3A_1214 : memref<1x8x8x129xf32, #tpu.memory_space<vmem>> -> memref<8x8x129xf32, #tpu.memory_space<vmem>>
        tpu.vector_store_idx %scatter3A_1215[%select_n3A, %select_n3A_177, %broadcast_in_dim3A_1201], %add3A_1210 : memref<8x8x129xf32, #tpu.memory_space<vmem>>[vector<16xi32>, vector<16xi32>, vector<16xi32>], vector<16xf32>,
        %get3A_1216 = arith.constant 1 : i32
        %get3A_1217 = arith.index_cast %get3A_1216 : i32 to index
        %get3A_1218 = arith.index_cast %scan3A_1200 : i32 to index
        %get3A_1219 = arith.constant 16 : index
        %get3A_1220 = tpu.vector_load %arg8[%get3A_1217, %get3A_1218, %get3A_1219] {strides = array<i32>} : memref<5x128x64xf32, #tpu.memory_space<vmem>>, vector<16xf32>,
        %mul3A_1221 = arith.constant 8.000000e+00 : f32
        %mul3A_1222 = vector.broadcast %mul3A_1221 : f32 to vector<16xf32>
        %mul3A_1223 = arith.mulf %get3A_1220, %mul3A_1222 : vector<16xf32>
        %add3A_1224 = arith.addf %mul3A_1223, %get3A_626 : vector<16xf32>
        %scatter3A_1225 = arith.constant 0 : i32
        %scatter3A_1226 = arith.constant 0 : i32
        %scatter3A_1227 = arith.constant 0 : i32
        %scatter3A_1228 = tpu.memref_slice %arg9[%scan3A_634, %scatter3A_1225, %scatter3A_1226, %scatter3A_1227] : memref<5x8x8x129xf32, #tpu.memory_space<vmem>> -> memref<1x8x8x129xf32, #tpu.memory_space<vmem>>
        %scatter3A_1229 = tpu.memref_squeeze %scatter3A_1228 : memref<1x8x8x129xf32, #tpu.memory_space<vmem>> -> memref<8x8x129xf32, #tpu.memory_space<vmem>>
        tpu.vector_store_idx %scatter3A_1229[%select_n3A_86, %select_n3A_202, %broadcast_in_dim3A_1201], %add3A_1224 : memref<8x8x129xf32, #tpu.memory_space<vmem>>[vector<16xi32>, vector<16xi32>, vector<16xi32>], vector<16xf32>,
        %get3A_1230 = arith.constant 1 : i32
        %get3A_1231 = arith.index_cast %get3A_1230 : i32 to index
        %get3A_1232 = arith.index_cast %scan3A_1200 : i32 to index
        %get3A_1233 = arith.constant 32 : index
        %get3A_1234 = tpu.vector_load %arg8[%get3A_1231, %get3A_1232, %get3A_1233] {strides = array<i32>} : memref<5x128x64xf32, #tpu.memory_space<vmem>>, vector<16xf32>,
        %mul3A_1235 = arith.constant 8.000000e+00 : f32
        %mul3A_1236 = vector.broadcast %mul3A_1235 : f32 to vector<16xf32>
        %mul3A_1237 = arith.mulf %get3A_1234, %mul3A_1236 : vector<16xf32>
        %add3A_1238 = arith.addf %mul3A_1237, %get3A_629 : vector<16xf32>
        %scatter3A_1239 = arith.constant 0 : i32
        %scatter3A_1240 = arith.constant 0 : i32
        %scatter3A_1241 = arith.constant 0 : i32
        %scatter3A_1242 = tpu.memref_slice %arg9[%scan3A_634, %scatter3A_1239, %scatter3A_1240, %scatter3A_1241] : memref<5x8x8x129xf32, #tpu.memory_space<vmem>> -> memref<1x8x8x129xf32, #tpu.memory_space<vmem>>
        %scatter3A_1243 = tpu.memref_squeeze %scatter3A_1242 : memref<1x8x8x129xf32, #tpu.memory_space<vmem>> -> memref<8x8x129xf32, #tpu.memory_space<vmem>>
        tpu.vector_store_idx %scatter3A_1243[%select_n3A_120, %select_n3A_227, %broadcast_in_dim3A_1201], %add3A_1238 : memref<8x8x129xf32, #tpu.memory_space<vmem>>[vector<16xi32>, vector<16xi32>, vector<16xi32>], vector<16xf32>,
        %get3A_1244 = arith.constant 1 : i32
        %get3A_1245 = arith.index_cast %get3A_1244 : i32 to index
        %get3A_1246 = arith.index_cast %scan3A_1200 : i32 to index
        %get3A_1247 = arith.constant 48 : index
        %get3A_1248 = tpu.vector_load %arg8[%get3A_1245, %get3A_1246, %get3A_1247] {strides = array<i32>} : memref<5x128x64xf32, #tpu.memory_space<vmem>>, vector<16xf32>,
        %mul3A_1249 = arith.constant 8.000000e+00 : f32
        %mul3A_1250 = vector.broadcast %mul3A_1249 : f32 to vector<16xf32>
        %mul3A_1251 = arith.mulf %get3A_1248, %mul3A_1250 : vector<16xf32>
        %add3A_1252 = arith.addf %mul3A_1251, %get3A_632 : vector<16xf32>
        %scatter3A_1253 = arith.constant 0 : i32
        %scatter3A_1254 = arith.constant 0 : i32
        %scatter3A_1255 = arith.constant 0 : i32
        %scatter3A_1256 = tpu.memref_slice %arg9[%scan3A_634, %scatter3A_1253, %scatter3A_1254, %scatter3A_1255] : memref<5x8x8x129xf32, #tpu.memory_space<vmem>> -> memref<1x8x8x129xf32, #tpu.memory_space<vmem>>
        %scatter3A_1257 = tpu.memref_squeeze %scatter3A_1256 : memref<1x8x8x129xf32, #tpu.memory_space<vmem>> -> memref<8x8x129xf32, #tpu.memory_space<vmem>>
        tpu.vector_store_idx %scatter3A_1257[%select_n3A_154, %select_n3A_252, %broadcast_in_dim3A_1201], %add3A_1252 : memref<8x8x129xf32, #tpu.memory_space<vmem>>[vector<16xi32>, vector<16xi32>, vector<16xi32>], vector<16xf32>,
        %scan3A_1258 = arith.constant 2 : i32
        %scan3A_1259 = arith.addi %scan3A_1143, %scan3A_1258 : i32
        %broadcast_in_dim3A_1260 = vector.broadcast %scan3A_1259 : i32 to vector<16xi32>
        %get3A_1261 = arith.constant 1 : i32
        %get3A_1262 = arith.index_cast %get3A_1261 : i32 to index
        %get3A_1263 = arith.index_cast %scan3A_1259 : i32 to index
        %get3A_1264 = arith.constant 0 : index
        %get3A_1265 = tpu.vector_load %arg8[%get3A_1262, %get3A_1263, %get3A_1264] {strides = array<i32>} : memref<5x128x64xf32, #tpu.memory_space<vmem>>, vector<16xf32>,
        %mul3A_1266 = arith.constant 8.000000e+00 : f32
        %mul3A_1267 = vector.broadcast %mul3A_1266 : f32 to vector<16xf32>
        %mul3A_1268 = arith.mulf %get3A_1265, %mul3A_1267 : vector<16xf32>
        %add3A_1269 = arith.addf %mul3A_1268, %get3A_623 : vector<16xf32>
        %scatter3A_1270 = arith.constant 0 : i32
        %scatter3A_1271 = arith.constant 0 : i32
        %scatter3A_1272 = arith.constant 0 : i32
        %scatter3A_1273 = tpu.memref_slice %arg9[%scan3A_634, %scatter3A_1270, %scatter3A_1271, %scatter3A_1272] : memref<5x8x8x129xf32, #tpu.memory_space<vmem>> -> memref<1x8x8x129xf32, #tpu.memory_space<vmem>>
        %scatter3A_1274 = tpu.memref_squeeze %scatter3A_1273 : memref<1x8x8x129xf32, #tpu.memory_space<vmem>> -> memref<8x8x129xf32, #tpu.memory_space<vmem>>
        tpu.vector_store_idx %scatter3A_1274[%select_n3A, %select_n3A_177, %broadcast_in_dim3A_1260], %add3A_1269 : memref<8x8x129xf32, #tpu.memory_space<vmem>>[vector<16xi32>, vector<16xi32>, vector<16xi32>], vector<16xf32>,
        %get3A_1275 = arith.constant 1 : i32
        %get3A_1276 = arith.index_cast %get3A_1275 : i32 to index
        %get3A_1277 = arith.index_cast %scan3A_1259 : i32 to index
        %get3A_1278 = arith.constant 16 : index
        %get3A_1279 = tpu.vector_load %arg8[%get3A_1276, %get3A_1277, %get3A_1278] {strides = array<i32>} : memref<5x128x64xf32, #tpu.memory_space<vmem>>, vector<16xf32>,
        %mul3A_1280 = arith.constant 8.000000e+00 : f32
        %mul3A_1281 = vector.broadcast %mul3A_1280 : f32 to vector<16xf32>
        %mul3A_1282 = arith.mulf %get3A_1279, %mul3A_1281 : vector<16xf32>
        %add3A_1283 = arith.addf %mul3A_1282, %get3A_626 : vector<16xf32>
        %scatter3A_1284 = arith.constant 0 : i32
        %scatter3A_1285 = arith.constant 0 : i32
        %scatter3A_1286 = arith.constant 0 : i32
        %scatter3A_1287 = tpu.memref_slice %arg9[%scan3A_634, %scatter3A_1284, %scatter3A_1285, %scatter3A_1286] : memref<5x8x8x129xf32, #tpu.memory_space<vmem>> -> memref<1x8x8x129xf32, #tpu.memory_space<vmem>>
        %scatter3A_1288 = tpu.memref_squeeze %scatter3A_1287 : memref<1x8x8x129xf32, #tpu.memory_space<vmem>> -> memref<8x8x129xf32, #tpu.memory_space<vmem>>
        tpu.vector_store_idx %scatter3A_1288[%select_n3A_86, %select_n3A_202, %broadcast_in_dim3A_1260], %add3A_1283 : memref<8x8x129xf32, #tpu.memory_space<vmem>>[vector<16xi32>, vector<16xi32>, vector<16xi32>], vector<16xf32>,
        %get3A_1289 = arith.constant 1 : i32
        %get3A_1290 = arith.index_cast %get3A_1289 : i32 to index
        %get3A_1291 = arith.index_cast %scan3A_1259 : i32 to index
        %get3A_1292 = arith.constant 32 : index
        %get3A_1293 = tpu.vector_load %arg8[%get3A_1290, %get3A_1291, %get3A_1292] {strides = array<i32>} : memref<5x128x64xf32, #tpu.memory_space<vmem>>, vector<16xf32>,
        %mul3A_1294 = arith.constant 8.000000e+00 : f32
        %mul3A_1295 = vector.broadcast %mul3A_1294 : f32 to vector<16xf32>
        %mul3A_1296 = arith.mulf %get3A_1293, %mul3A_1295 : vector<16xf32>
        %add3A_1297 = arith.addf %mul3A_1296, %get3A_629 : vector<16xf32>
        %scatter3A_1298 = arith.constant 0 : i32
        %scatter3A_1299 = arith.constant 0 : i32
        %scatter3A_1300 = arith.constant 0 : i32
        %scatter3A_1301 = tpu.memref_slice %arg9[%scan3A_634, %scatter3A_1298, %scatter3A_1299, %scatter3A_1300] : memref<5x8x8x129xf32, #tpu.memory_space<vmem>> -> memref<1x8x8x129xf32, #tpu.memory_space<vmem>>
        %scatter3A_1302 = tpu.memref_squeeze %scatter3A_1301 : memref<1x8x8x129xf32, #tpu.memory_space<vmem>> -> memref<8x8x129xf32, #tpu.memory_space<vmem>>
        tpu.vector_store_idx %scatter3A_1302[%select_n3A_120, %select_n3A_227, %broadcast_in_dim3A_1260], %add3A_1297 : memref<8x8x129xf32, #tpu.memory_space<vmem>>[vector<16xi32>, vector<16xi32>, vector<16xi32>], vector<16xf32>,
        %get3A_1303 = arith.constant 1 : i32
        %get3A_1304 = arith.index_cast %get3A_1303 : i32 to index
        %get3A_1305 = arith.index_cast %scan3A_1259 : i32 to index
        %get3A_1306 = arith.constant 48 : index
        %get3A_1307 = tpu.vector_load %arg8[%get3A_1304, %get3A_1305, %get3A_1306] {strides = array<i32>} : memref<5x128x64xf32, #tpu.memory_space<vmem>>, vector<16xf32>,
        %mul3A_1308 = arith.constant 8.000000e+00 : f32
        %mul3A_1309 = vector.broadcast %mul3A_1308 : f32 to vector<16xf32>
        %mul3A_1310 = arith.mulf %get3A_1307, %mul3A_1309 : vector<16xf32>
        %add3A_1311 = arith.addf %mul3A_1310, %get3A_632 : vector<16xf32>
        %scatter3A_1312 = arith.constant 0 : i32
        %scatter3A_1313 = arith.constant 0 : i32
        %scatter3A_1314 = arith.constant 0 : i32
        %scatter3A_1315 = tpu.memref_slice %arg9[%scan3A_634, %scatter3A_1312, %scatter3A_1313, %scatter3A_1314] : memref<5x8x8x129xf32, #tpu.memory_space<vmem>> -> memref<1x8x8x129xf32, #tpu.memory_space<vmem>>
        %scatter3A_1316 = tpu.memref_squeeze %scatter3A_1315 : memref<1x8x8x129xf32, #tpu.memory_space<vmem>> -> memref<8x8x129xf32, #tpu.memory_space<vmem>>
        tpu.vector_store_idx %scatter3A_1316[%select_n3A_154, %select_n3A_252, %broadcast_in_dim3A_1260], %add3A_1311 : memref<8x8x129xf32, #tpu.memory_space<vmem>>[vector<16xi32>, vector<16xi32>, vector<16xi32>], vector<16xf32>,
        %scan3A_1317 = arith.constant 3 : i32
        %scan3A_1318 = arith.addi %scan3A_1143, %scan3A_1317 : i32
        %broadcast_in_dim3A_1319 = vector.broadcast %scan3A_1318 : i32 to vector<16xi32>
        %get3A_1320 = arith.constant 1 : i32
        %get3A_1321 = arith.index_cast %get3A_1320 : i32 to index
        %get3A_1322 = arith.index_cast %scan3A_1318 : i32 to index
        %get3A_1323 = arith.constant 0 : index
        %get3A_1324 = tpu.vector_load %arg8[%get3A_1321, %get3A_1322, %get3A_1323] {strides = array<i32>} : memref<5x128x64xf32, #tpu.memory_space<vmem>>, vector<16xf32>,
        %mul3A_1325 = arith.constant 8.000000e+00 : f32
        %mul3A_1326 = vector.broadcast %mul3A_1325 : f32 to vector<16xf32>
        %mul3A_1327 = arith.mulf %get3A_1324, %mul3A_1326 : vector<16xf32>
        %add3A_1328 = arith.addf %mul3A_1327, %get3A_623 : vector<16xf32>
        %scatter3A_1329 = arith.constant 0 : i32
        %scatter3A_1330 = arith.constant 0 : i32
        %scatter3A_1331 = arith.constant 0 : i32
        %scatter3A_1332 = tpu.memref_slice %arg9[%scan3A_634, %scatter3A_1329, %scatter3A_1330, %scatter3A_1331] : memref<5x8x8x129xf32, #tpu.memory_space<vmem>> -> memref<1x8x8x129xf32, #tpu.memory_space<vmem>>
        %scatter3A_1333 = tpu.memref_squeeze %scatter3A_1332 : memref<1x8x8x129xf32, #tpu.memory_space<vmem>> -> memref<8x8x129xf32, #tpu.memory_space<vmem>>
        tpu.vector_store_idx %scatter3A_1333[%select_n3A, %select_n3A_177, %broadcast_in_dim3A_1319], %add3A_1328 : memref<8x8x129xf32, #tpu.memory_space<vmem>>[vector<16xi32>, vector<16xi32>, vector<16xi32>], vector<16xf32>,
        %get3A_1334 = arith.constant 1 : i32
        %get3A_1335 = arith.index_cast %get3A_1334 : i32 to index
        %get3A_1336 = arith.index_cast %scan3A_1318 : i32 to index
        %get3A_1337 = arith.constant 16 : index
        %get3A_1338 = tpu.vector_load %arg8[%get3A_1335, %get3A_1336, %get3A_1337] {strides = array<i32>} : memref<5x128x64xf32, #tpu.memory_space<vmem>>, vector<16xf32>,
        %mul3A_1339 = arith.constant 8.000000e+00 : f32
        %mul3A_1340 = vector.broadcast %mul3A_1339 : f32 to vector<16xf32>
        %mul3A_1341 = arith.mulf %get3A_1338, %mul3A_1340 : vector<16xf32>
        %add3A_1342 = arith.addf %mul3A_1341, %get3A_626 : vector<16xf32>
        %scatter3A_1343 = arith.constant 0 : i32
        %scatter3A_1344 = arith.constant 0 : i32
        %scatter3A_1345 = arith.constant 0 : i32
        %scatter3A_1346 = tpu.memref_slice %arg9[%scan3A_634, %scatter3A_1343, %scatter3A_1344, %scatter3A_1345] : memref<5x8x8x129xf32, #tpu.memory_space<vmem>> -> memref<1x8x8x129xf32, #tpu.memory_space<vmem>>
        %scatter3A_1347 = tpu.memref_squeeze %scatter3A_1346 : memref<1x8x8x129xf32, #tpu.memory_space<vmem>> -> memref<8x8x129xf32, #tpu.memory_space<vmem>>
        tpu.vector_store_idx %scatter3A_1347[%select_n3A_86, %select_n3A_202, %broadcast_in_dim3A_1319], %add3A_1342 : memref<8x8x129xf32, #tpu.memory_space<vmem>>[vector<16xi32>, vector<16xi32>, vector<16xi32>], vector<16xf32>,
        %get3A_1348 = arith.constant 1 : i32
        %get3A_1349 = arith.index_cast %get3A_1348 : i32 to index
        %get3A_1350 = arith.index_cast %scan3A_1318 : i32 to index
        %get3A_1351 = arith.constant 32 : index
        %get3A_1352 = tpu.vector_load %arg8[%get3A_1349, %get3A_1350, %get3A_1351] {strides = array<i32>} : memref<5x128x64xf32, #tpu.memory_space<vmem>>, vector<16xf32>,
        %mul3A_1353 = arith.constant 8.000000e+00 : f32
        %mul3A_1354 = vector.broadcast %mul3A_1353 : f32 to vector<16xf32>
        %mul3A_1355 = arith.mulf %get3A_1352, %mul3A_1354 : vector<16xf32>
        %add3A_1356 = arith.addf %mul3A_1355, %get3A_629 : vector<16xf32>
        %scatter3A_1357 = arith.constant 0 : i32
        %scatter3A_1358 = arith.constant 0 : i32
        %scatter3A_1359 = arith.constant 0 : i32
        %scatter3A_1360 = tpu.memref_slice %arg9[%scan3A_634, %scatter3A_1357, %scatter3A_1358, %scatter3A_1359] : memref<5x8x8x129xf32, #tpu.memory_space<vmem>> -> memref<1x8x8x129xf32, #tpu.memory_space<vmem>>
        %scatter3A_1361 = tpu.memref_squeeze %scatter3A_1360 : memref<1x8x8x129xf32, #tpu.memory_space<vmem>> -> memref<8x8x129xf32, #tpu.memory_space<vmem>>
        tpu.vector_store_idx %scatter3A_1361[%select_n3A_120, %select_n3A_227, %broadcast_in_dim3A_1319], %add3A_1356 : memref<8x8x129xf32, #tpu.memory_space<vmem>>[vector<16xi32>, vector<16xi32>, vector<16xi32>], vector<16xf32>,
        %get3A_1362 = arith.constant 1 : i32
        %get3A_1363 = arith.index_cast %get3A_1362 : i32 to index
        %get3A_1364 = arith.index_cast %scan3A_1318 : i32 to index
        %get3A_1365 = arith.constant 48 : index
        %get3A_1366 = tpu.vector_load %arg8[%get3A_1363, %get3A_1364, %get3A_1365] {strides = array<i32>} : memref<5x128x64xf32, #tpu.memory_space<vmem>>, vector<16xf32>,
        %mul3A_1367 = arith.constant 8.000000e+00 : f32
        %mul3A_1368 = vector.broadcast %mul3A_1367 : f32 to vector<16xf32>
        %mul3A_1369 = arith.mulf %get3A_1366, %mul3A_1368 : vector<16xf32>
        %add3A_1370 = arith.addf %mul3A_1369, %get3A_632 : vector<16xf32>
        %scatter3A_1371 = arith.constant 0 : i32
        %scatter3A_1372 = arith.constant 0 : i32
        %scatter3A_1373 = arith.constant 0 : i32
        %scatter3A_1374 = tpu.memref_slice %arg9[%scan3A_634, %scatter3A_1371, %scatter3A_1372, %scatter3A_1373] : memref<5x8x8x129xf32, #tpu.memory_space<vmem>> -> memref<1x8x8x129xf32, #tpu.memory_space<vmem>>
        %scatter3A_1375 = tpu.memref_squeeze %scatter3A_1374 : memref<1x8x8x129xf32, #tpu.memory_space<vmem>> -> memref<8x8x129xf32, #tpu.memory_space<vmem>>
        tpu.vector_store_idx %scatter3A_1375[%select_n3A_154, %select_n3A_252, %broadcast_in_dim3A_1319], %add3A_1370 : memref<8x8x129xf32, #tpu.memory_space<vmem>>[vector<16xi32>, vector<16xi32>, vector<16xi32>], vector<16xf32>,
      }
      %scan3A_639 = arith.constant 128 : i32
      %dma_start3A_640 = arith.constant 1 : i32
      %dma_start3A_641 = arith.constant 0 : i32
      %dma_start3A_642 = arith.constant 0 : i32
      %dma_start3A_643 = arith.constant 0 : i32
      %dma_start3A_644 = tpu.memref_slice %arg9[%dma_start3A_640, %dma_start3A_641, %dma_start3A_642, %dma_start3A_643] : memref<5x8x8x129xf32, #tpu.memory_space<vmem>> -> memref<1x8x8x129xf32, #tpu.memory_space<vmem>>
      %dma_start3A_645 = tpu.memref_squeeze %dma_start3A_644 : memref<1x8x8x129xf32, #tpu.memory_space<vmem>> -> memref<8x8x129xf32, #tpu.memory_space<vmem>>
      %dma_start3A_646 = arith.constant 0 : i32
      %dma_start3A_647 = arith.constant 0 : i32
      %dma_start3A_648 = arith.constant 0 : i32
      %dma_start3A_649 = tpu.memref_slice %dma_start3A_645[%dma_start3A_646, %dma_start3A_647, %dma_start3A_648] : memref<8x8x129xf32, #tpu.memory_space<vmem>> -> memref<8x8x128xf32, #tpu.memory_space<vmem>>
      %dma_start3A_650 = arith.constant 0 : i32
      %dma_start3A_651 = arith.constant 0 : i32
      %dma_start3A_652 = arith.constant 0 : i32
      %dma_start3A_653 = tpu.memref_slice %arg5[%add3A_580, %dma_start3A_650, %select_n3A_620, %dma_start3A_651, %dma_start3A_652] : memref<200x8x8x8x128xf32, #tpu.memory_space<hbm>> -> memref<1x8x1x8x128xf32, #tpu.memory_space<hbm>>
      %dma_start3A_654 = tpu.memref_squeeze %dma_start3A_653 : memref<1x8x1x8x128xf32, #tpu.memory_space<hbm>> -> memref<8x8x128xf32, #tpu.memory_space<hbm>>
      %dma_start3A_655 = arith.constant 0 : i32
      %dma_start3A_656 = arith.constant 0 : i32
      %dma_start3A_657 = arith.constant 0 : i32
      %dma_start3A_658 = tpu.memref_slice %arg5[%add3A_580, %dma_start3A_655, %select_n3A_620, %dma_start3A_656, %dma_start3A_657] : memref<200x8x8x8x128xf32, #tpu.memory_space<hbm>> -> memref<1x8x1x8x128xf32, #tpu.memory_space<hbm>>
      %dma_start3A_659 = tpu.memref_squeeze %dma_start3A_658 : memref<1x8x1x8x128xf32, #tpu.memory_space<hbm>> -> memref<8x8x128xf32, #tpu.memory_space<hbm>>
      %dma_start3A_660 = arith.constant 0 : i32
      %dma_start3A_661 = arith.constant 0 : i32
      %dma_start3A_662 = arith.constant 0 : i32
      %dma_start3A_663 = tpu.memref_slice %arg9[%dma_start3A_640, %dma_start3A_660, %dma_start3A_661, %dma_start3A_662] : memref<5x8x8x129xf32, #tpu.memory_space<vmem>> -> memref<1x8x8x129xf32, #tpu.memory_space<vmem>>
      %dma_start3A_664 = tpu.memref_squeeze %dma_start3A_663 : memref<1x8x8x129xf32, #tpu.memory_space<vmem>> -> memref<8x8x129xf32, #tpu.memory_space<vmem>>
      %dma_start3A_665 = arith.constant 0 : i32
      %dma_start3A_666 = arith.constant 0 : i32
      %dma_start3A_667 = arith.constant 0 : i32
      %dma_start3A_668 = tpu.memref_slice %dma_start3A_664[%dma_start3A_665, %dma_start3A_666, %dma_start3A_667] : memref<8x8x129xf32, #tpu.memory_space<vmem>> -> memref<8x8x128xf32, #tpu.memory_space<vmem>>
      tpu.enqueue_dma source(%dma_start3A_668 : memref<8x8x128xf32, #tpu.memory_space<vmem>>) target(%dma_start3A_659 : memref<8x8x128xf32, #tpu.memory_space<hbm>>) target_semaphore(%arg16 : memref<!tpu.dma_semaphore, #tpu.memory_space<semaphore_mem>>)
      %mul3A_669 = arith.constant 5 : i32
      %mul3A_670 = arith.muli %scan3A_355, %mul3A_669 : i32
      %add3A_671 = arith.constant 2 : i32
      %add3A_672 = arith.addi %mul3A_670, %add3A_671 : i32
      %add3A_673 = arith.constant 2 : i32
      %add3A_674 = arith.addi %add3A_672, %add3A_673 : i32
      %lt3A_675 = arith.constant 50 : i32
      %lt3A_676 = arith.cmpi slt, %add3A_674, %lt3A_675 : i32
      %convert_element_type3A_677 = arith.extui %lt3A_676 : i1 to i32
      %cond3A_678 = arith.constant 0 : i32
      %cond3A_679 = arith.cmpi ne, %convert_element_type3A_677, %cond3A_678 : i32
      scf.if %cond3A_679 {
        %add3A_1143 = arith.constant 2 : i32
        %add3A_1144 = arith.addi %add3A_672, %add3A_1143 : i32
        %ge3A = arith.constant 5 : i32
        %ge3A_1145 = arith.cmpi sge, %add3A_1144, %ge3A : i32
        %convert_element_type3A_1146 = arith.extui %ge3A_1145 : i1 to i32
        %cond3A_1147 = arith.constant 0 : i32
        %cond3A_1148 = arith.cmpi ne, %convert_element_type3A_1146, %cond3A_1147 : i32
        scf.if %cond3A_1148 {
          %dma_wait3A_1162 = arith.constant 4 : i32
          %dma_wait3A_1163 = arith.constant 0 : i32
          %dma_wait3A_1164 = arith.constant 0 : i32
          %dma_wait3A_1165 = tpu.memref_slice %arg8[%dma_wait3A_1162, %dma_wait3A_1163, %dma_wait3A_1164] : memref<5x128x64xf32, #tpu.memory_space<vmem>> -> memref<1x128x64xf32, #tpu.memory_space<vmem>>
          %dma_wait3A_1166 = tpu.memref_squeeze %dma_wait3A_1165 : memref<1x128x64xf32, #tpu.memory_space<vmem>> -> memref<128x64xf32, #tpu.memory_space<vmem>>
          %dma_wait3A_1167 = arith.constant 0 : i32
          %dma_wait3A_1168 = arith.constant 0 : i32
          %dma_wait3A_1169 = tpu.memref_slice %arg4[%dma_wait3A_1167, %dma_wait3A_1168] : memref<1000000x64xf32, #tpu.memory_space<hbm>> -> memref<128x64xf32, #tpu.memory_space<hbm>>
          %dma_wait3A_1170 = arith.constant 0 : i32
          %dma_wait3A_1171 = arith.constant 0 : i32
          %dma_wait3A_1172 = tpu.memref_slice %arg8[%dma_wait3A_1162, %dma_wait3A_1170, %dma_wait3A_1171] : memref<5x128x64xf32, #tpu.memory_space<vmem>> -> memref<1x128x64xf32, #tpu.memory_space<vmem>>
          %dma_wait3A_1173 = tpu.memref_squeeze %dma_wait3A_1172 : memref<1x128x64xf32, #tpu.memory_space<vmem>> -> memref<128x64xf32, #tpu.memory_space<vmem>>
          %dma_wait3A_1174 = arith.constant 0 : i32
          %dma_wait3A_1175 = arith.constant 0 : i32
          %dma_wait3A_1176 = tpu.memref_slice %arg4[%dma_wait3A_1174, %dma_wait3A_1175] : memref<1000000x64xf32, #tpu.memory_space<hbm>> -> memref<128x64xf32, #tpu.memory_space<hbm>>
          tpu.wait_dma2 semaphore(%arg19 : memref<!tpu.dma_semaphore, #tpu.memory_space<semaphore_mem>>) src(%dma_wait3A_1176 : memref<128x64xf32, #tpu.memory_space<hbm>>) dst(%dma_wait3A_1173 : memref<128x64xf32, #tpu.memory_space<vmem>>)
        } else {
        }
        %add3A_1149 = arith.constant 2 : i32
        %add3A_1150 = arith.addi %add3A_672, %add3A_1149 : i32
        %dma_start3A_1151 = arith.constant 4 : i32
        %dma_start3A_1152 = arith.constant 0 : i32
        %dma_start3A_1153 = arith.constant 0 : i32
        %dma_start3A_1154 = tpu.memref_slice %arg8[%dma_start3A_1151, %dma_start3A_1152, %dma_start3A_1153] : memref<5x128x64xf32, #tpu.memory_space<vmem>> -> memref<1x128x64xf32, #tpu.memory_space<vmem>>
        %dma_start3A_1155 = tpu.memref_squeeze %dma_start3A_1154 : memref<1x128x64xf32, #tpu.memory_space<vmem>> -> memref<128x64xf32, #tpu.memory_space<vmem>>
        %dma_start3A_1156 = arith.constant 0 : i32
        %dma_start3A_1157 = tpu.memref_slice %arg6[%add3A_1150, %dma_start3A_1156] : memref<50x128xi32, #tpu.memory_space<vmem>> -> memref<1x128xi32, #tpu.memory_space<vmem>>
        %dma_start3A_1158 = tpu.memref_squeeze %dma_start3A_1157 : memref<1x128xi32, #tpu.memory_space<vmem>> -> memref<128xi32, #tpu.memory_space<vmem>>
        %dma_start3A_1159 = arith.constant 0 : i32
        %dma_start3A_1160 = arith.constant 0 : i32
        %dma_start3A_1161 = tpu.memref_slice %arg4[%dma_start3A_1159, %dma_start3A_1160] : memref<1000000x64xf32, #tpu.memory_space<hbm>> -> memref<1000000x64xf32, #tpu.memory_space<hbm>>
        tpu.enqueue_indirect_dma source(%dma_start3A_1161 : memref<1000000x64xf32, #tpu.memory_space<hbm>>) target(%dma_start3A_1155 : memref<128x64xf32, #tpu.memory_space<vmem>>) offsets(%dma_start3A_1158 : memref<128xi32, #tpu.memory_space<vmem>>) semaphore(%arg14 : memref<!tpu.dma_semaphore, #tpu.memory_space<semaphore_mem>>)
      } else {
      }
      %dma_wait3A_680 = arith.constant 2 : i32
      %dma_wait3A_681 = arith.constant 0 : i32
      %dma_wait3A_682 = arith.constant 0 : i32
      %dma_wait3A_683 = tpu.memref_slice %arg8[%dma_wait3A_680, %dma_wait3A_681, %dma_wait3A_682] : memref<5x128x64xf32, #tpu.memory_space<vmem>> -> memref<1x128x64xf32, #tpu.memory_space<vmem>>
      %dma_wait3A_684 = tpu.memref_squeeze %dma_wait3A_683 : memref<1x128x64xf32, #tpu.memory_space<vmem>> -> memref<128x64xf32, #tpu.memory_space<vmem>>
      %dma_wait3A_685 = arith.constant 0 : i32
      %dma_wait3A_686 = arith.constant 0 : i32
      %dma_wait3A_687 = tpu.memref_slice %arg4[%dma_wait3A_685, %dma_wait3A_686] : memref<1000000x64xf32, #tpu.memory_space<hbm>> -> memref<128x64xf32, #tpu.memory_space<hbm>>
      %dma_wait3A_688 = arith.constant 0 : i32
      %dma_wait3A_689 = arith.constant 0 : i32
      %dma_wait3A_690 = tpu.memref_slice %arg8[%dma_wait3A_680, %dma_wait3A_688, %dma_wait3A_689] : memref<5x128x64xf32, #tpu.memory_space<vmem>> -> memref<1x128x64xf32, #tpu.memory_space<vmem>>
      %dma_wait3A_691 = tpu.memref_squeeze %dma_wait3A_690 : memref<1x128x64xf32, #tpu.memory_space<vmem>> -> memref<128x64xf32, #tpu.memory_space<vmem>>
      %dma_wait3A_692 = arith.constant 0 : i32
      %dma_wait3A_693 = arith.constant 0 : i32
      %dma_wait3A_694 = tpu.memref_slice %arg4[%dma_wait3A_692, %dma_wait3A_693] : memref<1000000x64xf32, #tpu.memory_space<hbm>> -> memref<128x64xf32, #tpu.memory_space<hbm>>
      tpu.wait_dma2 semaphore(%arg12 : memref<!tpu.dma_semaphore, #tpu.memory_space<semaphore_mem>>) src(%dma_wait3A_694 : memref<128x64xf32, #tpu.memory_space<hbm>>) dst(%dma_wait3A_691 : memref<128x64xf32, #tpu.memory_space<vmem>>)
      %add3A_695 = arith.addi %mul3A_2, %add3A_672 : i32
      %jit3A_696 = arith.constant 64 : i32
      %div3A_697 = arith.divsi %add3A_695, %jit3A_696 : i32
      %sign3A_698 = arith.constant 0 : i32
      %sign3A_699 = arith.cmpi sgt, %add3A_695, %sign3A_698 : i32
      %sign3A_700 = arith.extui %sign3A_699 : i1 to i32
      %sign3A_701 = arith.constant 0 : i32
      %sign3A_702 = arith.cmpi slt, %add3A_695, %sign3A_701 : i32
      %sign3A_703 = arith.extui %sign3A_702 : i1 to i32
      %sign3A_704 = arith.subi %sign3A_700, %sign3A_703 : i32
      %sign3A_705 = arith.constant 0 : i32
      %sign3A_706 = arith.cmpi sgt, %jit3A_696, %sign3A_705 : i32
      %sign3A_707 = arith.extui %sign3A_706 : i1 to i32
      %sign3A_708 = arith.constant 0 : i32
      %sign3A_709 = arith.cmpi slt, %jit3A_696, %sign3A_708 : i32
      %sign3A_710 = arith.extui %sign3A_709 : i1 to i32
      %sign3A_711 = arith.subi %sign3A_707, %sign3A_710 : i32
      %ne3A_712 = arith.cmpi ne, %sign3A_704, %sign3A_711 : i32
      %rem3A_713 = arith.remsi %add3A_695, %jit3A_696 : i32
      %ne3A_714 = arith.constant 0 : i32
      %ne3A_715 = arith.cmpi ne, %rem3A_713, %ne3A_714 : i32
      %and3A_716 = arith.andi %ne3A_712, %ne3A_715 : i1
      %sub3A_717 = arith.constant 1 : i32
      %sub3A_718 = arith.subi %div3A_697, %sub3A_717 : i32
      %select_n3A_719 = arith.select %and3A_716, %sub3A_718, %div3A_697 : i32
      %mul3A_720 = arith.constant 8 : i32
      %mul3A_721 = arith.muli %mul3A_720, %select_n3A_719 : i32
      %jit3A_722 = arith.constant 8 : i32
      %eq3A_723 = arith.constant 0 : i32
      %eq3A_724 = arith.cmpi eq, %jit3A_722, %eq3A_723 : i32
      %jit3A_725 = arith.constant 1 : i32
      %select_n3A_726 = arith.select %eq3A_724, %jit3A_725, %jit3A_722 : i32
      %rem3A_727 = arith.remsi %add3A_695, %select_n3A_726 : i32
      %ne3A_728 = arith.constant 0 : i32
      %ne3A_729 = arith.cmpi ne, %rem3A_727, %ne3A_728 : i32
      %lt3A_730 = arith.constant 0 : i32
      %lt3A_731 = arith.cmpi slt, %rem3A_727, %lt3A_730 : i32
      %lt3A_732 = arith.constant 0 : i32
      %lt3A_733 = arith.cmpi slt, %select_n3A_726, %lt3A_732 : i32
      %ne3A_734 = arith.xori %lt3A_731, %lt3A_733 : i1
      %and3A_735 = arith.andi %ne3A_734, %ne3A_729 : i1
      %add3A_736 = arith.addi %rem3A_727, %select_n3A_726 : i32
      %select_n3A_737 = arith.select %and3A_735, %add3A_736, %rem3A_727 : i32
      %add3A_738 = arith.addi %mul3A_721, %select_n3A_737 : i32
      %jit3A_739 = arith.constant 8 : i32
      %div3A_740 = arith.divsi %add3A_695, %jit3A_739 : i32
      %sign3A_741 = arith.constant 0 : i32
      %sign3A_742 = arith.cmpi sgt, %add3A_695, %sign3A_741 : i32
      %sign3A_743 = arith.extui %sign3A_742 : i1 to i32
      %sign3A_744 = arith.constant 0 : i32
      %sign3A_745 = arith.cmpi slt, %add3A_695, %sign3A_744 : i32
      %sign3A_746 = arith.extui %sign3A_745 : i1 to i32
      %sign3A_747 = arith.subi %sign3A_743, %sign3A_746 : i32
      %sign3A_748 = arith.constant 0 : i32
      %sign3A_749 = arith.cmpi sgt, %jit3A_739, %sign3A_748 : i32
      %sign3A_750 = arith.extui %sign3A_749 : i1 to i32
      %sign3A_751 = arith.constant 0 : i32
      %sign3A_752 = arith.cmpi slt, %jit3A_739, %sign3A_751 : i32
      %sign3A_753 = arith.extui %sign3A_752 : i1 to i32
      %sign3A_754 = arith.subi %sign3A_750, %sign3A_753 : i32
      %ne3A_755 = arith.cmpi ne, %sign3A_747, %sign3A_754 : i32
      %rem3A_756 = arith.remsi %add3A_695, %jit3A_739 : i32
      %ne3A_757 = arith.constant 0 : i32
      %ne3A_758 = arith.cmpi ne, %rem3A_756, %ne3A_757 : i32
      %and3A_759 = arith.andi %ne3A_755, %ne3A_758 : i1
      %sub3A_760 = arith.constant 1 : i32
      %sub3A_761 = arith.subi %div3A_740, %sub3A_760 : i32
      %select_n3A_762 = arith.select %and3A_759, %sub3A_761, %div3A_740 : i32
      %jit3A_763 = arith.constant 8 : i32
      %eq3A_764 = arith.constant 0 : i32
      %eq3A_765 = arith.cmpi eq, %jit3A_763, %eq3A_764 : i32
      %jit3A_766 = arith.constant 1 : i32
      %select_n3A_767 = arith.select %eq3A_765, %jit3A_766, %jit3A_763 : i32
      %rem3A_768 = arith.remsi %select_n3A_762, %select_n3A_767 : i32
      %ne3A_769 = arith.constant 0 : i32
      %ne3A_770 = arith.cmpi ne, %rem3A_768, %ne3A_769 : i32
      %lt3A_771 = arith.constant 0 : i32
      %lt3A_772 = arith.cmpi slt, %rem3A_768, %lt3A_771 : i32
      %lt3A_773 = arith.constant 0 : i32
      %lt3A_774 = arith.cmpi slt, %select_n3A_767, %lt3A_773 : i32
      %ne3A_775 = arith.xori %lt3A_772, %lt3A_774 : i1
      %and3A_776 = arith.andi %ne3A_775, %ne3A_770 : i1
      %add3A_777 = arith.addi %rem3A_768, %select_n3A_767 : i32
      %select_n3A_778 = arith.select %and3A_776, %add3A_777, %rem3A_768 : i32
      %get3A_779 = arith.index_cast %add3A_738 : i32 to index
      %get3A_780 = arith.constant 0 : index
      %get3A_781 = tpu.vector_load %arg7[%get3A_779, %get3A_780] {strides = array<i32>} : memref<200x64xf32, #tpu.memory_space<vmem>>, vector<16xf32>,
      %get3A_782 = arith.index_cast %add3A_738 : i32 to index
      %get3A_783 = arith.constant 16 : index
      %get3A_784 = tpu.vector_load %arg7[%get3A_782, %get3A_783] {strides = array<i32>} : memref<200x64xf32, #tpu.memory_space<vmem>>, vector<16xf32>,
      %get3A_785 = arith.index_cast %add3A_738 : i32 to index
      %get3A_786 = arith.constant 32 : index
      %get3A_787 = tpu.vector_load %arg7[%get3A_785, %get3A_786] {strides = array<i32>} : memref<200x64xf32, #tpu.memory_space<vmem>>, vector<16xf32>,
      %get3A_788 = arith.index_cast %add3A_738 : i32 to index
      %get3A_789 = arith.constant 48 : index
      %get3A_790 = tpu.vector_load %arg7[%get3A_788, %get3A_789] {strides = array<i32>} : memref<200x64xf32, #tpu.memory_space<vmem>>, vector<16xf32>,
      %scan3A_791 = arith.constant 0 : i32
      %scan3A_792 = arith.constant 2 : i32
      %scan3A_793 = arith.constant 0 : i32
      %scan3A_794 = arith.constant 128 : i32
      %scan3A_795 = arith.addi %scan3A_793, %scan3A_794 : i32
      %scan3A_796 = arith.constant 4 : i32
      scf.for %scan3A_1143 = %scan3A_793 to %scan3A_795 step %scan3A_796  : i32 {
        %broadcast_in_dim3A = vector.broadcast %scan3A_1143 : i32 to vector<16xi32>
        %get3A_1144 = arith.constant 2 : i32
        %get3A_1145 = arith.index_cast %get3A_1144 : i32 to index
        %get3A_1146 = arith.index_cast %scan3A_1143 : i32 to index
        %get3A_1147 = arith.constant 0 : index
        %get3A_1148 = tpu.vector_load %arg8[%get3A_1145, %get3A_1146, %get3A_1147] {strides = array<i32>} : memref<5x128x64xf32, #tpu.memory_space<vmem>>, vector<16xf32>,
        %mul3A_1149 = arith.constant 8.000000e+00 : f32
        %mul3A_1150 = vector.broadcast %mul3A_1149 : f32 to vector<16xf32>
        %mul3A_1151 = arith.mulf %get3A_1148, %mul3A_1150 : vector<16xf32>
        %add3A_1152 = arith.addf %mul3A_1151, %get3A_781 : vector<16xf32>
        %scatter3A = arith.constant 0 : i32
        %scatter3A_1153 = arith.constant 0 : i32
        %scatter3A_1154 = arith.constant 0 : i32
        %scatter3A_1155 = tpu.memref_slice %arg9[%scan3A_792, %scatter3A, %scatter3A_1153, %scatter3A_1154] : memref<5x8x8x129xf32, #tpu.memory_space<vmem>> -> memref<1x8x8x129xf32, #tpu.memory_space<vmem>>
        %scatter3A_1156 = tpu.memref_squeeze %scatter3A_1155 : memref<1x8x8x129xf32, #tpu.memory_space<vmem>> -> memref<8x8x129xf32, #tpu.memory_space<vmem>>
        tpu.vector_store_idx %scatter3A_1156[%select_n3A, %select_n3A_177, %broadcast_in_dim3A], %add3A_1152 : memref<8x8x129xf32, #tpu.memory_space<vmem>>[vector<16xi32>, vector<16xi32>, vector<16xi32>], vector<16xf32>,
        %get3A_1157 = arith.constant 2 : i32
        %get3A_1158 = arith.index_cast %get3A_1157 : i32 to index
        %get3A_1159 = arith.index_cast %scan3A_1143 : i32 to index
        %get3A_1160 = arith.constant 16 : index
        %get3A_1161 = tpu.vector_load %arg8[%get3A_1158, %get3A_1159, %get3A_1160] {strides = array<i32>} : memref<5x128x64xf32, #tpu.memory_space<vmem>>, vector<16xf32>,
        %mul3A_1162 = arith.constant 8.000000e+00 : f32
        %mul3A_1163 = vector.broadcast %mul3A_1162 : f32 to vector<16xf32>
        %mul3A_1164 = arith.mulf %get3A_1161, %mul3A_1163 : vector<16xf32>
        %add3A_1165 = arith.addf %mul3A_1164, %get3A_784 : vector<16xf32>
        %scatter3A_1166 = arith.constant 0 : i32
        %scatter3A_1167 = arith.constant 0 : i32
        %scatter3A_1168 = arith.constant 0 : i32
        %scatter3A_1169 = tpu.memref_slice %arg9[%scan3A_792, %scatter3A_1166, %scatter3A_1167, %scatter3A_1168] : memref<5x8x8x129xf32, #tpu.memory_space<vmem>> -> memref<1x8x8x129xf32, #tpu.memory_space<vmem>>
        %scatter3A_1170 = tpu.memref_squeeze %scatter3A_1169 : memref<1x8x8x129xf32, #tpu.memory_space<vmem>> -> memref<8x8x129xf32, #tpu.memory_space<vmem>>
        tpu.vector_store_idx %scatter3A_1170[%select_n3A_86, %select_n3A_202, %broadcast_in_dim3A], %add3A_1165 : memref<8x8x129xf32, #tpu.memory_space<vmem>>[vector<16xi32>, vector<16xi32>, vector<16xi32>], vector<16xf32>,
        %get3A_1171 = arith.constant 2 : i32
        %get3A_1172 = arith.index_cast %get3A_1171 : i32 to index
        %get3A_1173 = arith.index_cast %scan3A_1143 : i32 to index
        %get3A_1174 = arith.constant 32 : index
        %get3A_1175 = tpu.vector_load %arg8[%get3A_1172, %get3A_1173, %get3A_1174] {strides = array<i32>} : memref<5x128x64xf32, #tpu.memory_space<vmem>>, vector<16xf32>,
        %mul3A_1176 = arith.constant 8.000000e+00 : f32
        %mul3A_1177 = vector.broadcast %mul3A_1176 : f32 to vector<16xf32>
        %mul3A_1178 = arith.mulf %get3A_1175, %mul3A_1177 : vector<16xf32>
        %add3A_1179 = arith.addf %mul3A_1178, %get3A_787 : vector<16xf32>
        %scatter3A_1180 = arith.constant 0 : i32
        %scatter3A_1181 = arith.constant 0 : i32
        %scatter3A_1182 = arith.constant 0 : i32
        %scatter3A_1183 = tpu.memref_slice %arg9[%scan3A_792, %scatter3A_1180, %scatter3A_1181, %scatter3A_1182] : memref<5x8x8x129xf32, #tpu.memory_space<vmem>> -> memref<1x8x8x129xf32, #tpu.memory_space<vmem>>
        %scatter3A_1184 = tpu.memref_squeeze %scatter3A_1183 : memref<1x8x8x129xf32, #tpu.memory_space<vmem>> -> memref<8x8x129xf32, #tpu.memory_space<vmem>>
        tpu.vector_store_idx %scatter3A_1184[%select_n3A_120, %select_n3A_227, %broadcast_in_dim3A], %add3A_1179 : memref<8x8x129xf32, #tpu.memory_space<vmem>>[vector<16xi32>, vector<16xi32>, vector<16xi32>], vector<16xf32>,
        %get3A_1185 = arith.constant 2 : i32
        %get3A_1186 = arith.index_cast %get3A_1185 : i32 to index
        %get3A_1187 = arith.index_cast %scan3A_1143 : i32 to index
        %get3A_1188 = arith.constant 48 : index
        %get3A_1189 = tpu.vector_load %arg8[%get3A_1186, %get3A_1187, %get3A_1188] {strides = array<i32>} : memref<5x128x64xf32, #tpu.memory_space<vmem>>, vector<16xf32>,
        %mul3A_1190 = arith.constant 8.000000e+00 : f32
        %mul3A_1191 = vector.broadcast %mul3A_1190 : f32 to vector<16xf32>
        %mul3A_1192 = arith.mulf %get3A_1189, %mul3A_1191 : vector<16xf32>
        %add3A_1193 = arith.addf %mul3A_1192, %get3A_790 : vector<16xf32>
        %scatter3A_1194 = arith.constant 0 : i32
        %scatter3A_1195 = arith.constant 0 : i32
        %scatter3A_1196 = arith.constant 0 : i32
        %scatter3A_1197 = tpu.memref_slice %arg9[%scan3A_792, %scatter3A_1194, %scatter3A_1195, %scatter3A_1196] : memref<5x8x8x129xf32, #tpu.memory_space<vmem>> -> memref<1x8x8x129xf32, #tpu.memory_space<vmem>>
        %scatter3A_1198 = tpu.memref_squeeze %scatter3A_1197 : memref<1x8x8x129xf32, #tpu.memory_space<vmem>> -> memref<8x8x129xf32, #tpu.memory_space<vmem>>
        tpu.vector_store_idx %scatter3A_1198[%select_n3A_154, %select_n3A_252, %broadcast_in_dim3A], %add3A_1193 : memref<8x8x129xf32, #tpu.memory_space<vmem>>[vector<16xi32>, vector<16xi32>, vector<16xi32>], vector<16xf32>,
        %scan3A_1199 = arith.constant 1 : i32
        %scan3A_1200 = arith.addi %scan3A_1143, %scan3A_1199 : i32
        %broadcast_in_dim3A_1201 = vector.broadcast %scan3A_1200 : i32 to vector<16xi32>
        %get3A_1202 = arith.constant 2 : i32
        %get3A_1203 = arith.index_cast %get3A_1202 : i32 to index
        %get3A_1204 = arith.index_cast %scan3A_1200 : i32 to index
        %get3A_1205 = arith.constant 0 : index
        %get3A_1206 = tpu.vector_load %arg8[%get3A_1203, %get3A_1204, %get3A_1205] {strides = array<i32>} : memref<5x128x64xf32, #tpu.memory_space<vmem>>, vector<16xf32>,
        %mul3A_1207 = arith.constant 8.000000e+00 : f32
        %mul3A_1208 = vector.broadcast %mul3A_1207 : f32 to vector<16xf32>
        %mul3A_1209 = arith.mulf %get3A_1206, %mul3A_1208 : vector<16xf32>
        %add3A_1210 = arith.addf %mul3A_1209, %get3A_781 : vector<16xf32>
        %scatter3A_1211 = arith.constant 0 : i32
        %scatter3A_1212 = arith.constant 0 : i32
        %scatter3A_1213 = arith.constant 0 : i32
        %scatter3A_1214 = tpu.memref_slice %arg9[%scan3A_792, %scatter3A_1211, %scatter3A_1212, %scatter3A_1213] : memref<5x8x8x129xf32, #tpu.memory_space<vmem>> -> memref<1x8x8x129xf32, #tpu.memory_space<vmem>>
        %scatter3A_1215 = tpu.memref_squeeze %scatter3A_1214 : memref<1x8x8x129xf32, #tpu.memory_space<vmem>> -> memref<8x8x129xf32, #tpu.memory_space<vmem>>
        tpu.vector_store_idx %scatter3A_1215[%select_n3A, %select_n3A_177, %broadcast_in_dim3A_1201], %add3A_1210 : memref<8x8x129xf32, #tpu.memory_space<vmem>>[vector<16xi32>, vector<16xi32>, vector<16xi32>], vector<16xf32>,
        %get3A_1216 = arith.constant 2 : i32
        %get3A_1217 = arith.index_cast %get3A_1216 : i32 to index
        %get3A_1218 = arith.index_cast %scan3A_1200 : i32 to index
        %get3A_1219 = arith.constant 16 : index
        %get3A_1220 = tpu.vector_load %arg8[%get3A_1217, %get3A_1218, %get3A_1219] {strides = array<i32>} : memref<5x128x64xf32, #tpu.memory_space<vmem>>, vector<16xf32>,
        %mul3A_1221 = arith.constant 8.000000e+00 : f32
        %mul3A_1222 = vector.broadcast %mul3A_1221 : f32 to vector<16xf32>
        %mul3A_1223 = arith.mulf %get3A_1220, %mul3A_1222 : vector<16xf32>
        %add3A_1224 = arith.addf %mul3A_1223, %get3A_784 : vector<16xf32>
        %scatter3A_1225 = arith.constant 0 : i32
        %scatter3A_1226 = arith.constant 0 : i32
        %scatter3A_1227 = arith.constant 0 : i32
        %scatter3A_1228 = tpu.memref_slice %arg9[%scan3A_792, %scatter3A_1225, %scatter3A_1226, %scatter3A_1227] : memref<5x8x8x129xf32, #tpu.memory_space<vmem>> -> memref<1x8x8x129xf32, #tpu.memory_space<vmem>>
        %scatter3A_1229 = tpu.memref_squeeze %scatter3A_1228 : memref<1x8x8x129xf32, #tpu.memory_space<vmem>> -> memref<8x8x129xf32, #tpu.memory_space<vmem>>
        tpu.vector_store_idx %scatter3A_1229[%select_n3A_86, %select_n3A_202, %broadcast_in_dim3A_1201], %add3A_1224 : memref<8x8x129xf32, #tpu.memory_space<vmem>>[vector<16xi32>, vector<16xi32>, vector<16xi32>], vector<16xf32>,
        %get3A_1230 = arith.constant 2 : i32
        %get3A_1231 = arith.index_cast %get3A_1230 : i32 to index
        %get3A_1232 = arith.index_cast %scan3A_1200 : i32 to index
        %get3A_1233 = arith.constant 32 : index
        %get3A_1234 = tpu.vector_load %arg8[%get3A_1231, %get3A_1232, %get3A_1233] {strides = array<i32>} : memref<5x128x64xf32, #tpu.memory_space<vmem>>, vector<16xf32>,
        %mul3A_1235 = arith.constant 8.000000e+00 : f32
        %mul3A_1236 = vector.broadcast %mul3A_1235 : f32 to vector<16xf32>
        %mul3A_1237 = arith.mulf %get3A_1234, %mul3A_1236 : vector<16xf32>
        %add3A_1238 = arith.addf %mul3A_1237, %get3A_787 : vector<16xf32>
        %scatter3A_1239 = arith.constant 0 : i32
        %scatter3A_1240 = arith.constant 0 : i32
        %scatter3A_1241 = arith.constant 0 : i32
        %scatter3A_1242 = tpu.memref_slice %arg9[%scan3A_792, %scatter3A_1239, %scatter3A_1240, %scatter3A_1241] : memref<5x8x8x129xf32, #tpu.memory_space<vmem>> -> memref<1x8x8x129xf32, #tpu.memory_space<vmem>>
        %scatter3A_1243 = tpu.memref_squeeze %scatter3A_1242 : memref<1x8x8x129xf32, #tpu.memory_space<vmem>> -> memref<8x8x129xf32, #tpu.memory_space<vmem>>
        tpu.vector_store_idx %scatter3A_1243[%select_n3A_120, %select_n3A_227, %broadcast_in_dim3A_1201], %add3A_1238 : memref<8x8x129xf32, #tpu.memory_space<vmem>>[vector<16xi32>, vector<16xi32>, vector<16xi32>], vector<16xf32>,
        %get3A_1244 = arith.constant 2 : i32
        %get3A_1245 = arith.index_cast %get3A_1244 : i32 to index
        %get3A_1246 = arith.index_cast %scan3A_1200 : i32 to index
        %get3A_1247 = arith.constant 48 : index
        %get3A_1248 = tpu.vector_load %arg8[%get3A_1245, %get3A_1246, %get3A_1247] {strides = array<i32>} : memref<5x128x64xf32, #tpu.memory_space<vmem>>, vector<16xf32>,
        %mul3A_1249 = arith.constant 8.000000e+00 : f32
        %mul3A_1250 = vector.broadcast %mul3A_1249 : f32 to vector<16xf32>
        %mul3A_1251 = arith.mulf %get3A_1248, %mul3A_1250 : vector<16xf32>
        %add3A_1252 = arith.addf %mul3A_1251, %get3A_790 : vector<16xf32>
        %scatter3A_1253 = arith.constant 0 : i32
        %scatter3A_1254 = arith.constant 0 : i32
        %scatter3A_1255 = arith.constant 0 : i32
        %scatter3A_1256 = tpu.memref_slice %arg9[%scan3A_792, %scatter3A_1253, %scatter3A_1254, %scatter3A_1255] : memref<5x8x8x129xf32, #tpu.memory_space<vmem>> -> memref<1x8x8x129xf32, #tpu.memory_space<vmem>>
        %scatter3A_1257 = tpu.memref_squeeze %scatter3A_1256 : memref<1x8x8x129xf32, #tpu.memory_space<vmem>> -> memref<8x8x129xf32, #tpu.memory_space<vmem>>
        tpu.vector_store_idx %scatter3A_1257[%select_n3A_154, %select_n3A_252, %broadcast_in_dim3A_1201], %add3A_1252 : memref<8x8x129xf32, #tpu.memory_space<vmem>>[vector<16xi32>, vector<16xi32>, vector<16xi32>], vector<16xf32>,
        %scan3A_1258 = arith.constant 2 : i32
        %scan3A_1259 = arith.addi %scan3A_1143, %scan3A_1258 : i32
        %broadcast_in_dim3A_1260 = vector.broadcast %scan3A_1259 : i32 to vector<16xi32>
        %get3A_1261 = arith.constant 2 : i32
        %get3A_1262 = arith.index_cast %get3A_1261 : i32 to index
        %get3A_1263 = arith.index_cast %scan3A_1259 : i32 to index
        %get3A_1264 = arith.constant 0 : index
        %get3A_1265 = tpu.vector_load %arg8[%get3A_1262, %get3A_1263, %get3A_1264] {strides = array<i32>} : memref<5x128x64xf32, #tpu.memory_space<vmem>>, vector<16xf32>,
        %mul3A_1266 = arith.constant 8.000000e+00 : f32
        %mul3A_1267 = vector.broadcast %mul3A_1266 : f32 to vector<16xf32>
        %mul3A_1268 = arith.mulf %get3A_1265, %mul3A_1267 : vector<16xf32>
        %add3A_1269 = arith.addf %mul3A_1268, %get3A_781 : vector<16xf32>
        %scatter3A_1270 = arith.constant 0 : i32
        %scatter3A_1271 = arith.constant 0 : i32
        %scatter3A_1272 = arith.constant 0 : i32
        %scatter3A_1273 = tpu.memref_slice %arg9[%scan3A_792, %scatter3A_1270, %scatter3A_1271, %scatter3A_1272] : memref<5x8x8x129xf32, #tpu.memory_space<vmem>> -> memref<1x8x8x129xf32, #tpu.memory_space<vmem>>
        %scatter3A_1274 = tpu.memref_squeeze %scatter3A_1273 : memref<1x8x8x129xf32, #tpu.memory_space<vmem>> -> memref<8x8x129xf32, #tpu.memory_space<vmem>>
        tpu.vector_store_idx %scatter3A_1274[%select_n3A, %select_n3A_177, %broadcast_in_dim3A_1260], %add3A_1269 : memref<8x8x129xf32, #tpu.memory_space<vmem>>[vector<16xi32>, vector<16xi32>, vector<16xi32>], vector<16xf32>,
        %get3A_1275 = arith.constant 2 : i32
        %get3A_1276 = arith.index_cast %get3A_1275 : i32 to index
        %get3A_1277 = arith.index_cast %scan3A_1259 : i32 to index
        %get3A_1278 = arith.constant 16 : index
        %get3A_1279 = tpu.vector_load %arg8[%get3A_1276, %get3A_1277, %get3A_1278] {strides = array<i32>} : memref<5x128x64xf32, #tpu.memory_space<vmem>>, vector<16xf32>,
        %mul3A_1280 = arith.constant 8.000000e+00 : f32
        %mul3A_1281 = vector.broadcast %mul3A_1280 : f32 to vector<16xf32>
        %mul3A_1282 = arith.mulf %get3A_1279, %mul3A_1281 : vector<16xf32>
        %add3A_1283 = arith.addf %mul3A_1282, %get3A_784 : vector<16xf32>
        %scatter3A_1284 = arith.constant 0 : i32
        %scatter3A_1285 = arith.constant 0 : i32
        %scatter3A_1286 = arith.constant 0 : i32
        %scatter3A_1287 = tpu.memref_slice %arg9[%scan3A_792, %scatter3A_1284, %scatter3A_1285, %scatter3A_1286] : memref<5x8x8x129xf32, #tpu.memory_space<vmem>> -> memref<1x8x8x129xf32, #tpu.memory_space<vmem>>
        %scatter3A_1288 = tpu.memref_squeeze %scatter3A_1287 : memref<1x8x8x129xf32, #tpu.memory_space<vmem>> -> memref<8x8x129xf32, #tpu.memory_space<vmem>>
        tpu.vector_store_idx %scatter3A_1288[%select_n3A_86, %select_n3A_202, %broadcast_in_dim3A_1260], %add3A_1283 : memref<8x8x129xf32, #tpu.memory_space<vmem>>[vector<16xi32>, vector<16xi32>, vector<16xi32>], vector<16xf32>,
        %get3A_1289 = arith.constant 2 : i32
        %get3A_1290 = arith.index_cast %get3A_1289 : i32 to index
        %get3A_1291 = arith.index_cast %scan3A_1259 : i32 to index
        %get3A_1292 = arith.constant 32 : index
        %get3A_1293 = tpu.vector_load %arg8[%get3A_1290, %get3A_1291, %get3A_1292] {strides = array<i32>} : memref<5x128x64xf32, #tpu.memory_space<vmem>>, vector<16xf32>,
        %mul3A_1294 = arith.constant 8.000000e+00 : f32
        %mul3A_1295 = vector.broadcast %mul3A_1294 : f32 to vector<16xf32>
        %mul3A_1296 = arith.mulf %get3A_1293, %mul3A_1295 : vector<16xf32>
        %add3A_1297 = arith.addf %mul3A_1296, %get3A_787 : vector<16xf32>
        %scatter3A_1298 = arith.constant 0 : i32
        %scatter3A_1299 = arith.constant 0 : i32
        %scatter3A_1300 = arith.constant 0 : i32
        %scatter3A_1301 = tpu.memref_slice %arg9[%scan3A_792, %scatter3A_1298, %scatter3A_1299, %scatter3A_1300] : memref<5x8x8x129xf32, #tpu.memory_space<vmem>> -> memref<1x8x8x129xf32, #tpu.memory_space<vmem>>
        %scatter3A_1302 = tpu.memref_squeeze %scatter3A_1301 : memref<1x8x8x129xf32, #tpu.memory_space<vmem>> -> memref<8x8x129xf32, #tpu.memory_space<vmem>>
        tpu.vector_store_idx %scatter3A_1302[%select_n3A_120, %select_n3A_227, %broadcast_in_dim3A_1260], %add3A_1297 : memref<8x8x129xf32, #tpu.memory_space<vmem>>[vector<16xi32>, vector<16xi32>, vector<16xi32>], vector<16xf32>,
        %get3A_1303 = arith.constant 2 : i32
        %get3A_1304 = arith.index_cast %get3A_1303 : i32 to index
        %get3A_1305 = arith.index_cast %scan3A_1259 : i32 to index
        %get3A_1306 = arith.constant 48 : index
        %get3A_1307 = tpu.vector_load %arg8[%get3A_1304, %get3A_1305, %get3A_1306] {strides = array<i32>} : memref<5x128x64xf32, #tpu.memory_space<vmem>>, vector<16xf32>,
        %mul3A_1308 = arith.constant 8.000000e+00 : f32
        %mul3A_1309 = vector.broadcast %mul3A_1308 : f32 to vector<16xf32>
        %mul3A_1310 = arith.mulf %get3A_1307, %mul3A_1309 : vector<16xf32>
        %add3A_1311 = arith.addf %mul3A_1310, %get3A_790 : vector<16xf32>
        %scatter3A_1312 = arith.constant 0 : i32
        %scatter3A_1313 = arith.constant 0 : i32
        %scatter3A_1314 = arith.constant 0 : i32
        %scatter3A_1315 = tpu.memref_slice %arg9[%scan3A_792, %scatter3A_1312, %scatter3A_1313, %scatter3A_1314] : memref<5x8x8x129xf32, #tpu.memory_space<vmem>> -> memref<1x8x8x129xf32, #tpu.memory_space<vmem>>
        %scatter3A_1316 = tpu.memref_squeeze %scatter3A_1315 : memref<1x8x8x129xf32, #tpu.memory_space<vmem>> -> memref<8x8x129xf32, #tpu.memory_space<vmem>>
        tpu.vector_store_idx %scatter3A_1316[%select_n3A_154, %select_n3A_252, %broadcast_in_dim3A_1260], %add3A_1311 : memref<8x8x129xf32, #tpu.memory_space<vmem>>[vector<16xi32>, vector<16xi32>, vector<16xi32>], vector<16xf32>,
        %scan3A_1317 = arith.constant 3 : i32
        %scan3A_1318 = arith.addi %scan3A_1143, %scan3A_1317 : i32
        %broadcast_in_dim3A_1319 = vector.broadcast %scan3A_1318 : i32 to vector<16xi32>
        %get3A_1320 = arith.constant 2 : i32
        %get3A_1321 = arith.index_cast %get3A_1320 : i32 to index
        %get3A_1322 = arith.index_cast %scan3A_1318 : i32 to index
        %get3A_1323 = arith.constant 0 : index
        %get3A_1324 = tpu.vector_load %arg8[%get3A_1321, %get3A_1322, %get3A_1323] {strides = array<i32>} : memref<5x128x64xf32, #tpu.memory_space<vmem>>, vector<16xf32>,
        %mul3A_1325 = arith.constant 8.000000e+00 : f32
        %mul3A_1326 = vector.broadcast %mul3A_1325 : f32 to vector<16xf32>
        %mul3A_1327 = arith.mulf %get3A_1324, %mul3A_1326 : vector<16xf32>
        %add3A_1328 = arith.addf %mul3A_1327, %get3A_781 : vector<16xf32>
        %scatter3A_1329 = arith.constant 0 : i32
        %scatter3A_1330 = arith.constant 0 : i32
        %scatter3A_1331 = arith.constant 0 : i32
        %scatter3A_1332 = tpu.memref_slice %arg9[%scan3A_792, %scatter3A_1329, %scatter3A_1330, %scatter3A_1331] : memref<5x8x8x129xf32, #tpu.memory_space<vmem>> -> memref<1x8x8x129xf32, #tpu.memory_space<vmem>>
        %scatter3A_1333 = tpu.memref_squeeze %scatter3A_1332 : memref<1x8x8x129xf32, #tpu.memory_space<vmem>> -> memref<8x8x129xf32, #tpu.memory_space<vmem>>
        tpu.vector_store_idx %scatter3A_1333[%select_n3A, %select_n3A_177, %broadcast_in_dim3A_1319], %add3A_1328 : memref<8x8x129xf32, #tpu.memory_space<vmem>>[vector<16xi32>, vector<16xi32>, vector<16xi32>], vector<16xf32>,
        %get3A_1334 = arith.constant 2 : i32
        %get3A_1335 = arith.index_cast %get3A_1334 : i32 to index
        %get3A_1336 = arith.index_cast %scan3A_1318 : i32 to index
        %get3A_1337 = arith.constant 16 : index
        %get3A_1338 = tpu.vector_load %arg8[%get3A_1335, %get3A_1336, %get3A_1337] {strides = array<i32>} : memref<5x128x64xf32, #tpu.memory_space<vmem>>, vector<16xf32>,
        %mul3A_1339 = arith.constant 8.000000e+00 : f32
        %mul3A_1340 = vector.broadcast %mul3A_1339 : f32 to vector<16xf32>
        %mul3A_1341 = arith.mulf %get3A_1338, %mul3A_1340 : vector<16xf32>
        %add3A_1342 = arith.addf %mul3A_1341, %get3A_784 : vector<16xf32>
        %scatter3A_1343 = arith.constant 0 : i32
        %scatter3A_1344 = arith.constant 0 : i32
        %scatter3A_1345 = arith.constant 0 : i32
        %scatter3A_1346 = tpu.memref_slice %arg9[%scan3A_792, %scatter3A_1343, %scatter3A_1344, %scatter3A_1345] : memref<5x8x8x129xf32, #tpu.memory_space<vmem>> -> memref<1x8x8x129xf32, #tpu.memory_space<vmem>>
        %scatter3A_1347 = tpu.memref_squeeze %scatter3A_1346 : memref<1x8x8x129xf32, #tpu.memory_space<vmem>> -> memref<8x8x129xf32, #tpu.memory_space<vmem>>
        tpu.vector_store_idx %scatter3A_1347[%select_n3A_86, %select_n3A_202, %broadcast_in_dim3A_1319], %add3A_1342 : memref<8x8x129xf32, #tpu.memory_space<vmem>>[vector<16xi32>, vector<16xi32>, vector<16xi32>], vector<16xf32>,
        %get3A_1348 = arith.constant 2 : i32
        %get3A_1349 = arith.index_cast %get3A_1348 : i32 to index
        %get3A_1350 = arith.index_cast %scan3A_1318 : i32 to index
        %get3A_1351 = arith.constant 32 : index
        %get3A_1352 = tpu.vector_load %arg8[%get3A_1349, %get3A_1350, %get3A_1351] {strides = array<i32>} : memref<5x128x64xf32, #tpu.memory_space<vmem>>, vector<16xf32>,
        %mul3A_1353 = arith.constant 8.000000e+00 : f32
        %mul3A_1354 = vector.broadcast %mul3A_1353 : f32 to vector<16xf32>
        %mul3A_1355 = arith.mulf %get3A_1352, %mul3A_1354 : vector<16xf32>
        %add3A_1356 = arith.addf %mul3A_1355, %get3A_787 : vector<16xf32>
        %scatter3A_1357 = arith.constant 0 : i32
        %scatter3A_1358 = arith.constant 0 : i32
        %scatter3A_1359 = arith.constant 0 : i32
        %scatter3A_1360 = tpu.memref_slice %arg9[%scan3A_792, %scatter3A_1357, %scatter3A_1358, %scatter3A_1359] : memref<5x8x8x129xf32, #tpu.memory_space<vmem>> -> memref<1x8x8x129xf32, #tpu.memory_space<vmem>>
        %scatter3A_1361 = tpu.memref_squeeze %scatter3A_1360 : memref<1x8x8x129xf32, #tpu.memory_space<vmem>> -> memref<8x8x129xf32, #tpu.memory_space<vmem>>
        tpu.vector_store_idx %scatter3A_1361[%select_n3A_120, %select_n3A_227, %broadcast_in_dim3A_1319], %add3A_1356 : memref<8x8x129xf32, #tpu.memory_space<vmem>>[vector<16xi32>, vector<16xi32>, vector<16xi32>], vector<16xf32>,
        %get3A_1362 = arith.constant 2 : i32
        %get3A_1363 = arith.index_cast %get3A_1362 : i32 to index
        %get3A_1364 = arith.index_cast %scan3A_1318 : i32 to index
        %get3A_1365 = arith.constant 48 : index
        %get3A_1366 = tpu.vector_load %arg8[%get3A_1363, %get3A_1364, %get3A_1365] {strides = array<i32>} : memref<5x128x64xf32, #tpu.memory_space<vmem>>, vector<16xf32>,
        %mul3A_1367 = arith.constant 8.000000e+00 : f32
        %mul3A_1368 = vector.broadcast %mul3A_1367 : f32 to vector<16xf32>
        %mul3A_1369 = arith.mulf %get3A_1366, %mul3A_1368 : vector<16xf32>
        %add3A_1370 = arith.addf %mul3A_1369, %get3A_790 : vector<16xf32>
        %scatter3A_1371 = arith.constant 0 : i32
        %scatter3A_1372 = arith.constant 0 : i32
        %scatter3A_1373 = arith.constant 0 : i32
        %scatter3A_1374 = tpu.memref_slice %arg9[%scan3A_792, %scatter3A_1371, %scatter3A_1372, %scatter3A_1373] : memref<5x8x8x129xf32, #tpu.memory_space<vmem>> -> memref<1x8x8x129xf32, #tpu.memory_space<vmem>>
        %scatter3A_1375 = tpu.memref_squeeze %scatter3A_1374 : memref<1x8x8x129xf32, #tpu.memory_space<vmem>> -> memref<8x8x129xf32, #tpu.memory_space<vmem>>
        tpu.vector_store_idx %scatter3A_1375[%select_n3A_154, %select_n3A_252, %broadcast_in_dim3A_1319], %add3A_1370 : memref<8x8x129xf32, #tpu.memory_space<vmem>>[vector<16xi32>, vector<16xi32>, vector<16xi32>], vector<16xf32>,
      }
      %scan3A_797 = arith.constant 128 : i32
      %dma_start3A_798 = arith.constant 2 : i32
      %dma_start3A_799 = arith.constant 0 : i32
      %dma_start3A_800 = arith.constant 0 : i32
      %dma_start3A_801 = arith.constant 0 : i32
      %dma_start3A_802 = tpu.memref_slice %arg9[%dma_start3A_798, %dma_start3A_799, %dma_start3A_800, %dma_start3A_801] : memref<5x8x8x129xf32, #tpu.memory_space<vmem>> -> memref<1x8x8x129xf32, #tpu.memory_space<vmem>>
      %dma_start3A_803 = tpu.memref_squeeze %dma_start3A_802 : memref<1x8x8x129xf32, #tpu.memory_space<vmem>> -> memref<8x8x129xf32, #tpu.memory_space<vmem>>
      %dma_start3A_804 = arith.constant 0 : i32
      %dma_start3A_805 = arith.constant 0 : i32
      %dma_start3A_806 = arith.constant 0 : i32
      %dma_start3A_807 = tpu.memref_slice %dma_start3A_803[%dma_start3A_804, %dma_start3A_805, %dma_start3A_806] : memref<8x8x129xf32, #tpu.memory_space<vmem>> -> memref<8x8x128xf32, #tpu.memory_space<vmem>>
      %dma_start3A_808 = arith.constant 0 : i32
      %dma_start3A_809 = arith.constant 0 : i32
      %dma_start3A_810 = arith.constant 0 : i32
      %dma_start3A_811 = tpu.memref_slice %arg5[%add3A_738, %dma_start3A_808, %select_n3A_778, %dma_start3A_809, %dma_start3A_810] : memref<200x8x8x8x128xf32, #tpu.memory_space<hbm>> -> memref<1x8x1x8x128xf32, #tpu.memory_space<hbm>>
      %dma_start3A_812 = tpu.memref_squeeze %dma_start3A_811 : memref<1x8x1x8x128xf32, #tpu.memory_space<hbm>> -> memref<8x8x128xf32, #tpu.memory_space<hbm>>
      %dma_start3A_813 = arith.constant 0 : i32
      %dma_start3A_814 = arith.constant 0 : i32
      %dma_start3A_815 = arith.constant 0 : i32
      %dma_start3A_816 = tpu.memref_slice %arg5[%add3A_738, %dma_start3A_813, %select_n3A_778, %dma_start3A_814, %dma_start3A_815] : memref<200x8x8x8x128xf32, #tpu.memory_space<hbm>> -> memref<1x8x1x8x128xf32, #tpu.memory_space<hbm>>
      %dma_start3A_817 = tpu.memref_squeeze %dma_start3A_816 : memref<1x8x1x8x128xf32, #tpu.memory_space<hbm>> -> memref<8x8x128xf32, #tpu.memory_space<hbm>>
      %dma_start3A_818 = arith.constant 0 : i32
      %dma_start3A_819 = arith.constant 0 : i32
      %dma_start3A_820 = arith.constant 0 : i32
      %dma_start3A_821 = tpu.memref_slice %arg9[%dma_start3A_798, %dma_start3A_818, %dma_start3A_819, %dma_start3A_820] : memref<5x8x8x129xf32, #tpu.memory_space<vmem>> -> memref<1x8x8x129xf32, #tpu.memory_space<vmem>>
      %dma_start3A_822 = tpu.memref_squeeze %dma_start3A_821 : memref<1x8x8x129xf32, #tpu.memory_space<vmem>> -> memref<8x8x129xf32, #tpu.memory_space<vmem>>
      %dma_start3A_823 = arith.constant 0 : i32
      %dma_start3A_824 = arith.constant 0 : i32
      %dma_start3A_825 = arith.constant 0 : i32
      %dma_start3A_826 = tpu.memref_slice %dma_start3A_822[%dma_start3A_823, %dma_start3A_824, %dma_start3A_825] : memref<8x8x129xf32, #tpu.memory_space<vmem>> -> memref<8x8x128xf32, #tpu.memory_space<vmem>>
      tpu.enqueue_dma source(%dma_start3A_826 : memref<8x8x128xf32, #tpu.memory_space<vmem>>) target(%dma_start3A_817 : memref<8x8x128xf32, #tpu.memory_space<hbm>>) target_semaphore(%arg17 : memref<!tpu.dma_semaphore, #tpu.memory_space<semaphore_mem>>)
      %mul3A_827 = arith.constant 5 : i32
      %mul3A_828 = arith.muli %scan3A_355, %mul3A_827 : i32
      %add3A_829 = arith.constant 3 : i32
      %add3A_830 = arith.addi %mul3A_828, %add3A_829 : i32
      %add3A_831 = arith.constant 2 : i32
      %add3A_832 = arith.addi %add3A_830, %add3A_831 : i32
      %lt3A_833 = arith.constant 50 : i32
      %lt3A_834 = arith.cmpi slt, %add3A_832, %lt3A_833 : i32
      %convert_element_type3A_835 = arith.extui %lt3A_834 : i1 to i32
      %cond3A_836 = arith.constant 0 : i32
      %cond3A_837 = arith.cmpi ne, %convert_element_type3A_835, %cond3A_836 : i32
      scf.if %cond3A_837 {
        %add3A_1143 = arith.constant 2 : i32
        %add3A_1144 = arith.addi %add3A_830, %add3A_1143 : i32
        %ge3A = arith.constant 5 : i32
        %ge3A_1145 = arith.cmpi sge, %add3A_1144, %ge3A : i32
        %convert_element_type3A_1146 = arith.extui %ge3A_1145 : i1 to i32
        %cond3A_1147 = arith.constant 0 : i32
        %cond3A_1148 = arith.cmpi ne, %convert_element_type3A_1146, %cond3A_1147 : i32
        scf.if %cond3A_1148 {
          %dma_wait3A_1162 = arith.constant 0 : i32
          %dma_wait3A_1163 = arith.constant 0 : i32
          %dma_wait3A_1164 = arith.constant 0 : i32
          %dma_wait3A_1165 = tpu.memref_slice %arg8[%dma_wait3A_1162, %dma_wait3A_1163, %dma_wait3A_1164] : memref<5x128x64xf32, #tpu.memory_space<vmem>> -> memref<1x128x64xf32, #tpu.memory_space<vmem>>
          %dma_wait3A_1166 = tpu.memref_squeeze %dma_wait3A_1165 : memref<1x128x64xf32, #tpu.memory_space<vmem>> -> memref<128x64xf32, #tpu.memory_space<vmem>>
          %dma_wait3A_1167 = arith.constant 0 : i32
          %dma_wait3A_1168 = arith.constant 0 : i32
          %dma_wait3A_1169 = tpu.memref_slice %arg4[%dma_wait3A_1167, %dma_wait3A_1168] : memref<1000000x64xf32, #tpu.memory_space<hbm>> -> memref<128x64xf32, #tpu.memory_space<hbm>>
          %dma_wait3A_1170 = arith.constant 0 : i32
          %dma_wait3A_1171 = arith.constant 0 : i32
          %dma_wait3A_1172 = tpu.memref_slice %arg8[%dma_wait3A_1162, %dma_wait3A_1170, %dma_wait3A_1171] : memref<5x128x64xf32, #tpu.memory_space<vmem>> -> memref<1x128x64xf32, #tpu.memory_space<vmem>>
          %dma_wait3A_1173 = tpu.memref_squeeze %dma_wait3A_1172 : memref<1x128x64xf32, #tpu.memory_space<vmem>> -> memref<128x64xf32, #tpu.memory_space<vmem>>
          %dma_wait3A_1174 = arith.constant 0 : i32
          %dma_wait3A_1175 = arith.constant 0 : i32
          %dma_wait3A_1176 = tpu.memref_slice %arg4[%dma_wait3A_1174, %dma_wait3A_1175] : memref<1000000x64xf32, #tpu.memory_space<hbm>> -> memref<128x64xf32, #tpu.memory_space<hbm>>
          tpu.wait_dma2 semaphore(%arg15 : memref<!tpu.dma_semaphore, #tpu.memory_space<semaphore_mem>>) src(%dma_wait3A_1176 : memref<128x64xf32, #tpu.memory_space<hbm>>) dst(%dma_wait3A_1173 : memref<128x64xf32, #tpu.memory_space<vmem>>)
        } else {
        }
        %add3A_1149 = arith.constant 2 : i32
        %add3A_1150 = arith.addi %add3A_830, %add3A_1149 : i32
        %dma_start3A_1151 = arith.constant 0 : i32
        %dma_start3A_1152 = arith.constant 0 : i32
        %dma_start3A_1153 = arith.constant 0 : i32
        %dma_start3A_1154 = tpu.memref_slice %arg8[%dma_start3A_1151, %dma_start3A_1152, %dma_start3A_1153] : memref<5x128x64xf32, #tpu.memory_space<vmem>> -> memref<1x128x64xf32, #tpu.memory_space<vmem>>
        %dma_start3A_1155 = tpu.memref_squeeze %dma_start3A_1154 : memref<1x128x64xf32, #tpu.memory_space<vmem>> -> memref<128x64xf32, #tpu.memory_space<vmem>>
        %dma_start3A_1156 = arith.constant 0 : i32
        %dma_start3A_1157 = tpu.memref_slice %arg6[%add3A_1150, %dma_start3A_1156] : memref<50x128xi32, #tpu.memory_space<vmem>> -> memref<1x128xi32, #tpu.memory_space<vmem>>
        %dma_start3A_1158 = tpu.memref_squeeze %dma_start3A_1157 : memref<1x128xi32, #tpu.memory_space<vmem>> -> memref<128xi32, #tpu.memory_space<vmem>>
        %dma_start3A_1159 = arith.constant 0 : i32
        %dma_start3A_1160 = arith.constant 0 : i32
        %dma_start3A_1161 = tpu.memref_slice %arg4[%dma_start3A_1159, %dma_start3A_1160] : memref<1000000x64xf32, #tpu.memory_space<hbm>> -> memref<1000000x64xf32, #tpu.memory_space<hbm>>
        tpu.enqueue_indirect_dma source(%dma_start3A_1161 : memref<1000000x64xf32, #tpu.memory_space<hbm>>) target(%dma_start3A_1155 : memref<128x64xf32, #tpu.memory_space<vmem>>) offsets(%dma_start3A_1158 : memref<128xi32, #tpu.memory_space<vmem>>) semaphore(%arg10 : memref<!tpu.dma_semaphore, #tpu.memory_space<semaphore_mem>>)
      } else {
      }
      %dma_wait3A_838 = arith.constant 3 : i32
      %dma_wait3A_839 = arith.constant 0 : i32
      %dma_wait3A_840 = arith.constant 0 : i32
      %dma_wait3A_841 = tpu.memref_slice %arg8[%dma_wait3A_838, %dma_wait3A_839, %dma_wait3A_840] : memref<5x128x64xf32, #tpu.memory_space<vmem>> -> memref<1x128x64xf32, #tpu.memory_space<vmem>>
      %dma_wait3A_842 = tpu.memref_squeeze %dma_wait3A_841 : memref<1x128x64xf32, #tpu.memory_space<vmem>> -> memref<128x64xf32, #tpu.memory_space<vmem>>
      %dma_wait3A_843 = arith.constant 0 : i32
      %dma_wait3A_844 = arith.constant 0 : i32
      %dma_wait3A_845 = tpu.memref_slice %arg4[%dma_wait3A_843, %dma_wait3A_844] : memref<1000000x64xf32, #tpu.memory_space<hbm>> -> memref<128x64xf32, #tpu.memory_space<hbm>>
      %dma_wait3A_846 = arith.constant 0 : i32
      %dma_wait3A_847 = arith.constant 0 : i32
      %dma_wait3A_848 = tpu.memref_slice %arg8[%dma_wait3A_838, %dma_wait3A_846, %dma_wait3A_847] : memref<5x128x64xf32, #tpu.memory_space<vmem>> -> memref<1x128x64xf32, #tpu.memory_space<vmem>>
      %dma_wait3A_849 = tpu.memref_squeeze %dma_wait3A_848 : memref<1x128x64xf32, #tpu.memory_space<vmem>> -> memref<128x64xf32, #tpu.memory_space<vmem>>
      %dma_wait3A_850 = arith.constant 0 : i32
      %dma_wait3A_851 = arith.constant 0 : i32
      %dma_wait3A_852 = tpu.memref_slice %arg4[%dma_wait3A_850, %dma_wait3A_851] : memref<1000000x64xf32, #tpu.memory_space<hbm>> -> memref<128x64xf32, #tpu.memory_space<hbm>>
      tpu.wait_dma2 semaphore(%arg13 : memref<!tpu.dma_semaphore, #tpu.memory_space<semaphore_mem>>) src(%dma_wait3A_852 : memref<128x64xf32, #tpu.memory_space<hbm>>) dst(%dma_wait3A_849 : memref<128x64xf32, #tpu.memory_space<vmem>>)
      %add3A_853 = arith.addi %mul3A_2, %add3A_830 : i32
      %jit3A_854 = arith.constant 64 : i32
      %div3A_855 = arith.divsi %add3A_853, %jit3A_854 : i32
      %sign3A_856 = arith.constant 0 : i32
      %sign3A_857 = arith.cmpi sgt, %add3A_853, %sign3A_856 : i32
      %sign3A_858 = arith.extui %sign3A_857 : i1 to i32
      %sign3A_859 = arith.constant 0 : i32
      %sign3A_860 = arith.cmpi slt, %add3A_853, %sign3A_859 : i32
      %sign3A_861 = arith.extui %sign3A_860 : i1 to i32
      %sign3A_862 = arith.subi %sign3A_858, %sign3A_861 : i32
      %sign3A_863 = arith.constant 0 : i32
      %sign3A_864 = arith.cmpi sgt, %jit3A_854, %sign3A_863 : i32
      %sign3A_865 = arith.extui %sign3A_864 : i1 to i32
      %sign3A_866 = arith.constant 0 : i32
      %sign3A_867 = arith.cmpi slt, %jit3A_854, %sign3A_866 : i32
      %sign3A_868 = arith.extui %sign3A_867 : i1 to i32
      %sign3A_869 = arith.subi %sign3A_865, %sign3A_868 : i32
      %ne3A_870 = arith.cmpi ne, %sign3A_862, %sign3A_869 : i32
      %rem3A_871 = arith.remsi %add3A_853, %jit3A_854 : i32
      %ne3A_872 = arith.constant 0 : i32
      %ne3A_873 = arith.cmpi ne, %rem3A_871, %ne3A_872 : i32
      %and3A_874 = arith.andi %ne3A_870, %ne3A_873 : i1
      %sub3A_875 = arith.constant 1 : i32
      %sub3A_876 = arith.subi %div3A_855, %sub3A_875 : i32
      %select_n3A_877 = arith.select %and3A_874, %sub3A_876, %div3A_855 : i32
      %mul3A_878 = arith.constant 8 : i32
      %mul3A_879 = arith.muli %mul3A_878, %select_n3A_877 : i32
      %jit3A_880 = arith.constant 8 : i32
      %eq3A_881 = arith.constant 0 : i32
      %eq3A_882 = arith.cmpi eq, %jit3A_880, %eq3A_881 : i32
      %jit3A_883 = arith.constant 1 : i32
      %select_n3A_884 = arith.select %eq3A_882, %jit3A_883, %jit3A_880 : i32
      %rem3A_885 = arith.remsi %add3A_853, %select_n3A_884 : i32
      %ne3A_886 = arith.constant 0 : i32
      %ne3A_887 = arith.cmpi ne, %rem3A_885, %ne3A_886 : i32
      %lt3A_888 = arith.constant 0 : i32
      %lt3A_889 = arith.cmpi slt, %rem3A_885, %lt3A_888 : i32
      %lt3A_890 = arith.constant 0 : i32
      %lt3A_891 = arith.cmpi slt, %select_n3A_884, %lt3A_890 : i32
      %ne3A_892 = arith.xori %lt3A_889, %lt3A_891 : i1
      %and3A_893 = arith.andi %ne3A_892, %ne3A_887 : i1
      %add3A_894 = arith.addi %rem3A_885, %select_n3A_884 : i32
      %select_n3A_895 = arith.select %and3A_893, %add3A_894, %rem3A_885 : i32
      %add3A_896 = arith.addi %mul3A_879, %select_n3A_895 : i32
      %jit3A_897 = arith.constant 8 : i32
      %div3A_898 = arith.divsi %add3A_853, %jit3A_897 : i32
      %sign3A_899 = arith.constant 0 : i32
      %sign3A_900 = arith.cmpi sgt, %add3A_853, %sign3A_899 : i32
      %sign3A_901 = arith.extui %sign3A_900 : i1 to i32
      %sign3A_902 = arith.constant 0 : i32
      %sign3A_903 = arith.cmpi slt, %add3A_853, %sign3A_902 : i32
      %sign3A_904 = arith.extui %sign3A_903 : i1 to i32
      %sign3A_905 = arith.subi %sign3A_901, %sign3A_904 : i32
      %sign3A_906 = arith.constant 0 : i32
      %sign3A_907 = arith.cmpi sgt, %jit3A_897, %sign3A_906 : i32
      %sign3A_908 = arith.extui %sign3A_907 : i1 to i32
      %sign3A_909 = arith.constant 0 : i32
      %sign3A_910 = arith.cmpi slt, %jit3A_897, %sign3A_909 : i32
      %sign3A_911 = arith.extui %sign3A_910 : i1 to i32
      %sign3A_912 = arith.subi %sign3A_908, %sign3A_911 : i32
      %ne3A_913 = arith.cmpi ne, %sign3A_905, %sign3A_912 : i32
      %rem3A_914 = arith.remsi %add3A_853, %jit3A_897 : i32
      %ne3A_915 = arith.constant 0 : i32
      %ne3A_916 = arith.cmpi ne, %rem3A_914, %ne3A_915 : i32
      %and3A_917 = arith.andi %ne3A_913, %ne3A_916 : i1
      %sub3A_918 = arith.constant 1 : i32
      %sub3A_919 = arith.subi %div3A_898, %sub3A_918 : i32
      %select_n3A_920 = arith.select %and3A_917, %sub3A_919, %div3A_898 : i32
      %jit3A_921 = arith.constant 8 : i32
      %eq3A_922 = arith.constant 0 : i32
      %eq3A_923 = arith.cmpi eq, %jit3A_921, %eq3A_922 : i32
      %jit3A_924 = arith.constant 1 : i32
      %select_n3A_925 = arith.select %eq3A_923, %jit3A_924, %jit3A_921 : i32
      %rem3A_926 = arith.remsi %select_n3A_920, %select_n3A_925 : i32
      %ne3A_927 = arith.constant 0 : i32
      %ne3A_928 = arith.cmpi ne, %rem3A_926, %ne3A_927 : i32
      %lt3A_929 = arith.constant 0 : i32
      %lt3A_930 = arith.cmpi slt, %rem3A_926, %lt3A_929 : i32
      %lt3A_931 = arith.constant 0 : i32
      %lt3A_932 = arith.cmpi slt, %select_n3A_925, %lt3A_931 : i32
      %ne3A_933 = arith.xori %lt3A_930, %lt3A_932 : i1
      %and3A_934 = arith.andi %ne3A_933, %ne3A_928 : i1
      %add3A_935 = arith.addi %rem3A_926, %select_n3A_925 : i32
      %select_n3A_936 = arith.select %and3A_934, %add3A_935, %rem3A_926 : i32
      %get3A_937 = arith.index_cast %add3A_896 : i32 to index
      %get3A_938 = arith.constant 0 : index
      %get3A_939 = tpu.vector_load %arg7[%get3A_937, %get3A_938] {strides = array<i32>} : memref<200x64xf32, #tpu.memory_space<vmem>>, vector<16xf32>,
      %get3A_940 = arith.index_cast %add3A_896 : i32 to index
      %get3A_941 = arith.constant 16 : index
      %get3A_942 = tpu.vector_load %arg7[%get3A_940, %get3A_941] {strides = array<i32>} : memref<200x64xf32, #tpu.memory_space<vmem>>, vector<16xf32>,
      %get3A_943 = arith.index_cast %add3A_896 : i32 to index
      %get3A_944 = arith.constant 32 : index
      %get3A_945 = tpu.vector_load %arg7[%get3A_943, %get3A_944] {strides = array<i32>} : memref<200x64xf32, #tpu.memory_space<vmem>>, vector<16xf32>,
      %get3A_946 = arith.index_cast %add3A_896 : i32 to index
      %get3A_947 = arith.constant 48 : index
      %get3A_948 = tpu.vector_load %arg7[%get3A_946, %get3A_947] {strides = array<i32>} : memref<200x64xf32, #tpu.memory_space<vmem>>, vector<16xf32>,
      %scan3A_949 = arith.constant 0 : i32
      %scan3A_950 = arith.constant 3 : i32
      %scan3A_951 = arith.constant 0 : i32
      %scan3A_952 = arith.constant 128 : i32
      %scan3A_953 = arith.addi %scan3A_951, %scan3A_952 : i32
      %scan3A_954 = arith.constant 4 : i32
      scf.for %scan3A_1143 = %scan3A_951 to %scan3A_953 step %scan3A_954  : i32 {
        %broadcast_in_dim3A = vector.broadcast %scan3A_1143 : i32 to vector<16xi32>
        %get3A_1144 = arith.constant 3 : i32
        %get3A_1145 = arith.index_cast %get3A_1144 : i32 to index
        %get3A_1146 = arith.index_cast %scan3A_1143 : i32 to index
        %get3A_1147 = arith.constant 0 : index
        %get3A_1148 = tpu.vector_load %arg8[%get3A_1145, %get3A_1146, %get3A_1147] {strides = array<i32>} : memref<5x128x64xf32, #tpu.memory_space<vmem>>, vector<16xf32>,
        %mul3A_1149 = arith.constant 8.000000e+00 : f32
        %mul3A_1150 = vector.broadcast %mul3A_1149 : f32 to vector<16xf32>
        %mul3A_1151 = arith.mulf %get3A_1148, %mul3A_1150 : vector<16xf32>
        %add3A_1152 = arith.addf %mul3A_1151, %get3A_939 : vector<16xf32>
        %scatter3A = arith.constant 0 : i32
        %scatter3A_1153 = arith.constant 0 : i32
        %scatter3A_1154 = arith.constant 0 : i32
        %scatter3A_1155 = tpu.memref_slice %arg9[%scan3A_950, %scatter3A, %scatter3A_1153, %scatter3A_1154] : memref<5x8x8x129xf32, #tpu.memory_space<vmem>> -> memref<1x8x8x129xf32, #tpu.memory_space<vmem>>
        %scatter3A_1156 = tpu.memref_squeeze %scatter3A_1155 : memref<1x8x8x129xf32, #tpu.memory_space<vmem>> -> memref<8x8x129xf32, #tpu.memory_space<vmem>>
        tpu.vector_store_idx %scatter3A_1156[%select_n3A, %select_n3A_177, %broadcast_in_dim3A], %add3A_1152 : memref<8x8x129xf32, #tpu.memory_space<vmem>>[vector<16xi32>, vector<16xi32>, vector<16xi32>], vector<16xf32>,
        %get3A_1157 = arith.constant 3 : i32
        %get3A_1158 = arith.index_cast %get3A_1157 : i32 to index
        %get3A_1159 = arith.index_cast %scan3A_1143 : i32 to index
        %get3A_1160 = arith.constant 16 : index
        %get3A_1161 = tpu.vector_load %arg8[%get3A_1158, %get3A_1159, %get3A_1160] {strides = array<i32>} : memref<5x128x64xf32, #tpu.memory_space<vmem>>, vector<16xf32>,
        %mul3A_1162 = arith.constant 8.000000e+00 : f32
        %mul3A_1163 = vector.broadcast %mul3A_1162 : f32 to vector<16xf32>
        %mul3A_1164 = arith.mulf %get3A_1161, %mul3A_1163 : vector<16xf32>
        %add3A_1165 = arith.addf %mul3A_1164, %get3A_942 : vector<16xf32>
        %scatter3A_1166 = arith.constant 0 : i32
        %scatter3A_1167 = arith.constant 0 : i32
        %scatter3A_1168 = arith.constant 0 : i32
        %scatter3A_1169 = tpu.memref_slice %arg9[%scan3A_950, %scatter3A_1166, %scatter3A_1167, %scatter3A_1168] : memref<5x8x8x129xf32, #tpu.memory_space<vmem>> -> memref<1x8x8x129xf32, #tpu.memory_space<vmem>>
        %scatter3A_1170 = tpu.memref_squeeze %scatter3A_1169 : memref<1x8x8x129xf32, #tpu.memory_space<vmem>> -> memref<8x8x129xf32, #tpu.memory_space<vmem>>
        tpu.vector_store_idx %scatter3A_1170[%select_n3A_86, %select_n3A_202, %broadcast_in_dim3A], %add3A_1165 : memref<8x8x129xf32, #tpu.memory_space<vmem>>[vector<16xi32>, vector<16xi32>, vector<16xi32>], vector<16xf32>,
        %get3A_1171 = arith.constant 3 : i32
        %get3A_1172 = arith.index_cast %get3A_1171 : i32 to index
        %get3A_1173 = arith.index_cast %scan3A_1143 : i32 to index
        %get3A_1174 = arith.constant 32 : index
        %get3A_1175 = tpu.vector_load %arg8[%get3A_1172, %get3A_1173, %get3A_1174] {strides = array<i32>} : memref<5x128x64xf32, #tpu.memory_space<vmem>>, vector<16xf32>,
        %mul3A_1176 = arith.constant 8.000000e+00 : f32
        %mul3A_1177 = vector.broadcast %mul3A_1176 : f32 to vector<16xf32>
        %mul3A_1178 = arith.mulf %get3A_1175, %mul3A_1177 : vector<16xf32>
        %add3A_1179 = arith.addf %mul3A_1178, %get3A_945 : vector<16xf32>
        %scatter3A_1180 = arith.constant 0 : i32
        %scatter3A_1181 = arith.constant 0 : i32
        %scatter3A_1182 = arith.constant 0 : i32
        %scatter3A_1183 = tpu.memref_slice %arg9[%scan3A_950, %scatter3A_1180, %scatter3A_1181, %scatter3A_1182] : memref<5x8x8x129xf32, #tpu.memory_space<vmem>> -> memref<1x8x8x129xf32, #tpu.memory_space<vmem>>
        %scatter3A_1184 = tpu.memref_squeeze %scatter3A_1183 : memref<1x8x8x129xf32, #tpu.memory_space<vmem>> -> memref<8x8x129xf32, #tpu.memory_space<vmem>>
        tpu.vector_store_idx %scatter3A_1184[%select_n3A_120, %select_n3A_227, %broadcast_in_dim3A], %add3A_1179 : memref<8x8x129xf32, #tpu.memory_space<vmem>>[vector<16xi32>, vector<16xi32>, vector<16xi32>], vector<16xf32>,
        %get3A_1185 = arith.constant 3 : i32
        %get3A_1186 = arith.index_cast %get3A_1185 : i32 to index
        %get3A_1187 = arith.index_cast %scan3A_1143 : i32 to index
        %get3A_1188 = arith.constant 48 : index
        %get3A_1189 = tpu.vector_load %arg8[%get3A_1186, %get3A_1187, %get3A_1188] {strides = array<i32>} : memref<5x128x64xf32, #tpu.memory_space<vmem>>, vector<16xf32>,
        %mul3A_1190 = arith.constant 8.000000e+00 : f32
        %mul3A_1191 = vector.broadcast %mul3A_1190 : f32 to vector<16xf32>
        %mul3A_1192 = arith.mulf %get3A_1189, %mul3A_1191 : vector<16xf32>
        %add3A_1193 = arith.addf %mul3A_1192, %get3A_948 : vector<16xf32>
        %scatter3A_1194 = arith.constant 0 : i32
        %scatter3A_1195 = arith.constant 0 : i32
        %scatter3A_1196 = arith.constant 0 : i32
        %scatter3A_1197 = tpu.memref_slice %arg9[%scan3A_950, %scatter3A_1194, %scatter3A_1195, %scatter3A_1196] : memref<5x8x8x129xf32, #tpu.memory_space<vmem>> -> memref<1x8x8x129xf32, #tpu.memory_space<vmem>>
        %scatter3A_1198 = tpu.memref_squeeze %scatter3A_1197 : memref<1x8x8x129xf32, #tpu.memory_space<vmem>> -> memref<8x8x129xf32, #tpu.memory_space<vmem>>
        tpu.vector_store_idx %scatter3A_1198[%select_n3A_154, %select_n3A_252, %broadcast_in_dim3A], %add3A_1193 : memref<8x8x129xf32, #tpu.memory_space<vmem>>[vector<16xi32>, vector<16xi32>, vector<16xi32>], vector<16xf32>,
        %scan3A_1199 = arith.constant 1 : i32
        %scan3A_1200 = arith.addi %scan3A_1143, %scan3A_1199 : i32
        %broadcast_in_dim3A_1201 = vector.broadcast %scan3A_1200 : i32 to vector<16xi32>
        %get3A_1202 = arith.constant 3 : i32
        %get3A_1203 = arith.index_cast %get3A_1202 : i32 to index
        %get3A_1204 = arith.index_cast %scan3A_1200 : i32 to index
        %get3A_1205 = arith.constant 0 : index
        %get3A_1206 = tpu.vector_load %arg8[%get3A_1203, %get3A_1204, %get3A_1205] {strides = array<i32>} : memref<5x128x64xf32, #tpu.memory_space<vmem>>, vector<16xf32>,
        %mul3A_1207 = arith.constant 8.000000e+00 : f32
        %mul3A_1208 = vector.broadcast %mul3A_1207 : f32 to vector<16xf32>
        %mul3A_1209 = arith.mulf %get3A_1206, %mul3A_1208 : vector<16xf32>
        %add3A_1210 = arith.addf %mul3A_1209, %get3A_939 : vector<16xf32>
        %scatter3A_1211 = arith.constant 0 : i32
        %scatter3A_1212 = arith.constant 0 : i32
        %scatter3A_1213 = arith.constant 0 : i32
        %scatter3A_1214 = tpu.memref_slice %arg9[%scan3A_950, %scatter3A_1211, %scatter3A_1212, %scatter3A_1213] : memref<5x8x8x129xf32, #tpu.memory_space<vmem>> -> memref<1x8x8x129xf32, #tpu.memory_space<vmem>>
        %scatter3A_1215 = tpu.memref_squeeze %scatter3A_1214 : memref<1x8x8x129xf32, #tpu.memory_space<vmem>> -> memref<8x8x129xf32, #tpu.memory_space<vmem>>
        tpu.vector_store_idx %scatter3A_1215[%select_n3A, %select_n3A_177, %broadcast_in_dim3A_1201], %add3A_1210 : memref<8x8x129xf32, #tpu.memory_space<vmem>>[vector<16xi32>, vector<16xi32>, vector<16xi32>], vector<16xf32>,
        %get3A_1216 = arith.constant 3 : i32
        %get3A_1217 = arith.index_cast %get3A_1216 : i32 to index
        %get3A_1218 = arith.index_cast %scan3A_1200 : i32 to index
        %get3A_1219 = arith.constant 16 : index
        %get3A_1220 = tpu.vector_load %arg8[%get3A_1217, %get3A_1218, %get3A_1219] {strides = array<i32>} : memref<5x128x64xf32, #tpu.memory_space<vmem>>, vector<16xf32>,
        %mul3A_1221 = arith.constant 8.000000e+00 : f32
        %mul3A_1222 = vector.broadcast %mul3A_1221 : f32 to vector<16xf32>
        %mul3A_1223 = arith.mulf %get3A_1220, %mul3A_1222 : vector<16xf32>
        %add3A_1224 = arith.addf %mul3A_1223, %get3A_942 : vector<16xf32>
        %scatter3A_1225 = arith.constant 0 : i32
        %scatter3A_1226 = arith.constant 0 : i32
        %scatter3A_1227 = arith.constant 0 : i32
        %scatter3A_1228 = tpu.memref_slice %arg9[%scan3A_950, %scatter3A_1225, %scatter3A_1226, %scatter3A_1227] : memref<5x8x8x129xf32, #tpu.memory_space<vmem>> -> memref<1x8x8x129xf32, #tpu.memory_space<vmem>>
        %scatter3A_1229 = tpu.memref_squeeze %scatter3A_1228 : memref<1x8x8x129xf32, #tpu.memory_space<vmem>> -> memref<8x8x129xf32, #tpu.memory_space<vmem>>
        tpu.vector_store_idx %scatter3A_1229[%select_n3A_86, %select_n3A_202, %broadcast_in_dim3A_1201], %add3A_1224 : memref<8x8x129xf32, #tpu.memory_space<vmem>>[vector<16xi32>, vector<16xi32>, vector<16xi32>], vector<16xf32>,
        %get3A_1230 = arith.constant 3 : i32
        %get3A_1231 = arith.index_cast %get3A_1230 : i32 to index
        %get3A_1232 = arith.index_cast %scan3A_1200 : i32 to index
        %get3A_1233 = arith.constant 32 : index
        %get3A_1234 = tpu.vector_load %arg8[%get3A_1231, %get3A_1232, %get3A_1233] {strides = array<i32>} : memref<5x128x64xf32, #tpu.memory_space<vmem>>, vector<16xf32>,
        %mul3A_1235 = arith.constant 8.000000e+00 : f32
        %mul3A_1236 = vector.broadcast %mul3A_1235 : f32 to vector<16xf32>
        %mul3A_1237 = arith.mulf %get3A_1234, %mul3A_1236 : vector<16xf32>
        %add3A_1238 = arith.addf %mul3A_1237, %get3A_945 : vector<16xf32>
        %scatter3A_1239 = arith.constant 0 : i32
        %scatter3A_1240 = arith.constant 0 : i32
        %scatter3A_1241 = arith.constant 0 : i32
        %scatter3A_1242 = tpu.memref_slice %arg9[%scan3A_950, %scatter3A_1239, %scatter3A_1240, %scatter3A_1241] : memref<5x8x8x129xf32, #tpu.memory_space<vmem>> -> memref<1x8x8x129xf32, #tpu.memory_space<vmem>>
        %scatter3A_1243 = tpu.memref_squeeze %scatter3A_1242 : memref<1x8x8x129xf32, #tpu.memory_space<vmem>> -> memref<8x8x129xf32, #tpu.memory_space<vmem>>
        tpu.vector_store_idx %scatter3A_1243[%select_n3A_120, %select_n3A_227, %broadcast_in_dim3A_1201], %add3A_1238 : memref<8x8x129xf32, #tpu.memory_space<vmem>>[vector<16xi32>, vector<16xi32>, vector<16xi32>], vector<16xf32>,
        %get3A_1244 = arith.constant 3 : i32
        %get3A_1245 = arith.index_cast %get3A_1244 : i32 to index
        %get3A_1246 = arith.index_cast %scan3A_1200 : i32 to index
        %get3A_1247 = arith.constant 48 : index
        %get3A_1248 = tpu.vector_load %arg8[%get3A_1245, %get3A_1246, %get3A_1247] {strides = array<i32>} : memref<5x128x64xf32, #tpu.memory_space<vmem>>, vector<16xf32>,
        %mul3A_1249 = arith.constant 8.000000e+00 : f32
        %mul3A_1250 = vector.broadcast %mul3A_1249 : f32 to vector<16xf32>
        %mul3A_1251 = arith.mulf %get3A_1248, %mul3A_1250 : vector<16xf32>
        %add3A_1252 = arith.addf %mul3A_1251, %get3A_948 : vector<16xf32>
        %scatter3A_1253 = arith.constant 0 : i32
        %scatter3A_1254 = arith.constant 0 : i32
        %scatter3A_1255 = arith.constant 0 : i32
        %scatter3A_1256 = tpu.memref_slice %arg9[%scan3A_950, %scatter3A_1253, %scatter3A_1254, %scatter3A_1255] : memref<5x8x8x129xf32, #tpu.memory_space<vmem>> -> memref<1x8x8x129xf32, #tpu.memory_space<vmem>>
        %scatter3A_1257 = tpu.memref_squeeze %scatter3A_1256 : memref<1x8x8x129xf32, #tpu.memory_space<vmem>> -> memref<8x8x129xf32, #tpu.memory_space<vmem>>
        tpu.vector_store_idx %scatter3A_1257[%select_n3A_154, %select_n3A_252, %broadcast_in_dim3A_1201], %add3A_1252 : memref<8x8x129xf32, #tpu.memory_space<vmem>>[vector<16xi32>, vector<16xi32>, vector<16xi32>], vector<16xf32>,
        %scan3A_1258 = arith.constant 2 : i32
        %scan3A_1259 = arith.addi %scan3A_1143, %scan3A_1258 : i32
        %broadcast_in_dim3A_1260 = vector.broadcast %scan3A_1259 : i32 to vector<16xi32>
        %get3A_1261 = arith.constant 3 : i32
        %get3A_1262 = arith.index_cast %get3A_1261 : i32 to index
        %get3A_1263 = arith.index_cast %scan3A_1259 : i32 to index
        %get3A_1264 = arith.constant 0 : index
        %get3A_1265 = tpu.vector_load %arg8[%get3A_1262, %get3A_1263, %get3A_1264] {strides = array<i32>} : memref<5x128x64xf32, #tpu.memory_space<vmem>>, vector<16xf32>,
        %mul3A_1266 = arith.constant 8.000000e+00 : f32
        %mul3A_1267 = vector.broadcast %mul3A_1266 : f32 to vector<16xf32>
        %mul3A_1268 = arith.mulf %get3A_1265, %mul3A_1267 : vector<16xf32>
        %add3A_1269 = arith.addf %mul3A_1268, %get3A_939 : vector<16xf32>
        %scatter3A_1270 = arith.constant 0 : i32
        %scatter3A_1271 = arith.constant 0 : i32
        %scatter3A_1272 = arith.constant 0 : i32
        %scatter3A_1273 = tpu.memref_slice %arg9[%scan3A_950, %scatter3A_1270, %scatter3A_1271, %scatter3A_1272] : memref<5x8x8x129xf32, #tpu.memory_space<vmem>> -> memref<1x8x8x129xf32, #tpu.memory_space<vmem>>
        %scatter3A_1274 = tpu.memref_squeeze %scatter3A_1273 : memref<1x8x8x129xf32, #tpu.memory_space<vmem>> -> memref<8x8x129xf32, #tpu.memory_space<vmem>>
        tpu.vector_store_idx %scatter3A_1274[%select_n3A, %select_n3A_177, %broadcast_in_dim3A_1260], %add3A_1269 : memref<8x8x129xf32, #tpu.memory_space<vmem>>[vector<16xi32>, vector<16xi32>, vector<16xi32>], vector<16xf32>,
        %get3A_1275 = arith.constant 3 : i32
        %get3A_1276 = arith.index_cast %get3A_1275 : i32 to index
        %get3A_1277 = arith.index_cast %scan3A_1259 : i32 to index
        %get3A_1278 = arith.constant 16 : index
        %get3A_1279 = tpu.vector_load %arg8[%get3A_1276, %get3A_1277, %get3A_1278] {strides = array<i32>} : memref<5x128x64xf32, #tpu.memory_space<vmem>>, vector<16xf32>,
        %mul3A_1280 = arith.constant 8.000000e+00 : f32
        %mul3A_1281 = vector.broadcast %mul3A_1280 : f32 to vector<16xf32>
        %mul3A_1282 = arith.mulf %get3A_1279, %mul3A_1281 : vector<16xf32>
        %add3A_1283 = arith.addf %mul3A_1282, %get3A_942 : vector<16xf32>
        %scatter3A_1284 = arith.constant 0 : i32
        %scatter3A_1285 = arith.constant 0 : i32
        %scatter3A_1286 = arith.constant 0 : i32
        %scatter3A_1287 = tpu.memref_slice %arg9[%scan3A_950, %scatter3A_1284, %scatter3A_1285, %scatter3A_1286] : memref<5x8x8x129xf32, #tpu.memory_space<vmem>> -> memref<1x8x8x129xf32, #tpu.memory_space<vmem>>
        %scatter3A_1288 = tpu.memref_squeeze %scatter3A_1287 : memref<1x8x8x129xf32, #tpu.memory_space<vmem>> -> memref<8x8x129xf32, #tpu.memory_space<vmem>>
        tpu.vector_store_idx %scatter3A_1288[%select_n3A_86, %select_n3A_202, %broadcast_in_dim3A_1260], %add3A_1283 : memref<8x8x129xf32, #tpu.memory_space<vmem>>[vector<16xi32>, vector<16xi32>, vector<16xi32>], vector<16xf32>,
        %get3A_1289 = arith.constant 3 : i32
        %get3A_1290 = arith.index_cast %get3A_1289 : i32 to index
        %get3A_1291 = arith.index_cast %scan3A_1259 : i32 to index
        %get3A_1292 = arith.constant 32 : index
        %get3A_1293 = tpu.vector_load %arg8[%get3A_1290, %get3A_1291, %get3A_1292] {strides = array<i32>} : memref<5x128x64xf32, #tpu.memory_space<vmem>>, vector<16xf32>,
        %mul3A_1294 = arith.constant 8.000000e+00 : f32
        %mul3A_1295 = vector.broadcast %mul3A_1294 : f32 to vector<16xf32>
        %mul3A_1296 = arith.mulf %get3A_1293, %mul3A_1295 : vector<16xf32>
        %add3A_1297 = arith.addf %mul3A_1296, %get3A_945 : vector<16xf32>
        %scatter3A_1298 = arith.constant 0 : i32
        %scatter3A_1299 = arith.constant 0 : i32
        %scatter3A_1300 = arith.constant 0 : i32
        %scatter3A_1301 = tpu.memref_slice %arg9[%scan3A_950, %scatter3A_1298, %scatter3A_1299, %scatter3A_1300] : memref<5x8x8x129xf32, #tpu.memory_space<vmem>> -> memref<1x8x8x129xf32, #tpu.memory_space<vmem>>
        %scatter3A_1302 = tpu.memref_squeeze %scatter3A_1301 : memref<1x8x8x129xf32, #tpu.memory_space<vmem>> -> memref<8x8x129xf32, #tpu.memory_space<vmem>>
        tpu.vector_store_idx %scatter3A_1302[%select_n3A_120, %select_n3A_227, %broadcast_in_dim3A_1260], %add3A_1297 : memref<8x8x129xf32, #tpu.memory_space<vmem>>[vector<16xi32>, vector<16xi32>, vector<16xi32>], vector<16xf32>,
        %get3A_1303 = arith.constant 3 : i32
        %get3A_1304 = arith.index_cast %get3A_1303 : i32 to index
        %get3A_1305 = arith.index_cast %scan3A_1259 : i32 to index
        %get3A_1306 = arith.constant 48 : index
        %get3A_1307 = tpu.vector_load %arg8[%get3A_1304, %get3A_1305, %get3A_1306] {strides = array<i32>} : memref<5x128x64xf32, #tpu.memory_space<vmem>>, vector<16xf32>,
        %mul3A_1308 = arith.constant 8.000000e+00 : f32
        %mul3A_1309 = vector.broadcast %mul3A_1308 : f32 to vector<16xf32>
        %mul3A_1310 = arith.mulf %get3A_1307, %mul3A_1309 : vector<16xf32>
        %add3A_1311 = arith.addf %mul3A_1310, %get3A_948 : vector<16xf32>
        %scatter3A_1312 = arith.constant 0 : i32
        %scatter3A_1313 = arith.constant 0 : i32
        %scatter3A_1314 = arith.constant 0 : i32
        %scatter3A_1315 = tpu.memref_slice %arg9[%scan3A_950, %scatter3A_1312, %scatter3A_1313, %scatter3A_1314] : memref<5x8x8x129xf32, #tpu.memory_space<vmem>> -> memref<1x8x8x129xf32, #tpu.memory_space<vmem>>
        %scatter3A_1316 = tpu.memref_squeeze %scatter3A_1315 : memref<1x8x8x129xf32, #tpu.memory_space<vmem>> -> memref<8x8x129xf32, #tpu.memory_space<vmem>>
        tpu.vector_store_idx %scatter3A_1316[%select_n3A_154, %select_n3A_252, %broadcast_in_dim3A_1260], %add3A_1311 : memref<8x8x129xf32, #tpu.memory_space<vmem>>[vector<16xi32>, vector<16xi32>, vector<16xi32>], vector<16xf32>,
        %scan3A_1317 = arith.constant 3 : i32
        %scan3A_1318 = arith.addi %scan3A_1143, %scan3A_1317 : i32
        %broadcast_in_dim3A_1319 = vector.broadcast %scan3A_1318 : i32 to vector<16xi32>
        %get3A_1320 = arith.constant 3 : i32
        %get3A_1321 = arith.index_cast %get3A_1320 : i32 to index
        %get3A_1322 = arith.index_cast %scan3A_1318 : i32 to index
        %get3A_1323 = arith.constant 0 : index
        %get3A_1324 = tpu.vector_load %arg8[%get3A_1321, %get3A_1322, %get3A_1323] {strides = array<i32>} : memref<5x128x64xf32, #tpu.memory_space<vmem>>, vector<16xf32>,
        %mul3A_1325 = arith.constant 8.000000e+00 : f32
        %mul3A_1326 = vector.broadcast %mul3A_1325 : f32 to vector<16xf32>
        %mul3A_1327 = arith.mulf %get3A_1324, %mul3A_1326 : vector<16xf32>
        %add3A_1328 = arith.addf %mul3A_1327, %get3A_939 : vector<16xf32>
        %scatter3A_1329 = arith.constant 0 : i32
        %scatter3A_1330 = arith.constant 0 : i32
        %scatter3A_1331 = arith.constant 0 : i32
        %scatter3A_1332 = tpu.memref_slice %arg9[%scan3A_950, %scatter3A_1329, %scatter3A_1330, %scatter3A_1331] : memref<5x8x8x129xf32, #tpu.memory_space<vmem>> -> memref<1x8x8x129xf32, #tpu.memory_space<vmem>>
        %scatter3A_1333 = tpu.memref_squeeze %scatter3A_1332 : memref<1x8x8x129xf32, #tpu.memory_space<vmem>> -> memref<8x8x129xf32, #tpu.memory_space<vmem>>
        tpu.vector_store_idx %scatter3A_1333[%select_n3A, %select_n3A_177, %broadcast_in_dim3A_1319], %add3A_1328 : memref<8x8x129xf32, #tpu.memory_space<vmem>>[vector<16xi32>, vector<16xi32>, vector<16xi32>], vector<16xf32>,
        %get3A_1334 = arith.constant 3 : i32
        %get3A_1335 = arith.index_cast %get3A_1334 : i32 to index
        %get3A_1336 = arith.index_cast %scan3A_1318 : i32 to index
        %get3A_1337 = arith.constant 16 : index
        %get3A_1338 = tpu.vector_load %arg8[%get3A_1335, %get3A_1336, %get3A_1337] {strides = array<i32>} : memref<5x128x64xf32, #tpu.memory_space<vmem>>, vector<16xf32>,
        %mul3A_1339 = arith.constant 8.000000e+00 : f32
        %mul3A_1340 = vector.broadcast %mul3A_1339 : f32 to vector<16xf32>
        %mul3A_1341 = arith.mulf %get3A_1338, %mul3A_1340 : vector<16xf32>
        %add3A_1342 = arith.addf %mul3A_1341, %get3A_942 : vector<16xf32>
        %scatter3A_1343 = arith.constant 0 : i32
        %scatter3A_1344 = arith.constant 0 : i32
        %scatter3A_1345 = arith.constant 0 : i32
        %scatter3A_1346 = tpu.memref_slice %arg9[%scan3A_950, %scatter3A_1343, %scatter3A_1344, %scatter3A_1345] : memref<5x8x8x129xf32, #tpu.memory_space<vmem>> -> memref<1x8x8x129xf32, #tpu.memory_space<vmem>>
        %scatter3A_1347 = tpu.memref_squeeze %scatter3A_1346 : memref<1x8x8x129xf32, #tpu.memory_space<vmem>> -> memref<8x8x129xf32, #tpu.memory_space<vmem>>
        tpu.vector_store_idx %scatter3A_1347[%select_n3A_86, %select_n3A_202, %broadcast_in_dim3A_1319], %add3A_1342 : memref<8x8x129xf32, #tpu.memory_space<vmem>>[vector<16xi32>, vector<16xi32>, vector<16xi32>], vector<16xf32>,
        %get3A_1348 = arith.constant 3 : i32
        %get3A_1349 = arith.index_cast %get3A_1348 : i32 to index
        %get3A_1350 = arith.index_cast %scan3A_1318 : i32 to index
        %get3A_1351 = arith.constant 32 : index
        %get3A_1352 = tpu.vector_load %arg8[%get3A_1349, %get3A_1350, %get3A_1351] {strides = array<i32>} : memref<5x128x64xf32, #tpu.memory_space<vmem>>, vector<16xf32>,
        %mul3A_1353 = arith.constant 8.000000e+00 : f32
        %mul3A_1354 = vector.broadcast %mul3A_1353 : f32 to vector<16xf32>
        %mul3A_1355 = arith.mulf %get3A_1352, %mul3A_1354 : vector<16xf32>
        %add3A_1356 = arith.addf %mul3A_1355, %get3A_945 : vector<16xf32>
        %scatter3A_1357 = arith.constant 0 : i32
        %scatter3A_1358 = arith.constant 0 : i32
        %scatter3A_1359 = arith.constant 0 : i32
        %scatter3A_1360 = tpu.memref_slice %arg9[%scan3A_950, %scatter3A_1357, %scatter3A_1358, %scatter3A_1359] : memref<5x8x8x129xf32, #tpu.memory_space<vmem>> -> memref<1x8x8x129xf32, #tpu.memory_space<vmem>>
        %scatter3A_1361 = tpu.memref_squeeze %scatter3A_1360 : memref<1x8x8x129xf32, #tpu.memory_space<vmem>> -> memref<8x8x129xf32, #tpu.memory_space<vmem>>
        tpu.vector_store_idx %scatter3A_1361[%select_n3A_120, %select_n3A_227, %broadcast_in_dim3A_1319], %add3A_1356 : memref<8x8x129xf32, #tpu.memory_space<vmem>>[vector<16xi32>, vector<16xi32>, vector<16xi32>], vector<16xf32>,
        %get3A_1362 = arith.constant 3 : i32
        %get3A_1363 = arith.index_cast %get3A_1362 : i32 to index
        %get3A_1364 = arith.index_cast %scan3A_1318 : i32 to index
        %get3A_1365 = arith.constant 48 : index
        %get3A_1366 = tpu.vector_load %arg8[%get3A_1363, %get3A_1364, %get3A_1365] {strides = array<i32>} : memref<5x128x64xf32, #tpu.memory_space<vmem>>, vector<16xf32>,
        %mul3A_1367 = arith.constant 8.000000e+00 : f32
        %mul3A_1368 = vector.broadcast %mul3A_1367 : f32 to vector<16xf32>
        %mul3A_1369 = arith.mulf %get3A_1366, %mul3A_1368 : vector<16xf32>
        %add3A_1370 = arith.addf %mul3A_1369, %get3A_948 : vector<16xf32>
        %scatter3A_1371 = arith.constant 0 : i32
        %scatter3A_1372 = arith.constant 0 : i32
        %scatter3A_1373 = arith.constant 0 : i32
        %scatter3A_1374 = tpu.memref_slice %arg9[%scan3A_950, %scatter3A_1371, %scatter3A_1372, %scatter3A_1373] : memref<5x8x8x129xf32, #tpu.memory_space<vmem>> -> memref<1x8x8x129xf32, #tpu.memory_space<vmem>>
        %scatter3A_1375 = tpu.memref_squeeze %scatter3A_1374 : memref<1x8x8x129xf32, #tpu.memory_space<vmem>> -> memref<8x8x129xf32, #tpu.memory_space<vmem>>
        tpu.vector_store_idx %scatter3A_1375[%select_n3A_154, %select_n3A_252, %broadcast_in_dim3A_1319], %add3A_1370 : memref<8x8x129xf32, #tpu.memory_space<vmem>>[vector<16xi32>, vector<16xi32>, vector<16xi32>], vector<16xf32>,
      }
      %scan3A_955 = arith.constant 128 : i32
      %dma_start3A_956 = arith.constant 3 : i32
      %dma_start3A_957 = arith.constant 0 : i32
      %dma_start3A_958 = arith.constant 0 : i32
      %dma_start3A_959 = arith.constant 0 : i32
      %dma_start3A_960 = tpu.memref_slice %arg9[%dma_start3A_956, %dma_start3A_957, %dma_start3A_958, %dma_start3A_959] : memref<5x8x8x129xf32, #tpu.memory_space<vmem>> -> memref<1x8x8x129xf32, #tpu.memory_space<vmem>>
      %dma_start3A_961 = tpu.memref_squeeze %dma_start3A_960 : memref<1x8x8x129xf32, #tpu.memory_space<vmem>> -> memref<8x8x129xf32, #tpu.memory_space<vmem>>
      %dma_start3A_962 = arith.constant 0 : i32
      %dma_start3A_963 = arith.constant 0 : i32
      %dma_start3A_964 = arith.constant 0 : i32
      %dma_start3A_965 = tpu.memref_slice %dma_start3A_961[%dma_start3A_962, %dma_start3A_963, %dma_start3A_964] : memref<8x8x129xf32, #tpu.memory_space<vmem>> -> memref<8x8x128xf32, #tpu.memory_space<vmem>>
      %dma_start3A_966 = arith.constant 0 : i32
      %dma_start3A_967 = arith.constant 0 : i32
      %dma_start3A_968 = arith.constant 0 : i32
      %dma_start3A_969 = tpu.memref_slice %arg5[%add3A_896, %dma_start3A_966, %select_n3A_936, %dma_start3A_967, %dma_start3A_968] : memref<200x8x8x8x128xf32, #tpu.memory_space<hbm>> -> memref<1x8x1x8x128xf32, #tpu.memory_space<hbm>>
      %dma_start3A_970 = tpu.memref_squeeze %dma_start3A_969 : memref<1x8x1x8x128xf32, #tpu.memory_space<hbm>> -> memref<8x8x128xf32, #tpu.memory_space<hbm>>
      %dma_start3A_971 = arith.constant 0 : i32
      %dma_start3A_972 = arith.constant 0 : i32
      %dma_start3A_973 = arith.constant 0 : i32
      %dma_start3A_974 = tpu.memref_slice %arg5[%add3A_896, %dma_start3A_971, %select_n3A_936, %dma_start3A_972, %dma_start3A_973] : memref<200x8x8x8x128xf32, #tpu.memory_space<hbm>> -> memref<1x8x1x8x128xf32, #tpu.memory_space<hbm>>
      %dma_start3A_975 = tpu.memref_squeeze %dma_start3A_974 : memref<1x8x1x8x128xf32, #tpu.memory_space<hbm>> -> memref<8x8x128xf32, #tpu.memory_space<hbm>>
      %dma_start3A_976 = arith.constant 0 : i32
      %dma_start3A_977 = arith.constant 0 : i32
      %dma_start3A_978 = arith.constant 0 : i32
      %dma_start3A_979 = tpu.memref_slice %arg9[%dma_start3A_956, %dma_start3A_976, %dma_start3A_977, %dma_start3A_978] : memref<5x8x8x129xf32, #tpu.memory_space<vmem>> -> memref<1x8x8x129xf32, #tpu.memory_space<vmem>>
      %dma_start3A_980 = tpu.memref_squeeze %dma_start3A_979 : memref<1x8x8x129xf32, #tpu.memory_space<vmem>> -> memref<8x8x129xf32, #tpu.memory_space<vmem>>
      %dma_start3A_981 = arith.constant 0 : i32
      %dma_start3A_982 = arith.constant 0 : i32
      %dma_start3A_983 = arith.constant 0 : i32
      %dma_start3A_984 = tpu.memref_slice %dma_start3A_980[%dma_start3A_981, %dma_start3A_982, %dma_start3A_983] : memref<8x8x129xf32, #tpu.memory_space<vmem>> -> memref<8x8x128xf32, #tpu.memory_space<vmem>>
      tpu.enqueue_dma source(%dma_start3A_984 : memref<8x8x128xf32, #tpu.memory_space<vmem>>) target(%dma_start3A_975 : memref<8x8x128xf32, #tpu.memory_space<hbm>>) target_semaphore(%arg18 : memref<!tpu.dma_semaphore, #tpu.memory_space<semaphore_mem>>)
      %mul3A_985 = arith.constant 5 : i32
      %mul3A_986 = arith.muli %scan3A_355, %mul3A_985 : i32
      %add3A_987 = arith.constant 4 : i32
      %add3A_988 = arith.addi %mul3A_986, %add3A_987 : i32
      %add3A_989 = arith.constant 2 : i32
      %add3A_990 = arith.addi %add3A_988, %add3A_989 : i32
      %lt3A_991 = arith.constant 50 : i32
      %lt3A_992 = arith.cmpi slt, %add3A_990, %lt3A_991 : i32
      %convert_element_type3A_993 = arith.extui %lt3A_992 : i1 to i32
      %cond3A_994 = arith.constant 0 : i32
      %cond3A_995 = arith.cmpi ne, %convert_element_type3A_993, %cond3A_994 : i32
      scf.if %cond3A_995 {
        %add3A_1143 = arith.constant 2 : i32
        %add3A_1144 = arith.addi %add3A_988, %add3A_1143 : i32
        %ge3A = arith.constant 5 : i32
        %ge3A_1145 = arith.cmpi sge, %add3A_1144, %ge3A : i32
        %convert_element_type3A_1146 = arith.extui %ge3A_1145 : i1 to i32
        %cond3A_1147 = arith.constant 0 : i32
        %cond3A_1148 = arith.cmpi ne, %convert_element_type3A_1146, %cond3A_1147 : i32
        scf.if %cond3A_1148 {
          %dma_wait3A_1162 = arith.constant 1 : i32
          %dma_wait3A_1163 = arith.constant 0 : i32
          %dma_wait3A_1164 = arith.constant 0 : i32
          %dma_wait3A_1165 = tpu.memref_slice %arg8[%dma_wait3A_1162, %dma_wait3A_1163, %dma_wait3A_1164] : memref<5x128x64xf32, #tpu.memory_space<vmem>> -> memref<1x128x64xf32, #tpu.memory_space<vmem>>
          %dma_wait3A_1166 = tpu.memref_squeeze %dma_wait3A_1165 : memref<1x128x64xf32, #tpu.memory_space<vmem>> -> memref<128x64xf32, #tpu.memory_space<vmem>>
          %dma_wait3A_1167 = arith.constant 0 : i32
          %dma_wait3A_1168 = arith.constant 0 : i32
          %dma_wait3A_1169 = tpu.memref_slice %arg4[%dma_wait3A_1167, %dma_wait3A_1168] : memref<1000000x64xf32, #tpu.memory_space<hbm>> -> memref<128x64xf32, #tpu.memory_space<hbm>>
          %dma_wait3A_1170 = arith.constant 0 : i32
          %dma_wait3A_1171 = arith.constant 0 : i32
          %dma_wait3A_1172 = tpu.memref_slice %arg8[%dma_wait3A_1162, %dma_wait3A_1170, %dma_wait3A_1171] : memref<5x128x64xf32, #tpu.memory_space<vmem>> -> memref<1x128x64xf32, #tpu.memory_space<vmem>>
          %dma_wait3A_1173 = tpu.memref_squeeze %dma_wait3A_1172 : memref<1x128x64xf32, #tpu.memory_space<vmem>> -> memref<128x64xf32, #tpu.memory_space<vmem>>
          %dma_wait3A_1174 = arith.constant 0 : i32
          %dma_wait3A_1175 = arith.constant 0 : i32
          %dma_wait3A_1176 = tpu.memref_slice %arg4[%dma_wait3A_1174, %dma_wait3A_1175] : memref<1000000x64xf32, #tpu.memory_space<hbm>> -> memref<128x64xf32, #tpu.memory_space<hbm>>
          tpu.wait_dma2 semaphore(%arg16 : memref<!tpu.dma_semaphore, #tpu.memory_space<semaphore_mem>>) src(%dma_wait3A_1176 : memref<128x64xf32, #tpu.memory_space<hbm>>) dst(%dma_wait3A_1173 : memref<128x64xf32, #tpu.memory_space<vmem>>)
        } else {
        }
        %add3A_1149 = arith.constant 2 : i32
        %add3A_1150 = arith.addi %add3A_988, %add3A_1149 : i32
        %dma_start3A_1151 = arith.constant 1 : i32
        %dma_start3A_1152 = arith.constant 0 : i32
        %dma_start3A_1153 = arith.constant 0 : i32
        %dma_start3A_1154 = tpu.memref_slice %arg8[%dma_start3A_1151, %dma_start3A_1152, %dma_start3A_1153] : memref<5x128x64xf32, #tpu.memory_space<vmem>> -> memref<1x128x64xf32, #tpu.memory_space<vmem>>
        %dma_start3A_1155 = tpu.memref_squeeze %dma_start3A_1154 : memref<1x128x64xf32, #tpu.memory_space<vmem>> -> memref<128x64xf32, #tpu.memory_space<vmem>>
        %dma_start3A_1156 = arith.constant 0 : i32
        %dma_start3A_1157 = tpu.memref_slice %arg6[%add3A_1150, %dma_start3A_1156] : memref<50x128xi32, #tpu.memory_space<vmem>> -> memref<1x128xi32, #tpu.memory_space<vmem>>
        %dma_start3A_1158 = tpu.memref_squeeze %dma_start3A_1157 : memref<1x128xi32, #tpu.memory_space<vmem>> -> memref<128xi32, #tpu.memory_space<vmem>>
        %dma_start3A_1159 = arith.constant 0 : i32
        %dma_start3A_1160 = arith.constant 0 : i32
        %dma_start3A_1161 = tpu.memref_slice %arg4[%dma_start3A_1159, %dma_start3A_1160] : memref<1000000x64xf32, #tpu.memory_space<hbm>> -> memref<1000000x64xf32, #tpu.memory_space<hbm>>
        tpu.enqueue_indirect_dma source(%dma_start3A_1161 : memref<1000000x64xf32, #tpu.memory_space<hbm>>) target(%dma_start3A_1155 : memref<128x64xf32, #tpu.memory_space<vmem>>) offsets(%dma_start3A_1158 : memref<128xi32, #tpu.memory_space<vmem>>) semaphore(%arg11 : memref<!tpu.dma_semaphore, #tpu.memory_space<semaphore_mem>>)
      } else {
      }
      %dma_wait3A_996 = arith.constant 4 : i32
      %dma_wait3A_997 = arith.constant 0 : i32
      %dma_wait3A_998 = arith.constant 0 : i32
      %dma_wait3A_999 = tpu.memref_slice %arg8[%dma_wait3A_996, %dma_wait3A_997, %dma_wait3A_998] : memref<5x128x64xf32, #tpu.memory_space<vmem>> -> memref<1x128x64xf32, #tpu.memory_space<vmem>>
      %dma_wait3A_1000 = tpu.memref_squeeze %dma_wait3A_999 : memref<1x128x64xf32, #tpu.memory_space<vmem>> -> memref<128x64xf32, #tpu.memory_space<vmem>>
      %dma_wait3A_1001 = arith.constant 0 : i32
      %dma_wait3A_1002 = arith.constant 0 : i32
      %dma_wait3A_1003 = tpu.memref_slice %arg4[%dma_wait3A_1001, %dma_wait3A_1002] : memref<1000000x64xf32, #tpu.memory_space<hbm>> -> memref<128x64xf32, #tpu.memory_space<hbm>>
      %dma_wait3A_1004 = arith.constant 0 : i32
      %dma_wait3A_1005 = arith.constant 0 : i32
      %dma_wait3A_1006 = tpu.memref_slice %arg8[%dma_wait3A_996, %dma_wait3A_1004, %dma_wait3A_1005] : memref<5x128x64xf32, #tpu.memory_space<vmem>> -> memref<1x128x64xf32, #tpu.memory_space<vmem>>
      %dma_wait3A_1007 = tpu.memref_squeeze %dma_wait3A_1006 : memref<1x128x64xf32, #tpu.memory_space<vmem>> -> memref<128x64xf32, #tpu.memory_space<vmem>>
      %dma_wait3A_1008 = arith.constant 0 : i32
      %dma_wait3A_1009 = arith.constant 0 : i32
      %dma_wait3A_1010 = tpu.memref_slice %arg4[%dma_wait3A_1008, %dma_wait3A_1009] : memref<1000000x64xf32, #tpu.memory_space<hbm>> -> memref<128x64xf32, #tpu.memory_space<hbm>>
      tpu.wait_dma2 semaphore(%arg14 : memref<!tpu.dma_semaphore, #tpu.memory_space<semaphore_mem>>) src(%dma_wait3A_1010 : memref<128x64xf32, #tpu.memory_space<hbm>>) dst(%dma_wait3A_1007 : memref<128x64xf32, #tpu.memory_space<vmem>>)
      %add3A_1011 = arith.addi %mul3A_2, %add3A_988 : i32
      %jit3A_1012 = arith.constant 64 : i32
      %div3A_1013 = arith.divsi %add3A_1011, %jit3A_1012 : i32
      %sign3A_1014 = arith.constant 0 : i32
      %sign3A_1015 = arith.cmpi sgt, %add3A_1011, %sign3A_1014 : i32
      %sign3A_1016 = arith.extui %sign3A_1015 : i1 to i32
      %sign3A_1017 = arith.constant 0 : i32
      %sign3A_1018 = arith.cmpi slt, %add3A_1011, %sign3A_1017 : i32
      %sign3A_1019 = arith.extui %sign3A_1018 : i1 to i32
      %sign3A_1020 = arith.subi %sign3A_1016, %sign3A_1019 : i32
      %sign3A_1021 = arith.constant 0 : i32
      %sign3A_1022 = arith.cmpi sgt, %jit3A_1012, %sign3A_1021 : i32
      %sign3A_1023 = arith.extui %sign3A_1022 : i1 to i32
      %sign3A_1024 = arith.constant 0 : i32
      %sign3A_1025 = arith.cmpi slt, %jit3A_1012, %sign3A_1024 : i32
      %sign3A_1026 = arith.extui %sign3A_1025 : i1 to i32
      %sign3A_1027 = arith.subi %sign3A_1023, %sign3A_1026 : i32
      %ne3A_1028 = arith.cmpi ne, %sign3A_1020, %sign3A_1027 : i32
      %rem3A_1029 = arith.remsi %add3A_1011, %jit3A_1012 : i32
      %ne3A_1030 = arith.constant 0 : i32
      %ne3A_1031 = arith.cmpi ne, %rem3A_1029, %ne3A_1030 : i32
      %and3A_1032 = arith.andi %ne3A_1028, %ne3A_1031 : i1
      %sub3A_1033 = arith.constant 1 : i32
      %sub3A_1034 = arith.subi %div3A_1013, %sub3A_1033 : i32
      %select_n3A_1035 = arith.select %and3A_1032, %sub3A_1034, %div3A_1013 : i32
      %mul3A_1036 = arith.constant 8 : i32
      %mul3A_1037 = arith.muli %mul3A_1036, %select_n3A_1035 : i32
      %jit3A_1038 = arith.constant 8 : i32
      %eq3A_1039 = arith.constant 0 : i32
      %eq3A_1040 = arith.cmpi eq, %jit3A_1038, %eq3A_1039 : i32
      %jit3A_1041 = arith.constant 1 : i32
      %select_n3A_1042 = arith.select %eq3A_1040, %jit3A_1041, %jit3A_1038 : i32
      %rem3A_1043 = arith.remsi %add3A_1011, %select_n3A_1042 : i32
      %ne3A_1044 = arith.constant 0 : i32
      %ne3A_1045 = arith.cmpi ne, %rem3A_1043, %ne3A_1044 : i32
      %lt3A_1046 = arith.constant 0 : i32
      %lt3A_1047 = arith.cmpi slt, %rem3A_1043, %lt3A_1046 : i32
      %lt3A_1048 = arith.constant 0 : i32
      %lt3A_1049 = arith.cmpi slt, %select_n3A_1042, %lt3A_1048 : i32
      %ne3A_1050 = arith.xori %lt3A_1047, %lt3A_1049 : i1
      %and3A_1051 = arith.andi %ne3A_1050, %ne3A_1045 : i1
      %add3A_1052 = arith.addi %rem3A_1043, %select_n3A_1042 : i32
      %select_n3A_1053 = arith.select %and3A_1051, %add3A_1052, %rem3A_1043 : i32
      %add3A_1054 = arith.addi %mul3A_1037, %select_n3A_1053 : i32
      %jit3A_1055 = arith.constant 8 : i32
      %div3A_1056 = arith.divsi %add3A_1011, %jit3A_1055 : i32
      %sign3A_1057 = arith.constant 0 : i32
      %sign3A_1058 = arith.cmpi sgt, %add3A_1011, %sign3A_1057 : i32
      %sign3A_1059 = arith.extui %sign3A_1058 : i1 to i32
      %sign3A_1060 = arith.constant 0 : i32
      %sign3A_1061 = arith.cmpi slt, %add3A_1011, %sign3A_1060 : i32
      %sign3A_1062 = arith.extui %sign3A_1061 : i1 to i32
      %sign3A_1063 = arith.subi %sign3A_1059, %sign3A_1062 : i32
      %sign3A_1064 = arith.constant 0 : i32
      %sign3A_1065 = arith.cmpi sgt, %jit3A_1055, %sign3A_1064 : i32
      %sign3A_1066 = arith.extui %sign3A_1065 : i1 to i32
      %sign3A_1067 = arith.constant 0 : i32
      %sign3A_1068 = arith.cmpi slt, %jit3A_1055, %sign3A_1067 : i32
      %sign3A_1069 = arith.extui %sign3A_1068 : i1 to i32
      %sign3A_1070 = arith.subi %sign3A_1066, %sign3A_1069 : i32
      %ne3A_1071 = arith.cmpi ne, %sign3A_1063, %sign3A_1070 : i32
      %rem3A_1072 = arith.remsi %add3A_1011, %jit3A_1055 : i32
      %ne3A_1073 = arith.constant 0 : i32
      %ne3A_1074 = arith.cmpi ne, %rem3A_1072, %ne3A_1073 : i32
      %and3A_1075 = arith.andi %ne3A_1071, %ne3A_1074 : i1
      %sub3A_1076 = arith.constant 1 : i32
      %sub3A_1077 = arith.subi %div3A_1056, %sub3A_1076 : i32
      %select_n3A_1078 = arith.select %and3A_1075, %sub3A_1077, %div3A_1056 : i32
      %jit3A_1079 = arith.constant 8 : i32
      %eq3A_1080 = arith.constant 0 : i32
      %eq3A_1081 = arith.cmpi eq, %jit3A_1079, %eq3A_1080 : i32
      %jit3A_1082 = arith.constant 1 : i32
      %select_n3A_1083 = arith.select %eq3A_1081, %jit3A_1082, %jit3A_1079 : i32
      %rem3A_1084 = arith.remsi %select_n3A_1078, %select_n3A_1083 : i32
      %ne3A_1085 = arith.constant 0 : i32
      %ne3A_1086 = arith.cmpi ne, %rem3A_1084, %ne3A_1085 : i32
      %lt3A_1087 = arith.constant 0 : i32
      %lt3A_1088 = arith.cmpi slt, %rem3A_1084, %lt3A_1087 : i32
      %lt3A_1089 = arith.constant 0 : i32
      %lt3A_1090 = arith.cmpi slt, %select_n3A_1083, %lt3A_1089 : i32
      %ne3A_1091 = arith.xori %lt3A_1088, %lt3A_1090 : i1
      %and3A_1092 = arith.andi %ne3A_1091, %ne3A_1086 : i1
      %add3A_1093 = arith.addi %rem3A_1084, %select_n3A_1083 : i32
      %select_n3A_1094 = arith.select %and3A_1092, %add3A_1093, %rem3A_1084 : i32
      %get3A_1095 = arith.index_cast %add3A_1054 : i32 to index
      %get3A_1096 = arith.constant 0 : index
      %get3A_1097 = tpu.vector_load %arg7[%get3A_1095, %get3A_1096] {strides = array<i32>} : memref<200x64xf32, #tpu.memory_space<vmem>>, vector<16xf32>,
      %get3A_1098 = arith.index_cast %add3A_1054 : i32 to index
      %get3A_1099 = arith.constant 16 : index
      %get3A_1100 = tpu.vector_load %arg7[%get3A_1098, %get3A_1099] {strides = array<i32>} : memref<200x64xf32, #tpu.memory_space<vmem>>, vector<16xf32>,
      %get3A_1101 = arith.index_cast %add3A_1054 : i32 to index
      %get3A_1102 = arith.constant 32 : index
      %get3A_1103 = tpu.vector_load %arg7[%get3A_1101, %get3A_1102] {strides = array<i32>} : memref<200x64xf32, #tpu.memory_space<vmem>>, vector<16xf32>,
      %get3A_1104 = arith.index_cast %add3A_1054 : i32 to index
      %get3A_1105 = arith.constant 48 : index
      %get3A_1106 = tpu.vector_load %arg7[%get3A_1104, %get3A_1105] {strides = array<i32>} : memref<200x64xf32, #tpu.memory_space<vmem>>, vector<16xf32>,
      %scan3A_1107 = arith.constant 0 : i32
      %scan3A_1108 = arith.constant 4 : i32
      %scan3A_1109 = arith.constant 0 : i32
      %scan3A_1110 = arith.constant 128 : i32
      %scan3A_1111 = arith.addi %scan3A_1109, %scan3A_1110 : i32
      %scan3A_1112 = arith.constant 4 : i32
      scf.for %scan3A_1143 = %scan3A_1109 to %scan3A_1111 step %scan3A_1112  : i32 {
        %broadcast_in_dim3A = vector.broadcast %scan3A_1143 : i32 to vector<16xi32>
        %get3A_1144 = arith.constant 4 : i32
        %get3A_1145 = arith.index_cast %get3A_1144 : i32 to index
        %get3A_1146 = arith.index_cast %scan3A_1143 : i32 to index
        %get3A_1147 = arith.constant 0 : index
        %get3A_1148 = tpu.vector_load %arg8[%get3A_1145, %get3A_1146, %get3A_1147] {strides = array<i32>} : memref<5x128x64xf32, #tpu.memory_space<vmem>>, vector<16xf32>,
        %mul3A_1149 = arith.constant 8.000000e+00 : f32
        %mul3A_1150 = vector.broadcast %mul3A_1149 : f32 to vector<16xf32>
        %mul3A_1151 = arith.mulf %get3A_1148, %mul3A_1150 : vector<16xf32>
        %add3A_1152 = arith.addf %mul3A_1151, %get3A_1097 : vector<16xf32>
        %scatter3A = arith.constant 0 : i32
        %scatter3A_1153 = arith.constant 0 : i32
        %scatter3A_1154 = arith.constant 0 : i32
        %scatter3A_1155 = tpu.memref_slice %arg9[%scan3A_1108, %scatter3A, %scatter3A_1153, %scatter3A_1154] : memref<5x8x8x129xf32, #tpu.memory_space<vmem>> -> memref<1x8x8x129xf32, #tpu.memory_space<vmem>>
        %scatter3A_1156 = tpu.memref_squeeze %scatter3A_1155 : memref<1x8x8x129xf32, #tpu.memory_space<vmem>> -> memref<8x8x129xf32, #tpu.memory_space<vmem>>
        tpu.vector_store_idx %scatter3A_1156[%select_n3A, %select_n3A_177, %broadcast_in_dim3A], %add3A_1152 : memref<8x8x129xf32, #tpu.memory_space<vmem>>[vector<16xi32>, vector<16xi32>, vector<16xi32>], vector<16xf32>,
        %get3A_1157 = arith.constant 4 : i32
        %get3A_1158 = arith.index_cast %get3A_1157 : i32 to index
        %get3A_1159 = arith.index_cast %scan3A_1143 : i32 to index
        %get3A_1160 = arith.constant 16 : index
        %get3A_1161 = tpu.vector_load %arg8[%get3A_1158, %get3A_1159, %get3A_1160] {strides = array<i32>} : memref<5x128x64xf32, #tpu.memory_space<vmem>>, vector<16xf32>,
        %mul3A_1162 = arith.constant 8.000000e+00 : f32
        %mul3A_1163 = vector.broadcast %mul3A_1162 : f32 to vector<16xf32>
        %mul3A_1164 = arith.mulf %get3A_1161, %mul3A_1163 : vector<16xf32>
        %add3A_1165 = arith.addf %mul3A_1164, %get3A_1100 : vector<16xf32>
        %scatter3A_1166 = arith.constant 0 : i32
        %scatter3A_1167 = arith.constant 0 : i32
        %scatter3A_1168 = arith.constant 0 : i32
        %scatter3A_1169 = tpu.memref_slice %arg9[%scan3A_1108, %scatter3A_1166, %scatter3A_1167, %scatter3A_1168] : memref<5x8x8x129xf32, #tpu.memory_space<vmem>> -> memref<1x8x8x129xf32, #tpu.memory_space<vmem>>
        %scatter3A_1170 = tpu.memref_squeeze %scatter3A_1169 : memref<1x8x8x129xf32, #tpu.memory_space<vmem>> -> memref<8x8x129xf32, #tpu.memory_space<vmem>>
        tpu.vector_store_idx %scatter3A_1170[%select_n3A_86, %select_n3A_202, %broadcast_in_dim3A], %add3A_1165 : memref<8x8x129xf32, #tpu.memory_space<vmem>>[vector<16xi32>, vector<16xi32>, vector<16xi32>], vector<16xf32>,
        %get3A_1171 = arith.constant 4 : i32
        %get3A_1172 = arith.index_cast %get3A_1171 : i32 to index
        %get3A_1173 = arith.index_cast %scan3A_1143 : i32 to index
        %get3A_1174 = arith.constant 32 : index
        %get3A_1175 = tpu.vector_load %arg8[%get3A_1172, %get3A_1173, %get3A_1174] {strides = array<i32>} : memref<5x128x64xf32, #tpu.memory_space<vmem>>, vector<16xf32>,
        %mul3A_1176 = arith.constant 8.000000e+00 : f32
        %mul3A_1177 = vector.broadcast %mul3A_1176 : f32 to vector<16xf32>
        %mul3A_1178 = arith.mulf %get3A_1175, %mul3A_1177 : vector<16xf32>
        %add3A_1179 = arith.addf %mul3A_1178, %get3A_1103 : vector<16xf32>
        %scatter3A_1180 = arith.constant 0 : i32
        %scatter3A_1181 = arith.constant 0 : i32
        %scatter3A_1182 = arith.constant 0 : i32
        %scatter3A_1183 = tpu.memref_slice %arg9[%scan3A_1108, %scatter3A_1180, %scatter3A_1181, %scatter3A_1182] : memref<5x8x8x129xf32, #tpu.memory_space<vmem>> -> memref<1x8x8x129xf32, #tpu.memory_space<vmem>>
        %scatter3A_1184 = tpu.memref_squeeze %scatter3A_1183 : memref<1x8x8x129xf32, #tpu.memory_space<vmem>> -> memref<8x8x129xf32, #tpu.memory_space<vmem>>
        tpu.vector_store_idx %scatter3A_1184[%select_n3A_120, %select_n3A_227, %broadcast_in_dim3A], %add3A_1179 : memref<8x8x129xf32, #tpu.memory_space<vmem>>[vector<16xi32>, vector<16xi32>, vector<16xi32>], vector<16xf32>,
        %get3A_1185 = arith.constant 4 : i32
        %get3A_1186 = arith.index_cast %get3A_1185 : i32 to index
        %get3A_1187 = arith.index_cast %scan3A_1143 : i32 to index
        %get3A_1188 = arith.constant 48 : index
        %get3A_1189 = tpu.vector_load %arg8[%get3A_1186, %get3A_1187, %get3A_1188] {strides = array<i32>} : memref<5x128x64xf32, #tpu.memory_space<vmem>>, vector<16xf32>,
        %mul3A_1190 = arith.constant 8.000000e+00 : f32
        %mul3A_1191 = vector.broadcast %mul3A_1190 : f32 to vector<16xf32>
        %mul3A_1192 = arith.mulf %get3A_1189, %mul3A_1191 : vector<16xf32>
        %add3A_1193 = arith.addf %mul3A_1192, %get3A_1106 : vector<16xf32>
        %scatter3A_1194 = arith.constant 0 : i32
        %scatter3A_1195 = arith.constant 0 : i32
        %scatter3A_1196 = arith.constant 0 : i32
        %scatter3A_1197 = tpu.memref_slice %arg9[%scan3A_1108, %scatter3A_1194, %scatter3A_1195, %scatter3A_1196] : memref<5x8x8x129xf32, #tpu.memory_space<vmem>> -> memref<1x8x8x129xf32, #tpu.memory_space<vmem>>
        %scatter3A_1198 = tpu.memref_squeeze %scatter3A_1197 : memref<1x8x8x129xf32, #tpu.memory_space<vmem>> -> memref<8x8x129xf32, #tpu.memory_space<vmem>>
        tpu.vector_store_idx %scatter3A_1198[%select_n3A_154, %select_n3A_252, %broadcast_in_dim3A], %add3A_1193 : memref<8x8x129xf32, #tpu.memory_space<vmem>>[vector<16xi32>, vector<16xi32>, vector<16xi32>], vector<16xf32>,
        %scan3A_1199 = arith.constant 1 : i32
        %scan3A_1200 = arith.addi %scan3A_1143, %scan3A_1199 : i32
        %broadcast_in_dim3A_1201 = vector.broadcast %scan3A_1200 : i32 to vector<16xi32>
        %get3A_1202 = arith.constant 4 : i32
        %get3A_1203 = arith.index_cast %get3A_1202 : i32 to index
        %get3A_1204 = arith.index_cast %scan3A_1200 : i32 to index
        %get3A_1205 = arith.constant 0 : index
        %get3A_1206 = tpu.vector_load %arg8[%get3A_1203, %get3A_1204, %get3A_1205] {strides = array<i32>} : memref<5x128x64xf32, #tpu.memory_space<vmem>>, vector<16xf32>,
        %mul3A_1207 = arith.constant 8.000000e+00 : f32
        %mul3A_1208 = vector.broadcast %mul3A_1207 : f32 to vector<16xf32>
        %mul3A_1209 = arith.mulf %get3A_1206, %mul3A_1208 : vector<16xf32>
        %add3A_1210 = arith.addf %mul3A_1209, %get3A_1097 : vector<16xf32>
        %scatter3A_1211 = arith.constant 0 : i32
        %scatter3A_1212 = arith.constant 0 : i32
        %scatter3A_1213 = arith.constant 0 : i32
        %scatter3A_1214 = tpu.memref_slice %arg9[%scan3A_1108, %scatter3A_1211, %scatter3A_1212, %scatter3A_1213] : memref<5x8x8x129xf32, #tpu.memory_space<vmem>> -> memref<1x8x8x129xf32, #tpu.memory_space<vmem>>
        %scatter3A_1215 = tpu.memref_squeeze %scatter3A_1214 : memref<1x8x8x129xf32, #tpu.memory_space<vmem>> -> memref<8x8x129xf32, #tpu.memory_space<vmem>>
        tpu.vector_store_idx %scatter3A_1215[%select_n3A, %select_n3A_177, %broadcast_in_dim3A_1201], %add3A_1210 : memref<8x8x129xf32, #tpu.memory_space<vmem>>[vector<16xi32>, vector<16xi32>, vector<16xi32>], vector<16xf32>,
        %get3A_1216 = arith.constant 4 : i32
        %get3A_1217 = arith.index_cast %get3A_1216 : i32 to index
        %get3A_1218 = arith.index_cast %scan3A_1200 : i32 to index
        %get3A_1219 = arith.constant 16 : index
        %get3A_1220 = tpu.vector_load %arg8[%get3A_1217, %get3A_1218, %get3A_1219] {strides = array<i32>} : memref<5x128x64xf32, #tpu.memory_space<vmem>>, vector<16xf32>,
        %mul3A_1221 = arith.constant 8.000000e+00 : f32
        %mul3A_1222 = vector.broadcast %mul3A_1221 : f32 to vector<16xf32>
        %mul3A_1223 = arith.mulf %get3A_1220, %mul3A_1222 : vector<16xf32>
        %add3A_1224 = arith.addf %mul3A_1223, %get3A_1100 : vector<16xf32>
        %scatter3A_1225 = arith.constant 0 : i32
        %scatter3A_1226 = arith.constant 0 : i32
        %scatter3A_1227 = arith.constant 0 : i32
        %scatter3A_1228 = tpu.memref_slice %arg9[%scan3A_1108, %scatter3A_1225, %scatter3A_1226, %scatter3A_1227] : memref<5x8x8x129xf32, #tpu.memory_space<vmem>> -> memref<1x8x8x129xf32, #tpu.memory_space<vmem>>
        %scatter3A_1229 = tpu.memref_squeeze %scatter3A_1228 : memref<1x8x8x129xf32, #tpu.memory_space<vmem>> -> memref<8x8x129xf32, #tpu.memory_space<vmem>>
        tpu.vector_store_idx %scatter3A_1229[%select_n3A_86, %select_n3A_202, %broadcast_in_dim3A_1201], %add3A_1224 : memref<8x8x129xf32, #tpu.memory_space<vmem>>[vector<16xi32>, vector<16xi32>, vector<16xi32>], vector<16xf32>,
        %get3A_1230 = arith.constant 4 : i32
        %get3A_1231 = arith.index_cast %get3A_1230 : i32 to index
        %get3A_1232 = arith.index_cast %scan3A_1200 : i32 to index
        %get3A_1233 = arith.constant 32 : index
        %get3A_1234 = tpu.vector_load %arg8[%get3A_1231, %get3A_1232, %get3A_1233] {strides = array<i32>} : memref<5x128x64xf32, #tpu.memory_space<vmem>>, vector<16xf32>,
        %mul3A_1235 = arith.constant 8.000000e+00 : f32
        %mul3A_1236 = vector.broadcast %mul3A_1235 : f32 to vector<16xf32>
        %mul3A_1237 = arith.mulf %get3A_1234, %mul3A_1236 : vector<16xf32>
        %add3A_1238 = arith.addf %mul3A_1237, %get3A_1103 : vector<16xf32>
        %scatter3A_1239 = arith.constant 0 : i32
        %scatter3A_1240 = arith.constant 0 : i32
        %scatter3A_1241 = arith.constant 0 : i32
        %scatter3A_1242 = tpu.memref_slice %arg9[%scan3A_1108, %scatter3A_1239, %scatter3A_1240, %scatter3A_1241] : memref<5x8x8x129xf32, #tpu.memory_space<vmem>> -> memref<1x8x8x129xf32, #tpu.memory_space<vmem>>
        %scatter3A_1243 = tpu.memref_squeeze %scatter3A_1242 : memref<1x8x8x129xf32, #tpu.memory_space<vmem>> -> memref<8x8x129xf32, #tpu.memory_space<vmem>>
        tpu.vector_store_idx %scatter3A_1243[%select_n3A_120, %select_n3A_227, %broadcast_in_dim3A_1201], %add3A_1238 : memref<8x8x129xf32, #tpu.memory_space<vmem>>[vector<16xi32>, vector<16xi32>, vector<16xi32>], vector<16xf32>,
        %get3A_1244 = arith.constant 4 : i32
        %get3A_1245 = arith.index_cast %get3A_1244 : i32 to index
        %get3A_1246 = arith.index_cast %scan3A_1200 : i32 to index
        %get3A_1247 = arith.constant 48 : index
        %get3A_1248 = tpu.vector_load %arg8[%get3A_1245, %get3A_1246, %get3A_1247] {strides = array<i32>} : memref<5x128x64xf32, #tpu.memory_space<vmem>>, vector<16xf32>,
        %mul3A_1249 = arith.constant 8.000000e+00 : f32
        %mul3A_1250 = vector.broadcast %mul3A_1249 : f32 to vector<16xf32>
        %mul3A_1251 = arith.mulf %get3A_1248, %mul3A_1250 : vector<16xf32>
        %add3A_1252 = arith.addf %mul3A_1251, %get3A_1106 : vector<16xf32>
        %scatter3A_1253 = arith.constant 0 : i32
        %scatter3A_1254 = arith.constant 0 : i32
        %scatter3A_1255 = arith.constant 0 : i32
        %scatter3A_1256 = tpu.memref_slice %arg9[%scan3A_1108, %scatter3A_1253, %scatter3A_1254, %scatter3A_1255] : memref<5x8x8x129xf32, #tpu.memory_space<vmem>> -> memref<1x8x8x129xf32, #tpu.memory_space<vmem>>
        %scatter3A_1257 = tpu.memref_squeeze %scatter3A_1256 : memref<1x8x8x129xf32, #tpu.memory_space<vmem>> -> memref<8x8x129xf32, #tpu.memory_space<vmem>>
        tpu.vector_store_idx %scatter3A_1257[%select_n3A_154, %select_n3A_252, %broadcast_in_dim3A_1201], %add3A_1252 : memref<8x8x129xf32, #tpu.memory_space<vmem>>[vector<16xi32>, vector<16xi32>, vector<16xi32>], vector<16xf32>,
        %scan3A_1258 = arith.constant 2 : i32
        %scan3A_1259 = arith.addi %scan3A_1143, %scan3A_1258 : i32
        %broadcast_in_dim3A_1260 = vector.broadcast %scan3A_1259 : i32 to vector<16xi32>
        %get3A_1261 = arith.constant 4 : i32
        %get3A_1262 = arith.index_cast %get3A_1261 : i32 to index
        %get3A_1263 = arith.index_cast %scan3A_1259 : i32 to index
        %get3A_1264 = arith.constant 0 : index
        %get3A_1265 = tpu.vector_load %arg8[%get3A_1262, %get3A_1263, %get3A_1264] {strides = array<i32>} : memref<5x128x64xf32, #tpu.memory_space<vmem>>, vector<16xf32>,
        %mul3A_1266 = arith.constant 8.000000e+00 : f32
        %mul3A_1267 = vector.broadcast %mul3A_1266 : f32 to vector<16xf32>
        %mul3A_1268 = arith.mulf %get3A_1265, %mul3A_1267 : vector<16xf32>
        %add3A_1269 = arith.addf %mul3A_1268, %get3A_1097 : vector<16xf32>
        %scatter3A_1270 = arith.constant 0 : i32
        %scatter3A_1271 = arith.constant 0 : i32
        %scatter3A_1272 = arith.constant 0 : i32
        %scatter3A_1273 = tpu.memref_slice %arg9[%scan3A_1108, %scatter3A_1270, %scatter3A_1271, %scatter3A_1272] : memref<5x8x8x129xf32, #tpu.memory_space<vmem>> -> memref<1x8x8x129xf32, #tpu.memory_space<vmem>>
        %scatter3A_1274 = tpu.memref_squeeze %scatter3A_1273 : memref<1x8x8x129xf32, #tpu.memory_space<vmem>> -> memref<8x8x129xf32, #tpu.memory_space<vmem>>
        tpu.vector_store_idx %scatter3A_1274[%select_n3A, %select_n3A_177, %broadcast_in_dim3A_1260], %add3A_1269 : memref<8x8x129xf32, #tpu.memory_space<vmem>>[vector<16xi32>, vector<16xi32>, vector<16xi32>], vector<16xf32>,
        %get3A_1275 = arith.constant 4 : i32
        %get3A_1276 = arith.index_cast %get3A_1275 : i32 to index
        %get3A_1277 = arith.index_cast %scan3A_1259 : i32 to index
        %get3A_1278 = arith.constant 16 : index
        %get3A_1279 = tpu.vector_load %arg8[%get3A_1276, %get3A_1277, %get3A_1278] {strides = array<i32>} : memref<5x128x64xf32, #tpu.memory_space<vmem>>, vector<16xf32>,
        %mul3A_1280 = arith.constant 8.000000e+00 : f32
        %mul3A_1281 = vector.broadcast %mul3A_1280 : f32 to vector<16xf32>
        %mul3A_1282 = arith.mulf %get3A_1279, %mul3A_1281 : vector<16xf32>
        %add3A_1283 = arith.addf %mul3A_1282, %get3A_1100 : vector<16xf32>
        %scatter3A_1284 = arith.constant 0 : i32
        %scatter3A_1285 = arith.constant 0 : i32
        %scatter3A_1286 = arith.constant 0 : i32
        %scatter3A_1287 = tpu.memref_slice %arg9[%scan3A_1108, %scatter3A_1284, %scatter3A_1285, %scatter3A_1286] : memref<5x8x8x129xf32, #tpu.memory_space<vmem>> -> memref<1x8x8x129xf32, #tpu.memory_space<vmem>>
        %scatter3A_1288 = tpu.memref_squeeze %scatter3A_1287 : memref<1x8x8x129xf32, #tpu.memory_space<vmem>> -> memref<8x8x129xf32, #tpu.memory_space<vmem>>
        tpu.vector_store_idx %scatter3A_1288[%select_n3A_86, %select_n3A_202, %broadcast_in_dim3A_1260], %add3A_1283 : memref<8x8x129xf32, #tpu.memory_space<vmem>>[vector<16xi32>, vector<16xi32>, vector<16xi32>], vector<16xf32>,
        %get3A_1289 = arith.constant 4 : i32
        %get3A_1290 = arith.index_cast %get3A_1289 : i32 to index
        %get3A_1291 = arith.index_cast %scan3A_1259 : i32 to index
        %get3A_1292 = arith.constant 32 : index
        %get3A_1293 = tpu.vector_load %arg8[%get3A_1290, %get3A_1291, %get3A_1292] {strides = array<i32>} : memref<5x128x64xf32, #tpu.memory_space<vmem>>, vector<16xf32>,
        %mul3A_1294 = arith.constant 8.000000e+00 : f32
        %mul3A_1295 = vector.broadcast %mul3A_1294 : f32 to vector<16xf32>
        %mul3A_1296 = arith.mulf %get3A_1293, %mul3A_1295 : vector<16xf32>
        %add3A_1297 = arith.addf %mul3A_1296, %get3A_1103 : vector<16xf32>
        %scatter3A_1298 = arith.constant 0 : i32
        %scatter3A_1299 = arith.constant 0 : i32
        %scatter3A_1300 = arith.constant 0 : i32
        %scatter3A_1301 = tpu.memref_slice %arg9[%scan3A_1108, %scatter3A_1298, %scatter3A_1299, %scatter3A_1300] : memref<5x8x8x129xf32, #tpu.memory_space<vmem>> -> memref<1x8x8x129xf32, #tpu.memory_space<vmem>>
        %scatter3A_1302 = tpu.memref_squeeze %scatter3A_1301 : memref<1x8x8x129xf32, #tpu.memory_space<vmem>> -> memref<8x8x129xf32, #tpu.memory_space<vmem>>
        tpu.vector_store_idx %scatter3A_1302[%select_n3A_120, %select_n3A_227, %broadcast_in_dim3A_1260], %add3A_1297 : memref<8x8x129xf32, #tpu.memory_space<vmem>>[vector<16xi32>, vector<16xi32>, vector<16xi32>], vector<16xf32>,
        %get3A_1303 = arith.constant 4 : i32
        %get3A_1304 = arith.index_cast %get3A_1303 : i32 to index
        %get3A_1305 = arith.index_cast %scan3A_1259 : i32 to index
        %get3A_1306 = arith.constant 48 : index
        %get3A_1307 = tpu.vector_load %arg8[%get3A_1304, %get3A_1305, %get3A_1306] {strides = array<i32>} : memref<5x128x64xf32, #tpu.memory_space<vmem>>, vector<16xf32>,
        %mul3A_1308 = arith.constant 8.000000e+00 : f32
        %mul3A_1309 = vector.broadcast %mul3A_1308 : f32 to vector<16xf32>
        %mul3A_1310 = arith.mulf %get3A_1307, %mul3A_1309 : vector<16xf32>
        %add3A_1311 = arith.addf %mul3A_1310, %get3A_1106 : vector<16xf32>
        %scatter3A_1312 = arith.constant 0 : i32
        %scatter3A_1313 = arith.constant 0 : i32
        %scatter3A_1314 = arith.constant 0 : i32
        %scatter3A_1315 = tpu.memref_slice %arg9[%scan3A_1108, %scatter3A_1312, %scatter3A_1313, %scatter3A_1314] : memref<5x8x8x129xf32, #tpu.memory_space<vmem>> -> memref<1x8x8x129xf32, #tpu.memory_space<vmem>>
        %scatter3A_1316 = tpu.memref_squeeze %scatter3A_1315 : memref<1x8x8x129xf32, #tpu.memory_space<vmem>> -> memref<8x8x129xf32, #tpu.memory_space<vmem>>
        tpu.vector_store_idx %scatter3A_1316[%select_n3A_154, %select_n3A_252, %broadcast_in_dim3A_1260], %add3A_1311 : memref<8x8x129xf32, #tpu.memory_space<vmem>>[vector<16xi32>, vector<16xi32>, vector<16xi32>], vector<16xf32>,
        %scan3A_1317 = arith.constant 3 : i32
        %scan3A_1318 = arith.addi %scan3A_1143, %scan3A_1317 : i32
        %broadcast_in_dim3A_1319 = vector.broadcast %scan3A_1318 : i32 to vector<16xi32>
        %get3A_1320 = arith.constant 4 : i32
        %get3A_1321 = arith.index_cast %get3A_1320 : i32 to index
        %get3A_1322 = arith.index_cast %scan3A_1318 : i32 to index
        %get3A_1323 = arith.constant 0 : index
        %get3A_1324 = tpu.vector_load %arg8[%get3A_1321, %get3A_1322, %get3A_1323] {strides = array<i32>} : memref<5x128x64xf32, #tpu.memory_space<vmem>>, vector<16xf32>,
        %mul3A_1325 = arith.constant 8.000000e+00 : f32
        %mul3A_1326 = vector.broadcast %mul3A_1325 : f32 to vector<16xf32>
        %mul3A_1327 = arith.mulf %get3A_1324, %mul3A_1326 : vector<16xf32>
        %add3A_1328 = arith.addf %mul3A_1327, %get3A_1097 : vector<16xf32>
        %scatter3A_1329 = arith.constant 0 : i32
        %scatter3A_1330 = arith.constant 0 : i32
        %scatter3A_1331 = arith.constant 0 : i32
        %scatter3A_1332 = tpu.memref_slice %arg9[%scan3A_1108, %scatter3A_1329, %scatter3A_1330, %scatter3A_1331] : memref<5x8x8x129xf32, #tpu.memory_space<vmem>> -> memref<1x8x8x129xf32, #tpu.memory_space<vmem>>
        %scatter3A_1333 = tpu.memref_squeeze %scatter3A_1332 : memref<1x8x8x129xf32, #tpu.memory_space<vmem>> -> memref<8x8x129xf32, #tpu.memory_space<vmem>>
        tpu.vector_store_idx %scatter3A_1333[%select_n3A, %select_n3A_177, %broadcast_in_dim3A_1319], %add3A_1328 : memref<8x8x129xf32, #tpu.memory_space<vmem>>[vector<16xi32>, vector<16xi32>, vector<16xi32>], vector<16xf32>,
        %get3A_1334 = arith.constant 4 : i32
        %get3A_1335 = arith.index_cast %get3A_1334 : i32 to index
        %get3A_1336 = arith.index_cast %scan3A_1318 : i32 to index
        %get3A_1337 = arith.constant 16 : index
        %get3A_1338 = tpu.vector_load %arg8[%get3A_1335, %get3A_1336, %get3A_1337] {strides = array<i32>} : memref<5x128x64xf32, #tpu.memory_space<vmem>>, vector<16xf32>,
        %mul3A_1339 = arith.constant 8.000000e+00 : f32
        %mul3A_1340 = vector.broadcast %mul3A_1339 : f32 to vector<16xf32>
        %mul3A_1341 = arith.mulf %get3A_1338, %mul3A_1340 : vector<16xf32>
        %add3A_1342 = arith.addf %mul3A_1341, %get3A_1100 : vector<16xf32>
        %scatter3A_1343 = arith.constant 0 : i32
        %scatter3A_1344 = arith.constant 0 : i32
        %scatter3A_1345 = arith.constant 0 : i32
        %scatter3A_1346 = tpu.memref_slice %arg9[%scan3A_1108, %scatter3A_1343, %scatter3A_1344, %scatter3A_1345] : memref<5x8x8x129xf32, #tpu.memory_space<vmem>> -> memref<1x8x8x129xf32, #tpu.memory_space<vmem>>
        %scatter3A_1347 = tpu.memref_squeeze %scatter3A_1346 : memref<1x8x8x129xf32, #tpu.memory_space<vmem>> -> memref<8x8x129xf32, #tpu.memory_space<vmem>>
        tpu.vector_store_idx %scatter3A_1347[%select_n3A_86, %select_n3A_202, %broadcast_in_dim3A_1319], %add3A_1342 : memref<8x8x129xf32, #tpu.memory_space<vmem>>[vector<16xi32>, vector<16xi32>, vector<16xi32>], vector<16xf32>,
        %get3A_1348 = arith.constant 4 : i32
        %get3A_1349 = arith.index_cast %get3A_1348 : i32 to index
        %get3A_1350 = arith.index_cast %scan3A_1318 : i32 to index
        %get3A_1351 = arith.constant 32 : index
        %get3A_1352 = tpu.vector_load %arg8[%get3A_1349, %get3A_1350, %get3A_1351] {strides = array<i32>} : memref<5x128x64xf32, #tpu.memory_space<vmem>>, vector<16xf32>,
        %mul3A_1353 = arith.constant 8.000000e+00 : f32
        %mul3A_1354 = vector.broadcast %mul3A_1353 : f32 to vector<16xf32>
        %mul3A_1355 = arith.mulf %get3A_1352, %mul3A_1354 : vector<16xf32>
        %add3A_1356 = arith.addf %mul3A_1355, %get3A_1103 : vector<16xf32>
        %scatter3A_1357 = arith.constant 0 : i32
        %scatter3A_1358 = arith.constant 0 : i32
        %scatter3A_1359 = arith.constant 0 : i32
        %scatter3A_1360 = tpu.memref_slice %arg9[%scan3A_1108, %scatter3A_1357, %scatter3A_1358, %scatter3A_1359] : memref<5x8x8x129xf32, #tpu.memory_space<vmem>> -> memref<1x8x8x129xf32, #tpu.memory_space<vmem>>
        %scatter3A_1361 = tpu.memref_squeeze %scatter3A_1360 : memref<1x8x8x129xf32, #tpu.memory_space<vmem>> -> memref<8x8x129xf32, #tpu.memory_space<vmem>>
        tpu.vector_store_idx %scatter3A_1361[%select_n3A_120, %select_n3A_227, %broadcast_in_dim3A_1319], %add3A_1356 : memref<8x8x129xf32, #tpu.memory_space<vmem>>[vector<16xi32>, vector<16xi32>, vector<16xi32>], vector<16xf32>,
        %get3A_1362 = arith.constant 4 : i32
        %get3A_1363 = arith.index_cast %get3A_1362 : i32 to index
        %get3A_1364 = arith.index_cast %scan3A_1318 : i32 to index
        %get3A_1365 = arith.constant 48 : index
        %get3A_1366 = tpu.vector_load %arg8[%get3A_1363, %get3A_1364, %get3A_1365] {strides = array<i32>} : memref<5x128x64xf32, #tpu.memory_space<vmem>>, vector<16xf32>,
        %mul3A_1367 = arith.constant 8.000000e+00 : f32
        %mul3A_1368 = vector.broadcast %mul3A_1367 : f32 to vector<16xf32>
        %mul3A_1369 = arith.mulf %get3A_1366, %mul3A_1368 : vector<16xf32>
        %add3A_1370 = arith.addf %mul3A_1369, %get3A_1106 : vector<16xf32>
        %scatter3A_1371 = arith.constant 0 : i32
        %scatter3A_1372 = arith.constant 0 : i32
        %scatter3A_1373 = arith.constant 0 : i32
        %scatter3A_1374 = tpu.memref_slice %arg9[%scan3A_1108, %scatter3A_1371, %scatter3A_1372, %scatter3A_1373] : memref<5x8x8x129xf32, #tpu.memory_space<vmem>> -> memref<1x8x8x129xf32, #tpu.memory_space<vmem>>
        %scatter3A_1375 = tpu.memref_squeeze %scatter3A_1374 : memref<1x8x8x129xf32, #tpu.memory_space<vmem>> -> memref<8x8x129xf32, #tpu.memory_space<vmem>>
        tpu.vector_store_idx %scatter3A_1375[%select_n3A_154, %select_n3A_252, %broadcast_in_dim3A_1319], %add3A_1370 : memref<8x8x129xf32, #tpu.memory_space<vmem>>[vector<16xi32>, vector<16xi32>, vector<16xi32>], vector<16xf32>,
      }
      %scan3A_1113 = arith.constant 128 : i32
      %dma_start3A_1114 = arith.constant 4 : i32
      %dma_start3A_1115 = arith.constant 0 : i32
      %dma_start3A_1116 = arith.constant 0 : i32
      %dma_start3A_1117 = arith.constant 0 : i32
      %dma_start3A_1118 = tpu.memref_slice %arg9[%dma_start3A_1114, %dma_start3A_1115, %dma_start3A_1116, %dma_start3A_1117] : memref<5x8x8x129xf32, #tpu.memory_space<vmem>> -> memref<1x8x8x129xf32, #tpu.memory_space<vmem>>
      %dma_start3A_1119 = tpu.memref_squeeze %dma_start3A_1118 : memref<1x8x8x129xf32, #tpu.memory_space<vmem>> -> memref<8x8x129xf32, #tpu.memory_space<vmem>>
      %dma_start3A_1120 = arith.constant 0 : i32
      %dma_start3A_1121 = arith.constant 0 : i32
      %dma_start3A_1122 = arith.constant 0 : i32
      %dma_start3A_1123 = tpu.memref_slice %dma_start3A_1119[%dma_start3A_1120, %dma_start3A_1121, %dma_start3A_1122] : memref<8x8x129xf32, #tpu.memory_space<vmem>> -> memref<8x8x128xf32, #tpu.memory_space<vmem>>
      %dma_start3A_1124 = arith.constant 0 : i32
      %dma_start3A_1125 = arith.constant 0 : i32
      %dma_start3A_1126 = arith.constant 0 : i32
      %dma_start3A_1127 = tpu.memref_slice %arg5[%add3A_1054, %dma_start3A_1124, %select_n3A_1094, %dma_start3A_1125, %dma_start3A_1126] : memref<200x8x8x8x128xf32, #tpu.memory_space<hbm>> -> memref<1x8x1x8x128xf32, #tpu.memory_space<hbm>>
      %dma_start3A_1128 = tpu.memref_squeeze %dma_start3A_1127 : memref<1x8x1x8x128xf32, #tpu.memory_space<hbm>> -> memref<8x8x128xf32, #tpu.memory_space<hbm>>
      %dma_start3A_1129 = arith.constant 0 : i32
      %dma_start3A_1130 = arith.constant 0 : i32
      %dma_start3A_1131 = arith.constant 0 : i32
      %dma_start3A_1132 = tpu.memref_slice %arg5[%add3A_1054, %dma_start3A_1129, %select_n3A_1094, %dma_start3A_1130, %dma_start3A_1131] : memref<200x8x8x8x128xf32, #tpu.memory_space<hbm>> -> memref<1x8x1x8x128xf32, #tpu.memory_space<hbm>>
      %dma_start3A_1133 = tpu.memref_squeeze %dma_start3A_1132 : memref<1x8x1x8x128xf32, #tpu.memory_space<hbm>> -> memref<8x8x128xf32, #tpu.memory_space<hbm>>
      %dma_start3A_1134 = arith.constant 0 : i32
      %dma_start3A_1135 = arith.constant 0 : i32
      %dma_start3A_1136 = arith.constant 0 : i32
      %dma_start3A_1137 = tpu.memref_slice %arg9[%dma_start3A_1114, %dma_start3A_1134, %dma_start3A_1135, %dma_start3A_1136] : memref<5x8x8x129xf32, #tpu.memory_space<vmem>> -> memref<1x8x8x129xf32, #tpu.memory_space<vmem>>
      %dma_start3A_1138 = tpu.memref_squeeze %dma_start3A_1137 : memref<1x8x8x129xf32, #tpu.memory_space<vmem>> -> memref<8x8x129xf32, #tpu.memory_space<vmem>>
      %dma_start3A_1139 = arith.constant 0 : i32
      %dma_start3A_1140 = arith.constant 0 : i32
      %dma_start3A_1141 = arith.constant 0 : i32
      %dma_start3A_1142 = tpu.memref_slice %dma_start3A_1138[%dma_start3A_1139, %dma_start3A_1140, %dma_start3A_1141] : memref<8x8x129xf32, #tpu.memory_space<vmem>> -> memref<8x8x128xf32, #tpu.memory_space<vmem>>
      tpu.enqueue_dma source(%dma_start3A_1142 : memref<8x8x128xf32, #tpu.memory_space<vmem>>) target(%dma_start3A_1133 : memref<8x8x128xf32, #tpu.memory_space<hbm>>) target_semaphore(%arg19 : memref<!tpu.dma_semaphore, #tpu.memory_space<semaphore_mem>>)
    }
    %scan3A_280 = arith.constant 10 : i32
    %dma_wait3A = arith.constant 0 : i32
    %dma_wait3A_281 = arith.constant 0 : i32
    %dma_wait3A_282 = arith.constant 0 : i32
    %dma_wait3A_283 = tpu.memref_slice %arg8[%dma_wait3A, %dma_wait3A_281, %dma_wait3A_282] : memref<5x128x64xf32, #tpu.memory_space<vmem>> -> memref<1x128x64xf32, #tpu.memory_space<vmem>>
    %dma_wait3A_284 = tpu.memref_squeeze %dma_wait3A_283 : memref<1x128x64xf32, #tpu.memory_space<vmem>> -> memref<128x64xf32, #tpu.memory_space<vmem>>
    %dma_wait3A_285 = arith.constant 0 : i32
    %dma_wait3A_286 = arith.constant 0 : i32
    %dma_wait3A_287 = tpu.memref_slice %arg4[%dma_wait3A_285, %dma_wait3A_286] : memref<1000000x64xf32, #tpu.memory_space<hbm>> -> memref<128x64xf32, #tpu.memory_space<hbm>>
    %dma_wait3A_288 = arith.constant 0 : i32
    %dma_wait3A_289 = arith.constant 0 : i32
    %dma_wait3A_290 = tpu.memref_slice %arg8[%dma_wait3A, %dma_wait3A_288, %dma_wait3A_289] : memref<5x128x64xf32, #tpu.memory_space<vmem>> -> memref<1x128x64xf32, #tpu.memory_space<vmem>>
    %dma_wait3A_291 = tpu.memref_squeeze %dma_wait3A_290 : memref<1x128x64xf32, #tpu.memory_space<vmem>> -> memref<128x64xf32, #tpu.memory_space<vmem>>
    %dma_wait3A_292 = arith.constant 0 : i32
    %dma_wait3A_293 = arith.constant 0 : i32
    %dma_wait3A_294 = tpu.memref_slice %arg4[%dma_wait3A_292, %dma_wait3A_293] : memref<1000000x64xf32, #tpu.memory_space<hbm>> -> memref<128x64xf32, #tpu.memory_space<hbm>>
    tpu.wait_dma2 semaphore(%arg15 : memref<!tpu.dma_semaphore, #tpu.memory_space<semaphore_mem>>) src(%dma_wait3A_294 : memref<128x64xf32, #tpu.memory_space<hbm>>) dst(%dma_wait3A_291 : memref<128x64xf32, #tpu.memory_space<vmem>>)
    %dma_wait3A_295 = arith.constant 1 : i32
    %dma_wait3A_296 = arith.constant 0 : i32
    %dma_wait3A_297 = arith.constant 0 : i32
    %dma_wait3A_298 = tpu.memref_slice %arg8[%dma_wait3A_295, %dma_wait3A_296, %dma_wait3A_297] : memref<5x128x64xf32, #tpu.memory_space<vmem>> -> memref<1x128x64xf32, #tpu.memory_space<vmem>>
    %dma_wait3A_299 = tpu.memref_squeeze %dma_wait3A_298 : memref<1x128x64xf32, #tpu.memory_space<vmem>> -> memref<128x64xf32, #tpu.memory_space<vmem>>
    %dma_wait3A_300 = arith.constant 0 : i32
    %dma_wait3A_301 = arith.constant 0 : i32
    %dma_wait3A_302 = tpu.memref_slice %arg4[%dma_wait3A_300, %dma_wait3A_301] : memref<1000000x64xf32, #tpu.memory_space<hbm>> -> memref<128x64xf32, #tpu.memory_space<hbm>>
    %dma_wait3A_303 = arith.constant 0 : i32
    %dma_wait3A_304 = arith.constant 0 : i32
    %dma_wait3A_305 = tpu.memref_slice %arg8[%dma_wait3A_295, %dma_wait3A_303, %dma_wait3A_304] : memref<5x128x64xf32, #tpu.memory_space<vmem>> -> memref<1x128x64xf32, #tpu.memory_space<vmem>>
    %dma_wait3A_306 = tpu.memref_squeeze %dma_wait3A_305 : memref<1x128x64xf32, #tpu.memory_space<vmem>> -> memref<128x64xf32, #tpu.memory_space<vmem>>
    %dma_wait3A_307 = arith.constant 0 : i32
    %dma_wait3A_308 = arith.constant 0 : i32
    %dma_wait3A_309 = tpu.memref_slice %arg4[%dma_wait3A_307, %dma_wait3A_308] : memref<1000000x64xf32, #tpu.memory_space<hbm>> -> memref<128x64xf32, #tpu.memory_space<hbm>>
    tpu.wait_dma2 semaphore(%arg16 : memref<!tpu.dma_semaphore, #tpu.memory_space<semaphore_mem>>) src(%dma_wait3A_309 : memref<128x64xf32, #tpu.memory_space<hbm>>) dst(%dma_wait3A_306 : memref<128x64xf32, #tpu.memory_space<vmem>>)
    %dma_wait3A_310 = arith.constant 2 : i32
    %dma_wait3A_311 = arith.constant 0 : i32
    %dma_wait3A_312 = arith.constant 0 : i32
    %dma_wait3A_313 = tpu.memref_slice %arg8[%dma_wait3A_310, %dma_wait3A_311, %dma_wait3A_312] : memref<5x128x64xf32, #tpu.memory_space<vmem>> -> memref<1x128x64xf32, #tpu.memory_space<vmem>>
    %dma_wait3A_314 = tpu.memref_squeeze %dma_wait3A_313 : memref<1x128x64xf32, #tpu.memory_space<vmem>> -> memref<128x64xf32, #tpu.memory_space<vmem>>
    %dma_wait3A_315 = arith.constant 0 : i32
    %dma_wait3A_316 = arith.constant 0 : i32
    %dma_wait3A_317 = tpu.memref_slice %arg4[%dma_wait3A_315, %dma_wait3A_316] : memref<1000000x64xf32, #tpu.memory_space<hbm>> -> memref<128x64xf32, #tpu.memory_space<hbm>>
    %dma_wait3A_318 = arith.constant 0 : i32
    %dma_wait3A_319 = arith.constant 0 : i32
    %dma_wait3A_320 = tpu.memref_slice %arg8[%dma_wait3A_310, %dma_wait3A_318, %dma_wait3A_319] : memref<5x128x64xf32, #tpu.memory_space<vmem>> -> memref<1x128x64xf32, #tpu.memory_space<vmem>>
    %dma_wait3A_321 = tpu.memref_squeeze %dma_wait3A_320 : memref<1x128x64xf32, #tpu.memory_space<vmem>> -> memref<128x64xf32, #tpu.memory_space<vmem>>
    %dma_wait3A_322 = arith.constant 0 : i32
    %dma_wait3A_323 = arith.constant 0 : i32
    %dma_wait3A_324 = tpu.memref_slice %arg4[%dma_wait3A_322, %dma_wait3A_323] : memref<1000000x64xf32, #tpu.memory_space<hbm>> -> memref<128x64xf32, #tpu.memory_space<hbm>>
    tpu.wait_dma2 semaphore(%arg17 : memref<!tpu.dma_semaphore, #tpu.memory_space<semaphore_mem>>) src(%dma_wait3A_324 : memref<128x64xf32, #tpu.memory_space<hbm>>) dst(%dma_wait3A_321 : memref<128x64xf32, #tpu.memory_space<vmem>>)
    %dma_wait3A_325 = arith.constant 3 : i32
    %dma_wait3A_326 = arith.constant 0 : i32
    %dma_wait3A_327 = arith.constant 0 : i32
    %dma_wait3A_328 = tpu.memref_slice %arg8[%dma_wait3A_325, %dma_wait3A_326, %dma_wait3A_327] : memref<5x128x64xf32, #tpu.memory_space<vmem>> -> memref<1x128x64xf32, #tpu.memory_space<vmem>>
    %dma_wait3A_329 = tpu.memref_squeeze %dma_wait3A_328 : memref<1x128x64xf32, #tpu.memory_space<vmem>> -> memref<128x64xf32, #tpu.memory_space<vmem>>
    %dma_wait3A_330 = arith.constant 0 : i32
    %dma_wait3A_331 = arith.constant 0 : i32
    %dma_wait3A_332 = tpu.memref_slice %arg4[%dma_wait3A_330, %dma_wait3A_331] : memref<1000000x64xf32, #tpu.memory_space<hbm>> -> memref<128x64xf32, #tpu.memory_space<hbm>>
    %dma_wait3A_333 = arith.constant 0 : i32
    %dma_wait3A_334 = arith.constant 0 : i32
    %dma_wait3A_335 = tpu.memref_slice %arg8[%dma_wait3A_325, %dma_wait3A_333, %dma_wait3A_334] : memref<5x128x64xf32, #tpu.memory_space<vmem>> -> memref<1x128x64xf32, #tpu.memory_space<vmem>>
    %dma_wait3A_336 = tpu.memref_squeeze %dma_wait3A_335 : memref<1x128x64xf32, #tpu.memory_space<vmem>> -> memref<128x64xf32, #tpu.memory_space<vmem>>
    %dma_wait3A_337 = arith.constant 0 : i32
    %dma_wait3A_338 = arith.constant 0 : i32
    %dma_wait3A_339 = tpu.memref_slice %arg4[%dma_wait3A_337, %dma_wait3A_338] : memref<1000000x64xf32, #tpu.memory_space<hbm>> -> memref<128x64xf32, #tpu.memory_space<hbm>>
    tpu.wait_dma2 semaphore(%arg18 : memref<!tpu.dma_semaphore, #tpu.memory_space<semaphore_mem>>) src(%dma_wait3A_339 : memref<128x64xf32, #tpu.memory_space<hbm>>) dst(%dma_wait3A_336 : memref<128x64xf32, #tpu.memory_space<vmem>>)
    %dma_wait3A_340 = arith.constant 4 : i32
    %dma_wait3A_341 = arith.constant 0 : i32
    %dma_wait3A_342 = arith.constant 0 : i32
    %dma_wait3A_343 = tpu.memref_slice %arg8[%dma_wait3A_340, %dma_wait3A_341, %dma_wait3A_342] : memref<5x128x64xf32, #tpu.memory_space<vmem>> -> memref<1x128x64xf32, #tpu.memory_space<vmem>>
    %dma_wait3A_344 = tpu.memref_squeeze %dma_wait3A_343 : memref<1x128x64xf32, #tpu.memory_space<vmem>> -> memref<128x64xf32, #tpu.memory_space<vmem>>
    %dma_wait3A_345 = arith.constant 0 : i32
    %dma_wait3A_346 = arith.constant 0 : i32
    %dma_wait3A_347 = tpu.memref_slice %arg4[%dma_wait3A_345, %dma_wait3A_346] : memref<1000000x64xf32, #tpu.memory_space<hbm>> -> memref<128x64xf32, #tpu.memory_space<hbm>>
    %dma_wait3A_348 = arith.constant 0 : i32
    %dma_wait3A_349 = arith.constant 0 : i32
    %dma_wait3A_350 = tpu.memref_slice %arg8[%dma_wait3A_340, %dma_wait3A_348, %dma_wait3A_349] : memref<5x128x64xf32, #tpu.memory_space<vmem>> -> memref<1x128x64xf32, #tpu.memory_space<vmem>>
    %dma_wait3A_351 = tpu.memref_squeeze %dma_wait3A_350 : memref<1x128x64xf32, #tpu.memory_space<vmem>> -> memref<128x64xf32, #tpu.memory_space<vmem>>
    %dma_wait3A_352 = arith.constant 0 : i32
    %dma_wait3A_353 = arith.constant 0 : i32
    %dma_wait3A_354 = tpu.memref_slice %arg4[%dma_wait3A_352, %dma_wait3A_353] : memref<1000000x64xf32, #tpu.memory_space<hbm>> -> memref<128x64xf32, #tpu.memory_space<hbm>>
    tpu.wait_dma2 semaphore(%arg19 : memref<!tpu.dma_semaphore, #tpu.memory_space<semaphore_mem>>) src(%dma_wait3A_354 : memref<128x64xf32, #tpu.memory_space<hbm>>) dst(%dma_wait3A_351 : memref<128x64xf32, #tpu.memory_space<vmem>>)
    return
  }
}

</mosaic_0001>

<sc_bundles>
// kernel: kernel.4.cloned.1.call-start
scs
__scs_entry_jumppad:
0x0: {  	(pc) =	sbr.rel $0x88, $3  }
0x1: {  	(tag) =	ssettag $0x0;
	lr =	simm.s32 $0x1  }
0x2: {  	[smem:$0x3F9F] =	sst lr;
	_ =	strace $0xD0000000  }
0x3: {  	_ = 	snop  }
0x4: {  	_ = 	snop  }
0x5: {  	_ = 	snop  }
0x6: {  	_ = 	snop  }
0x7: {  	_ = 	snop  }
__scs_overlays_trampoline_lowered:
0x8: {  	[smem:$0x3FAE] =	sst s0  }
0x9: {  	[smem:$0x3FAF] =	sst s1  }
0xa: {  	[smem:$0x3FB0] =	sst s2  }
0xb: {  	[smem:$0x3FB1] =	sst s3  }
0xc: {  	[smem:$0x3FB2] =	sst s4  }
0xd: {  	[smem:$0x3FB3] =	sst s5  }
0xe: {  	[smem:$0x3FB4] =	sst s6  }
0xf: {  	[smem:$0x3FB5] =	sst s7  }
0x10: {  	[smem:$0x3FB6] =	sst s8  }
0x11: {  	[smem:$0x3FB7] =	sst s9;
	s0 =	simm.s32 @!p0 $0x0  }
0x12: {  	s1 =	sld [smem:$0x3F9D];
	s0 =	simm.s32 @p0 $0x1  }
0x13: {  	[smem:$0x3FB8] =	sst s0;
	s0 =	simm.s32 @!p1 $0x0  }
0x14: {  	s2 =	sld [smem:$0x3F9C];
	s0 =	simm.s32 @p1 $0x1  }
0x15: {  	[smem:$0x3FB9] =	sst s0;
	s0 =	simm.s32 @!p2 $0x0  }
0x16: {  	s3 =	sld [smem:$0x3FDB];
	s0 =	simm.s32 @p2 $0x1  }
0x17: {  	s4 =	simm.s32 $0x1BF5;
	[smem:$0x3FBB] =	sst s0  }
0x18: {  	s0 =	sld [smem:$0x3F9E];
	_ =	swait.ge [sflag:s4], $0x0  }
0x19: {  	s7 =	sld [smem:$0x3F9F]  }
0x1a: {  	s8 =	sadd.s32 $0xFFFFE003, lr  }
0x1b: {  	s9 =	sadd.s32 $0xFFFFFEF7, lr;
	s5 =	simm.s32 $0xFFFFFFFF;
	p2 =	slt.u32 s8, $0xFFFFF086  }
0x1c: {  	p1 =	slt.u32 s9, $0xF7A;
	s5 =	simm.s32 @!p2 $0x0  }
0x1d: {  	s5 =	simm.s32 @p1 $0x1;
	p0 =	seq.s32 s7, s2  }
0x1e: {  	s7 =	smul.u32 @!p0 $0xF7A, s2;
	p2 =	seq.s32 @!p0 s5, $0x0  }
0x1f: {  	s9 =	smul.u32 $0xF7A, s1;
	s8 =	simm.s32 @!p0 $0x1BF5;
	p2 =	por !p2, p0  }
0x20: {  	[sflag:s8] =	ssyncset.s32 @!p0 $0xFFFFF086;
	s6 =	sadd.s32 @!p0 s3, s7;
	s7 =	simm.s32 @!p0 $0x108  }
0x21: {  	s3 =	sadd.s32 s3, s9;
	s6 =	sadd.s32 @!p0 $0x88, s6;
	s7 =	simm.s32 @p2 $0x1082  }
0x22: {  	[simem:s7], [sflag:s8] =	dma.local @!p0 [hbm:s6], $0xF7A  }
0x23: {  	s9 =	sor.u32 $0xD0000000, s2;
	s6 =	simm.s32 $0x108;
	_ =	swait.ge @!p0 [sflag:s8], $0x0  }
0x24: {  	s3 =	sadd.s32 $0x88, s3;
	s6 =	simm.s32 @!p1 $0x1082;
	[sflag:s4] =	ssyncset.s32 $0xFFFFF086  }
0x25: {  	[simem:s6], [sflag:s4] =	dma.local [hbm:s3], $0xF7A  }
0x26: {  	[smem:$0x3F9F] =	sst s1;
	(tag) =	ssettag s2;
	_ =	strace s9  }
0x27: {  	s1 =	sld [smem:$0x3FAF]  }
0x28: {  	s2 =	sld [smem:$0x3FB0]  }
0x29: {  	s4 =	sld [smem:$0x3FB2]  }
0x2a: {  	p0 =	seq.s32 s5, $0x0;
	s5 =	sld [smem:$0x3FB3]  }
0x2b: {  	s6 =	sld [smem:$0x3FB4]  }
0x2c: {  	s7 =	sld [smem:$0x3FB5]  }
0x2d: {  	s3 =	simm.s32 $0x108;
	s8 =	sld [smem:$0x3FB6]  }
0x2e: {  	s3 =	simm.s32 @!p0 $0x1082;
	s9 =	sld [smem:$0x3FB7]  }
0x2f: {  	lr =	sadd.s32 s0, s3;
	s0 =	sld [smem:$0x3FAE]  }
0x30: {  	s3 =	sld [smem:$0x3FB1]  }
0x31: {  	[smem:$0x3FBA] =	sst s10  }
0x32: {  	s10 =	sld [smem:$0x3FB8];
	_ =	sdelay $0x3  }
0x33: {  	p0 =	seq.s32 s10, $0x1;
	s10 =	sld [smem:$0x3FBA];
	_ =	sdelay $0x3  }
0x34: {  	[smem:$0x3FBA] =	sst s10  }
0x35: {  	s10 =	sld [smem:$0x3FB9];
	_ =	sdelay $0x3  }
0x36: {  	p1 =	seq.s32 s10, $0x1;
	s10 =	sld [smem:$0x3FBA];
	_ =	sdelay $0x3  }
0x37: {  	[smem:$0x3FBA] =	sst s10  }
0x38: {  	s10 =	sld [smem:$0x3FBB]  }
0x39: {  	_ = 	snop;
	(pc) =	sbr.ind lr, $3  }
0x3a: {  	_ = 	snop  }
0x3b: {  	_ = 	snop  }
0x3c: {  	p2 =	seq.s32 s10, $0x1;
	s10 =	sld [smem:$0x3FBA]  }
0x3d: {  	_ =	shalt  }
0x3e: {  	_ =	shalt  }
0x3f: {  	_ =	shalt  }
0x40: {  	_ =	shalt  }
0x41: {  	_ =	shalt  }
0x42: {  	_ =	shalt  }
0x43: {  	_ =	shalt  }
0x44: {  	_ =	shalt  }
0x45: {  	_ =	shalt  }
0x46: {  	_ =	shalt  }
0x47: {  	_ =	shalt  }
0x48: {  	_ =	shalt  }
0x49: {  	_ =	shalt  }
0x4a: {  	_ =	shalt  }
0x4b: {  	_ =	shalt  }
0x4c: {  	_ =	shalt  }
0x4d: {  	_ =	shalt  }
0x4e: {  	_ =	shalt  }
0x4f: {  	_ =	shalt  }
0x50: {  	_ =	shalt  }
0x51: {  	_ =	shalt  }
0x52: {  	_ =	shalt  }
0x53: {  	_ =	shalt  }
0x54: {  	_ =	shalt  }
0x55: {  	_ =	shalt  }
0x56: {  	_ =	shalt  }
0x57: {  	_ =	shalt  }
0x58: {  	_ =	shalt  }
0x59: {  	_ =	shalt  }
0x5a: {  	_ =	shalt  }
0x5b: {  	_ =	shalt  }
0x5c: {  	_ =	shalt  }
0x5d: {  	_ =	shalt  }
0x5e: {  	_ =	shalt  }
0x5f: {  	_ =	shalt  }
0x60: {  	_ =	shalt  }
0x61: {  	_ =	shalt  }
0x62: {  	_ =	shalt  }
0x63: {  	_ =	shalt  }
0x64: {  	_ =	shalt  }
0x65: {  	_ =	shalt  }
0x66: {  	_ =	shalt  }
0x67: {  	_ =	shalt  }
0x68: {  	_ =	shalt  }
0x69: {  	_ =	shalt  }
0x6a: {  	_ =	shalt  }
0x6b: {  	_ =	shalt  }
0x6c: {  	_ =	shalt  }
0x6d: {  	_ =	shalt  }
0x6e: {  	_ =	shalt  }
0x6f: {  	_ =	shalt  }
0x70: {  	_ =	shalt  }
0x71: {  	_ =	shalt  }
0x72: {  	_ =	shalt  }
0x73: {  	_ =	shalt  }
0x74: {  	_ =	shalt  }
0x75: {  	_ =	shalt  }
0x76: {  	_ =	shalt  }
0x77: {  	_ =	shalt  }
0x78: {  	_ =	shalt  }
0x79: {  	_ =	shalt  }
0x7a: {  	_ =	shalt  }
0x7b: {  	_ =	shalt  }
0x7c: {  	_ =	shalt  }
0x7d: {  	_ =	shalt  }
0x7e: {  	_ =	shalt  }
0x7f: {  	_ =	shalt  }
0x80: {  	_ =	shalt  }
0x81: {  	_ =	shalt  }
0x82: {  	_ =	shalt  }
0x83: {  	_ =	shalt  }
0x84: {  	_ =	shalt  }
0x85: {  	_ =	shalt  }
0x86: {  	_ =	shalt  }
0x87: {  	_ =	shalt  }
.Lfunc_end0:
.L_simem_size_0:
called_computation_lowered:
.L_overlay_start_0:
0x88: {  	s2 =	sld [smem:$0x3FD9]  }
0x89: {  	s3 =	sld [smem:$0x3FFE];
	_ =	sdelay $0x1  }
0x8a: {  	s1 =	srdreg.scid  }
0x8b: {  	s0 =	sand.u32 $0x1, s1  }
0x8c: {  	s17 =	sshll.u32 s0, $0xA;
	s2 =	sadd.s32 s3, s2  }
0x8d: {  	s2 =	sadd.s32 s2, s17  }
0x8e: {  	[smem:$0x3FC6] =	sst s2  }
0x8f: {  	_ = 	snop  }
0x90: {  	s2 =	sld [smem:$0x3FC9];
	(tm) =	ssettm $0x1  }
0x91: {  	s18 =	sld [smem:$0x3FFB];
	_ =	sdelay $0x3  }
0x92: {  	_ =	strace s18  }
0x93: {  	s3 =	sld [smem:$0x3FFC];
	_ =	sdelay $0x3  }
0x94: {  	_ =	strace s3  }
0x95: {  	s3 =	sld [smem:$0x3FFD];
	_ =	sdelay $0x3  }
0x96: {  	_ =	strace s3  }
0x97: {  	_ =	strace $0x8FFFFFFF  }
0x98: {  	s19 =	sld [smem:$0x3FDB];
	_ =	sdelay $0x1  }
0x99: {  	s4 =	simm.s32 $_scs_section_size  }
0x9a: {  	s5 =	simm.s32 $_size__tile_overlayer_lowered;
	s6 =	simm.s32 $_tile_overlayer_lowered  }
0x9b: {  	s22 =	simm.s32 $0x1BFF;
	s21 =	sshll.u32 s6, $0x1;
	s3 =	sadd.s32 s4, s19  }
0x9c: {  	s7 =	simm.s32 $0x0;
	s20 =	sshll.u32 s5, $0x1;
	s5 =	sadd.s32 s21, s3  }
0x9d: {  	[timem:s7], [sflag:s22] =	dma.local [hbm:s5], s20  }
0x9e: {  	_ =	swait.ge [sflag:s22], s20  }
0x9f: {  	s4 =	ssub.s32 $0x0, s20;
	[sflag:s22] =	ssyncset.done $0x0  }
0xa0: {  	[sflag:s22] =	ssyncadd.s32 s4;
	_ =	sdelay $0x1  }
0xa1: {  	s23 =	simm.s32 $0x1B8B  }
0xa2: {  	_ =	swait.ge [sflag:s23], $0x1  }
0xa3: {  	[sflag:s23] =	ssyncset.done $0x0  }
0xa4: {  	s25 =	simm.s32 $0x1B8E;
	s24 =	sld [smem:$0x3FFE];
	[sflag:s23] =	ssyncadd.s32 $0xFFFFFFFF  }
0xa5: {  	s26 =	simm.s32 $execute0_lowered;
	[smem:$0x3FD2] =	sst s25  }
0xa6: {  	s5 =	sshll.u32 s26, $0x1;
	_ =	strace $0x80000046;
	[dreg:$0x1] =	wrdreg $0xFFFFFFFF  }
0xa7: {  	s28 =	simm.s32 $_size_execute0_lowered;
	s3 =	sadd.s32 s3, s5;
	[dreg:$0x0] =	wrdreg $0x0  }
0xa8: {  	s5 =	sshll.u32 s28, $0x1;
	[dreg:$0x2] =	wrdreg s3  }
0xa9: {  	[dreg:$0x3] =	wrdreg s5  }
0xaa: {  	[dreg:$0x4] =	wrdreg $0xC0  }
0xab: {  	_ =	task [dreg:s7], $0x5FFFF  }
0xac: {  	[dreg:$0x1] =	wrdreg $0xFFFFFFFF  }
0xad: {  	[dreg:$0x0] =	wrdreg $0x60  }
0xae: {  	[dreg:$0x2] =	wrdreg s2  }
0xaf: {  	[dreg:$0x3] =	wrdreg s24  }
0xb0: {  	[dreg:$0x4] =	wrdreg $0x9  }
0xb1: {  	_ =	task.clear_ibuf [dreg:s7], $0x5FFFF;
	_ =	strace $0x90000046  }
0xb2: {  	s29 =	simm.s32 $0x9;
	_ =	strace $0x80000048  }
0xb3: {  	_ =	swait.ge [sflag:s29], $0x1  }
0xb4: {  	[sflag:s29] =	ssyncadd.s32 $0xFFFFFFFF  }
0xb5: {  	_ =	strace $0x90000048  }
0xb6: {  	_ =	sfence  }
0xb7: {  	s30 =	sld [smem:$0x0];
	_ =	sdelay $0x2  }
0xb8: {  	s31 =	sshll.u32 s1, $0xD;
	s1 =	sshrl.u32 s1, $0x2  }
0xb9: {  	s3 =	sand.u32 $0x4000, s31;
	s1 =	sadd.s32 s1, s30  }
0xba: {  	s0 =	sor.u32 s3, s0;
	s1 =	sshll.u32 s1, $0x11  }
0xbb: {  	s0 =	sor.u32 s1, s0  }
0xbc: {  	s0 =	sadd.s32 $0x8F2B, s0  }
0xbd: {  	[sflag:s0] =	ssyncadd.remote.s32 $0x1  }
0xbe: {  	_ =	sfence.sel $0xFFFF  }
0xbf: {  	[dreg:$0x0] =	wrdreg $0xFFFFFFFF;
	(pc) =	sbr.abs _section_cstart, $3  }
0xc0: {  	[dreg:$0x1] =	wrdreg $0xFFFFFFFF  }
0xc1: {  	_ =	task.clear_ibuf [dreg:s7], $0x2FFFF;
	_ =	strace $0x9FFFFFFF  }
0xc2: {  	(tm) =	ssettm $0x7FFFFFFF  }
0xc3: {  	_ =	shalt  }
tec
execute0_lowered:
.L_overlay_start_1:
0x0: {  	(tag) =	ssettag $0x1  }
0x1: {  	s14 =	rddreg [dreg:$0x0]  }
0x2: {  	s2 =	rddreg [dreg:$0x1]  }
0x3: {  	s0 =	rddreg [dreg:$0x2];
	s3 =	srdreg.scid  }
0x4: {  	s1 =	stileid.u32;
	s4 =	simm.s32 $0x0;
	s3 =	sand.u32 $0x1, s3  }
0x5: {  	s5 =	sshll.u32 s1, $0x1;
	[smem:$0x7FF] =	sst s4;
	s19 =	sshll.u32 s1, $0x8  }
0x6: {  	s16 =	sadd.s32 $0xA00, s2;
	s7 =	sshll.u32 s1, $0x6;
	p0 =	sgt.u32 s1, $0x3  }
0x7: {  	s12 =	sor.u32 s3, s5;
	_ =	strace $0x80000047;
	s4 =	sand.u32 $0xC00, s19  }
0x8: {  	s15 =	ssub.s32 $0x2, s3;
	s17 =	sshll.u32 s12, $0x7;
	s4 =	sadd.s32 s14, s4  }
0x9: {  	s5 =	sor.u32 $0x20, s12;
	s6 =	sshll.u32 s12, $0xA;
	s9 =	sor.u32 $0x40, s12  }
0xa: {  	s11 =	sor.u32 $0x60, s12;
	s18 =	sor.u32 $0x80, s12;
	s20 =	sand.u32 $0x380, s17  }
0xb: {  	s3 =	sadd.s32 s16, s17;
	s21 =	sshll.u32 s5, $0xA;
	s13 =	sand.u32 $0x1C00, s6  }
0xc: {  	s22 =	sshll.u32 s5, $0x7;
	s23 =	sshll.u32 s9, $0xA;
	s10 =	sshll.u32 s11, $0xA  }
0xd: {  	s9 =	sshll.u32 s9, $0x7;
	s11 =	sshll.u32 s11, $0x7;
	s19 =	sshll.u32 s18, $0xA  }
0xe: {  	s28 =	sshll.u32 s18, $0x7;
	s2 =	sadd.s32 s20, s4;
	s8 =	sand.u32 $0xE000, s21  }
0xf: {  	s4 =	sor.u32 $0x1C01, s7;
	s24 =	sand.u32 $0x16000, s23;
	s7 =	simm.s32 $0x1  }
0x10: {  	[hbm:s3], [sflag:s4] =	dma.local [hbm:s2], $0x80  }
0x11: {  	s10 =	sand.u32 $0x1E000, s10;
	s6 =	sor.u32 s13, s8;
	_ =	swait.ge [sflag:s7], $0x80  }
0x12: {  	s9 =	sadd.s32 s16, s9;
	s6 =	sshrl.u32 s6, $0x3;
	[sflag:s7] =	ssyncset.done $0x0  }
0x13: {  	s5 =	sadd.s32 s14, s6;
	s6 =	sadd.s32 s16, s22;
	[sflag:s7] =	ssyncadd.s32 $0xFFFFFF80  }
0x14: {  	[hbm:s6], [sflag:s4] =	dma.local [hbm:s5], $0x80  }
0x15: {  	s11 =	sadd.s32 s16, s11;
	s8 =	sor.u32 s13, s24;
	_ =	swait.ge [sflag:s7], $0x80  }
0x16: {  	s20 =	sor.u32 $0xA0, s12;
	s8 =	sshrl.u32 s8, $0x3;
	[sflag:s7] =	ssyncset.done $0x0  }
0x17: {  	s25 =	sand.u32 $0x26000, s19;
	s8 =	sadd.s32 s14, s8;
	[sflag:s7] =	ssyncadd.s32 $0xFFFFFF80  }
0x18: {  	[hbm:s9], [sflag:s4] =	dma.local [hbm:s8], $0x80  }
0x19: {  	s21 =	sshrl.u32 s15, $0x1;
	s10 =	sor.u32 s13, s10;
	_ =	swait.ge [sflag:s7], $0x80  }
0x1a: {  	s26 =	sshll.u32 s20, $0xA;
	s10 =	sshrl.u32 s10, $0x3;
	[sflag:s7] =	ssyncset.done $0x0  }
0x1b: {  	s12 =	sor.u32 s13, s25;
	s10 =	sadd.s32 s14, s10;
	[sflag:s7] =	ssyncadd.s32 $0xFFFFFF80  }
0x1c: {  	[hbm:s11], [sflag:s4] =	dma.local [hbm:s10], $0x80  }
0x1d: {  	s29 =	ssub.s32 s15, s21;
	s19 =	sand.u32 $0x2E000, s26;
	_ =	swait.ge [sflag:s7], $0x80  }
0x1e: {  	s12 =	sshrl.u32 s12, $0x3;
	s19 =	sor.u32 s13, s19;
	[sflag:s7] =	ssyncset.done $0x0  }
0x1f: {  	s12 =	sadd.s32 s14, s12;
	s13 =	sadd.s32 s16, s28;
	[sflag:s7] =	ssyncadd.s32 $0xFFFFFF80  }
0x20: {  	[hbm:s13], [sflag:s4] =	dma.local [hbm:s12], $0x80  }
0x21: {  	s31 =	sshll.u32 s20, $0x7;
	s18 =	smax.u32 s29, $0x1;
	_ =	swait.ge [sflag:s7], $0x80  }
0x22: {  	s16 =	sadd.s32 s16, s31;
	s30 =	sshrl.u32 s19, $0x3;
	[sflag:s7] =	ssyncset.done $0x0  }
0x23: {  	s19 =	sadd.s32 $0xFFFFFFFF, s18;
	s15 =	sadd.s32 s14, s30;
	[sflag:s7] =	ssyncadd.s32 $0xFFFFFF80  }
0x24: {  	[hbm:s16], [sflag:s4] =	dma.local [hbm:s15], $0x80  }
0x25: {  	s18 =	simm.s32 @!p0 $0x1;
	p1 =	sne.s32 s19, $0x0;
	_ =	swait.ge [sflag:s7], $0x80  }
.Ltmp0:
0x26: {  	s14 =	sadd.s32 s17, s14;
	[sflag:s7] =	ssyncset.done $0x0;
	(pc) =	sbr.rel @!p1 .LBB2_2-.Ltmp0, $4  }
0x27: {  	s17 =	sadd.s32 $0x6000, s3;
	s14 =	sadd.s32 $0x6000, s14;
	[sflag:s7] =	ssyncadd.s32 $0xFFFFFF80  }
0x28: {  	[hbm:s17], [sflag:s4] =	dma.local @!p0 [hbm:s14], $0x80  }
0x29: {  	_ =	swait.ge @!p0 [sflag:s18], $0x80  }
0x2a: {  	[sflag:s18] =	ssyncset.done @!p0 $0x0  }
.LBB2_1:
0x2b: {  	s19 =	sadd.s32 $0xFFFFFFFF, s19;
	[sflag:s18] =	ssyncadd.s32 @!p0 $0xFFFFFF80  }
0x2c: {  	[hbm:s3], [sflag:s4] =	dma.local [hbm:s2], $0x80  }
0x2d: {  	p1 =	sne.s32 s19, $0x0;
	_ =	swait.ge [sflag:s7], $0x80  }
0x2e: {  	[sflag:s7] =	ssyncset.done $0x0  }
0x2f: {  	[sflag:s7] =	ssyncadd.s32 $0xFFFFFF80  }
0x30: {  	[hbm:s6], [sflag:s4] =	dma.local [hbm:s5], $0x80  }
0x31: {  	_ =	swait.ge [sflag:s7], $0x80  }
0x32: {  	[sflag:s7] =	ssyncset.done $0x0  }
0x33: {  	[sflag:s7] =	ssyncadd.s32 $0xFFFFFF80  }
0x34: {  	[hbm:s9], [sflag:s4] =	dma.local [hbm:s8], $0x80  }
0x35: {  	_ =	swait.ge [sflag:s7], $0x80  }
0x36: {  	[sflag:s7] =	ssyncset.done $0x0  }
0x37: {  	[sflag:s7] =	ssyncadd.s32 $0xFFFFFF80  }
0x38: {  	[hbm:s11], [sflag:s4] =	dma.local [hbm:s10], $0x80  }
0x39: {  	_ =	swait.ge [sflag:s7], $0x80  }
0x3a: {  	[sflag:s7] =	ssyncset.done $0x0  }
0x3b: {  	[sflag:s7] =	ssyncadd.s32 $0xFFFFFF80  }
0x3c: {  	[hbm:s13], [sflag:s4] =	dma.local [hbm:s12], $0x80  }
0x3d: {  	_ =	swait.ge [sflag:s7], $0x80  }
0x3e: {  	[sflag:s7] =	ssyncset.done $0x0  }
0x3f: {  	[sflag:s7] =	ssyncadd.s32 $0xFFFFFF80  }
0x40: {  	[hbm:s16], [sflag:s4] =	dma.local [hbm:s15], $0x80  }
0x41: {  	_ =	swait.ge [sflag:s7], $0x80  }
.Ltmp1:
0x42: {  	[sflag:s7] =	ssyncset.done $0x0;
	(pc) =	sbr.rel @p1 .LBB2_1-.Ltmp1, $4  }
0x43: {  	[sflag:s7] =	ssyncadd.s32 $0xFFFFFF80  }
0x44: {  	[hbm:s17], [sflag:s4] =	dma.local @!p0 [hbm:s14], $0x80  }
0x45: {  	_ =	swait.ge @!p0 [sflag:s18], $0x80  }
0x46: {  	[sflag:s18] =	ssyncset.done @!p0 $0x0  }
.LBB2_2:
0x47: {  	[sflag:s18] =	ssyncadd.s32 @!p0 $0xFFFFFF80  }
0x48: {  	_ =	sfence.sel $0x180000  }
0x49: {  	[bflag:$0x0] =	sbarrier.arrive $0xFFFF  }
0x4a: {  	p0 =	sne.s32 s1, $0x0;
	_ =	strace $0x90000047  }
0x4b: {  	s0 =	sadd.s32 @!p0 $0x100000, s0;
	[bflag:$0x2] =	sbarrier.arrive $0xFFFF  }
0x4c: {  	[sflag:s0] =	ssyncadd.tile.s32 @!p0 $0x1;
	_ =	shalt  }
.Lfunc_end2:
_tile_overlayer_lowered:
.L_overlay_start_2:
0x4d: {  	(tag) =	ssettag $0x2  }
0x4e: {  	s0 =	rddreg [dreg:$0x0];
	s2 =	stileid.u32  }
0x4f: {  	s1 =	rddreg [dreg:$0x1];
	p0 =	sne.s32 s2, $0x0  }
0x50: {  	s3 =	rddreg [dreg:$0x2];
	[bflag:$0x3] =	sbarrier.arrive $0xFFFF;
	s2 =	simm.s32 @!p0 $0x1C01  }
0x51: {  	[timem:s3], [sflag:s2] =	dma.local @!p0 [hbm:s0], s1  }
0x52: {  	s0 =	simm.s32 @!p0 $0x1  }
0x53: {  	_ =	swait.ge @!p0 [sflag:s0], s1  }
0x54: {  	s1 =	ssub.s32 @!p0 $0x0, s1;
	[sflag:s0] =	ssyncset.done @!p0 $0x0  }
0x55: {  	[sflag:s0] =	ssyncadd.s32 @!p0 s1  }
0x56: {  	[bflag:$0x3] =	sbarrier.arrive $0xFFFF  }
0x57: {  	_ =	shalt  }

// kernel: kernel.7.cloned.1.call-start
scs
__scs_entry_jumppad:
0x0: {  	(pc) =	sbr.rel $0x88, $3  }
0x1: {  	(tag) =	ssettag $0x0;
	lr =	simm.s32 $0x1  }
0x2: {  	[smem:$0x3F9F] =	sst lr;
	_ =	strace $0xD0000000  }
0x3: {  	_ = 	snop  }
0x4: {  	_ = 	snop  }
0x5: {  	_ = 	snop  }
0x6: {  	_ = 	snop  }
0x7: {  	_ = 	snop  }
__scs_overlays_trampoline_lowered:
0x8: {  	[smem:$0x3FAE] =	sst s0  }
0x9: {  	[smem:$0x3FAF] =	sst s1  }
0xa: {  	[smem:$0x3FB0] =	sst s2  }
0xb: {  	[smem:$0x3FB1] =	sst s3  }
0xc: {  	[smem:$0x3FB2] =	sst s4  }
0xd: {  	[smem:$0x3FB3] =	sst s5  }
0xe: {  	[smem:$0x3FB4] =	sst s6  }
0xf: {  	[smem:$0x3FB5] =	sst s7  }
0x10: {  	[smem:$0x3FB6] =	sst s8  }
0x11: {  	[smem:$0x3FB7] =	sst s9;
	s0 =	simm.s32 @!p0 $0x0  }
0x12: {  	s1 =	sld [smem:$0x3F9D];
	s0 =	simm.s32 @p0 $0x1  }
0x13: {  	[smem:$0x3FB8] =	sst s0;
	s0 =	simm.s32 @!p1 $0x0  }
0x14: {  	s2 =	sld [smem:$0x3F9C];
	s0 =	simm.s32 @p1 $0x1  }
0x15: {  	[smem:$0x3FB9] =	sst s0;
	s0 =	simm.s32 @!p2 $0x0  }
0x16: {  	s3 =	sld [smem:$0x3FDB];
	s0 =	simm.s32 @p2 $0x1  }
0x17: {  	s4 =	simm.s32 $0x1BF5;
	[smem:$0x3FBB] =	sst s0  }
0x18: {  	s0 =	sld [smem:$0x3F9E];
	_ =	swait.ge [sflag:s4], $0x0  }
0x19: {  	s7 =	sld [smem:$0x3F9F]  }
0x1a: {  	s8 =	sadd.s32 $0xFFFFE003, lr  }
0x1b: {  	s9 =	sadd.s32 $0xFFFFFEF7, lr;
	s5 =	simm.s32 $0xFFFFFFFF;
	p2 =	slt.u32 s8, $0xFFFFF086  }
0x1c: {  	p1 =	slt.u32 s9, $0xF7A;
	s5 =	simm.s32 @!p2 $0x0  }
0x1d: {  	s5 =	simm.s32 @p1 $0x1;
	p0 =	seq.s32 s7, s2  }
0x1e: {  	s7 =	smul.u32 @!p0 $0xF7A, s2;
	p2 =	seq.s32 @!p0 s5, $0x0  }
0x1f: {  	s9 =	smul.u32 $0xF7A, s1;
	s8 =	simm.s32 @!p0 $0x1BF5;
	p2 =	por !p2, p0  }
0x20: {  	[sflag:s8] =	ssyncset.s32 @!p0 $0xFFFFF086;
	s6 =	sadd.s32 @!p0 s3, s7;
	s7 =	simm.s32 @!p0 $0x108  }
0x21: {  	s3 =	sadd.s32 s3, s9;
	s6 =	sadd.s32 @!p0 $0x88, s6;
	s7 =	simm.s32 @p2 $0x1082  }
0x22: {  	[simem:s7], [sflag:s8] =	dma.local @!p0 [hbm:s6], $0xF7A  }
0x23: {  	s9 =	sor.u32 $0xD0000000, s2;
	s6 =	simm.s32 $0x108;
	_ =	swait.ge @!p0 [sflag:s8], $0x0  }
0x24: {  	s3 =	sadd.s32 $0x88, s3;
	s6 =	simm.s32 @!p1 $0x1082;
	[sflag:s4] =	ssyncset.s32 $0xFFFFF086  }
0x25: {  	[simem:s6], [sflag:s4] =	dma.local [hbm:s3], $0xF7A  }
0x26: {  	[smem:$0x3F9F] =	sst s1;
	(tag) =	ssettag s2;
	_ =	strace s9  }
0x27: {  	s1 =	sld [smem:$0x3FAF]  }
0x28: {  	s2 =	sld [smem:$0x3FB0]  }
0x29: {  	s4 =	sld [smem:$0x3FB2]  }
0x2a: {  	p0 =	seq.s32 s5, $0x0;
	s5 =	sld [smem:$0x3FB3]  }
0x2b: {  	s6 =	sld [smem:$0x3FB4]  }
0x2c: {  	s7 =	sld [smem:$0x3FB5]  }
0x2d: {  	s3 =	simm.s32 $0x108;
	s8 =	sld [smem:$0x3FB6]  }
0x2e: {  	s3 =	simm.s32 @!p0 $0x1082;
	s9 =	sld [smem:$0x3FB7]  }
0x2f: {  	lr =	sadd.s32 s0, s3;
	s0 =	sld [smem:$0x3FAE]  }
0x30: {  	s3 =	sld [smem:$0x3FB1]  }
0x31: {  	[smem:$0x3FBA] =	sst s10  }
0x32: {  	s10 =	sld [smem:$0x3FB8];
	_ =	sdelay $0x3  }
0x33: {  	p0 =	seq.s32 s10, $0x1;
	s10 =	sld [smem:$0x3FBA];
	_ =	sdelay $0x3  }
0x34: {  	[smem:$0x3FBA] =	sst s10  }
0x35: {  	s10 =	sld [smem:$0x3FB9];
	_ =	sdelay $0x3  }
0x36: {  	p1 =	seq.s32 s10, $0x1;
	s10 =	sld [smem:$0x3FBA];
	_ =	sdelay $0x3  }
0x37: {  	[smem:$0x3FBA] =	sst s10  }
0x38: {  	s10 =	sld [smem:$0x3FBB]  }
0x39: {  	_ = 	snop;
	(pc) =	sbr.ind lr, $3  }
0x3a: {  	_ = 	snop  }
0x3b: {  	_ = 	snop  }
0x3c: {  	p2 =	seq.s32 s10, $0x1;
	s10 =	sld [smem:$0x3FBA]  }
0x3d: {  	_ =	shalt  }
0x3e: {  	_ =	shalt  }
0x3f: {  	_ =	shalt  }
0x40: {  	_ =	shalt  }
0x41: {  	_ =	shalt  }
0x42: {  	_ =	shalt  }
0x43: {  	_ =	shalt  }
0x44: {  	_ =	shalt  }
0x45: {  	_ =	shalt  }
0x46: {  	_ =	shalt  }
0x47: {  	_ =	shalt  }
0x48: {  	_ =	shalt  }
0x49: {  	_ =	shalt  }
0x4a: {  	_ =	shalt  }
0x4b: {  	_ =	shalt  }
0x4c: {  	_ =	shalt  }
0x4d: {  	_ =	shalt  }
0x4e: {  	_ =	shalt  }
0x4f: {  	_ =	shalt  }
0x50: {  	_ =	shalt  }
0x51: {  	_ =	shalt  }
0x52: {  	_ =	shalt  }
0x53: {  	_ =	shalt  }
0x54: {  	_ =	shalt  }
0x55: {  	_ =	shalt  }
0x56: {  	_ =	shalt  }
0x57: {  	_ =	shalt  }
0x58: {  	_ =	shalt  }
0x59: {  	_ =	shalt  }
0x5a: {  	_ =	shalt  }
0x5b: {  	_ =	shalt  }
0x5c: {  	_ =	shalt  }
0x5d: {  	_ =	shalt  }
0x5e: {  	_ =	shalt  }
0x5f: {  	_ =	shalt  }
0x60: {  	_ =	shalt  }
0x61: {  	_ =	shalt  }
0x62: {  	_ =	shalt  }
0x63: {  	_ =	shalt  }
0x64: {  	_ =	shalt  }
0x65: {  	_ =	shalt  }
0x66: {  	_ =	shalt  }
0x67: {  	_ =	shalt  }
0x68: {  	_ =	shalt  }
0x69: {  	_ =	shalt  }
0x6a: {  	_ =	shalt  }
0x6b: {  	_ =	shalt  }
0x6c: {  	_ =	shalt  }
0x6d: {  	_ =	shalt  }
0x6e: {  	_ =	shalt  }
0x6f: {  	_ =	shalt  }
0x70: {  	_ =	shalt  }
0x71: {  	_ =	shalt  }
0x72: {  	_ =	shalt  }
0x73: {  	_ =	shalt  }
0x74: {  	_ =	shalt  }
0x75: {  	_ =	shalt  }
0x76: {  	_ =	shalt  }
0x77: {  	_ =	shalt  }
0x78: {  	_ =	shalt  }
0x79: {  	_ =	shalt  }
0x7a: {  	_ =	shalt  }
0x7b: {  	_ =	shalt  }
0x7c: {  	_ =	shalt  }
0x7d: {  	_ =	shalt  }
0x7e: {  	_ =	shalt  }
0x7f: {  	_ =	shalt  }
0x80: {  	_ =	shalt  }
0x81: {  	_ =	shalt  }
0x82: {  	_ =	shalt  }
0x83: {  	_ =	shalt  }
0x84: {  	_ =	shalt  }
0x85: {  	_ =	shalt  }
0x86: {  	_ =	shalt  }
0x87: {  	_ =	shalt  }
.Lfunc_end0:
.L_simem_size_0:
called_computation.1_lowered:
.L_overlay_start_0:
0x88: {  	s2 =	sld [smem:$0x3FD9]  }
0x89: {  	s3 =	sld [smem:$0x3FFE];
	_ =	sdelay $0x1  }
0x8a: {  	s1 =	srdreg.scid  }
0x8b: {  	s0 =	sand.u32 $0x1, s1  }
0x8c: {  	s17 =	sshll.u32 s0, $0xA;
	s2 =	sadd.s32 s3, s2  }
0x8d: {  	s2 =	sadd.s32 s2, s17  }
0x8e: {  	[smem:$0x3FC6] =	sst s2  }
0x8f: {  	_ = 	snop  }
0x90: {  	s2 =	sld [smem:$0x3FD0];
	(tm) =	ssettm $0x1  }
0x91: {  	s18 =	sld [smem:$0x3FFB];
	_ =	sdelay $0x3  }
0x92: {  	_ =	strace s18  }
0x93: {  	s3 =	sld [smem:$0x3FFC];
	_ =	sdelay $0x3  }
0x94: {  	_ =	strace s3  }
0x95: {  	s3 =	sld [smem:$0x3FFD];
	_ =	sdelay $0x3  }
0x96: {  	_ =	strace s3  }
0x97: {  	_ =	strace $0x8FFFFFFF  }
0x98: {  	s19 =	sld [smem:$0x3FDB];
	_ =	sdelay $0x1  }
0x99: {  	s4 =	simm.s32 $_scs_section_size  }
0x9a: {  	s5 =	simm.s32 $_size__tile_overlayer_lowered;
	s6 =	simm.s32 $_tile_overlayer_lowered  }
0x9b: {  	s22 =	simm.s32 $0x1BFF;
	s21 =	sshll.u32 s6, $0x1;
	s3 =	sadd.s32 s4, s19  }
0x9c: {  	s7 =	simm.s32 $0x0;
	s20 =	sshll.u32 s5, $0x1;
	s5 =	sadd.s32 s21, s3  }
0x9d: {  	[timem:s7], [sflag:s22] =	dma.local [hbm:s5], s20  }
0x9e: {  	_ =	swait.ge [sflag:s22], s20  }
0x9f: {  	s4 =	ssub.s32 $0x0, s20;
	[sflag:s22] =	ssyncset.done $0x0  }
0xa0: {  	[sflag:s22] =	ssyncadd.s32 s4;
	_ =	sdelay $0x1  }
0xa1: {  	s23 =	simm.s32 $0x1B8B  }
0xa2: {  	_ =	swait.ge [sflag:s23], $0x1  }
0xa3: {  	[sflag:s23] =	ssyncset.done $0x0  }
0xa4: {  	s25 =	simm.s32 $0x1B8E;
	s24 =	sld [smem:$0x3FFE];
	[sflag:s23] =	ssyncadd.s32 $0xFFFFFFFF  }
0xa5: {  	s26 =	simm.s32 $execute0_lowered;
	[smem:$0x3FD2] =	sst s25  }
0xa6: {  	s5 =	sshll.u32 s26, $0x1;
	_ =	strace $0x80000049;
	[dreg:$0x1] =	wrdreg $0xFFFFFFFF  }
0xa7: {  	s28 =	simm.s32 $_size_execute0_lowered;
	s3 =	sadd.s32 s3, s5;
	[dreg:$0x0] =	wrdreg $0x0  }
0xa8: {  	s5 =	sshll.u32 s28, $0x1;
	[dreg:$0x2] =	wrdreg s3  }
0xa9: {  	[dreg:$0x3] =	wrdreg s5  }
0xaa: {  	[dreg:$0x4] =	wrdreg $0xC0  }
0xab: {  	_ =	task [dreg:s7], $0x5FFFF  }
0xac: {  	[dreg:$0x1] =	wrdreg $0xFFFFFFFF  }
0xad: {  	[dreg:$0x0] =	wrdreg $0x60  }
0xae: {  	[dreg:$0x2] =	wrdreg s24  }
0xaf: {  	[dreg:$0x3] =	wrdreg s2  }
0xb0: {  	[dreg:$0x4] =	wrdreg $0x9  }
0xb1: {  	_ =	task.clear_ibuf [dreg:s7], $0x5FFFF;
	_ =	strace $0x90000049  }
0xb2: {  	s29 =	simm.s32 $0x9;
	_ =	strace $0x8000004B  }
0xb3: {  	_ =	swait.ge [sflag:s29], $0x1  }
0xb4: {  	[sflag:s29] =	ssyncadd.s32 $0xFFFFFFFF  }
0xb5: {  	_ =	strace $0x9000004B  }
0xb6: {  	_ =	sfence  }
0xb7: {  	s30 =	sld [smem:$0x0];
	_ =	sdelay $0x2  }
0xb8: {  	s31 =	sshll.u32 s1, $0xD;
	s1 =	sshrl.u32 s1, $0x2  }
0xb9: {  	s3 =	sand.u32 $0x4000, s31;
	s1 =	sadd.s32 s1, s30  }
0xba: {  	s0 =	sor.u32 s3, s0;
	s1 =	sshll.u32 s1, $0x11  }
0xbb: {  	s0 =	sor.u32 s1, s0  }
0xbc: {  	s0 =	sadd.s32 $0x8F2B, s0  }
0xbd: {  	[sflag:s0] =	ssyncadd.remote.s32 $0x1  }
0xbe: {  	_ =	sfence.sel $0xFFFF  }
0xbf: {  	[dreg:$0x0] =	wrdreg $0xFFFFFFFF;
	(pc) =	sbr.abs _section_cstart, $3  }
0xc0: {  	[dreg:$0x1] =	wrdreg $0xFFFFFFFF  }
0xc1: {  	_ =	task.clear_ibuf [dreg:s7], $0x2FFFF;
	_ =	strace $0x9FFFFFFF  }
0xc2: {  	(tm) =	ssettm $0x7FFFFFFF  }
0xc3: {  	_ =	shalt  }
tec
execute0_lowered:
.L_overlay_start_1:
0x0: {  	(tag) =	ssettag $0x1  }
0x1: {  	s0 =	rddreg [dreg:$0x0]  }
0x2: {  	s1 =	srdreg.scid;
	s3 =	stileid.u32  }
0x3: {  	s2 =	rddreg [dreg:$0x1];
	s12 =	simm.s32 $0x80;
	s15 =	simm.s32 $0x8B00  }
0x4: {  	s16 =	simm.s32 $0x1;
	s17 =	simm.s32 $0xEB00;
	s18 =	simm.s32 $0xAB00  }
0x5: {  	s19 =	simm.s32 $0x2;
	s20 =	simm.s32 $0x10D00;
	s21 =	simm.s32 $0xCB00  }
0x6: {  	s22 =	simm.s32 $0x3;
	s23 =	simm.s32 $0x12F00;
	s24 =	simm.s32 $0x4  }
0x7: {  	s25 =	simm.s32 $0x15100;
	s26 =	simm.s32 $0x5;
	s1 =	sand.u32 $0x1, s1  }
0x8: {  	s4 =	sshll.u32 s3, $0x1;
	s3 =	simm.s32 $0x0;
	s6 =	sadd.s32 $0x6E00, s0  }
0x9: {  	s4 =	sor.u32 s1, s4;
	[smem:$0x7FF] =	sst s3;
	s1 =	ssub.s32 $0x2, s1  }
0xa: {  	s5 =	smul.u32 $0x320, s4;
	_ =	strace $0x8000004A;
	s7 =	sshrl.u32 s1, $0x1  }
0xb: {  	v0 =	vlaneseq.u32;
	s4 =	smul.u32 $0x32, s4;
	[dreg:$0x3] =	wrdreg s6;
	s30 =	ssub.s32 s1, s7  }
0xc: {  	v0 =	vmul.u32 $0x88, v0;
	s6 =	sadd.s32 $0xF49200, s0;
	s5 =	sadd.s32 s5, s0;
	s0 =	smax.u32 s30, $0x1  }
0xd: {  	s28 =	simm.s32 $0x17300;
	s31 =	sadd.s32 $0xA00, s5;
	[dreg:$0x5] =	wrdreg s0  }
0xe: {  	s11 =	simm.s32 $0x0;
	v1 =	vadd.s32 $0x880, v0;
	v2 =	vadd.s32 $0x1100, v0;
	v3 =	vadd.s32 $0x1980, v0;
	s8 =	sor.u32 $0x1, s4;
	[dreg:$0x4] =	wrdreg s31  }
.LBB2_1:
0xf: {  	s0 =	rddreg [dreg:$0x4];
	s1 =	simm.s32 $0xB  }
0x10: {  	[tilespmem:s3], [sflag:$0xB] =	stream.linear.gather [hbm4b:s0+s3], $0x1900, $0x38;
	[tilespmem:$0x19500] =	vst v63  }
0x11: {  	_ =	swait.ge [sflag:s1], $0x1900  }
0x12: {  	[sflag:s1] =	ssyncset.done $0x0  }
0x13: {  	s5 =	simm.s32 $0x1900;
	s29 =	rddreg [dreg:$0x3];
	[sflag:s1] =	ssyncadd.s32 $0xFFFFE700  }
0x14: {  	[tilespmem:s5], [sflag:$0xB] =	stream.linear.gather [hbm4b:s29+s3], $0x3200, $0x38;
	[tilespmem:$0x19500] =	vst v63  }
0x15: {  	_ =	swait.ge [sflag:s1], $0x3200  }
0x16: {  	[sflag:s1] =	ssyncset.done $0x0  }
0x17: {  	s30 =	simm.s32 $0x4B00;
	[sflag:s1] =	ssyncadd.s32 $0xFFFFCE00  }
0x18: {  	[tilespmem:s30], [sflag:$0x1] =	stream.indirect.gather [hbm4b:s6+s12], $0x40, s3, s12, $0xb8;
	[tilespmem:$0x19500] =	vst v63  }
0x19: {  	s31 =	simm.s32 $0x6B00;
	s13 =	simm.s32 $0x0  }
0x1a: {  	[tilespmem:s31], [sflag:$0x2] =	stream.indirect.gather [hbm4b:s6+s12], $0x40, s12, s12, $0xb8;
	[tilespmem:$0x19500] =	vst v63  }
.LBB2_2:
0x1b: {  	s5 =	smul.u32 $0x5, s13;
	p0 =	seq.s32 s13, $0x0  }
0x1c: {  	s1 =	simm.s32 @!p0 $0x8  }
0x1d: {  	s7 =	sadd.s32 $0x2, s5;
	_ =	swait.ge @!p0 [sflag:s1], $0x2000  }
0x1e: {  	[sflag:s1] =	ssyncset.done @!p0 $0x0;
	s9 =	sshll.u32 s7, $0x7  }
0x1f: {  	s14 =	sadd.s32 s4, s5;
	[sflag:s1] =	ssyncadd.s32 @!p0 $0xFFFFE000;
	s9 =	sand.u32 $0x3FFFFF80, s9  }
0x20: {  	[tilespmem:s15], [sflag:$0x3] =	stream.indirect.gather [hbm4b:s6+s12], $0x40, s9, s12, $0xb8;
	[tilespmem:$0x19500] =	vst v63  }
0x21: {  	s10 =	sshrl.u32 s14, $0x3;
	_ =	swait.ge [sflag:s16], $0x2000  }
0x22: {  	s31 =	sand.u32 $0x7, s14;
	s1 =	sand.u32 $0xFFFFFF8, s10;
	[sflag:s16] =	ssyncset.done $0x0  }
0x23: {  	s29 =	simm.s32 $0x4B80;
	s9 =	sor.u32 s31, s1;
	[sflag:s16] =	ssyncadd.s32 $0xFFFFE000  }
0x24: {  	s1 =	sshll.u32 s9, $0x8;
	v5 =	vld [tilespmem:s29+$0xFFFFFF80]  }
0x25: {  	s30 =	simm.s32 $0x0;
	s1 =	sshra.s32 s1, $0x2  }
0x26: {  	v6 =	vmov s30;
	v4 =	vld [tilespmem:s1+$0x1900]  }
0x27: {  	v8 =	vand.u32 $0x7C, v6  }
0x28: {  	v9 =	vadd.s32 v0, v8  }
0x29: {  	v7 =	vmul.f32 $8.000000000e+00, v5;
	_ =	sdelay $0x1  }
0x2a: {  	v6 =	vld [tilespmem:s1+$0x1920];
	v10 =	vadd.f32 v7, v4  }
0x2b: {  	v5 =	vld [tilespmem:s1+$0x1910]  }
0x2c: {  	v7 =	vld [tilespmem:s1+$0x1930];
	[tilespmem:v9+s17+$0x0] =	vst.idx.msk $0xffff, v10  }
0x2d: {  	v9 =	vld [tilespmem:s29+$0xFFFFFF90];
	_ =	sdelay $0x3  }
0x2e: {  	v10 =	vadd.s32 v1, v8  }
0x2f: {  	v9 =	vmul.f32 $8.000000000e+00, v9;
	_ =	sdelay $0x1  }
0x30: {  	v9 =	vadd.f32 v9, v5;
	_ =	sdelay $0x1  }
0x31: {  	[tilespmem:v10+s17+$0x0] =	vst.idx.msk $0xffff, v9  }
0x32: {  	v9 =	vld [tilespmem:s29+$0xFFFFFFA0];
	_ =	sdelay $0x3  }
0x33: {  	v10 =	vadd.s32 v2, v8  }
0x34: {  	v9 =	vmul.f32 $8.000000000e+00, v9;
	_ =	sdelay $0x1  }
0x35: {  	v9 =	vadd.f32 v9, v6;
	_ =	sdelay $0x1  }
0x36: {  	[tilespmem:v10+s17+$0x0] =	vst.idx.msk $0xffff, v9  }
0x37: {  	v9 =	vld [tilespmem:s29+$0xFFFFFFB0];
	_ =	sdelay $0x3  }
0x38: {  	v8 =	vadd.s32 v3, v8  }
0x39: {  	v9 =	vmul.f32 $8.000000000e+00, v9;
	_ =	sdelay $0x1  }
0x3a: {  	v9 =	vadd.f32 v9, v7;
	_ =	sdelay $0x1  }
0x3b: {  	[tilespmem:v8+s17+$0x0] =	vst.idx.msk $0xffff, v9  }
0x3c: {  	v8 =	vld [tilespmem:s29+$0xFFFFFFC0]  }
0x3d: {  	s0 =	simm.s32 $0x1  }
0x3e: {  	v9 =	vmov s0  }
0x3f: {  	v9 =	vand.u32 $0x7D, v9  }
0x40: {  	v10 =	vadd.s32 v0, v9  }
0x41: {  	v8 =	vmul.f32 $8.000000000e+00, v8;
	_ =	sdelay $0x1  }
0x42: {  	v8 =	vadd.f32 v8, v4;
	_ =	sdelay $0x1  }
0x43: {  	[tilespmem:v10+s17+$0x0] =	vst.idx.msk $0xffff, v8  }
0x44: {  	v8 =	vld [tilespmem:s29+$0xFFFFFFD0];
	_ =	sdelay $0x3  }
0x45: {  	v10 =	vadd.s32 v1, v9  }
0x46: {  	v8 =	vmul.f32 $8.000000000e+00, v8;
	_ =	sdelay $0x1  }
0x47: {  	v8 =	vadd.f32 v8, v5;
	_ =	sdelay $0x1  }
0x48: {  	[tilespmem:v10+s17+$0x0] =	vst.idx.msk $0xffff, v8  }
0x49: {  	v8 =	vld [tilespmem:s29+$0xFFFFFFE0];
	_ =	sdelay $0x3  }
0x4a: {  	v10 =	vadd.s32 v2, v9  }
0x4b: {  	v8 =	vmul.f32 $8.000000000e+00, v8;
	_ =	sdelay $0x1  }
0x4c: {  	v8 =	vadd.f32 v8, v6;
	_ =	sdelay $0x1  }
0x4d: {  	[tilespmem:v10+s17+$0x0] =	vst.idx.msk $0xffff, v8  }
0x4e: {  	v8 =	vld [tilespmem:s29+$0xFFFFFFF0];
	_ =	sdelay $0x3  }
0x4f: {  	v9 =	vadd.s32 v3, v9  }
0x50: {  	v8 =	vmul.f32 $8.000000000e+00, v8;
	_ =	sdelay $0x1  }
0x51: {  	v8 =	vadd.f32 v8, v7;
	_ =	sdelay $0x1  }
0x52: {  	[tilespmem:v9+s17+$0x0] =	vst.idx.msk $0xffff, v8  }
0x53: {  	v8 =	vld [tilespmem:s29+$0x0]  }
0x54: {  	s10 =	simm.s32 $0x2  }
0x55: {  	v9 =	vmov s10  }
0x56: {  	v9 =	vand.u32 $0x7E, v9  }
0x57: {  	v10 =	vadd.s32 v0, v9  }
0x58: {  	v8 =	vmul.f32 $8.000000000e+00, v8;
	_ =	sdelay $0x1  }
0x59: {  	v8 =	vadd.f32 v8, v4;
	_ =	sdelay $0x1  }
0x5a: {  	[tilespmem:v10+s17+$0x0] =	vst.idx.msk $0xffff, v8  }
0x5b: {  	v8 =	vld [tilespmem:s29+$0x10];
	_ =	sdelay $0x3  }
0x5c: {  	v10 =	vadd.s32 v1, v9  }
0x5d: {  	v8 =	vmul.f32 $8.000000000e+00, v8;
	_ =	sdelay $0x1  }
0x5e: {  	v8 =	vadd.f32 v8, v5;
	_ =	sdelay $0x1  }
0x5f: {  	[tilespmem:v10+s17+$0x0] =	vst.idx.msk $0xffff, v8  }
0x60: {  	v8 =	vld [tilespmem:s29+$0x20];
	_ =	sdelay $0x3  }
0x61: {  	v10 =	vadd.s32 v2, v9  }
0x62: {  	v8 =	vmul.f32 $8.000000000e+00, v8;
	_ =	sdelay $0x1  }
0x63: {  	v8 =	vadd.f32 v8, v6;
	_ =	sdelay $0x1  }
0x64: {  	[tilespmem:v10+s17+$0x0] =	vst.idx.msk $0xffff, v8  }
0x65: {  	v8 =	vld [tilespmem:s29+$0x30];
	_ =	sdelay $0x3  }
0x66: {  	v9 =	vadd.s32 v3, v9  }
0x67: {  	v8 =	vmul.f32 $8.000000000e+00, v8;
	_ =	sdelay $0x1  }
0x68: {  	v8 =	vadd.f32 v8, v7;
	_ =	sdelay $0x1  }
0x69: {  	[tilespmem:v9+s17+$0x0] =	vst.idx.msk $0xffff, v8  }
0x6a: {  	v8 =	vld [tilespmem:s29+$0x40]  }
0x6b: {  	s31 =	simm.s32 $0x3  }
0x6c: {  	v9 =	vmov s31  }
0x6d: {  	v9 =	vand.u32 $0x7F, v9  }
0x6e: {  	v10 =	vadd.s32 v0, v9  }
0x6f: {  	v8 =	vmul.f32 $8.000000000e+00, v8;
	_ =	sdelay $0x1  }
0x70: {  	v8 =	vadd.f32 v8, v4;
	_ =	sdelay $0x1  }
0x71: {  	[tilespmem:v10+s17+$0x0] =	vst.idx.msk $0xffff, v8  }
0x72: {  	v8 =	vld [tilespmem:s29+$0x50];
	_ =	sdelay $0x3  }
0x73: {  	v10 =	vadd.s32 v1, v9  }
0x74: {  	v8 =	vmul.f32 $8.000000000e+00, v8;
	_ =	sdelay $0x1  }
0x75: {  	v8 =	vadd.f32 v8, v5;
	_ =	sdelay $0x1  }
0x76: {  	[tilespmem:v10+s17+$0x0] =	vst.idx.msk $0xffff, v8  }
0x77: {  	v8 =	vld [tilespmem:s29+$0x60];
	_ =	sdelay $0x3  }
0x78: {  	v10 =	vadd.s32 v2, v9  }
0x79: {  	v8 =	vmul.f32 $8.000000000e+00, v8;
	_ =	sdelay $0x1  }
0x7a: {  	v8 =	vadd.f32 v8, v6;
	_ =	sdelay $0x1  }
0x7b: {  	[tilespmem:v10+s17+$0x0] =	vst.idx.msk $0xffff, v8  }
0x7c: {  	v8 =	vld [tilespmem:s29+$0x70];
	_ =	sdelay $0x4  }
0x7d: {  	v10 =	vmul.f32 $8.000000000e+00, v8;
	v8 =	vadd.s32 v3, v9;
	_ =	sdelay $0x2  }
0x7e: {  	s30 =	simm.s32 $0x4;
	v9 =	vadd.f32 v10, v7  }
.LBB2_3:
0x7f: {  	p1 =	slt.u32 s30, $0x7C  }
0x80: {  	s29 =	sadd.s32 $0x100, s29;
	s31 =	smov.u32 s30;
	s30 =	sadd.s32 $0x4, s30;
	[tilespmem:v8+s17+$0x0] =	vst.idx.msk $0xffff, v9  }
0x81: {  	v8 =	vld [tilespmem:s29+$0xFFFFFF80];
	_ =	sdelay $0x1  }
0x82: {  	v9 =	vmov s31  }
0x83: {  	v9 =	vand.u32 $0x7C, v9  }
0x84: {  	v10 =	vadd.s32 v0, v9  }
0x85: {  	v8 =	vmul.f32 $8.000000000e+00, v8;
	_ =	sdelay $0x1  }
0x86: {  	v8 =	vadd.f32 v8, v4;
	_ =	sdelay $0x1  }
0x87: {  	[tilespmem:v10+s17+$0x0] =	vst.idx.msk $0xffff, v8  }
0x88: {  	v8 =	vld [tilespmem:s29+$0xFFFFFF90];
	_ =	sdelay $0x3  }
0x89: {  	v10 =	vadd.s32 v1, v9  }
0x8a: {  	v8 =	vmul.f32 $8.000000000e+00, v8;
	_ =	sdelay $0x1  }
0x8b: {  	v8 =	vadd.f32 v8, v5;
	_ =	sdelay $0x1  }
0x8c: {  	[tilespmem:v10+s17+$0x0] =	vst.idx.msk $0xffff, v8  }
0x8d: {  	v8 =	vld [tilespmem:s29+$0xFFFFFFA0];
	_ =	sdelay $0x3  }
0x8e: {  	v10 =	vadd.s32 v2, v9  }
0x8f: {  	v8 =	vmul.f32 $8.000000000e+00, v8;
	_ =	sdelay $0x1  }
0x90: {  	v8 =	vadd.f32 v8, v6;
	_ =	sdelay $0x1  }
0x91: {  	[tilespmem:v10+s17+$0x0] =	vst.idx.msk $0xffff, v8  }
0x92: {  	v8 =	vld [tilespmem:s29+$0xFFFFFFB0];
	_ =	sdelay $0x3  }
0x93: {  	v9 =	vadd.s32 v3, v9  }
0x94: {  	v8 =	vmul.f32 $8.000000000e+00, v8;
	_ =	sdelay $0x1  }
0x95: {  	v8 =	vadd.f32 v8, v7;
	_ =	sdelay $0x1  }
0x96: {  	[tilespmem:v9+s17+$0x0] =	vst.idx.msk $0xffff, v8  }
0x97: {  	v8 =	vld [tilespmem:s29+$0xFFFFFFC0]  }
0x98: {  	s1 =	sadd.s32 $0x1, s31  }
0x99: {  	v9 =	vmov s1  }
0x9a: {  	v9 =	vand.u32 $0x7D, v9  }
0x9b: {  	v10 =	vadd.s32 v0, v9  }
0x9c: {  	v8 =	vmul.f32 $8.000000000e+00, v8;
	_ =	sdelay $0x1  }
0x9d: {  	v8 =	vadd.f32 v8, v4;
	_ =	sdelay $0x1  }
0x9e: {  	[tilespmem:v10+s17+$0x0] =	vst.idx.msk $0xffff, v8  }
0x9f: {  	v8 =	vld [tilespmem:s29+$0xFFFFFFD0];
	_ =	sdelay $0x3  }
0xa0: {  	v10 =	vadd.s32 v1, v9  }
0xa1: {  	v8 =	vmul.f32 $8.000000000e+00, v8;
	_ =	sdelay $0x1  }
0xa2: {  	v8 =	vadd.f32 v8, v5;
	_ =	sdelay $0x1  }
0xa3: {  	[tilespmem:v10+s17+$0x0] =	vst.idx.msk $0xffff, v8  }
0xa4: {  	v8 =	vld [tilespmem:s29+$0xFFFFFFE0];
	_ =	sdelay $0x3  }
0xa5: {  	v10 =	vadd.s32 v2, v9  }
0xa6: {  	v8 =	vmul.f32 $8.000000000e+00, v8;
	_ =	sdelay $0x1  }
0xa7: {  	v8 =	vadd.f32 v8, v6;
	_ =	sdelay $0x1  }
0xa8: {  	[tilespmem:v10+s17+$0x0] =	vst.idx.msk $0xffff, v8  }
0xa9: {  	v8 =	vld [tilespmem:s29+$0xFFFFFFF0];
	_ =	sdelay $0x3  }
0xaa: {  	v9 =	vadd.s32 v3, v9  }
0xab: {  	v8 =	vmul.f32 $8.000000000e+00, v8;
	_ =	sdelay $0x1  }
0xac: {  	v8 =	vadd.f32 v8, v7;
	_ =	sdelay $0x1  }
0xad: {  	[tilespmem:v9+s17+$0x0] =	vst.idx.msk $0xffff, v8  }
0xae: {  	v8 =	vld [tilespmem:s29+$0x0]  }
0xaf: {  	s1 =	sadd.s32 $0x2, s31  }
0xb0: {  	v9 =	vmov s1  }
0xb1: {  	v9 =	vand.u32 $0x7E, v9  }
0xb2: {  	v10 =	vadd.s32 v0, v9  }
0xb3: {  	v8 =	vmul.f32 $8.000000000e+00, v8;
	_ =	sdelay $0x1  }
0xb4: {  	v8 =	vadd.f32 v8, v4;
	_ =	sdelay $0x1  }
0xb5: {  	[tilespmem:v10+s17+$0x0] =	vst.idx.msk $0xffff, v8  }
0xb6: {  	v8 =	vld [tilespmem:s29+$0x10];
	_ =	sdelay $0x3  }
0xb7: {  	v10 =	vadd.s32 v1, v9  }
0xb8: {  	v8 =	vmul.f32 $8.000000000e+00, v8;
	_ =	sdelay $0x1  }
0xb9: {  	v8 =	vadd.f32 v8, v5;
	_ =	sdelay $0x1  }
0xba: {  	[tilespmem:v10+s17+$0x0] =	vst.idx.msk $0xffff, v8  }
0xbb: {  	v8 =	vld [tilespmem:s29+$0x20];
	_ =	sdelay $0x3  }
0xbc: {  	v10 =	vadd.s32 v2, v9  }
0xbd: {  	v8 =	vmul.f32 $8.000000000e+00, v8;
	_ =	sdelay $0x1  }
0xbe: {  	v8 =	vadd.f32 v8, v6;
	_ =	sdelay $0x1  }
0xbf: {  	[tilespmem:v10+s17+$0x0] =	vst.idx.msk $0xffff, v8  }
0xc0: {  	v8 =	vld [tilespmem:s29+$0x30];
	_ =	sdelay $0x3  }
0xc1: {  	v9 =	vadd.s32 v3, v9  }
0xc2: {  	v8 =	vmul.f32 $8.000000000e+00, v8;
	_ =	sdelay $0x1  }
0xc3: {  	v8 =	vadd.f32 v8, v7;
	_ =	sdelay $0x1  }
0xc4: {  	[tilespmem:v9+s17+$0x0] =	vst.idx.msk $0xffff, v8  }
0xc5: {  	v8 =	vld [tilespmem:s29+$0x40]  }
0xc6: {  	s1 =	sadd.s32 $0x3, s31  }
0xc7: {  	v9 =	vmov s1  }
0xc8: {  	v9 =	vand.u32 $0x7F, v9  }
0xc9: {  	v10 =	vadd.s32 v0, v9  }
0xca: {  	v8 =	vmul.f32 $8.000000000e+00, v8;
	_ =	sdelay $0x1  }
0xcb: {  	v8 =	vadd.f32 v8, v4;
	_ =	sdelay $0x1  }
0xcc: {  	[tilespmem:v10+s17+$0x0] =	vst.idx.msk $0xffff, v8  }
0xcd: {  	v8 =	vld [tilespmem:s29+$0x50];
	_ =	sdelay $0x3  }
0xce: {  	v10 =	vadd.s32 v1, v9  }
0xcf: {  	v8 =	vmul.f32 $8.000000000e+00, v8;
	_ =	sdelay $0x1  }
0xd0: {  	v8 =	vadd.f32 v8, v5;
	_ =	sdelay $0x1  }
0xd1: {  	[tilespmem:v10+s17+$0x0] =	vst.idx.msk $0xffff, v8  }
0xd2: {  	v8 =	vld [tilespmem:s29+$0x60];
	_ =	sdelay $0x3  }
0xd3: {  	v10 =	vadd.s32 v2, v9  }
0xd4: {  	v8 =	vmul.f32 $8.000000000e+00, v8;
	_ =	sdelay $0x1  }
0xd5: {  	v8 =	vadd.f32 v8, v6;
	_ =	sdelay $0x1  }
0xd6: {  	[tilespmem:v10+s17+$0x0] =	vst.idx.msk $0xffff, v8  }
0xd7: {  	v10 =	vld [tilespmem:s29+$0x70];
	_ =	sdelay $0x2  }
.Ltmp0:
0xd8: {  	(pc) =	sbr.rel @p1 .LBB2_3-.Ltmp0, $3  }
0xd9: {  	v8 =	vadd.s32 v3, v9  }
0xda: {  	v9 =	vmul.f32 $8.000000000e+00, v10;
	_ =	sdelay $0x1  }
0xdb: {  	v9 =	vadd.f32 v9, v7  }
0xdc: {  	s1 =	sshll.u32 s14, $0x7  }
0xdd: {  	s9 =	sshll.u32 s9, $0x10;
	s1 =	sand.u32 $0x1C00, s1  }
0xde: {  	s1 =	sor.u32 s1, s9  }
0xdf: {  	s1 =	sshrl.u32 s1, $0x3  }
0xe0: {  	s31 =	simm.s32 $0xEB00;
	[tilespmem:v8+s17+$0x0] =	vst.idx.msk $0xffff, v9;
	s9 =	sadd.s32 s2, s1  }
0xe1: {  	[hbm4b:s9+s3] =	stream.linear.scatter [tilespmem:s31], [sflag:$0x6], $0x80, $0x38;
	[tilespmem:$0x19500] =	vst v63  }
0xe2: {  	s0 =	simm.s32 $0xEB88;
	s10 =	sadd.s32 $0x10, s9  }
0xe3: {  	[hbm4b:s10+s3] =	stream.linear.scatter [tilespmem:s0], [sflag:$0x6], $0x80, $0x38;
	[tilespmem:$0x19500] =	vst v63  }
0xe4: {  	s14 =	simm.s32 $0xEC10;
	s31 =	sadd.s32 $0x20, s9  }
0xe5: {  	[hbm4b:s31+s3] =	stream.linear.scatter [tilespmem:s14], [sflag:$0x6], $0x80, $0x38;
	[tilespmem:$0x19500] =	vst v63  }
0xe6: {  	s0 =	simm.s32 $0xEC98;
	s10 =	sadd.s32 $0x30, s9  }
0xe7: {  	[hbm4b:s10+s3] =	stream.linear.scatter [tilespmem:s0], [sflag:$0x6], $0x80, $0x38;
	[tilespmem:$0x19500] =	vst v63  }
0xe8: {  	s14 =	simm.s32 $0xED20;
	s31 =	sadd.s32 $0x40, s9  }
0xe9: {  	[hbm4b:s31+s3] =	stream.linear.scatter [tilespmem:s14], [sflag:$0x6], $0x80, $0x38;
	[tilespmem:$0x19500] =	vst v63  }
0xea: {  	s29 =	simm.s32 $0xEEB8;
	s0 =	simm.s32 $0xEDA8;
	s10 =	sadd.s32 $0x50, s9  }
0xeb: {  	[hbm4b:s10+s3] =	stream.linear.scatter [tilespmem:s0], [sflag:$0x6], $0x80, $0x38;
	[tilespmem:$0x19500] =	vst v63  }
0xec: {  	s1 =	simm.s32 $0x440;
	s14 =	simm.s32 $0xEE30;
	s31 =	sadd.s32 $0x60, s9  }
0xed: {  	[hbm4b:s31+s3] =	stream.linear.scatter [tilespmem:s14], [sflag:$0x6], $0x80, $0x38;
	[tilespmem:$0x19500] =	vst v63  }
0xee: {  	s30 =	sadd.s32 $0x70, s9;
	s9 =	sadd.s32 $0x400, s9;
	s14 =	simm.s32 $0x2200  }
.LBB2_5:
0xef: {  	[hbm4b:s30+s3] =	stream.linear.scatter [tilespmem:s29], [sflag:$0x6], $0x80, $0x38;
	[tilespmem:$0x19500] =	vst v63  }
0xf0: {  	s29 =	smov.u32 s1;
	s1 =	smov.u32 s14  }
0xf1: {  	s31 =	sadd.s32 $0x1100, s14;
	s1 =	sshra.s32 s1, $0x2;
	s30 =	sadd.s32 $0xEB00, s29  }
0xf2: {  	[hbm4b:s9+s3] =	stream.linear.scatter [tilespmem:s30], [sflag:$0x6], $0x80, $0x38;
	[tilespmem:$0x19500] =	vst v63  }
0xf3: {  	p1 =	sne.s32 s14, $0x7700;
	s14 =	sadd.s32 $0xEB88, s29;
	s30 =	sadd.s32 $0x10, s9  }
0xf4: {  	[hbm4b:s30+s3] =	stream.linear.scatter [tilespmem:s14], [sflag:$0x6], $0x80, $0x38;
	[tilespmem:$0x19500] =	vst v63  }
0xf5: {  	s14 =	sadd.s32 $0xEC10, s29;
	s30 =	sadd.s32 $0x20, s9  }
0xf6: {  	[hbm4b:s30+s3] =	stream.linear.scatter [tilespmem:s14], [sflag:$0x6], $0x80, $0x38;
	[tilespmem:$0x19500] =	vst v63  }
0xf7: {  	s14 =	sadd.s32 $0xEC98, s29;
	s30 =	sadd.s32 $0x30, s9  }
0xf8: {  	[hbm4b:s30+s3] =	stream.linear.scatter [tilespmem:s14], [sflag:$0x6], $0x80, $0x38;
	[tilespmem:$0x19500] =	vst v63  }
0xf9: {  	s14 =	sadd.s32 $0xED20, s29;
	s30 =	sadd.s32 $0x40, s9  }
0xfa: {  	[hbm4b:s30+s3] =	stream.linear.scatter [tilespmem:s14], [sflag:$0x6], $0x80, $0x38;
	[tilespmem:$0x19500] =	vst v63  }
.Ltmp1:
0xfb: {  	s14 =	sadd.s32 $0xEDA8, s29;
	s30 =	sadd.s32 $0x50, s9;
	(pc) =	sbr.rel @p1 .LBB2_5-.Ltmp1, $4  }
0xfc: {  	[hbm4b:s30+s3] =	stream.linear.scatter [tilespmem:s14], [sflag:$0x6], $0x80, $0x38;
	[tilespmem:$0x19500] =	vst v63  }
0xfd: {  	s14 =	sadd.s32 $0xEE30, s29;
	s30 =	sadd.s32 $0x60, s9;
	s29 =	sadd.s32 $0xEEB8, s29  }
0xfe: {  	[hbm4b:s30+s3] =	stream.linear.scatter [tilespmem:s14], [sflag:$0x6], $0x80, $0x38;
	[tilespmem:$0x19500] =	vst v63  }
0xff: {  	s30 =	sadd.s32 $0x70, s9;
	s9 =	sadd.s32 $0x400, s9;
	s14 =	smov.u32 s31  }
0x100: {  	[hbm4b:s30+s3] =	stream.linear.scatter [tilespmem:s29], [sflag:$0x6], $0x80, $0x38;
	[tilespmem:$0x19500] =	vst v63  }
0x101: {  	s14 =	sadd.s32 $0xEB00, s1  }
0x102: {  	[hbm4b:s9+s3] =	stream.linear.scatter [tilespmem:s14], [sflag:$0x6], $0x80, $0x38;
	[tilespmem:$0x19500] =	vst v63  }
0x103: {  	s10 =	sadd.s32 $0xEB88, s1;
	s29 =	sadd.s32 $0x10, s9  }
0x104: {  	[hbm4b:s29+s3] =	stream.linear.scatter [tilespmem:s10], [sflag:$0x6], $0x80, $0x38;
	[tilespmem:$0x19500] =	vst v63  }
0x105: {  	s0 =	sadd.s32 $0xEC10, s1;
	s29 =	sadd.s32 $0x20, s9  }
0x106: {  	[hbm4b:s29+s3] =	stream.linear.scatter [tilespmem:s0], [sflag:$0x6], $0x80, $0x38;
	[tilespmem:$0x19500] =	vst v63  }
0x107: {  	s10 =	sadd.s32 $0xEC98, s1;
	s29 =	sadd.s32 $0x30, s9  }
0x108: {  	[hbm4b:s29+s3] =	stream.linear.scatter [tilespmem:s10], [sflag:$0x6], $0x80, $0x38;
	[tilespmem:$0x19500] =	vst v63  }
0x109: {  	s0 =	sadd.s32 $0xED20, s1;
	s29 =	sadd.s32 $0x40, s9  }
0x10a: {  	[hbm4b:s29+s3] =	stream.linear.scatter [tilespmem:s0], [sflag:$0x6], $0x80, $0x38;
	[tilespmem:$0x19500] =	vst v63  }
0x10b: {  	s10 =	sadd.s32 $0xEDA8, s1;
	s29 =	sadd.s32 $0x50, s9  }
0x10c: {  	[hbm4b:s29+s3] =	stream.linear.scatter [tilespmem:s10], [sflag:$0x6], $0x80, $0x38;
	[tilespmem:$0x19500] =	vst v63  }
0x10d: {  	s0 =	sadd.s32 $0xEE30, s1;
	s29 =	sadd.s32 $0x60, s9  }
0x10e: {  	[hbm4b:s29+s3] =	stream.linear.scatter [tilespmem:s0], [sflag:$0x6], $0x80, $0x38;
	[tilespmem:$0x19500] =	vst v63  }
0x10f: {  	s14 =	sadd.s32 $0x70, s9;
	s10 =	sadd.s32 $0xEEB8, s1;
	s1 =	simm.s32 @!p0 $0x9  }
0x110: {  	[hbm4b:s14+s3] =	stream.linear.scatter [tilespmem:s10], [sflag:$0x6], $0x80, $0x38;
	[tilespmem:$0x19500] =	vst v63  }
0x111: {  	s14 =	sadd.s32 $0x3, s5;
	_ =	swait.ge @!p0 [sflag:s1], $0x2000  }
0x112: {  	s0 =	sshll.u32 s14, $0x7;
	[sflag:s1] =	ssyncset.done @!p0 $0x0  }
0x113: {  	s9 =	sadd.s32 s5, s8;
	s10 =	sand.u32 $0x3FFFFF80, s0;
	[sflag:s1] =	ssyncadd.s32 @!p0 $0xFFFFE000  }
0x114: {  	[tilespmem:s18], [sflag:$0x4] =	stream.indirect.gather [hbm4b:s6+s12], $0x40, s10, s12, $0xb8;
	[tilespmem:$0x19500] =	vst v63  }
0x115: {  	s0 =	sshrl.u32 s9, $0x3;
	_ =	swait.ge [sflag:s19], $0x2000  }
0x116: {  	s29 =	sand.u32 $0x7, s9;
	s1 =	sand.u32 $0xFFFFFF8, s0;
	[sflag:s19] =	ssyncset.done $0x0  }
0x117: {  	s30 =	simm.s32 $0x6BF0;
	s29 =	sor.u32 s29, s1;
	[sflag:s19] =	ssyncadd.s32 $0xFFFFE000  }
0x118: {  	s1 =	sshll.u32 s29, $0x8;
	v5 =	vld [tilespmem:s30+$0xFFFFFF10]  }
0x119: {  	s31 =	simm.s32 $0x0;
	s1 =	sshra.s32 s1, $0x2  }
0x11a: {  	v6 =	vmov s31;
	v4 =	vld [tilespmem:s1+$0x1900]  }
0x11b: {  	v8 =	vand.u32 $0x7C, v6  }
0x11c: {  	v9 =	vadd.s32 v0, v8  }
0x11d: {  	v7 =	vmul.f32 $8.000000000e+00, v5;
	_ =	sdelay $0x1  }
0x11e: {  	v6 =	vld [tilespmem:s1+$0x1920];
	v10 =	vadd.f32 v7, v4  }
0x11f: {  	v5 =	vld [tilespmem:s1+$0x1910]  }
0x120: {  	v7 =	vld [tilespmem:s1+$0x1930];
	[tilespmem:v9+s20+$0x0] =	vst.idx.msk $0xffff, v10  }
0x121: {  	v9 =	vld [tilespmem:s30+$0xFFFFFF20];
	_ =	sdelay $0x3  }
0x122: {  	v10 =	vadd.s32 v1, v8  }
0x123: {  	v9 =	vmul.f32 $8.000000000e+00, v9;
	_ =	sdelay $0x1  }
0x124: {  	v9 =	vadd.f32 v9, v5;
	_ =	sdelay $0x1  }
0x125: {  	[tilespmem:v10+s20+$0x0] =	vst.idx.msk $0xffff, v9  }
0x126: {  	v9 =	vld [tilespmem:s30+$0xFFFFFF30];
	_ =	sdelay $0x3  }
0x127: {  	v10 =	vadd.s32 v2, v8  }
0x128: {  	v9 =	vmul.f32 $8.000000000e+00, v9;
	_ =	sdelay $0x1  }
0x129: {  	v9 =	vadd.f32 v9, v6;
	_ =	sdelay $0x1  }
0x12a: {  	[tilespmem:v10+s20+$0x0] =	vst.idx.msk $0xffff, v9  }
0x12b: {  	v9 =	vld [tilespmem:s30+$0xFFFFFF40];
	_ =	sdelay $0x3  }
0x12c: {  	v8 =	vadd.s32 v3, v8  }
0x12d: {  	v9 =	vmul.f32 $8.000000000e+00, v9;
	_ =	sdelay $0x1  }
0x12e: {  	v9 =	vadd.f32 v9, v7;
	_ =	sdelay $0x1  }
0x12f: {  	[tilespmem:v8+s20+$0x0] =	vst.idx.msk $0xffff, v9  }
0x130: {  	v8 =	vld [tilespmem:s30+$0xFFFFFF50]  }
0x131: {  	s10 =	simm.s32 $0x1  }
0x132: {  	v9 =	vmov s10  }
0x133: {  	v9 =	vand.u32 $0x7D, v9  }
0x134: {  	v10 =	vadd.s32 v0, v9  }
0x135: {  	v8 =	vmul.f32 $8.000000000e+00, v8;
	_ =	sdelay $0x1  }
0x136: {  	v8 =	vadd.f32 v8, v4;
	_ =	sdelay $0x1  }
0x137: {  	[tilespmem:v10+s20+$0x0] =	vst.idx.msk $0xffff, v8  }
0x138: {  	v8 =	vld [tilespmem:s30+$0xFFFFFF60];
	_ =	sdelay $0x3  }
0x139: {  	v10 =	vadd.s32 v1, v9  }
0x13a: {  	v8 =	vmul.f32 $8.000000000e+00, v8;
	_ =	sdelay $0x1  }
0x13b: {  	v8 =	vadd.f32 v8, v5;
	_ =	sdelay $0x1  }
0x13c: {  	[tilespmem:v10+s20+$0x0] =	vst.idx.msk $0xffff, v8  }
0x13d: {  	v8 =	vld [tilespmem:s30+$0xFFFFFF70];
	_ =	sdelay $0x3  }
0x13e: {  	v10 =	vadd.s32 v2, v9  }
0x13f: {  	v8 =	vmul.f32 $8.000000000e+00, v8;
	_ =	sdelay $0x1  }
0x140: {  	v8 =	vadd.f32 v8, v6;
	_ =	sdelay $0x1  }
0x141: {  	[tilespmem:v10+s20+$0x0] =	vst.idx.msk $0xffff, v8  }
0x142: {  	v8 =	vld [tilespmem:s30+$0xFFFFFF80];
	_ =	sdelay $0x3  }
0x143: {  	v9 =	vadd.s32 v3, v9  }
0x144: {  	v8 =	vmul.f32 $8.000000000e+00, v8;
	_ =	sdelay $0x1  }
0x145: {  	v8 =	vadd.f32 v8, v7;
	_ =	sdelay $0x1  }
0x146: {  	[tilespmem:v9+s20+$0x0] =	vst.idx.msk $0xffff, v8  }
0x147: {  	v8 =	vld [tilespmem:s30+$0xFFFFFF90]  }
0x148: {  	s0 =	simm.s32 $0x2  }
0x149: {  	v9 =	vmov s0  }
0x14a: {  	v9 =	vand.u32 $0x7E, v9  }
0x14b: {  	v10 =	vadd.s32 v0, v9  }
0x14c: {  	v8 =	vmul.f32 $8.000000000e+00, v8;
	_ =	sdelay $0x1  }
0x14d: {  	v8 =	vadd.f32 v8, v4;
	_ =	sdelay $0x1  }
0x14e: {  	[tilespmem:v10+s20+$0x0] =	vst.idx.msk $0xffff, v8  }
0x14f: {  	v8 =	vld [tilespmem:s30+$0xFFFFFFA0];
	_ =	sdelay $0x3  }
0x150: {  	v10 =	vadd.s32 v1, v9  }
0x151: {  	v8 =	vmul.f32 $8.000000000e+00, v8;
	_ =	sdelay $0x1  }
0x152: {  	v8 =	vadd.f32 v8, v5;
	_ =	sdelay $0x1  }
0x153: {  	[tilespmem:v10+s20+$0x0] =	vst.idx.msk $0xffff, v8  }
0x154: {  	v8 =	vld [tilespmem:s30+$0xFFFFFFB0];
	_ =	sdelay $0x3  }
0x155: {  	v10 =	vadd.s32 v2, v9  }
0x156: {  	v8 =	vmul.f32 $8.000000000e+00, v8;
	_ =	sdelay $0x1  }
0x157: {  	v8 =	vadd.f32 v8, v6;
	_ =	sdelay $0x1  }
0x158: {  	[tilespmem:v10+s20+$0x0] =	vst.idx.msk $0xffff, v8  }
0x159: {  	v8 =	vld [tilespmem:s30+$0xFFFFFFC0];
	_ =	sdelay $0x3  }
0x15a: {  	v9 =	vadd.s32 v3, v9  }
0x15b: {  	v8 =	vmul.f32 $8.000000000e+00, v8;
	_ =	sdelay $0x1  }
0x15c: {  	v8 =	vadd.f32 v8, v7;
	_ =	sdelay $0x1  }
0x15d: {  	[tilespmem:v9+s20+$0x0] =	vst.idx.msk $0xffff, v8  }
0x15e: {  	v8 =	vld [tilespmem:s30+$0xFFFFFFD0]  }
0x15f: {  	s10 =	simm.s32 $0x3  }
0x160: {  	v9 =	vmov s10  }
0x161: {  	v9 =	vand.u32 $0x7F, v9  }
0x162: {  	v10 =	vadd.s32 v0, v9  }
0x163: {  	v8 =	vmul.f32 $8.000000000e+00, v8;
	_ =	sdelay $0x1  }
0x164: {  	v8 =	vadd.f32 v8, v4;
	_ =	sdelay $0x1  }
0x165: {  	[tilespmem:v10+s20+$0x0] =	vst.idx.msk $0xffff, v8  }
0x166: {  	v8 =	vld [tilespmem:s30+$0xFFFFFFE0];
	_ =	sdelay $0x3  }
0x167: {  	v10 =	vadd.s32 v1, v9  }
0x168: {  	v8 =	vmul.f32 $8.000000000e+00, v8;
	_ =	sdelay $0x1  }
0x169: {  	v8 =	vadd.f32 v8, v5;
	_ =	sdelay $0x1  }
0x16a: {  	[tilespmem:v10+s20+$0x0] =	vst.idx.msk $0xffff, v8  }
0x16b: {  	v8 =	vld [tilespmem:s30+$0xFFFFFFF0];
	_ =	sdelay $0x3  }
0x16c: {  	v10 =	vadd.s32 v2, v9  }
0x16d: {  	v8 =	vmul.f32 $8.000000000e+00, v8;
	_ =	sdelay $0x1  }
0x16e: {  	v8 =	vadd.f32 v8, v6;
	_ =	sdelay $0x1  }
0x16f: {  	[tilespmem:v10+s20+$0x0] =	vst.idx.msk $0xffff, v8  }
0x170: {  	v8 =	vld [tilespmem:s30+$0x0];
	_ =	sdelay $0x4  }
0x171: {  	v10 =	vmul.f32 $8.000000000e+00, v8;
	v8 =	vadd.s32 v3, v9;
	_ =	sdelay $0x2  }
0x172: {  	s31 =	simm.s32 $0x4;
	v9 =	vadd.f32 v10, v7  }
.LBB2_7:
0x173: {  	p1 =	slt.u32 s31, $0x7C  }
0x174: {  	s30 =	sadd.s32 $0x100, s30;
	s1 =	smov.u32 s31;
	s31 =	sadd.s32 $0x4, s31;
	[tilespmem:v8+s20+$0x0] =	vst.idx.msk $0xffff, v9  }
0x175: {  	v8 =	vld [tilespmem:s30+$0xFFFFFF10];
	_ =	sdelay $0x1  }
0x176: {  	v9 =	vmov s1  }
0x177: {  	v9 =	vand.u32 $0x7C, v9  }
0x178: {  	v10 =	vadd.s32 v0, v9  }
0x179: {  	v8 =	vmul.f32 $8.000000000e+00, v8;
	_ =	sdelay $0x1  }
0x17a: {  	v8 =	vadd.f32 v8, v4;
	_ =	sdelay $0x1  }
0x17b: {  	[tilespmem:v10+s20+$0x0] =	vst.idx.msk $0xffff, v8  }
0x17c: {  	v8 =	vld [tilespmem:s30+$0xFFFFFF20];
	_ =	sdelay $0x3  }
0x17d: {  	v10 =	vadd.s32 v1, v9  }
0x17e: {  	v8 =	vmul.f32 $8.000000000e+00, v8;
	_ =	sdelay $0x1  }
0x17f: {  	v8 =	vadd.f32 v8, v5;
	_ =	sdelay $0x1  }
0x180: {  	[tilespmem:v10+s20+$0x0] =	vst.idx.msk $0xffff, v8  }
0x181: {  	v8 =	vld [tilespmem:s30+$0xFFFFFF30];
	_ =	sdelay $0x3  }
0x182: {  	v10 =	vadd.s32 v2, v9  }
0x183: {  	v8 =	vmul.f32 $8.000000000e+00, v8;
	_ =	sdelay $0x1  }
0x184: {  	v8 =	vadd.f32 v8, v6;
	_ =	sdelay $0x1  }
0x185: {  	[tilespmem:v10+s20+$0x0] =	vst.idx.msk $0xffff, v8  }
0x186: {  	v8 =	vld [tilespmem:s30+$0xFFFFFF40];
	_ =	sdelay $0x3  }
0x187: {  	v9 =	vadd.s32 v3, v9  }
0x188: {  	v8 =	vmul.f32 $8.000000000e+00, v8;
	_ =	sdelay $0x1  }
0x189: {  	v8 =	vadd.f32 v8, v7;
	_ =	sdelay $0x1  }
0x18a: {  	[tilespmem:v9+s20+$0x0] =	vst.idx.msk $0xffff, v8  }
0x18b: {  	v8 =	vld [tilespmem:s30+$0xFFFFFF50]  }
0x18c: {  	s0 =	sadd.s32 $0x1, s1  }
0x18d: {  	v9 =	vmov s0  }
0x18e: {  	v9 =	vand.u32 $0x7D, v9  }
0x18f: {  	v10 =	vadd.s32 v0, v9  }
0x190: {  	v8 =	vmul.f32 $8.000000000e+00, v8;
	_ =	sdelay $0x1  }
0x191: {  	v8 =	vadd.f32 v8, v4;
	_ =	sdelay $0x1  }
0x192: {  	[tilespmem:v10+s20+$0x0] =	vst.idx.msk $0xffff, v8  }
0x193: {  	v8 =	vld [tilespmem:s30+$0xFFFFFF60];
	_ =	sdelay $0x3  }
0x194: {  	v10 =	vadd.s32 v1, v9  }
0x195: {  	v8 =	vmul.f32 $8.000000000e+00, v8;
	_ =	sdelay $0x1  }
0x196: {  	v8 =	vadd.f32 v8, v5;
	_ =	sdelay $0x1  }
0x197: {  	[tilespmem:v10+s20+$0x0] =	vst.idx.msk $0xffff, v8  }
0x198: {  	v8 =	vld [tilespmem:s30+$0xFFFFFF70];
	_ =	sdelay $0x3  }
0x199: {  	v10 =	vadd.s32 v2, v9  }
0x19a: {  	v8 =	vmul.f32 $8.000000000e+00, v8;
	_ =	sdelay $0x1  }
0x19b: {  	v8 =	vadd.f32 v8, v6;
	_ =	sdelay $0x1  }
0x19c: {  	[tilespmem:v10+s20+$0x0] =	vst.idx.msk $0xffff, v8  }
0x19d: {  	v8 =	vld [tilespmem:s30+$0xFFFFFF80];
	_ =	sdelay $0x3  }
0x19e: {  	v9 =	vadd.s32 v3, v9  }
0x19f: {  	v8 =	vmul.f32 $8.000000000e+00, v8;
	_ =	sdelay $0x1  }
0x1a0: {  	v8 =	vadd.f32 v8, v7;
	_ =	sdelay $0x1  }
0x1a1: {  	[tilespmem:v9+s20+$0x0] =	vst.idx.msk $0xffff, v8  }
0x1a2: {  	v8 =	vld [tilespmem:s30+$0xFFFFFF90]  }
0x1a3: {  	s0 =	sadd.s32 $0x2, s1  }
0x1a4: {  	v9 =	vmov s0  }
0x1a5: {  	v9 =	vand.u32 $0x7E, v9  }
0x1a6: {  	v10 =	vadd.s32 v0, v9  }
0x1a7: {  	v8 =	vmul.f32 $8.000000000e+00, v8;
	_ =	sdelay $0x1  }
0x1a8: {  	v8 =	vadd.f32 v8, v4;
	_ =	sdelay $0x1  }
0x1a9: {  	[tilespmem:v10+s20+$0x0] =	vst.idx.msk $0xffff, v8  }
0x1aa: {  	v8 =	vld [tilespmem:s30+$0xFFFFFFA0];
	_ =	sdelay $0x3  }
0x1ab: {  	v10 =	vadd.s32 v1, v9  }
0x1ac: {  	v8 =	vmul.f32 $8.000000000e+00, v8;
	_ =	sdelay $0x1  }
0x1ad: {  	v8 =	vadd.f32 v8, v5;
	_ =	sdelay $0x1  }
0x1ae: {  	[tilespmem:v10+s20+$0x0] =	vst.idx.msk $0xffff, v8  }
0x1af: {  	v8 =	vld [tilespmem:s30+$0xFFFFFFB0];
	_ =	sdelay $0x3  }
0x1b0: {  	v10 =	vadd.s32 v2, v9  }
0x1b1: {  	v8 =	vmul.f32 $8.000000000e+00, v8;
	_ =	sdelay $0x1  }
0x1b2: {  	v8 =	vadd.f32 v8, v6;
	_ =	sdelay $0x1  }
0x1b3: {  	[tilespmem:v10+s20+$0x0] =	vst.idx.msk $0xffff, v8  }
0x1b4: {  	v8 =	vld [tilespmem:s30+$0xFFFFFFC0];
	_ =	sdelay $0x3  }
0x1b5: {  	v9 =	vadd.s32 v3, v9  }
0x1b6: {  	v8 =	vmul.f32 $8.000000000e+00, v8;
	_ =	sdelay $0x1  }
0x1b7: {  	v8 =	vadd.f32 v8, v7;
	_ =	sdelay $0x1  }
0x1b8: {  	[tilespmem:v9+s20+$0x0] =	vst.idx.msk $0xffff, v8  }
0x1b9: {  	v8 =	vld [tilespmem:s30+$0xFFFFFFD0]  }
0x1ba: {  	s0 =	sadd.s32 $0x3, s1  }
0x1bb: {  	v9 =	vmov s0  }
0x1bc: {  	v9 =	vand.u32 $0x7F, v9  }
0x1bd: {  	v10 =	vadd.s32 v0, v9  }
0x1be: {  	v8 =	vmul.f32 $8.000000000e+00, v8;
	_ =	sdelay $0x1  }
0x1bf: {  	v8 =	vadd.f32 v8, v4;
	_ =	sdelay $0x1  }
0x1c0: {  	[tilespmem:v10+s20+$0x0] =	vst.idx.msk $0xffff, v8  }
0x1c1: {  	v8 =	vld [tilespmem:s30+$0xFFFFFFE0];
	_ =	sdelay $0x3  }
0x1c2: {  	v10 =	vadd.s32 v1, v9  }
0x1c3: {  	v8 =	vmul.f32 $8.000000000e+00, v8;
	_ =	sdelay $0x1  }
0x1c4: {  	v8 =	vadd.f32 v8, v5;
	_ =	sdelay $0x1  }
0x1c5: {  	[tilespmem:v10+s20+$0x0] =	vst.idx.msk $0xffff, v8  }
0x1c6: {  	v8 =	vld [tilespmem:s30+$0xFFFFFFF0];
	_ =	sdelay $0x3  }
0x1c7: {  	v10 =	vadd.s32 v2, v9  }
0x1c8: {  	v8 =	vmul.f32 $8.000000000e+00, v8;
	_ =	sdelay $0x1  }
0x1c9: {  	v8 =	vadd.f32 v8, v6;
	_ =	sdelay $0x1  }
0x1ca: {  	[tilespmem:v10+s20+$0x0] =	vst.idx.msk $0xffff, v8  }
0x1cb: {  	v10 =	vld [tilespmem:s30+$0x0];
	_ =	sdelay $0x2  }
.Ltmp2:
0x1cc: {  	(pc) =	sbr.rel @p1 .LBB2_7-.Ltmp2, $3  }
0x1cd: {  	v8 =	vadd.s32 v3, v9  }
0x1ce: {  	v9 =	vmul.f32 $8.000000000e+00, v10;
	_ =	sdelay $0x1  }
0x1cf: {  	v9 =	vadd.f32 v9, v7  }
0x1d0: {  	s0 =	sshll.u32 s9, $0x7  }
0x1d1: {  	s1 =	sshll.u32 s29, $0x10;
	s0 =	sand.u32 $0x1C00, s0  }
0x1d2: {  	s0 =	sor.u32 s0, s1  }
0x1d3: {  	s0 =	sshrl.u32 s0, $0x3  }
0x1d4: {  	s10 =	simm.s32 $0x10D00;
	[tilespmem:v8+s20+$0x0] =	vst.idx.msk $0xffff, v9;
	s0 =	sadd.s32 s2, s0  }
0x1d5: {  	[hbm4b:s0+s3] =	stream.linear.scatter [tilespmem:s10], [sflag:$0x7], $0x80, $0x38;
	[tilespmem:$0x19500] =	vst v63  }
0x1d6: {  	s9 =	simm.s32 $0x10D88;
	s10 =	sadd.s32 $0x10, s0  }
0x1d7: {  	[hbm4b:s10+s3] =	stream.linear.scatter [tilespmem:s9], [sflag:$0x7], $0x80, $0x38;
	[tilespmem:$0x19500] =	vst v63  }
0x1d8: {  	s9 =	simm.s32 $0x10E10;
	s10 =	sadd.s32 $0x20, s0  }
0x1d9: {  	[hbm4b:s10+s3] =	stream.linear.scatter [tilespmem:s9], [sflag:$0x7], $0x80, $0x38;
	[tilespmem:$0x19500] =	vst v63  }
0x1da: {  	s9 =	simm.s32 $0x10E98;
	s10 =	sadd.s32 $0x30, s0  }
0x1db: {  	[hbm4b:s10+s3] =	stream.linear.scatter [tilespmem:s9], [sflag:$0x7], $0x80, $0x38;
	[tilespmem:$0x19500] =	vst v63  }
0x1dc: {  	s9 =	simm.s32 $0x10F20;
	s10 =	sadd.s32 $0x40, s0  }
0x1dd: {  	[hbm4b:s10+s3] =	stream.linear.scatter [tilespmem:s9], [sflag:$0x7], $0x80, $0x38;
	[tilespmem:$0x19500] =	vst v63  }
0x1de: {  	s29 =	simm.s32 $0x2200;
	s9 =	simm.s32 $0x10FA8;
	s10 =	sadd.s32 $0x50, s0  }
0x1df: {  	[hbm4b:s10+s3] =	stream.linear.scatter [tilespmem:s9], [sflag:$0x7], $0x80, $0x38;
	[tilespmem:$0x19500] =	vst v63  }
0x1e0: {  	s30 =	simm.s32 $0x110B8;
	s9 =	simm.s32 $0x11030;
	s10 =	sadd.s32 $0x60, s0  }
0x1e1: {  	[hbm4b:s10+s3] =	stream.linear.scatter [tilespmem:s9], [sflag:$0x7], $0x80, $0x38;
	[tilespmem:$0x19500] =	vst v63  }
0x1e2: {  	s1 =	simm.s32 $0x440;
	s31 =	sadd.s32 $0x70, s0;
	s9 =	sadd.s32 $0x400, s0  }
.LBB2_9:
0x1e3: {  	[hbm4b:s31+s3] =	stream.linear.scatter [tilespmem:s30], [sflag:$0x7], $0x80, $0x38;
	[tilespmem:$0x19500] =	vst v63  }
0x1e4: {  	s0 =	smov.u32 s1;
	s1 =	smov.u32 s29  }
0x1e5: {  	s10 =	sadd.s32 $0x1100, s29;
	s1 =	sshra.s32 s1, $0x2;
	s30 =	sadd.s32 $0x10D00, s0  }
0x1e6: {  	[hbm4b:s9+s3] =	stream.linear.scatter [tilespmem:s30], [sflag:$0x7], $0x80, $0x38;
	[tilespmem:$0x19500] =	vst v63  }
0x1e7: {  	p1 =	sne.s32 s29, $0x7700;
	s29 =	sadd.s32 $0x10D88, s0;
	s30 =	sadd.s32 $0x10, s9  }
0x1e8: {  	[hbm4b:s30+s3] =	stream.linear.scatter [tilespmem:s29], [sflag:$0x7], $0x80, $0x38;
	[tilespmem:$0x19500] =	vst v63  }
0x1e9: {  	s29 =	sadd.s32 $0x10E10, s0;
	s30 =	sadd.s32 $0x20, s9  }
0x1ea: {  	[hbm4b:s30+s3] =	stream.linear.scatter [tilespmem:s29], [sflag:$0x7], $0x80, $0x38;
	[tilespmem:$0x19500] =	vst v63  }
0x1eb: {  	s29 =	sadd.s32 $0x10E98, s0;
	s30 =	sadd.s32 $0x30, s9  }
0x1ec: {  	[hbm4b:s30+s3] =	stream.linear.scatter [tilespmem:s29], [sflag:$0x7], $0x80, $0x38;
	[tilespmem:$0x19500] =	vst v63  }
0x1ed: {  	s29 =	sadd.s32 $0x10F20, s0;
	s30 =	sadd.s32 $0x40, s9  }
0x1ee: {  	[hbm4b:s30+s3] =	stream.linear.scatter [tilespmem:s29], [sflag:$0x7], $0x80, $0x38;
	[tilespmem:$0x19500] =	vst v63  }
.Ltmp3:
0x1ef: {  	s29 =	sadd.s32 $0x10FA8, s0;
	s30 =	sadd.s32 $0x50, s9;
	(pc) =	sbr.rel @p1 .LBB2_9-.Ltmp3, $4  }
0x1f0: {  	[hbm4b:s30+s3] =	stream.linear.scatter [tilespmem:s29], [sflag:$0x7], $0x80, $0x38;
	[tilespmem:$0x19500] =	vst v63  }
0x1f1: {  	s31 =	sadd.s32 $0x70, s9;
	s29 =	sadd.s32 $0x11030, s0;
	s30 =	sadd.s32 $0x60, s9  }
0x1f2: {  	[hbm4b:s30+s3] =	stream.linear.scatter [tilespmem:s29], [sflag:$0x7], $0x80, $0x38;
	[tilespmem:$0x19500] =	vst v63  }
0x1f3: {  	s9 =	sadd.s32 $0x400, s9;
	s30 =	sadd.s32 $0x110B8, s0;
	s29 =	smov.u32 s10  }
0x1f4: {  	[hbm4b:s31+s3] =	stream.linear.scatter [tilespmem:s30], [sflag:$0x7], $0x80, $0x38;
	[tilespmem:$0x19500] =	vst v63  }
0x1f5: {  	s0 =	sadd.s32 $0x10D00, s1  }
0x1f6: {  	[hbm4b:s9+s3] =	stream.linear.scatter [tilespmem:s0], [sflag:$0x7], $0x80, $0x38;
	[tilespmem:$0x19500] =	vst v63  }
0x1f7: {  	s31 =	sadd.s32 $0x10D88, s1;
	s10 =	sadd.s32 $0x10, s9  }
0x1f8: {  	[hbm4b:s10+s3] =	stream.linear.scatter [tilespmem:s31], [sflag:$0x7], $0x80, $0x38;
	[tilespmem:$0x19500] =	vst v63  }
0x1f9: {  	s10 =	sadd.s32 $0x10E10, s1;
	s31 =	sadd.s32 $0x20, s9  }
0x1fa: {  	[hbm4b:s31+s3] =	stream.linear.scatter [tilespmem:s10], [sflag:$0x7], $0x80, $0x38;
	[tilespmem:$0x19500] =	vst v63  }
0x1fb: {  	s10 =	sadd.s32 $0x10E98, s1;
	s31 =	sadd.s32 $0x30, s9  }
0x1fc: {  	[hbm4b:s31+s3] =	stream.linear.scatter [tilespmem:s10], [sflag:$0x7], $0x80, $0x38;
	[tilespmem:$0x19500] =	vst v63  }
0x1fd: {  	s10 =	sadd.s32 $0x10F20, s1;
	s31 =	sadd.s32 $0x40, s9  }
0x1fe: {  	[hbm4b:s31+s3] =	stream.linear.scatter [tilespmem:s10], [sflag:$0x7], $0x80, $0x38;
	[tilespmem:$0x19500] =	vst v63  }
0x1ff: {  	s10 =	sadd.s32 $0x10FA8, s1;
	s31 =	sadd.s32 $0x50, s9  }
0x200: {  	[hbm4b:s31+s3] =	stream.linear.scatter [tilespmem:s10], [sflag:$0x7], $0x80, $0x38;
	[tilespmem:$0x19500] =	vst v63  }
0x201: {  	s10 =	sadd.s32 $0x11030, s1;
	s31 =	sadd.s32 $0x60, s9  }
0x202: {  	[hbm4b:s31+s3] =	stream.linear.scatter [tilespmem:s10], [sflag:$0x7], $0x80, $0x38;
	[tilespmem:$0x19500] =	vst v63  }
0x203: {  	s0 =	simm.s32 @!p0 $0xA;
	s1 =	sadd.s32 $0x110B8, s1;
	s10 =	sadd.s32 $0x70, s9  }
0x204: {  	[hbm4b:s10+s3] =	stream.linear.scatter [tilespmem:s1], [sflag:$0x7], $0x80, $0x38;
	[tilespmem:$0x19500] =	vst v63  }
0x205: {  	s5 =	sadd.s32 $0x4, s5;
	_ =	swait.ge @!p0 [sflag:s0], $0x2000  }
0x206: {  	s31 =	sshll.u32 s5, $0x7;
	[sflag:s0] =	ssyncset.done @!p0 $0x0  }
0x207: {  	s7 =	sadd.s32 s4, s7;
	s1 =	sand.u32 $0x3FFFFF80, s31;
	[sflag:s0] =	ssyncadd.s32 @!p0 $0xFFFFE000  }
0x208: {  	[tilespmem:s21], [sflag:$0x5] =	stream.indirect.gather [hbm4b:s6+s12], $0x40, s1, s12, $0xb8;
	[tilespmem:$0x19500] =	vst v63  }
0x209: {  	s9 =	sshrl.u32 s7, $0x3;
	_ =	swait.ge [sflag:s22], $0x2000  }
0x20a: {  	s10 =	sand.u32 $0x7, s7;
	s0 =	sand.u32 $0xFFFFFF8, s9;
	[sflag:s22] =	ssyncset.done $0x0  }
0x20b: {  	s29 =	simm.s32 $0x8BF0;
	s9 =	sor.u32 s10, s0;
	[sflag:s22] =	ssyncadd.s32 $0xFFFFE000  }
0x20c: {  	s0 =	sshll.u32 s9, $0x8;
	v5 =	vld [tilespmem:s29+$0xFFFFFF10]  }
0x20d: {  	s31 =	simm.s32 $0x0;
	s0 =	sshra.s32 s0, $0x2  }
0x20e: {  	v6 =	vmov s31;
	v4 =	vld [tilespmem:s0+$0x1900]  }
0x20f: {  	v8 =	vand.u32 $0x7C, v6  }
0x210: {  	v9 =	vadd.s32 v0, v8  }
0x211: {  	v7 =	vmul.f32 $8.000000000e+00, v5;
	_ =	sdelay $0x1  }
0x212: {  	v6 =	vld [tilespmem:s0+$0x1920];
	v10 =	vadd.f32 v7, v4  }
0x213: {  	v5 =	vld [tilespmem:s0+$0x1910]  }
0x214: {  	v7 =	vld [tilespmem:s0+$0x1930];
	[tilespmem:v9+s23+$0x0] =	vst.idx.msk $0xffff, v10  }
0x215: {  	v9 =	vld [tilespmem:s29+$0xFFFFFF20];
	_ =	sdelay $0x3  }
0x216: {  	v10 =	vadd.s32 v1, v8  }
0x217: {  	v9 =	vmul.f32 $8.000000000e+00, v9;
	_ =	sdelay $0x1  }
0x218: {  	v9 =	vadd.f32 v9, v5;
	_ =	sdelay $0x1  }
0x219: {  	[tilespmem:v10+s23+$0x0] =	vst.idx.msk $0xffff, v9  }
0x21a: {  	v9 =	vld [tilespmem:s29+$0xFFFFFF30];
	_ =	sdelay $0x3  }
0x21b: {  	v10 =	vadd.s32 v2, v8  }
0x21c: {  	v9 =	vmul.f32 $8.000000000e+00, v9;
	_ =	sdelay $0x1  }
0x21d: {  	v9 =	vadd.f32 v9, v6;
	_ =	sdelay $0x1  }
0x21e: {  	[tilespmem:v10+s23+$0x0] =	vst.idx.msk $0xffff, v9  }
0x21f: {  	v9 =	vld [tilespmem:s29+$0xFFFFFF40];
	_ =	sdelay $0x3  }
0x220: {  	v8 =	vadd.s32 v3, v8  }
0x221: {  	v9 =	vmul.f32 $8.000000000e+00, v9;
	_ =	sdelay $0x1  }
0x222: {  	v9 =	vadd.f32 v9, v7;
	_ =	sdelay $0x1  }
0x223: {  	[tilespmem:v8+s23+$0x0] =	vst.idx.msk $0xffff, v9  }
0x224: {  	v8 =	vld [tilespmem:s29+$0xFFFFFF50]  }
0x225: {  	s1 =	simm.s32 $0x1  }
0x226: {  	v9 =	vmov s1  }
0x227: {  	v9 =	vand.u32 $0x7D, v9  }
0x228: {  	v10 =	vadd.s32 v0, v9  }
0x229: {  	v8 =	vmul.f32 $8.000000000e+00, v8;
	_ =	sdelay $0x1  }
0x22a: {  	v8 =	vadd.f32 v8, v4;
	_ =	sdelay $0x1  }
0x22b: {  	[tilespmem:v10+s23+$0x0] =	vst.idx.msk $0xffff, v8  }
0x22c: {  	v8 =	vld [tilespmem:s29+$0xFFFFFF60];
	_ =	sdelay $0x3  }
0x22d: {  	v10 =	vadd.s32 v1, v9  }
0x22e: {  	v8 =	vmul.f32 $8.000000000e+00, v8;
	_ =	sdelay $0x1  }
0x22f: {  	v8 =	vadd.f32 v8, v5;
	_ =	sdelay $0x1  }
0x230: {  	[tilespmem:v10+s23+$0x0] =	vst.idx.msk $0xffff, v8  }
0x231: {  	v8 =	vld [tilespmem:s29+$0xFFFFFF70];
	_ =	sdelay $0x3  }
0x232: {  	v10 =	vadd.s32 v2, v9  }
0x233: {  	v8 =	vmul.f32 $8.000000000e+00, v8;
	_ =	sdelay $0x1  }
0x234: {  	v8 =	vadd.f32 v8, v6;
	_ =	sdelay $0x1  }
0x235: {  	[tilespmem:v10+s23+$0x0] =	vst.idx.msk $0xffff, v8  }
0x236: {  	v8 =	vld [tilespmem:s29+$0xFFFFFF80];
	_ =	sdelay $0x3  }
0x237: {  	v9 =	vadd.s32 v3, v9  }
0x238: {  	v8 =	vmul.f32 $8.000000000e+00, v8;
	_ =	sdelay $0x1  }
0x239: {  	v8 =	vadd.f32 v8, v7;
	_ =	sdelay $0x1  }
0x23a: {  	[tilespmem:v9+s23+$0x0] =	vst.idx.msk $0xffff, v8  }
0x23b: {  	v8 =	vld [tilespmem:s29+$0xFFFFFF90]  }
0x23c: {  	s10 =	simm.s32 $0x2  }
0x23d: {  	v9 =	vmov s10  }
0x23e: {  	v9 =	vand.u32 $0x7E, v9  }
0x23f: {  	v10 =	vadd.s32 v0, v9  }
0x240: {  	v8 =	vmul.f32 $8.000000000e+00, v8;
	_ =	sdelay $0x1  }
0x241: {  	v8 =	vadd.f32 v8, v4;
	_ =	sdelay $0x1  }
0x242: {  	[tilespmem:v10+s23+$0x0] =	vst.idx.msk $0xffff, v8  }
0x243: {  	v8 =	vld [tilespmem:s29+$0xFFFFFFA0];
	_ =	sdelay $0x3  }
0x244: {  	v10 =	vadd.s32 v1, v9  }
0x245: {  	v8 =	vmul.f32 $8.000000000e+00, v8;
	_ =	sdelay $0x1  }
0x246: {  	v8 =	vadd.f32 v8, v5;
	_ =	sdelay $0x1  }
0x247: {  	[tilespmem:v10+s23+$0x0] =	vst.idx.msk $0xffff, v8  }
0x248: {  	v8 =	vld [tilespmem:s29+$0xFFFFFFB0];
	_ =	sdelay $0x3  }
0x249: {  	v10 =	vadd.s32 v2, v9  }
0x24a: {  	v8 =	vmul.f32 $8.000000000e+00, v8;
	_ =	sdelay $0x1  }
0x24b: {  	v8 =	vadd.f32 v8, v6;
	_ =	sdelay $0x1  }
0x24c: {  	[tilespmem:v10+s23+$0x0] =	vst.idx.msk $0xffff, v8  }
0x24d: {  	v8 =	vld [tilespmem:s29+$0xFFFFFFC0];
	_ =	sdelay $0x3  }
0x24e: {  	v9 =	vadd.s32 v3, v9  }
0x24f: {  	v8 =	vmul.f32 $8.000000000e+00, v8;
	_ =	sdelay $0x1  }
0x250: {  	v8 =	vadd.f32 v8, v7;
	_ =	sdelay $0x1  }
0x251: {  	[tilespmem:v9+s23+$0x0] =	vst.idx.msk $0xffff, v8  }
0x252: {  	v8 =	vld [tilespmem:s29+$0xFFFFFFD0]  }
0x253: {  	s31 =	simm.s32 $0x3  }
0x254: {  	v9 =	vmov s31  }
0x255: {  	v9 =	vand.u32 $0x7F, v9  }
0x256: {  	v10 =	vadd.s32 v0, v9  }
0x257: {  	v8 =	vmul.f32 $8.000000000e+00, v8;
	_ =	sdelay $0x1  }
0x258: {  	v8 =	vadd.f32 v8, v4;
	_ =	sdelay $0x1  }
0x259: {  	[tilespmem:v10+s23+$0x0] =	vst.idx.msk $0xffff, v8  }
0x25a: {  	v8 =	vld [tilespmem:s29+$0xFFFFFFE0];
	_ =	sdelay $0x3  }
0x25b: {  	v10 =	vadd.s32 v1, v9  }
0x25c: {  	v8 =	vmul.f32 $8.000000000e+00, v8;
	_ =	sdelay $0x1  }
0x25d: {  	v8 =	vadd.f32 v8, v5;
	_ =	sdelay $0x1  }
0x25e: {  	[tilespmem:v10+s23+$0x0] =	vst.idx.msk $0xffff, v8  }
0x25f: {  	v8 =	vld [tilespmem:s29+$0xFFFFFFF0];
	_ =	sdelay $0x3  }
0x260: {  	v10 =	vadd.s32 v2, v9  }
0x261: {  	v8 =	vmul.f32 $8.000000000e+00, v8;
	_ =	sdelay $0x1  }
0x262: {  	v8 =	vadd.f32 v8, v6;
	_ =	sdelay $0x1  }
0x263: {  	[tilespmem:v10+s23+$0x0] =	vst.idx.msk $0xffff, v8  }
0x264: {  	v8 =	vld [tilespmem:s29+$0x0];
	_ =	sdelay $0x4  }
0x265: {  	v10 =	vmul.f32 $8.000000000e+00, v8;
	v8 =	vadd.s32 v3, v9;
	_ =	sdelay $0x2  }
0x266: {  	s30 =	simm.s32 $0x4;
	v9 =	vadd.f32 v10, v7  }
.LBB2_11:
0x267: {  	p0 =	slt.u32 s30, $0x7C  }
0x268: {  	s29 =	sadd.s32 $0x100, s29;
	s1 =	smov.u32 s30;
	s30 =	sadd.s32 $0x4, s30;
	[tilespmem:v8+s23+$0x0] =	vst.idx.msk $0xffff, v9  }
0x269: {  	v8 =	vld [tilespmem:s29+$0xFFFFFF10];
	_ =	sdelay $0x1  }
0x26a: {  	v9 =	vmov s1  }
0x26b: {  	v9 =	vand.u32 $0x7C, v9  }
0x26c: {  	v10 =	vadd.s32 v0, v9  }
0x26d: {  	v8 =	vmul.f32 $8.000000000e+00, v8;
	_ =	sdelay $0x1  }
0x26e: {  	v8 =	vadd.f32 v8, v4;
	_ =	sdelay $0x1  }
0x26f: {  	[tilespmem:v10+s23+$0x0] =	vst.idx.msk $0xffff, v8  }
0x270: {  	v8 =	vld [tilespmem:s29+$0xFFFFFF20];
	_ =	sdelay $0x3  }
0x271: {  	v10 =	vadd.s32 v1, v9  }
0x272: {  	v8 =	vmul.f32 $8.000000000e+00, v8;
	_ =	sdelay $0x1  }
0x273: {  	v8 =	vadd.f32 v8, v5;
	_ =	sdelay $0x1  }
0x274: {  	[tilespmem:v10+s23+$0x0] =	vst.idx.msk $0xffff, v8  }
0x275: {  	v8 =	vld [tilespmem:s29+$0xFFFFFF30];
	_ =	sdelay $0x3  }
0x276: {  	v10 =	vadd.s32 v2, v9  }
0x277: {  	v8 =	vmul.f32 $8.000000000e+00, v8;
	_ =	sdelay $0x1  }
0x278: {  	v8 =	vadd.f32 v8, v6;
	_ =	sdelay $0x1  }
0x279: {  	[tilespmem:v10+s23+$0x0] =	vst.idx.msk $0xffff, v8  }
0x27a: {  	v8 =	vld [tilespmem:s29+$0xFFFFFF40];
	_ =	sdelay $0x3  }
0x27b: {  	v9 =	vadd.s32 v3, v9  }
0x27c: {  	v8 =	vmul.f32 $8.000000000e+00, v8;
	_ =	sdelay $0x1  }
0x27d: {  	v8 =	vadd.f32 v8, v7;
	_ =	sdelay $0x1  }
0x27e: {  	[tilespmem:v9+s23+$0x0] =	vst.idx.msk $0xffff, v8  }
0x27f: {  	v8 =	vld [tilespmem:s29+$0xFFFFFF50]  }
0x280: {  	s0 =	sadd.s32 $0x1, s1  }
0x281: {  	v9 =	vmov s0  }
0x282: {  	v9 =	vand.u32 $0x7D, v9  }
0x283: {  	v10 =	vadd.s32 v0, v9  }
0x284: {  	v8 =	vmul.f32 $8.000000000e+00, v8;
	_ =	sdelay $0x1  }
0x285: {  	v8 =	vadd.f32 v8, v4;
	_ =	sdelay $0x1  }
0x286: {  	[tilespmem:v10+s23+$0x0] =	vst.idx.msk $0xffff, v8  }
0x287: {  	v8 =	vld [tilespmem:s29+$0xFFFFFF60];
	_ =	sdelay $0x3  }
0x288: {  	v10 =	vadd.s32 v1, v9  }
0x289: {  	v8 =	vmul.f32 $8.000000000e+00, v8;
	_ =	sdelay $0x1  }
0x28a: {  	v8 =	vadd.f32 v8, v5;
	_ =	sdelay $0x1  }
0x28b: {  	[tilespmem:v10+s23+$0x0] =	vst.idx.msk $0xffff, v8  }
0x28c: {  	v8 =	vld [tilespmem:s29+$0xFFFFFF70];
	_ =	sdelay $0x3  }
0x28d: {  	v10 =	vadd.s32 v2, v9  }
0x28e: {  	v8 =	vmul.f32 $8.000000000e+00, v8;
	_ =	sdelay $0x1  }
0x28f: {  	v8 =	vadd.f32 v8, v6;
	_ =	sdelay $0x1  }
0x290: {  	[tilespmem:v10+s23+$0x0] =	vst.idx.msk $0xffff, v8  }
0x291: {  	v8 =	vld [tilespmem:s29+$0xFFFFFF80];
	_ =	sdelay $0x3  }
0x292: {  	v9 =	vadd.s32 v3, v9  }
0x293: {  	v8 =	vmul.f32 $8.000000000e+00, v8;
	_ =	sdelay $0x1  }
0x294: {  	v8 =	vadd.f32 v8, v7;
	_ =	sdelay $0x1  }
0x295: {  	[tilespmem:v9+s23+$0x0] =	vst.idx.msk $0xffff, v8  }
0x296: {  	v8 =	vld [tilespmem:s29+$0xFFFFFF90]  }
0x297: {  	s0 =	sadd.s32 $0x2, s1  }
0x298: {  	v9 =	vmov s0  }
0x299: {  	v9 =	vand.u32 $0x7E, v9  }
0x29a: {  	v10 =	vadd.s32 v0, v9  }
0x29b: {  	v8 =	vmul.f32 $8.000000000e+00, v8;
	_ =	sdelay $0x1  }
0x29c: {  	v8 =	vadd.f32 v8, v4;
	_ =	sdelay $0x1  }
0x29d: {  	[tilespmem:v10+s23+$0x0] =	vst.idx.msk $0xffff, v8  }
0x29e: {  	v8 =	vld [tilespmem:s29+$0xFFFFFFA0];
	_ =	sdelay $0x3  }
0x29f: {  	v10 =	vadd.s32 v1, v9  }
0x2a0: {  	v8 =	vmul.f32 $8.000000000e+00, v8;
	_ =	sdelay $0x1  }
0x2a1: {  	v8 =	vadd.f32 v8, v5;
	_ =	sdelay $0x1  }
0x2a2: {  	[tilespmem:v10+s23+$0x0] =	vst.idx.msk $0xffff, v8  }
0x2a3: {  	v8 =	vld [tilespmem:s29+$0xFFFFFFB0];
	_ =	sdelay $0x3  }
0x2a4: {  	v10 =	vadd.s32 v2, v9  }
0x2a5: {  	v8 =	vmul.f32 $8.000000000e+00, v8;
	_ =	sdelay $0x1  }
0x2a6: {  	v8 =	vadd.f32 v8, v6;
	_ =	sdelay $0x1  }
0x2a7: {  	[tilespmem:v10+s23+$0x0] =	vst.idx.msk $0xffff, v8  }
0x2a8: {  	v8 =	vld [tilespmem:s29+$0xFFFFFFC0];
	_ =	sdelay $0x3  }
0x2a9: {  	v9 =	vadd.s32 v3, v9  }
0x2aa: {  	v8 =	vmul.f32 $8.000000000e+00, v8;
	_ =	sdelay $0x1  }
0x2ab: {  	v8 =	vadd.f32 v8, v7;
	_ =	sdelay $0x1  }
0x2ac: {  	[tilespmem:v9+s23+$0x0] =	vst.idx.msk $0xffff, v8  }
0x2ad: {  	v8 =	vld [tilespmem:s29+$0xFFFFFFD0]  }
0x2ae: {  	s0 =	sadd.s32 $0x3, s1  }
0x2af: {  	v9 =	vmov s0  }
0x2b0: {  	v9 =	vand.u32 $0x7F, v9  }
0x2b1: {  	v10 =	vadd.s32 v0, v9  }
0x2b2: {  	v8 =	vmul.f32 $8.000000000e+00, v8;
	_ =	sdelay $0x1  }
0x2b3: {  	v8 =	vadd.f32 v8, v4;
	_ =	sdelay $0x1  }
0x2b4: {  	[tilespmem:v10+s23+$0x0] =	vst.idx.msk $0xffff, v8  }
0x2b5: {  	v8 =	vld [tilespmem:s29+$0xFFFFFFE0];
	_ =	sdelay $0x3  }
0x2b6: {  	v10 =	vadd.s32 v1, v9  }
0x2b7: {  	v8 =	vmul.f32 $8.000000000e+00, v8;
	_ =	sdelay $0x1  }
0x2b8: {  	v8 =	vadd.f32 v8, v5;
	_ =	sdelay $0x1  }
0x2b9: {  	[tilespmem:v10+s23+$0x0] =	vst.idx.msk $0xffff, v8  }
0x2ba: {  	v8 =	vld [tilespmem:s29+$0xFFFFFFF0];
	_ =	sdelay $0x3  }
0x2bb: {  	v10 =	vadd.s32 v2, v9  }
0x2bc: {  	v8 =	vmul.f32 $8.000000000e+00, v8;
	_ =	sdelay $0x1  }
0x2bd: {  	v8 =	vadd.f32 v8, v6;
	_ =	sdelay $0x1  }
0x2be: {  	[tilespmem:v10+s23+$0x0] =	vst.idx.msk $0xffff, v8  }
0x2bf: {  	v10 =	vld [tilespmem:s29+$0x0];
	_ =	sdelay $0x2  }
.Ltmp4:
0x2c0: {  	(pc) =	sbr.rel @p0 .LBB2_11-.Ltmp4, $3  }
0x2c1: {  	v8 =	vadd.s32 v3, v9  }
0x2c2: {  	v9 =	vmul.f32 $8.000000000e+00, v10;
	_ =	sdelay $0x1  }
0x2c3: {  	v9 =	vadd.f32 v9, v7  }
0x2c4: {  	s0 =	sshll.u32 s7, $0x7  }
0x2c5: {  	s1 =	sshll.u32 s9, $0x10;
	s0 =	sand.u32 $0x1C00, s0  }
0x2c6: {  	s0 =	sor.u32 s0, s1  }
0x2c7: {  	s0 =	sshrl.u32 s0, $0x3  }
0x2c8: {  	s31 =	simm.s32 $0x12F00;
	[tilespmem:v8+s23+$0x0] =	vst.idx.msk $0xffff, v9;
	s0 =	sadd.s32 s2, s0  }
0x2c9: {  	[hbm4b:s0+s3] =	stream.linear.scatter [tilespmem:s31], [sflag:$0x8], $0x80, $0x38;
	[tilespmem:$0x19500] =	vst v63  }
0x2ca: {  	s7 =	simm.s32 $0x12F88;
	s9 =	sadd.s32 $0x10, s0  }
0x2cb: {  	[hbm4b:s9+s3] =	stream.linear.scatter [tilespmem:s7], [sflag:$0x8], $0x80, $0x38;
	[tilespmem:$0x19500] =	vst v63  }
0x2cc: {  	s10 =	simm.s32 $0x13010;
	s29 =	simm.s32 $0x132B8;
	s31 =	sadd.s32 $0x20, s0  }
0x2cd: {  	[hbm4b:s31+s3] =	stream.linear.scatter [tilespmem:s10], [sflag:$0x8], $0x80, $0x38;
	[tilespmem:$0x19500] =	vst v63  }
0x2ce: {  	s1 =	simm.s32 $0x440;
	s7 =	simm.s32 $0x13098;
	s9 =	sadd.s32 $0x30, s0  }
0x2cf: {  	[hbm4b:s9+s3] =	stream.linear.scatter [tilespmem:s7], [sflag:$0x8], $0x80, $0x38;
	[tilespmem:$0x19500] =	vst v63  }
0x2d0: {  	s30 =	sadd.s32 $0x70, s0;
	s10 =	simm.s32 $0x13120;
	s31 =	sadd.s32 $0x40, s0  }
0x2d1: {  	[hbm4b:s31+s3] =	stream.linear.scatter [tilespmem:s10], [sflag:$0x8], $0x80, $0x38;
	[tilespmem:$0x19500] =	vst v63  }
0x2d2: {  	s7 =	simm.s32 $0x131A8;
	s9 =	sadd.s32 $0x50, s0;
	s10 =	simm.s32 $0x13230  }
0x2d3: {  	[hbm4b:s9+s3] =	stream.linear.scatter [tilespmem:s7], [sflag:$0x8], $0x80, $0x38;
	[tilespmem:$0x19500] =	vst v63  }
0x2d4: {  	s31 =	sadd.s32 $0x60, s0;
	s9 =	simm.s32 $0x2200;
	s7 =	sadd.s32 $0x400, s0  }
0x2d5: {  	[hbm4b:s31+s3] =	stream.linear.scatter [tilespmem:s10], [sflag:$0x8], $0x80, $0x38;
	[tilespmem:$0x19500] =	vst v63  }
.LBB2_13:
0x2d6: {  	[hbm4b:s30+s3] =	stream.linear.scatter [tilespmem:s29], [sflag:$0x8], $0x80, $0x38;
	[tilespmem:$0x19500] =	vst v63  }
0x2d7: {  	s0 =	smov.u32 s1;
	s1 =	smov.u32 s9  }
0x2d8: {  	s10 =	sadd.s32 $0x1100, s9;
	s1 =	sshra.s32 s1, $0x2;
	s29 =	sadd.s32 $0x12F00, s0  }
0x2d9: {  	[hbm4b:s7+s3] =	stream.linear.scatter [tilespmem:s29], [sflag:$0x8], $0x80, $0x38;
	[tilespmem:$0x19500] =	vst v63  }
0x2da: {  	p0 =	sne.s32 s9, $0x7700;
	s9 =	sadd.s32 $0x12F88, s0;
	s29 =	sadd.s32 $0x10, s7  }
0x2db: {  	[hbm4b:s29+s3] =	stream.linear.scatter [tilespmem:s9], [sflag:$0x8], $0x80, $0x38;
	[tilespmem:$0x19500] =	vst v63  }
0x2dc: {  	s9 =	sadd.s32 $0x13010, s0;
	s29 =	sadd.s32 $0x20, s7  }
0x2dd: {  	[hbm4b:s29+s3] =	stream.linear.scatter [tilespmem:s9], [sflag:$0x8], $0x80, $0x38;
	[tilespmem:$0x19500] =	vst v63  }
0x2de: {  	s9 =	sadd.s32 $0x13098, s0;
	s29 =	sadd.s32 $0x30, s7  }
0x2df: {  	[hbm4b:s29+s3] =	stream.linear.scatter [tilespmem:s9], [sflag:$0x8], $0x80, $0x38;
	[tilespmem:$0x19500] =	vst v63  }
0x2e0: {  	s9 =	sadd.s32 $0x13120, s0;
	s29 =	sadd.s32 $0x40, s7  }
0x2e1: {  	[hbm4b:s29+s3] =	stream.linear.scatter [tilespmem:s9], [sflag:$0x8], $0x80, $0x38;
	[tilespmem:$0x19500] =	vst v63  }
.Ltmp5:
0x2e2: {  	s9 =	sadd.s32 $0x131A8, s0;
	s29 =	sadd.s32 $0x50, s7;
	(pc) =	sbr.rel @p0 .LBB2_13-.Ltmp5, $4  }
0x2e3: {  	[hbm4b:s29+s3] =	stream.linear.scatter [tilespmem:s9], [sflag:$0x8], $0x80, $0x38;
	[tilespmem:$0x19500] =	vst v63  }
0x2e4: {  	s30 =	sadd.s32 $0x70, s7;
	s9 =	sadd.s32 $0x13230, s0;
	s29 =	sadd.s32 $0x60, s7  }
0x2e5: {  	[hbm4b:s29+s3] =	stream.linear.scatter [tilespmem:s9], [sflag:$0x8], $0x80, $0x38;
	[tilespmem:$0x19500] =	vst v63  }
0x2e6: {  	s7 =	sadd.s32 $0x400, s7;
	s29 =	sadd.s32 $0x132B8, s0;
	s9 =	smov.u32 s10  }
0x2e7: {  	[hbm4b:s30+s3] =	stream.linear.scatter [tilespmem:s29], [sflag:$0x8], $0x80, $0x38;
	[tilespmem:$0x19500] =	vst v63  }
0x2e8: {  	s0 =	sadd.s32 $0x12F00, s1  }
0x2e9: {  	[hbm4b:s7+s3] =	stream.linear.scatter [tilespmem:s0], [sflag:$0x8], $0x80, $0x38;
	[tilespmem:$0x19500] =	vst v63  }
0x2ea: {  	s31 =	sadd.s32 $0x12F88, s1;
	s9 =	sadd.s32 $0x10, s7  }
0x2eb: {  	[hbm4b:s9+s3] =	stream.linear.scatter [tilespmem:s31], [sflag:$0x8], $0x80, $0x38;
	[tilespmem:$0x19500] =	vst v63  }
0x2ec: {  	s10 =	sadd.s32 $0x13010, s1;
	s31 =	sadd.s32 $0x20, s7  }
0x2ed: {  	[hbm4b:s31+s3] =	stream.linear.scatter [tilespmem:s10], [sflag:$0x8], $0x80, $0x38;
	[tilespmem:$0x19500] =	vst v63  }
0x2ee: {  	s10 =	sadd.s32 $0x13098, s1;
	s31 =	sadd.s32 $0x30, s7  }
0x2ef: {  	[hbm4b:s31+s3] =	stream.linear.scatter [tilespmem:s10], [sflag:$0x8], $0x80, $0x38;
	[tilespmem:$0x19500] =	vst v63  }
0x2f0: {  	s10 =	sadd.s32 $0x13120, s1;
	s31 =	sadd.s32 $0x40, s7  }
0x2f1: {  	[hbm4b:s31+s3] =	stream.linear.scatter [tilespmem:s10], [sflag:$0x8], $0x80, $0x38;
	[tilespmem:$0x19500] =	vst v63  }
0x2f2: {  	s10 =	sadd.s32 $0x131A8, s1;
	s31 =	sadd.s32 $0x50, s7  }
0x2f3: {  	[hbm4b:s31+s3] =	stream.linear.scatter [tilespmem:s10], [sflag:$0x8], $0x80, $0x38;
	[tilespmem:$0x19500] =	vst v63  }
0x2f4: {  	s10 =	sadd.s32 $0x13230, s1;
	s31 =	sadd.s32 $0x60, s7  }
0x2f5: {  	[hbm4b:s31+s3] =	stream.linear.scatter [tilespmem:s10], [sflag:$0x8], $0x80, $0x38;
	[tilespmem:$0x19500] =	vst v63  }
0x2f6: {  	p0 =	seq.s32 s13, $0x9;
	s9 =	sadd.s32 $0x70, s7;
	s1 =	sadd.s32 $0x132B8, s1  }
0x2f7: {  	[hbm4b:s9+s3] =	stream.linear.scatter [tilespmem:s1], [sflag:$0x8], $0x80, $0x38;
	[tilespmem:$0x19500] =	vst v63  }
0x2f8: {  	s0 =	simm.s32 @!p0 $0x6;
	s1 =	smul.u32 @!p0 $0xA00, s13  }
0x2f9: {  	_ =	swait.ge @!p0 [sflag:s0], $0x2000  }
0x2fa: {  	s9 =	simm.s32 @!p0 $0x4B00;
	[sflag:s0] =	ssyncset.done @!p0 $0x0;
	s7 =	sshra.s32 @!p0 s1, $0x2  }
0x2fb: {  	s1 =	simm.s32 @!p0 $0x80;
	[sflag:s0] =	ssyncadd.s32 @!p0 $0xFFFFE000;
	s0 =	sadd.s32 @!p0 $0x280, s7  }
0x2fc: {  	[tilespmem:s9], [sflag:$0x1] =	stream.indirect.gather @!p0 [hbm4b:s6+s1], $0x40, s0, s1, $0xb8;
	[tilespmem:$0x19500] =	vst v63  }
0x2fd: {  	s9 =	sadd.s32 s4, s14  }
0x2fe: {  	_ =	swait.ge [sflag:s24], $0x2000;
	s10 =	sshrl.u32 s9, $0x3  }
0x2ff: {  	s14 =	sand.u32 $0x7, s9;
	[sflag:s24] =	ssyncset.done $0x0;
	s0 =	sand.u32 $0xFFFFFF8, s10  }
0x300: {  	s29 =	simm.s32 $0xABF0;
	[sflag:s24] =	ssyncadd.s32 $0xFFFFE000;
	s14 =	sor.u32 s14, s0  }
0x301: {  	s0 =	sshll.u32 s14, $0x8;
	v5 =	vld [tilespmem:s29+$0xFFFFFF10]  }
0x302: {  	s31 =	simm.s32 $0x0;
	s0 =	sshra.s32 s0, $0x2  }
0x303: {  	v6 =	vmov s31;
	v4 =	vld [tilespmem:s0+$0x1900]  }
0x304: {  	v8 =	vand.u32 $0x7C, v6  }
0x305: {  	v9 =	vadd.s32 v0, v8  }
0x306: {  	v7 =	vmul.f32 $8.000000000e+00, v5;
	_ =	sdelay $0x1  }
0x307: {  	v6 =	vld [tilespmem:s0+$0x1920];
	v10 =	vadd.f32 v7, v4  }
0x308: {  	v5 =	vld [tilespmem:s0+$0x1910]  }
0x309: {  	v7 =	vld [tilespmem:s0+$0x1930];
	[tilespmem:v9+s25+$0x0] =	vst.idx.msk $0xffff, v10  }
0x30a: {  	v9 =	vld [tilespmem:s29+$0xFFFFFF20];
	_ =	sdelay $0x3  }
0x30b: {  	v10 =	vadd.s32 v1, v8  }
0x30c: {  	v9 =	vmul.f32 $8.000000000e+00, v9;
	_ =	sdelay $0x1  }
0x30d: {  	v9 =	vadd.f32 v9, v5;
	_ =	sdelay $0x1  }
0x30e: {  	[tilespmem:v10+s25+$0x0] =	vst.idx.msk $0xffff, v9  }
0x30f: {  	v9 =	vld [tilespmem:s29+$0xFFFFFF30];
	_ =	sdelay $0x3  }
0x310: {  	v10 =	vadd.s32 v2, v8  }
0x311: {  	v9 =	vmul.f32 $8.000000000e+00, v9;
	_ =	sdelay $0x1  }
0x312: {  	v9 =	vadd.f32 v9, v6;
	_ =	sdelay $0x1  }
0x313: {  	[tilespmem:v10+s25+$0x0] =	vst.idx.msk $0xffff, v9  }
0x314: {  	v9 =	vld [tilespmem:s29+$0xFFFFFF40];
	_ =	sdelay $0x3  }
0x315: {  	v8 =	vadd.s32 v3, v8  }
0x316: {  	v9 =	vmul.f32 $8.000000000e+00, v9;
	_ =	sdelay $0x1  }
0x317: {  	v9 =	vadd.f32 v9, v7;
	_ =	sdelay $0x1  }
0x318: {  	[tilespmem:v8+s25+$0x0] =	vst.idx.msk $0xffff, v9  }
0x319: {  	v8 =	vld [tilespmem:s29+$0xFFFFFF50]  }
0x31a: {  	s1 =	simm.s32 $0x1  }
0x31b: {  	v9 =	vmov s1  }
0x31c: {  	v9 =	vand.u32 $0x7D, v9  }
0x31d: {  	v10 =	vadd.s32 v0, v9  }
0x31e: {  	v8 =	vmul.f32 $8.000000000e+00, v8;
	_ =	sdelay $0x1  }
0x31f: {  	v8 =	vadd.f32 v8, v4;
	_ =	sdelay $0x1  }
0x320: {  	[tilespmem:v10+s25+$0x0] =	vst.idx.msk $0xffff, v8  }
0x321: {  	v8 =	vld [tilespmem:s29+$0xFFFFFF60];
	_ =	sdelay $0x3  }
0x322: {  	v10 =	vadd.s32 v1, v9  }
0x323: {  	v8 =	vmul.f32 $8.000000000e+00, v8;
	_ =	sdelay $0x1  }
0x324: {  	v8 =	vadd.f32 v8, v5;
	_ =	sdelay $0x1  }
0x325: {  	[tilespmem:v10+s25+$0x0] =	vst.idx.msk $0xffff, v8  }
0x326: {  	v8 =	vld [tilespmem:s29+$0xFFFFFF70];
	_ =	sdelay $0x3  }
0x327: {  	v10 =	vadd.s32 v2, v9  }
0x328: {  	v8 =	vmul.f32 $8.000000000e+00, v8;
	_ =	sdelay $0x1  }
0x329: {  	v8 =	vadd.f32 v8, v6;
	_ =	sdelay $0x1  }
0x32a: {  	[tilespmem:v10+s25+$0x0] =	vst.idx.msk $0xffff, v8  }
0x32b: {  	v8 =	vld [tilespmem:s29+$0xFFFFFF80];
	_ =	sdelay $0x3  }
0x32c: {  	v9 =	vadd.s32 v3, v9  }
0x32d: {  	v8 =	vmul.f32 $8.000000000e+00, v8;
	_ =	sdelay $0x1  }
0x32e: {  	v8 =	vadd.f32 v8, v7;
	_ =	sdelay $0x1  }
0x32f: {  	[tilespmem:v9+s25+$0x0] =	vst.idx.msk $0xffff, v8  }
0x330: {  	v8 =	vld [tilespmem:s29+$0xFFFFFF90]  }
0x331: {  	s10 =	simm.s32 $0x2  }
0x332: {  	v9 =	vmov s10  }
0x333: {  	v9 =	vand.u32 $0x7E, v9  }
0x334: {  	v10 =	vadd.s32 v0, v9  }
0x335: {  	v8 =	vmul.f32 $8.000000000e+00, v8;
	_ =	sdelay $0x1  }
0x336: {  	v8 =	vadd.f32 v8, v4;
	_ =	sdelay $0x1  }
0x337: {  	[tilespmem:v10+s25+$0x0] =	vst.idx.msk $0xffff, v8  }
0x338: {  	v8 =	vld [tilespmem:s29+$0xFFFFFFA0];
	_ =	sdelay $0x3  }
0x339: {  	v10 =	vadd.s32 v1, v9  }
0x33a: {  	v8 =	vmul.f32 $8.000000000e+00, v8;
	_ =	sdelay $0x1  }
0x33b: {  	v8 =	vadd.f32 v8, v5;
	_ =	sdelay $0x1  }
0x33c: {  	[tilespmem:v10+s25+$0x0] =	vst.idx.msk $0xffff, v8  }
0x33d: {  	v8 =	vld [tilespmem:s29+$0xFFFFFFB0];
	_ =	sdelay $0x3  }
0x33e: {  	v10 =	vadd.s32 v2, v9  }
0x33f: {  	v8 =	vmul.f32 $8.000000000e+00, v8;
	_ =	sdelay $0x1  }
0x340: {  	v8 =	vadd.f32 v8, v6;
	_ =	sdelay $0x1  }
0x341: {  	[tilespmem:v10+s25+$0x0] =	vst.idx.msk $0xffff, v8  }
0x342: {  	v8 =	vld [tilespmem:s29+$0xFFFFFFC0];
	_ =	sdelay $0x3  }
0x343: {  	v9 =	vadd.s32 v3, v9  }
0x344: {  	v8 =	vmul.f32 $8.000000000e+00, v8;
	_ =	sdelay $0x1  }
0x345: {  	v8 =	vadd.f32 v8, v7;
	_ =	sdelay $0x1  }
0x346: {  	[tilespmem:v9+s25+$0x0] =	vst.idx.msk $0xffff, v8  }
0x347: {  	v8 =	vld [tilespmem:s29+$0xFFFFFFD0]  }
0x348: {  	s31 =	simm.s32 $0x3  }
0x349: {  	v9 =	vmov s31  }
0x34a: {  	v9 =	vand.u32 $0x7F, v9  }
0x34b: {  	v10 =	vadd.s32 v0, v9  }
0x34c: {  	v8 =	vmul.f32 $8.000000000e+00, v8;
	_ =	sdelay $0x1  }
0x34d: {  	v8 =	vadd.f32 v8, v4;
	_ =	sdelay $0x1  }
0x34e: {  	[tilespmem:v10+s25+$0x0] =	vst.idx.msk $0xffff, v8  }
0x34f: {  	v8 =	vld [tilespmem:s29+$0xFFFFFFE0];
	_ =	sdelay $0x3  }
0x350: {  	v10 =	vadd.s32 v1, v9  }
0x351: {  	v8 =	vmul.f32 $8.000000000e+00, v8;
	_ =	sdelay $0x1  }
0x352: {  	v8 =	vadd.f32 v8, v5;
	_ =	sdelay $0x1  }
0x353: {  	[tilespmem:v10+s25+$0x0] =	vst.idx.msk $0xffff, v8  }
0x354: {  	v8 =	vld [tilespmem:s29+$0xFFFFFFF0];
	_ =	sdelay $0x3  }
0x355: {  	v10 =	vadd.s32 v2, v9  }
0x356: {  	v8 =	vmul.f32 $8.000000000e+00, v8;
	_ =	sdelay $0x1  }
0x357: {  	v8 =	vadd.f32 v8, v6;
	_ =	sdelay $0x1  }
0x358: {  	[tilespmem:v10+s25+$0x0] =	vst.idx.msk $0xffff, v8  }
0x359: {  	v8 =	vld [tilespmem:s29+$0x0];
	_ =	sdelay $0x4  }
0x35a: {  	v10 =	vmul.f32 $8.000000000e+00, v8;
	v8 =	vadd.s32 v3, v9;
	_ =	sdelay $0x2  }
0x35b: {  	s30 =	simm.s32 $0x4;
	v9 =	vadd.f32 v10, v7  }
.LBB2_15:
0x35c: {  	p1 =	slt.u32 s30, $0x7C  }
0x35d: {  	s29 =	sadd.s32 $0x100, s29;
	s1 =	smov.u32 s30;
	s30 =	sadd.s32 $0x4, s30;
	[tilespmem:v8+s25+$0x0] =	vst.idx.msk $0xffff, v9  }
0x35e: {  	v8 =	vld [tilespmem:s29+$0xFFFFFF10];
	_ =	sdelay $0x1  }
0x35f: {  	v9 =	vmov s1  }
0x360: {  	v9 =	vand.u32 $0x7C, v9  }
0x361: {  	v10 =	vadd.s32 v0, v9  }
0x362: {  	v8 =	vmul.f32 $8.000000000e+00, v8;
	_ =	sdelay $0x1  }
0x363: {  	v8 =	vadd.f32 v8, v4;
	_ =	sdelay $0x1  }
0x364: {  	[tilespmem:v10+s25+$0x0] =	vst.idx.msk $0xffff, v8  }
0x365: {  	v8 =	vld [tilespmem:s29+$0xFFFFFF20];
	_ =	sdelay $0x3  }
0x366: {  	v10 =	vadd.s32 v1, v9  }
0x367: {  	v8 =	vmul.f32 $8.000000000e+00, v8;
	_ =	sdelay $0x1  }
0x368: {  	v8 =	vadd.f32 v8, v5;
	_ =	sdelay $0x1  }
0x369: {  	[tilespmem:v10+s25+$0x0] =	vst.idx.msk $0xffff, v8  }
0x36a: {  	v8 =	vld [tilespmem:s29+$0xFFFFFF30];
	_ =	sdelay $0x3  }
0x36b: {  	v10 =	vadd.s32 v2, v9  }
0x36c: {  	v8 =	vmul.f32 $8.000000000e+00, v8;
	_ =	sdelay $0x1  }
0x36d: {  	v8 =	vadd.f32 v8, v6;
	_ =	sdelay $0x1  }
0x36e: {  	[tilespmem:v10+s25+$0x0] =	vst.idx.msk $0xffff, v8  }
0x36f: {  	v8 =	vld [tilespmem:s29+$0xFFFFFF40];
	_ =	sdelay $0x3  }
0x370: {  	v9 =	vadd.s32 v3, v9  }
0x371: {  	v8 =	vmul.f32 $8.000000000e+00, v8;
	_ =	sdelay $0x1  }
0x372: {  	v8 =	vadd.f32 v8, v7;
	_ =	sdelay $0x1  }
0x373: {  	[tilespmem:v9+s25+$0x0] =	vst.idx.msk $0xffff, v8  }
0x374: {  	v8 =	vld [tilespmem:s29+$0xFFFFFF50]  }
0x375: {  	s0 =	sadd.s32 $0x1, s1  }
0x376: {  	v9 =	vmov s0  }
0x377: {  	v9 =	vand.u32 $0x7D, v9  }
0x378: {  	v10 =	vadd.s32 v0, v9  }
0x379: {  	v8 =	vmul.f32 $8.000000000e+00, v8;
	_ =	sdelay $0x1  }
0x37a: {  	v8 =	vadd.f32 v8, v4;
	_ =	sdelay $0x1  }
0x37b: {  	[tilespmem:v10+s25+$0x0] =	vst.idx.msk $0xffff, v8  }
0x37c: {  	v8 =	vld [tilespmem:s29+$0xFFFFFF60];
	_ =	sdelay $0x3  }
0x37d: {  	v10 =	vadd.s32 v1, v9  }
0x37e: {  	v8 =	vmul.f32 $8.000000000e+00, v8;
	_ =	sdelay $0x1  }
0x37f: {  	v8 =	vadd.f32 v8, v5;
	_ =	sdelay $0x1  }
0x380: {  	[tilespmem:v10+s25+$0x0] =	vst.idx.msk $0xffff, v8  }
0x381: {  	v8 =	vld [tilespmem:s29+$0xFFFFFF70];
	_ =	sdelay $0x3  }
0x382: {  	v10 =	vadd.s32 v2, v9  }
0x383: {  	v8 =	vmul.f32 $8.000000000e+00, v8;
	_ =	sdelay $0x1  }
0x384: {  	v8 =	vadd.f32 v8, v6;
	_ =	sdelay $0x1  }
0x385: {  	[tilespmem:v10+s25+$0x0] =	vst.idx.msk $0xffff, v8  }
0x386: {  	v8 =	vld [tilespmem:s29+$0xFFFFFF80];
	_ =	sdelay $0x3  }
0x387: {  	v9 =	vadd.s32 v3, v9  }
0x388: {  	v8 =	vmul.f32 $8.000000000e+00, v8;
	_ =	sdelay $0x1  }
0x389: {  	v8 =	vadd.f32 v8, v7;
	_ =	sdelay $0x1  }
0x38a: {  	[tilespmem:v9+s25+$0x0] =	vst.idx.msk $0xffff, v8  }
0x38b: {  	v8 =	vld [tilespmem:s29+$0xFFFFFF90]  }
0x38c: {  	s0 =	sadd.s32 $0x2, s1  }
0x38d: {  	v9 =	vmov s0  }
0x38e: {  	v9 =	vand.u32 $0x7E, v9  }
0x38f: {  	v10 =	vadd.s32 v0, v9  }
0x390: {  	v8 =	vmul.f32 $8.000000000e+00, v8;
	_ =	sdelay $0x1  }
0x391: {  	v8 =	vadd.f32 v8, v4;
	_ =	sdelay $0x1  }
0x392: {  	[tilespmem:v10+s25+$0x0] =	vst.idx.msk $0xffff, v8  }
0x393: {  	v8 =	vld [tilespmem:s29+$0xFFFFFFA0];
	_ =	sdelay $0x3  }
0x394: {  	v10 =	vadd.s32 v1, v9  }
0x395: {  	v8 =	vmul.f32 $8.000000000e+00, v8;
	_ =	sdelay $0x1  }
0x396: {  	v8 =	vadd.f32 v8, v5;
	_ =	sdelay $0x1  }
0x397: {  	[tilespmem:v10+s25+$0x0] =	vst.idx.msk $0xffff, v8  }
0x398: {  	v8 =	vld [tilespmem:s29+$0xFFFFFFB0];
	_ =	sdelay $0x3  }
0x399: {  	v10 =	vadd.s32 v2, v9  }
0x39a: {  	v8 =	vmul.f32 $8.000000000e+00, v8;
	_ =	sdelay $0x1  }
0x39b: {  	v8 =	vadd.f32 v8, v6;
	_ =	sdelay $0x1  }
0x39c: {  	[tilespmem:v10+s25+$0x0] =	vst.idx.msk $0xffff, v8  }
0x39d: {  	v8 =	vld [tilespmem:s29+$0xFFFFFFC0];
	_ =	sdelay $0x3  }
0x39e: {  	v9 =	vadd.s32 v3, v9  }
0x39f: {  	v8 =	vmul.f32 $8.000000000e+00, v8;
	_ =	sdelay $0x1  }
0x3a0: {  	v8 =	vadd.f32 v8, v7;
	_ =	sdelay $0x1  }
0x3a1: {  	[tilespmem:v9+s25+$0x0] =	vst.idx.msk $0xffff, v8  }
0x3a2: {  	v8 =	vld [tilespmem:s29+$0xFFFFFFD0]  }
0x3a3: {  	s0 =	sadd.s32 $0x3, s1  }
0x3a4: {  	v9 =	vmov s0  }
0x3a5: {  	v9 =	vand.u32 $0x7F, v9  }
0x3a6: {  	v10 =	vadd.s32 v0, v9  }
0x3a7: {  	v8 =	vmul.f32 $8.000000000e+00, v8;
	_ =	sdelay $0x1  }
0x3a8: {  	v8 =	vadd.f32 v8, v4;
	_ =	sdelay $0x1  }
0x3a9: {  	[tilespmem:v10+s25+$0x0] =	vst.idx.msk $0xffff, v8  }
0x3aa: {  	v8 =	vld [tilespmem:s29+$0xFFFFFFE0];
	_ =	sdelay $0x3  }
0x3ab: {  	v10 =	vadd.s32 v1, v9  }
0x3ac: {  	v8 =	vmul.f32 $8.000000000e+00, v8;
	_ =	sdelay $0x1  }
0x3ad: {  	v8 =	vadd.f32 v8, v5;
	_ =	sdelay $0x1  }
0x3ae: {  	[tilespmem:v10+s25+$0x0] =	vst.idx.msk $0xffff, v8  }
0x3af: {  	v8 =	vld [tilespmem:s29+$0xFFFFFFF0];
	_ =	sdelay $0x3  }
0x3b0: {  	v10 =	vadd.s32 v2, v9  }
0x3b1: {  	v8 =	vmul.f32 $8.000000000e+00, v8;
	_ =	sdelay $0x1  }
0x3b2: {  	v8 =	vadd.f32 v8, v6;
	_ =	sdelay $0x1  }
0x3b3: {  	[tilespmem:v10+s25+$0x0] =	vst.idx.msk $0xffff, v8  }
0x3b4: {  	v10 =	vld [tilespmem:s29+$0x0];
	_ =	sdelay $0x2  }
.Ltmp6:
0x3b5: {  	(pc) =	sbr.rel @p1 .LBB2_15-.Ltmp6, $3  }
0x3b6: {  	v8 =	vadd.s32 v3, v9  }
0x3b7: {  	v9 =	vmul.f32 $8.000000000e+00, v10;
	_ =	sdelay $0x1  }
0x3b8: {  	v9 =	vadd.f32 v9, v7  }
0x3b9: {  	s0 =	sshll.u32 s9, $0x7  }
0x3ba: {  	s1 =	sshll.u32 s14, $0x10;
	s0 =	sand.u32 $0x1C00, s0  }
0x3bb: {  	s0 =	sor.u32 s0, s1  }
0x3bc: {  	s0 =	sshrl.u32 s0, $0x3  }
0x3bd: {  	s31 =	simm.s32 $0x15100;
	[tilespmem:v8+s25+$0x0] =	vst.idx.msk $0xffff, v9;
	s0 =	sadd.s32 s2, s0  }
0x3be: {  	[hbm4b:s0+s3] =	stream.linear.scatter [tilespmem:s31], [sflag:$0x9], $0x80, $0x38;
	[tilespmem:$0x19500] =	vst v63  }
0x3bf: {  	s9 =	simm.s32 $0x15188;
	s10 =	sadd.s32 $0x10, s0  }
0x3c0: {  	[hbm4b:s10+s3] =	stream.linear.scatter [tilespmem:s9], [sflag:$0x9], $0x80, $0x38;
	[tilespmem:$0x19500] =	vst v63  }
0x3c1: {  	s14 =	simm.s32 $0x15210;
	s31 =	sadd.s32 $0x20, s0  }
0x3c2: {  	[hbm4b:s31+s3] =	stream.linear.scatter [tilespmem:s14], [sflag:$0x9], $0x80, $0x38;
	[tilespmem:$0x19500] =	vst v63  }
0x3c3: {  	s9 =	simm.s32 $0x15298;
	s10 =	sadd.s32 $0x30, s0  }
0x3c4: {  	[hbm4b:s10+s3] =	stream.linear.scatter [tilespmem:s9], [sflag:$0x9], $0x80, $0x38;
	[tilespmem:$0x19500] =	vst v63  }
0x3c5: {  	s14 =	simm.s32 $0x15320;
	s31 =	sadd.s32 $0x40, s0  }
0x3c6: {  	[hbm4b:s31+s3] =	stream.linear.scatter [tilespmem:s14], [sflag:$0x9], $0x80, $0x38;
	[tilespmem:$0x19500] =	vst v63  }
0x3c7: {  	s29 =	simm.s32 $0x154B8;
	s9 =	simm.s32 $0x153A8;
	s10 =	sadd.s32 $0x50, s0  }
0x3c8: {  	[hbm4b:s10+s3] =	stream.linear.scatter [tilespmem:s9], [sflag:$0x9], $0x80, $0x38;
	[tilespmem:$0x19500] =	vst v63  }
0x3c9: {  	s1 =	simm.s32 $0x440;
	s14 =	simm.s32 $0x15430;
	s31 =	sadd.s32 $0x60, s0  }
0x3ca: {  	[hbm4b:s31+s3] =	stream.linear.scatter [tilespmem:s14], [sflag:$0x9], $0x80, $0x38;
	[tilespmem:$0x19500] =	vst v63  }
0x3cb: {  	s30 =	sadd.s32 $0x70, s0;
	s9 =	sadd.s32 $0x400, s0;
	s14 =	simm.s32 $0x2200  }
.LBB2_17:
0x3cc: {  	[hbm4b:s30+s3] =	stream.linear.scatter [tilespmem:s29], [sflag:$0x9], $0x80, $0x38;
	[tilespmem:$0x19500] =	vst v63  }
0x3cd: {  	s0 =	smov.u32 s1;
	s1 =	smov.u32 s14  }
0x3ce: {  	s10 =	sadd.s32 $0x1100, s14;
	s1 =	sshra.s32 s1, $0x2;
	s29 =	sadd.s32 $0x15100, s0  }
0x3cf: {  	[hbm4b:s9+s3] =	stream.linear.scatter [tilespmem:s29], [sflag:$0x9], $0x80, $0x38;
	[tilespmem:$0x19500] =	vst v63  }
0x3d0: {  	p1 =	sne.s32 s14, $0x7700;
	s14 =	sadd.s32 $0x15188, s0;
	s29 =	sadd.s32 $0x10, s9  }
0x3d1: {  	[hbm4b:s29+s3] =	stream.linear.scatter [tilespmem:s14], [sflag:$0x9], $0x80, $0x38;
	[tilespmem:$0x19500] =	vst v63  }
0x3d2: {  	s14 =	sadd.s32 $0x15210, s0;
	s29 =	sadd.s32 $0x20, s9  }
0x3d3: {  	[hbm4b:s29+s3] =	stream.linear.scatter [tilespmem:s14], [sflag:$0x9], $0x80, $0x38;
	[tilespmem:$0x19500] =	vst v63  }
0x3d4: {  	s14 =	sadd.s32 $0x15298, s0;
	s29 =	sadd.s32 $0x30, s9  }
0x3d5: {  	[hbm4b:s29+s3] =	stream.linear.scatter [tilespmem:s14], [sflag:$0x9], $0x80, $0x38;
	[tilespmem:$0x19500] =	vst v63  }
0x3d6: {  	s14 =	sadd.s32 $0x15320, s0;
	s29 =	sadd.s32 $0x40, s9  }
0x3d7: {  	[hbm4b:s29+s3] =	stream.linear.scatter [tilespmem:s14], [sflag:$0x9], $0x80, $0x38;
	[tilespmem:$0x19500] =	vst v63  }
.Ltmp7:
0x3d8: {  	s14 =	sadd.s32 $0x153A8, s0;
	s29 =	sadd.s32 $0x50, s9;
	(pc) =	sbr.rel @p1 .LBB2_17-.Ltmp7, $4  }
0x3d9: {  	[hbm4b:s29+s3] =	stream.linear.scatter [tilespmem:s14], [sflag:$0x9], $0x80, $0x38;
	[tilespmem:$0x19500] =	vst v63  }
0x3da: {  	s30 =	sadd.s32 $0x70, s9;
	s14 =	sadd.s32 $0x15430, s0;
	s29 =	sadd.s32 $0x60, s9  }
0x3db: {  	[hbm4b:s29+s3] =	stream.linear.scatter [tilespmem:s14], [sflag:$0x9], $0x80, $0x38;
	[tilespmem:$0x19500] =	vst v63  }
0x3dc: {  	s9 =	sadd.s32 $0x400, s9;
	s29 =	sadd.s32 $0x154B8, s0;
	s14 =	smov.u32 s10  }
0x3dd: {  	[hbm4b:s30+s3] =	stream.linear.scatter [tilespmem:s29], [sflag:$0x9], $0x80, $0x38;
	[tilespmem:$0x19500] =	vst v63  }
0x3de: {  	s0 =	sadd.s32 $0x15100, s1  }
0x3df: {  	[hbm4b:s9+s3] =	stream.linear.scatter [tilespmem:s0], [sflag:$0x9], $0x80, $0x38;
	[tilespmem:$0x19500] =	vst v63  }
0x3e0: {  	s31 =	sadd.s32 $0x15188, s1;
	s10 =	sadd.s32 $0x10, s9  }
0x3e1: {  	[hbm4b:s10+s3] =	stream.linear.scatter [tilespmem:s31], [sflag:$0x9], $0x80, $0x38;
	[tilespmem:$0x19500] =	vst v63  }
0x3e2: {  	s14 =	sadd.s32 $0x15210, s1;
	s29 =	sadd.s32 $0x20, s9  }
0x3e3: {  	[hbm4b:s29+s3] =	stream.linear.scatter [tilespmem:s14], [sflag:$0x9], $0x80, $0x38;
	[tilespmem:$0x19500] =	vst v63  }
0x3e4: {  	s30 =	sadd.s32 $0x15298, s1;
	s31 =	sadd.s32 $0x30, s9  }
0x3e5: {  	[hbm4b:s31+s3] =	stream.linear.scatter [tilespmem:s30], [sflag:$0x9], $0x80, $0x38;
	[tilespmem:$0x19500] =	vst v63  }
0x3e6: {  	s14 =	sadd.s32 $0x15320, s1;
	s29 =	sadd.s32 $0x40, s9  }
0x3e7: {  	[hbm4b:s29+s3] =	stream.linear.scatter [tilespmem:s14], [sflag:$0x9], $0x80, $0x38;
	[tilespmem:$0x19500] =	vst v63  }
0x3e8: {  	s30 =	sadd.s32 $0x153A8, s1;
	s31 =	sadd.s32 $0x50, s9  }
0x3e9: {  	[hbm4b:s31+s3] =	stream.linear.scatter [tilespmem:s30], [sflag:$0x9], $0x80, $0x38;
	[tilespmem:$0x19500] =	vst v63  }
0x3ea: {  	s14 =	sadd.s32 $0x15430, s1;
	s29 =	sadd.s32 $0x60, s9  }
0x3eb: {  	[hbm4b:s29+s3] =	stream.linear.scatter [tilespmem:s14], [sflag:$0x9], $0x80, $0x38;
	[tilespmem:$0x19500] =	vst v63  }
0x3ec: {  	s0 =	simm.s32 @!p0 $0x7;
	s30 =	sadd.s32 $0x154B8, s1;
	s31 =	sadd.s32 $0x70, s9  }
0x3ed: {  	[hbm4b:s31+s3] =	stream.linear.scatter [tilespmem:s30], [sflag:$0x9], $0x80, $0x38;
	[tilespmem:$0x19500] =	vst v63  }
0x3ee: {  	_ =	swait.ge @!p0 [sflag:s0], $0x2000  }
0x3ef: {  	s5 =	sadd.s32 s4, s5;
	s1 =	simm.s32 @!p0 $0x80;
	[sflag:s0] =	ssyncset.done @!p0 $0x0  }
0x3f0: {  	[sflag:s0] =	ssyncadd.s32 @!p0 $0xFFFFE000;
	s0 =	sadd.s32 @!p0 $0x300, s7;
	s7 =	simm.s32 @!p0 $0x6B00  }
0x3f1: {  	[tilespmem:s7], [sflag:$0x2] =	stream.indirect.gather @!p0 [hbm4b:s6+s1], $0x40, s0, s1, $0xb8;
	[tilespmem:$0x19500] =	vst v63  }
0x3f2: {  	s9 =	sshrl.u32 s5, $0x3;
	_ =	swait.ge [sflag:s26], $0x2000  }
0x3f3: {  	s10 =	sand.u32 $0x7, s5;
	s0 =	sand.u32 $0xFFFFFF8, s9;
	[sflag:s26] =	ssyncset.done $0x0  }
0x3f4: {  	s9 =	simm.s32 $0xCBF0;
	s7 =	sor.u32 s10, s0;
	[sflag:s26] =	ssyncadd.s32 $0xFFFFE000  }
0x3f5: {  	s0 =	sshll.u32 s7, $0x8;
	v5 =	vld [tilespmem:s9+$0xFFFFFF10]  }
0x3f6: {  	s14 =	simm.s32 $0x0;
	s0 =	sshra.s32 s0, $0x2  }
0x3f7: {  	v6 =	vmov s14;
	v4 =	vld [tilespmem:s0+$0x1900]  }
0x3f8: {  	v8 =	vand.u32 $0x7C, v6  }
0x3f9: {  	v9 =	vadd.s32 v0, v8  }
0x3fa: {  	v7 =	vmul.f32 $8.000000000e+00, v5;
	_ =	sdelay $0x1  }
0x3fb: {  	v6 =	vld [tilespmem:s0+$0x1920];
	v10 =	vadd.f32 v7, v4  }
0x3fc: {  	v5 =	vld [tilespmem:s0+$0x1910]  }
0x3fd: {  	v7 =	vld [tilespmem:s0+$0x1930];
	[tilespmem:v9+s28+$0x0] =	vst.idx.msk $0xffff, v10  }
0x3fe: {  	v9 =	vld [tilespmem:s9+$0xFFFFFF20];
	_ =	sdelay $0x3  }
0x3ff: {  	v10 =	vadd.s32 v1, v8  }
0x400: {  	v9 =	vmul.f32 $8.000000000e+00, v9;
	_ =	sdelay $0x1  }
0x401: {  	v9 =	vadd.f32 v9, v5;
	_ =	sdelay $0x1  }
0x402: {  	[tilespmem:v10+s28+$0x0] =	vst.idx.msk $0xffff, v9  }
0x403: {  	v9 =	vld [tilespmem:s9+$0xFFFFFF30];
	_ =	sdelay $0x3  }
0x404: {  	v10 =	vadd.s32 v2, v8  }
0x405: {  	v9 =	vmul.f32 $8.000000000e+00, v9;
	_ =	sdelay $0x1  }
0x406: {  	v9 =	vadd.f32 v9, v6;
	_ =	sdelay $0x1  }
0x407: {  	[tilespmem:v10+s28+$0x0] =	vst.idx.msk $0xffff, v9  }
0x408: {  	v9 =	vld [tilespmem:s9+$0xFFFFFF40];
	_ =	sdelay $0x3  }
0x409: {  	v8 =	vadd.s32 v3, v8  }
0x40a: {  	v9 =	vmul.f32 $8.000000000e+00, v9;
	_ =	sdelay $0x1  }
0x40b: {  	v9 =	vadd.f32 v9, v7;
	_ =	sdelay $0x1  }
0x40c: {  	[tilespmem:v8+s28+$0x0] =	vst.idx.msk $0xffff, v9  }
0x40d: {  	v8 =	vld [tilespmem:s9+$0xFFFFFF50]  }
0x40e: {  	s29 =	simm.s32 $0x1  }
0x40f: {  	v9 =	vmov s29  }
0x410: {  	v9 =	vand.u32 $0x7D, v9  }
0x411: {  	v10 =	vadd.s32 v0, v9  }
0x412: {  	v8 =	vmul.f32 $8.000000000e+00, v8;
	_ =	sdelay $0x1  }
0x413: {  	v8 =	vadd.f32 v8, v4;
	_ =	sdelay $0x1  }
0x414: {  	[tilespmem:v10+s28+$0x0] =	vst.idx.msk $0xffff, v8  }
0x415: {  	v8 =	vld [tilespmem:s9+$0xFFFFFF60];
	_ =	sdelay $0x3  }
0x416: {  	v10 =	vadd.s32 v1, v9  }
0x417: {  	v8 =	vmul.f32 $8.000000000e+00, v8;
	_ =	sdelay $0x1  }
0x418: {  	v8 =	vadd.f32 v8, v5;
	_ =	sdelay $0x1  }
0x419: {  	[tilespmem:v10+s28+$0x0] =	vst.idx.msk $0xffff, v8  }
0x41a: {  	v8 =	vld [tilespmem:s9+$0xFFFFFF70];
	_ =	sdelay $0x3  }
0x41b: {  	v10 =	vadd.s32 v2, v9  }
0x41c: {  	v8 =	vmul.f32 $8.000000000e+00, v8;
	_ =	sdelay $0x1  }
0x41d: {  	v8 =	vadd.f32 v8, v6;
	_ =	sdelay $0x1  }
0x41e: {  	[tilespmem:v10+s28+$0x0] =	vst.idx.msk $0xffff, v8  }
0x41f: {  	v8 =	vld [tilespmem:s9+$0xFFFFFF80];
	_ =	sdelay $0x3  }
0x420: {  	v9 =	vadd.s32 v3, v9  }
0x421: {  	v8 =	vmul.f32 $8.000000000e+00, v8;
	_ =	sdelay $0x1  }
0x422: {  	v8 =	vadd.f32 v8, v7;
	_ =	sdelay $0x1  }
0x423: {  	[tilespmem:v9+s28+$0x0] =	vst.idx.msk $0xffff, v8  }
0x424: {  	v8 =	vld [tilespmem:s9+$0xFFFFFF90]  }
0x425: {  	s30 =	simm.s32 $0x2  }
0x426: {  	v9 =	vmov s30  }
0x427: {  	v9 =	vand.u32 $0x7E, v9  }
0x428: {  	v10 =	vadd.s32 v0, v9  }
0x429: {  	v8 =	vmul.f32 $8.000000000e+00, v8;
	_ =	sdelay $0x1  }
0x42a: {  	v8 =	vadd.f32 v8, v4;
	_ =	sdelay $0x1  }
0x42b: {  	[tilespmem:v10+s28+$0x0] =	vst.idx.msk $0xffff, v8  }
0x42c: {  	v8 =	vld [tilespmem:s9+$0xFFFFFFA0];
	_ =	sdelay $0x3  }
0x42d: {  	v10 =	vadd.s32 v1, v9  }
0x42e: {  	v8 =	vmul.f32 $8.000000000e+00, v8;
	_ =	sdelay $0x1  }
0x42f: {  	v8 =	vadd.f32 v8, v5;
	_ =	sdelay $0x1  }
0x430: {  	[tilespmem:v10+s28+$0x0] =	vst.idx.msk $0xffff, v8  }
0x431: {  	v8 =	vld [tilespmem:s9+$0xFFFFFFB0];
	_ =	sdelay $0x3  }
0x432: {  	v10 =	vadd.s32 v2, v9  }
0x433: {  	v8 =	vmul.f32 $8.000000000e+00, v8;
	_ =	sdelay $0x1  }
0x434: {  	v8 =	vadd.f32 v8, v6;
	_ =	sdelay $0x1  }
0x435: {  	[tilespmem:v10+s28+$0x0] =	vst.idx.msk $0xffff, v8  }
0x436: {  	v8 =	vld [tilespmem:s9+$0xFFFFFFC0];
	_ =	sdelay $0x3  }
0x437: {  	v9 =	vadd.s32 v3, v9  }
0x438: {  	v8 =	vmul.f32 $8.000000000e+00, v8;
	_ =	sdelay $0x1  }
0x439: {  	v8 =	vadd.f32 v8, v7;
	_ =	sdelay $0x1  }
0x43a: {  	[tilespmem:v9+s28+$0x0] =	vst.idx.msk $0xffff, v8  }
0x43b: {  	v8 =	vld [tilespmem:s9+$0xFFFFFFD0]  }
0x43c: {  	s31 =	simm.s32 $0x3  }
0x43d: {  	v9 =	vmov s31  }
0x43e: {  	v9 =	vand.u32 $0x7F, v9  }
0x43f: {  	v10 =	vadd.s32 v0, v9  }
0x440: {  	v8 =	vmul.f32 $8.000000000e+00, v8;
	_ =	sdelay $0x1  }
0x441: {  	v8 =	vadd.f32 v8, v4;
	_ =	sdelay $0x1  }
0x442: {  	[tilespmem:v10+s28+$0x0] =	vst.idx.msk $0xffff, v8  }
0x443: {  	v8 =	vld [tilespmem:s9+$0xFFFFFFE0];
	_ =	sdelay $0x3  }
0x444: {  	v10 =	vadd.s32 v1, v9  }
0x445: {  	v8 =	vmul.f32 $8.000000000e+00, v8;
	_ =	sdelay $0x1  }
0x446: {  	v8 =	vadd.f32 v8, v5;
	_ =	sdelay $0x1  }
0x447: {  	[tilespmem:v10+s28+$0x0] =	vst.idx.msk $0xffff, v8  }
0x448: {  	v8 =	vld [tilespmem:s9+$0xFFFFFFF0];
	_ =	sdelay $0x3  }
0x449: {  	v10 =	vadd.s32 v2, v9  }
0x44a: {  	v8 =	vmul.f32 $8.000000000e+00, v8;
	_ =	sdelay $0x1  }
0x44b: {  	v8 =	vadd.f32 v8, v6;
	_ =	sdelay $0x1  }
0x44c: {  	[tilespmem:v10+s28+$0x0] =	vst.idx.msk $0xffff, v8  }
0x44d: {  	v8 =	vld [tilespmem:s9+$0x0];
	_ =	sdelay $0x4  }
0x44e: {  	v10 =	vmul.f32 $8.000000000e+00, v8;
	v8 =	vadd.s32 v3, v9;
	_ =	sdelay $0x2  }
0x44f: {  	s14 =	simm.s32 $0x4;
	v9 =	vadd.f32 v10, v7  }
.LBB2_19:
0x450: {  	p0 =	slt.u32 s14, $0x7C  }
0x451: {  	s9 =	sadd.s32 $0x100, s9;
	s1 =	smov.u32 s14;
	s14 =	sadd.s32 $0x4, s14;
	[tilespmem:v8+s28+$0x0] =	vst.idx.msk $0xffff, v9  }
0x452: {  	v8 =	vld [tilespmem:s9+$0xFFFFFF10];
	_ =	sdelay $0x1  }
0x453: {  	v9 =	vmov s1  }
0x454: {  	v9 =	vand.u32 $0x7C, v9  }
0x455: {  	v10 =	vadd.s32 v0, v9  }
0x456: {  	v8 =	vmul.f32 $8.000000000e+00, v8;
	_ =	sdelay $0x1  }
0x457: {  	v8 =	vadd.f32 v8, v4;
	_ =	sdelay $0x1  }
0x458: {  	[tilespmem:v10+s28+$0x0] =	vst.idx.msk $0xffff, v8  }
0x459: {  	v8 =	vld [tilespmem:s9+$0xFFFFFF20];
	_ =	sdelay $0x3  }
0x45a: {  	v10 =	vadd.s32 v1, v9  }
0x45b: {  	v8 =	vmul.f32 $8.000000000e+00, v8;
	_ =	sdelay $0x1  }
0x45c: {  	v8 =	vadd.f32 v8, v5;
	_ =	sdelay $0x1  }
0x45d: {  	[tilespmem:v10+s28+$0x0] =	vst.idx.msk $0xffff, v8  }
0x45e: {  	v8 =	vld [tilespmem:s9+$0xFFFFFF30];
	_ =	sdelay $0x3  }
0x45f: {  	v10 =	vadd.s32 v2, v9  }
0x460: {  	v8 =	vmul.f32 $8.000000000e+00, v8;
	_ =	sdelay $0x1  }
0x461: {  	v8 =	vadd.f32 v8, v6;
	_ =	sdelay $0x1  }
0x462: {  	[tilespmem:v10+s28+$0x0] =	vst.idx.msk $0xffff, v8  }
0x463: {  	v8 =	vld [tilespmem:s9+$0xFFFFFF40];
	_ =	sdelay $0x3  }
0x464: {  	v9 =	vadd.s32 v3, v9  }
0x465: {  	v8 =	vmul.f32 $8.000000000e+00, v8;
	_ =	sdelay $0x1  }
0x466: {  	v8 =	vadd.f32 v8, v7;
	_ =	sdelay $0x1  }
0x467: {  	[tilespmem:v9+s28+$0x0] =	vst.idx.msk $0xffff, v8  }
0x468: {  	v8 =	vld [tilespmem:s9+$0xFFFFFF50]  }
0x469: {  	s0 =	sadd.s32 $0x1, s1  }
0x46a: {  	v9 =	vmov s0  }
0x46b: {  	v9 =	vand.u32 $0x7D, v9  }
0x46c: {  	v10 =	vadd.s32 v0, v9  }
0x46d: {  	v8 =	vmul.f32 $8.000000000e+00, v8;
	_ =	sdelay $0x1  }
0x46e: {  	v8 =	vadd.f32 v8, v4;
	_ =	sdelay $0x1  }
0x46f: {  	[tilespmem:v10+s28+$0x0] =	vst.idx.msk $0xffff, v8  }
0x470: {  	v8 =	vld [tilespmem:s9+$0xFFFFFF60];
	_ =	sdelay $0x3  }
0x471: {  	v10 =	vadd.s32 v1, v9  }
0x472: {  	v8 =	vmul.f32 $8.000000000e+00, v8;
	_ =	sdelay $0x1  }
0x473: {  	v8 =	vadd.f32 v8, v5;
	_ =	sdelay $0x1  }
0x474: {  	[tilespmem:v10+s28+$0x0] =	vst.idx.msk $0xffff, v8  }
0x475: {  	v8 =	vld [tilespmem:s9+$0xFFFFFF70];
	_ =	sdelay $0x3  }
0x476: {  	v10 =	vadd.s32 v2, v9  }
0x477: {  	v8 =	vmul.f32 $8.000000000e+00, v8;
	_ =	sdelay $0x1  }
0x478: {  	v8 =	vadd.f32 v8, v6;
	_ =	sdelay $0x1  }
0x479: {  	[tilespmem:v10+s28+$0x0] =	vst.idx.msk $0xffff, v8  }
0x47a: {  	v8 =	vld [tilespmem:s9+$0xFFFFFF80];
	_ =	sdelay $0x3  }
0x47b: {  	v9 =	vadd.s32 v3, v9  }
0x47c: {  	v8 =	vmul.f32 $8.000000000e+00, v8;
	_ =	sdelay $0x1  }
0x47d: {  	v8 =	vadd.f32 v8, v7;
	_ =	sdelay $0x1  }
0x47e: {  	[tilespmem:v9+s28+$0x0] =	vst.idx.msk $0xffff, v8  }
0x47f: {  	v8 =	vld [tilespmem:s9+$0xFFFFFF90]  }
0x480: {  	s0 =	sadd.s32 $0x2, s1  }
0x481: {  	v9 =	vmov s0  }
0x482: {  	v9 =	vand.u32 $0x7E, v9  }
0x483: {  	v10 =	vadd.s32 v0, v9  }
0x484: {  	v8 =	vmul.f32 $8.000000000e+00, v8;
	_ =	sdelay $0x1  }
0x485: {  	v8 =	vadd.f32 v8, v4;
	_ =	sdelay $0x1  }
0x486: {  	[tilespmem:v10+s28+$0x0] =	vst.idx.msk $0xffff, v8  }
0x487: {  	v8 =	vld [tilespmem:s9+$0xFFFFFFA0];
	_ =	sdelay $0x3  }
0x488: {  	v10 =	vadd.s32 v1, v9  }
0x489: {  	v8 =	vmul.f32 $8.000000000e+00, v8;
	_ =	sdelay $0x1  }
0x48a: {  	v8 =	vadd.f32 v8, v5;
	_ =	sdelay $0x1  }
0x48b: {  	[tilespmem:v10+s28+$0x0] =	vst.idx.msk $0xffff, v8  }
0x48c: {  	v8 =	vld [tilespmem:s9+$0xFFFFFFB0];
	_ =	sdelay $0x3  }
0x48d: {  	v10 =	vadd.s32 v2, v9  }
0x48e: {  	v8 =	vmul.f32 $8.000000000e+00, v8;
	_ =	sdelay $0x1  }
0x48f: {  	v8 =	vadd.f32 v8, v6;
	_ =	sdelay $0x1  }
0x490: {  	[tilespmem:v10+s28+$0x0] =	vst.idx.msk $0xffff, v8  }
0x491: {  	v8 =	vld [tilespmem:s9+$0xFFFFFFC0];
	_ =	sdelay $0x3  }
0x492: {  	v9 =	vadd.s32 v3, v9  }
0x493: {  	v8 =	vmul.f32 $8.000000000e+00, v8;
	_ =	sdelay $0x1  }
0x494: {  	v8 =	vadd.f32 v8, v7;
	_ =	sdelay $0x1  }
0x495: {  	[tilespmem:v9+s28+$0x0] =	vst.idx.msk $0xffff, v8  }
0x496: {  	v8 =	vld [tilespmem:s9+$0xFFFFFFD0]  }
0x497: {  	s0 =	sadd.s32 $0x3, s1  }
0x498: {  	v9 =	vmov s0  }
0x499: {  	v9 =	vand.u32 $0x7F, v9  }
0x49a: {  	v10 =	vadd.s32 v0, v9  }
0x49b: {  	v8 =	vmul.f32 $8.000000000e+00, v8;
	_ =	sdelay $0x1  }
0x49c: {  	v8 =	vadd.f32 v8, v4;
	_ =	sdelay $0x1  }
0x49d: {  	[tilespmem:v10+s28+$0x0] =	vst.idx.msk $0xffff, v8  }
0x49e: {  	v8 =	vld [tilespmem:s9+$0xFFFFFFE0];
	_ =	sdelay $0x3  }
0x49f: {  	v10 =	vadd.s32 v1, v9  }
0x4a0: {  	v8 =	vmul.f32 $8.000000000e+00, v8;
	_ =	sdelay $0x1  }
0x4a1: {  	v8 =	vadd.f32 v8, v5;
	_ =	sdelay $0x1  }
0x4a2: {  	[tilespmem:v10+s28+$0x0] =	vst.idx.msk $0xffff, v8  }
0x4a3: {  	v8 =	vld [tilespmem:s9+$0xFFFFFFF0];
	_ =	sdelay $0x3  }
0x4a4: {  	v10 =	vadd.s32 v2, v9  }
0x4a5: {  	v8 =	vmul.f32 $8.000000000e+00, v8;
	_ =	sdelay $0x1  }
0x4a6: {  	v8 =	vadd.f32 v8, v6;
	_ =	sdelay $0x1  }
0x4a7: {  	[tilespmem:v10+s28+$0x0] =	vst.idx.msk $0xffff, v8  }
0x4a8: {  	v10 =	vld [tilespmem:s9+$0x0];
	_ =	sdelay $0x2  }
.Ltmp8:
0x4a9: {  	(pc) =	sbr.rel @p0 .LBB2_19-.Ltmp8, $3  }
0x4aa: {  	v8 =	vadd.s32 v3, v9  }
0x4ab: {  	v9 =	vmul.f32 $8.000000000e+00, v10;
	_ =	sdelay $0x1  }
0x4ac: {  	v9 =	vadd.f32 v9, v7  }
0x4ad: {  	s0 =	sshll.u32 s5, $0x7  }
0x4ae: {  	s1 =	sshll.u32 s7, $0x10;
	s0 =	sand.u32 $0x1C00, s0  }
0x4af: {  	s0 =	sor.u32 s0, s1  }
0x4b0: {  	s0 =	sshrl.u32 s0, $0x3  }
0x4b1: {  	s10 =	simm.s32 $0x17300;
	[tilespmem:v8+s28+$0x0] =	vst.idx.msk $0xffff, v9;
	s0 =	sadd.s32 s2, s0  }
0x4b2: {  	[hbm4b:s0+s3] =	stream.linear.scatter [tilespmem:s10], [sflag:$0xA], $0x80, $0x38;
	[tilespmem:$0x19500] =	vst v63  }
0x4b3: {  	s14 =	simm.s32 $0x17388;
	s29 =	sadd.s32 $0x10, s0  }
0x4b4: {  	[hbm4b:s29+s3] =	stream.linear.scatter [tilespmem:s14], [sflag:$0xA], $0x80, $0x38;
	[tilespmem:$0x19500] =	vst v63  }
0x4b5: {  	s30 =	simm.s32 $0x17410;
	s5 =	simm.s32 $0x17498;
	s31 =	sadd.s32 $0x20, s0  }
0x4b6: {  	[hbm4b:s31+s3] =	stream.linear.scatter [tilespmem:s30], [sflag:$0xA], $0x80, $0x38;
	[tilespmem:$0x19500] =	vst v63  }
0x4b7: {  	s9 =	simm.s32 $0x17520;
	s1 =	simm.s32 $0x440;
	s7 =	sadd.s32 $0x30, s0  }
0x4b8: {  	[hbm4b:s7+s3] =	stream.linear.scatter [tilespmem:s5], [sflag:$0xA], $0x80, $0x38;
	[tilespmem:$0x19500] =	vst v63  }
0x4b9: {  	s10 =	sadd.s32 $0x40, s0;
	s14 =	simm.s32 $0x175A8;
	s29 =	sadd.s32 $0x50, s0  }
0x4ba: {  	[hbm4b:s10+s3] =	stream.linear.scatter [tilespmem:s9], [sflag:$0xA], $0x80, $0x38;
	[tilespmem:$0x19500] =	vst v63  }
0x4bb: {  	s30 =	simm.s32 $0x17630;
	s31 =	sadd.s32 $0x60, s0;
	s7 =	simm.s32 $0x2200  }
0x4bc: {  	[hbm4b:s29+s3] =	stream.linear.scatter [tilespmem:s14], [sflag:$0xA], $0x80, $0x38;
	[tilespmem:$0x19500] =	vst v63  }
0x4bd: {  	s5 =	sadd.s32 $0x400, s0;
	s9 =	simm.s32 $0x176B8;
	s14 =	sadd.s32 $0x70, s0  }
0x4be: {  	[hbm4b:s31+s3] =	stream.linear.scatter [tilespmem:s30], [sflag:$0xA], $0x80, $0x38;
	[tilespmem:$0x19500] =	vst v63  }
.LBB2_21:
0x4bf: {  	[hbm4b:s14+s3] =	stream.linear.scatter [tilespmem:s9], [sflag:$0xA], $0x80, $0x38;
	[tilespmem:$0x19500] =	vst v63  }
0x4c0: {  	s0 =	smov.u32 s1;
	s1 =	smov.u32 s7  }
0x4c1: {  	s10 =	sadd.s32 $0x1100, s7;
	s1 =	sshra.s32 s1, $0x2;
	s9 =	sadd.s32 $0x17300, s0  }
0x4c2: {  	[hbm4b:s5+s3] =	stream.linear.scatter [tilespmem:s9], [sflag:$0xA], $0x80, $0x38;
	[tilespmem:$0x19500] =	vst v63  }
0x4c3: {  	p0 =	sne.s32 s7, $0x7700;
	s7 =	sadd.s32 $0x17388, s0;
	s9 =	sadd.s32 $0x10, s5  }
0x4c4: {  	[hbm4b:s9+s3] =	stream.linear.scatter [tilespmem:s7], [sflag:$0xA], $0x80, $0x38;
	[tilespmem:$0x19500] =	vst v63  }
0x4c5: {  	s7 =	sadd.s32 $0x17410, s0;
	s9 =	sadd.s32 $0x20, s5  }
0x4c6: {  	[hbm4b:s9+s3] =	stream.linear.scatter [tilespmem:s7], [sflag:$0xA], $0x80, $0x38;
	[tilespmem:$0x19500] =	vst v63  }
0x4c7: {  	s7 =	sadd.s32 $0x17498, s0;
	s9 =	sadd.s32 $0x30, s5  }
0x4c8: {  	[hbm4b:s9+s3] =	stream.linear.scatter [tilespmem:s7], [sflag:$0xA], $0x80, $0x38;
	[tilespmem:$0x19500] =	vst v63  }
0x4c9: {  	s7 =	sadd.s32 $0x17520, s0;
	s9 =	sadd.s32 $0x40, s5  }
0x4ca: {  	[hbm4b:s9+s3] =	stream.linear.scatter [tilespmem:s7], [sflag:$0xA], $0x80, $0x38;
	[tilespmem:$0x19500] =	vst v63  }
.Ltmp9:
0x4cb: {  	s7 =	sadd.s32 $0x175A8, s0;
	s9 =	sadd.s32 $0x50, s5;
	(pc) =	sbr.rel @p0 .LBB2_21-.Ltmp9, $4  }
0x4cc: {  	[hbm4b:s9+s3] =	stream.linear.scatter [tilespmem:s7], [sflag:$0xA], $0x80, $0x38;
	[tilespmem:$0x19500] =	vst v63  }
0x4cd: {  	s14 =	sadd.s32 $0x70, s5;
	s7 =	sadd.s32 $0x17630, s0;
	s9 =	sadd.s32 $0x60, s5  }
0x4ce: {  	[hbm4b:s9+s3] =	stream.linear.scatter [tilespmem:s7], [sflag:$0xA], $0x80, $0x38;
	[tilespmem:$0x19500] =	vst v63  }
0x4cf: {  	s5 =	sadd.s32 $0x400, s5;
	s9 =	sadd.s32 $0x176B8, s0;
	s7 =	smov.u32 s10  }
0x4d0: {  	[hbm4b:s14+s3] =	stream.linear.scatter [tilespmem:s9], [sflag:$0xA], $0x80, $0x38;
	[tilespmem:$0x19500] =	vst v63  }
0x4d1: {  	s0 =	sadd.s32 $0x17300, s1  }
0x4d2: {  	[hbm4b:s5+s3] =	stream.linear.scatter [tilespmem:s0], [sflag:$0xA], $0x80, $0x38;
	[tilespmem:$0x19500] =	vst v63  }
0x4d3: {  	s31 =	sadd.s32 $0x17388, s1;
	s7 =	sadd.s32 $0x10, s5  }
0x4d4: {  	[hbm4b:s7+s3] =	stream.linear.scatter [tilespmem:s31], [sflag:$0xA], $0x80, $0x38;
	[tilespmem:$0x19500] =	vst v63  }
0x4d5: {  	s9 =	sadd.s32 $0x17410, s1;
	s10 =	sadd.s32 $0x20, s5  }
0x4d6: {  	[hbm4b:s10+s3] =	stream.linear.scatter [tilespmem:s9], [sflag:$0xA], $0x80, $0x38;
	[tilespmem:$0x19500] =	vst v63  }
0x4d7: {  	s14 =	sadd.s32 $0x17498, s1;
	s29 =	sadd.s32 $0x30, s5  }
0x4d8: {  	[hbm4b:s29+s3] =	stream.linear.scatter [tilespmem:s14], [sflag:$0xA], $0x80, $0x38;
	[tilespmem:$0x19500] =	vst v63  }
0x4d9: {  	s30 =	sadd.s32 $0x17520, s1;
	s13 =	sadd.s32 $0x1, s13;
	s31 =	sadd.s32 $0x40, s5  }
0x4da: {  	[hbm4b:s31+s3] =	stream.linear.scatter [tilespmem:s30], [sflag:$0xA], $0x80, $0x38;
	[tilespmem:$0x19500] =	vst v63  }
0x4db: {  	p0 =	sne.s32 s13, $0xA;
	s9 =	sadd.s32 $0x175A8, s1;
	s10 =	sadd.s32 $0x50, s5  }
0x4dc: {  	[hbm4b:s10+s3] =	stream.linear.scatter [tilespmem:s9], [sflag:$0xA], $0x80, $0x38;
	[tilespmem:$0x19500] =	vst v63  }
.Ltmp10:
0x4dd: {  	_ = 	snop;
	(pc) =	sbr.rel @p0 .LBB2_2-.Ltmp10, $4  }
0x4de: {  	s14 =	sadd.s32 $0x17630, s1;
	s29 =	sadd.s32 $0x60, s5  }
0x4df: {  	[hbm4b:s29+s3] =	stream.linear.scatter [tilespmem:s14], [sflag:$0xA], $0x80, $0x38;
	[tilespmem:$0x19500] =	vst v63  }
0x4e0: {  	s30 =	sadd.s32 $0x176B8, s1;
	s31 =	sadd.s32 $0x70, s5  }
0x4e1: {  	[hbm4b:s31+s3] =	stream.linear.scatter [tilespmem:s30], [sflag:$0xA], $0x80, $0x38;
	[tilespmem:$0x19500] =	vst v63  }
0x4e2: {  	s0 =	simm.s32 $0x6  }
0x4e3: {  	_ =	swait.ge [sflag:s0], $0x2000  }
0x4e4: {  	[sflag:s0] =	ssyncset.done $0x0  }
0x4e5: {  	s14 =	simm.s32 $0x7;
	[sflag:s0] =	ssyncadd.s32 $0xFFFFE000  }
0x4e6: {  	_ =	swait.ge [sflag:s14], $0x2000  }
0x4e7: {  	[sflag:s14] =	ssyncset.done $0x0  }
0x4e8: {  	s29 =	simm.s32 $0x8;
	[sflag:s14] =	ssyncadd.s32 $0xFFFFE000  }
0x4e9: {  	_ =	swait.ge [sflag:s29], $0x2000  }
0x4ea: {  	[sflag:s29] =	ssyncset.done $0x0  }
0x4eb: {  	s30 =	simm.s32 $0x9;
	[sflag:s29] =	ssyncadd.s32 $0xFFFFE000  }
0x4ec: {  	_ =	swait.ge [sflag:s30], $0x2000  }
0x4ed: {  	[sflag:s30] =	ssyncset.done $0x0  }
0x4ee: {  	s1 =	simm.s32 $0xA;
	[sflag:s30] =	ssyncadd.s32 $0xFFFFE000  }
0x4ef: {  	_ =	swait.ge [sflag:s1], $0x2000  }
0x4f0: {  	s11 =	sadd.s32 $0x1, s11;
	s31 =	rddreg [dreg:$0x5]  }
0x4f1: {  	p0 =	sne.s32 s11, s31  }
.Ltmp11:
0x4f2: {  	_ = 	snop;
	(pc) =	sbr.rel @p0 .LBB2_1-.Ltmp11, $3  }
0x4f3: {  	_ =	sdelay $0x1  }
0x4f4: {  	[sflag:s1] =	ssyncset.done $0x0  }
0x4f5: {  	[sflag:s1] =	ssyncadd.s32 $0xFFFFE000  }
0x4f6: {  	_ =	sfence.sel $0x180000  }
0x4f7: {  	[bflag:$0x0] =	sbarrier.arrive $0xFFFF  }
0x4f8: {  	_ =	strace $0x9000004A  }
0x4f9: {  	s0 =	stileid.u32;
	[bflag:$0x2] =	sbarrier.arrive $0xFFFF  }
0x4fa: {  	p0 =	sne.s32 s0, $0x0;
	s0 =	rddreg [dreg:$0x2]  }
0x4fb: {  	s0 =	sadd.s32 @!p0 $0x100000, s0  }
0x4fc: {  	[sflag:s0] =	ssyncadd.tile.s32 @!p0 $0x1;
	_ =	shalt  }
.Lfunc_end2:
_tile_overlayer_lowered:
.L_overlay_start_2:
0x4fd: {  	(tag) =	ssettag $0x2  }
0x4fe: {  	s0 =	rddreg [dreg:$0x0];
	s2 =	stileid.u32  }
0x4ff: {  	s1 =	rddreg [dreg:$0x1];
	p0 =	sne.s32 s2, $0x0  }
0x500: {  	s3 =	rddreg [dreg:$0x2];
	[bflag:$0x3] =	sbarrier.arrive $0xFFFF;
	s2 =	simm.s32 @!p0 $0x1C0B  }
0x501: {  	[timem:s3], [sflag:s2] =	dma.local @!p0 [hbm:s0], s1  }
0x502: {  	s0 =	simm.s32 @!p0 $0xB  }
0x503: {  	_ =	swait.ge @!p0 [sflag:s0], s1  }
0x504: {  	s1 =	ssub.s32 @!p0 $0x0, s1;
	[sflag:s0] =	ssyncset.done @!p0 $0x0  }
0x505: {  	[sflag:s0] =	ssyncadd.s32 @!p0 s1  }
0x506: {  	[bflag:$0x3] =	sbarrier.arrive $0xFFFF  }
0x507: {  	_ =	shalt  }

</sc_bundles>
